<compile_context>
chip_gen: v7x
topology: tpu7x:2x2x1
jax: 0.10.2.dev20260603
libtpu: 0.0.44.dev20260713+nightly
codegen_flags: <defaults>
</compile_context>

<pallas_src>
import jax
import jax.numpy as jnp
from jax import lax
from jax.experimental import pallas as pl
from jax.experimental.pallas import tpu as pltpu
from jax.experimental.pallas import tpu_sc as plsc

_CHUNK = 128
_LANES = 16
_DEPTH = 2


def _word_embed_ln_sc(x3, table, gamma, beta, n_rows):
    num_w, nchunks, _ = x3.shape
    V, E = table.shape
    K = E // _LANES
    info = plsc.get_sparse_core_info()
    NC = info.num_cores
    rows_per_w = nchunks * _CHUNK

    def body(x_ref, table_ref, gamma_ref, beta_ref, out_ref,
             idx_v, *rest):
        ins = rest[:_DEPTH]
        outs = rest[_DEPTH:_DEPTH + 2]
        gb_v = rest[_DEPTH + 2]
        gsems = rest[_DEPTH + 3:2 * _DEPTH + 3]
        osems = rest[2 * _DEPTH + 3:2 * _DEPTH + 5]
        wid = lax.axis_index("s") * NC + lax.axis_index("c")
        base_row = wid * rows_per_w

        pltpu.sync_copy(x_ref.at[wid], idx_v)
        pltpu.sync_copy(gamma_ref, gb_v.at[pl.ds(0, E)])
        pltpu.sync_copy(beta_ref, gb_v.at[pl.ds(E, E)])
        gvs = [gb_v[pl.ds(k * _LANES, _LANES)] for k in range(K)]
        bvs = [gb_v[pl.ds(E + k * _LANES, _LANES)] for k in range(K)]

        def gather_start(c, buf, sem):
            pltpu.async_copy(table_ref.at[idx_v.at[c]], buf, sem)

        def gather_wait(c, buf, sem):
            pltpu.make_async_copy(table_ref.at[idx_v.at[c]], buf, sem).wait()

        def out_start(c, buf, sem):
            dst = out_ref.at[pl.ds(base_row + c * _CHUNK, _CHUNK)]
            pltpu.async_copy(buf, dst, sem)

        def out_wait(buf, sem):
            dst = out_ref.at[pl.ds(base_row, _CHUNK)]
            pltpu.make_async_copy(buf, dst, sem).wait()

        def compute(in_buf, out_buf):
            def g_body(g, carry):
                for l in range(_LANES):
                    r = g * _LANES + l
                    vs = [in_buf[r, pl.ds(k * _LANES, _LANES)]
                          for k in range(K)]
                    s = vs[0]
                    sq = vs[0] * vs[0]
                    for k in range(1, K):
                        s = s + vs[k]
                        sq = sq + vs[k] * vs[k]
                    total = jnp.sum(s)
                    ssq = jnp.sum(sq)
                    mean = total * (1.0 / E)
                    var = ssq * (1.0 / E) - mean * mean
                    var = jnp.maximum(var, 0.0) + 1e-12
                    i = lax.bitcast_convert_type(var, jnp.int32)
                    i = jnp.int32(0x5F3759DF) - lax.shift_right_logical(i, 1)
                    y = lax.bitcast_convert_type(i, jnp.float32)
                    xh = var * 0.5
                    for _ in range(3):
                        y = y * (1.5 - xh * y * y)
                    mb = mean * y
                    for k in range(K):
                        t = vs[k] * y - mb
                        out_buf[r, pl.ds(k * _LANES, _LANES)] = (
                            t * gvs[k] + bvs[k])
                return carry

            lax.fori_loop(0, _CHUNK // _LANES, g_body, 0)

        def step(c, inb, outb, gsem, osem):
            gather_wait(c, inb, gsem)

            @pl.when(c >= 2)
            def _():
                out_wait(outb, osem)

            compute(inb, outb)
            out_start(c, outb, osem)

            @pl.when(c + _DEPTH < nchunks)
            def _():
                gather_start(c + _DEPTH, inb, gsem)

        for d in range(_DEPTH):
            gather_start(d, ins[d], gsems[d])

        def loop_body(i, carry):
            for d in range(_DEPTH):
                c = i * _DEPTH + d
                step(c, ins[d], outs[d % 2], gsems[d], osems[d % 2])
            return carry

        lax.fori_loop(0, nchunks // _DEPTH, loop_body, 0)
        out_wait(outs[0], osems[0])
        out_wait(outs[1], osems[1])

    mesh = plsc.VectorSubcoreMesh(core_axis_name="c", subcore_axis_name="s")
    kern = pl.kernel(
        body,
        mesh=mesh,
        compiler_params=pltpu.CompilerParams(
            needs_layout_passes=False, use_tc_tiling_on_sc=False,
            skip_device_barrier=True),
        out_type=jax.ShapeDtypeStruct((n_rows, E), jnp.float32),
        scratch_types=(
            [pltpu.VMEM((nchunks, _CHUNK), jnp.int32)]
            + [pltpu.VMEM((_CHUNK, E), jnp.float32)
               for _ in range(_DEPTH)]
            + [pltpu.VMEM((_CHUNK, E), jnp.float32)
               for _ in range(2)]
            + [pltpu.VMEM((2 * E,), jnp.float32)]
            + [pltpu.SemaphoreType.DMA for _ in range(_DEPTH + 2)]
        ),
    )
    return kern(x3, table, gamma, beta)


def kernel(x, table, gamma, beta):
    B, L = x.shape
    V, E = table.shape
    N = B * L
    info = plsc.get_sparse_core_info()
    num_w = info.num_cores * info.num_subcores
    rows_per_w = N // num_w
    nchunks = rows_per_w // _CHUNK
    x3 = x.reshape(num_w, nchunks, _CHUNK)
    out = _word_embed_ln_sc(x3, table, gamma, beta, N)
    return out.reshape(B, L, E)

# --- scband reference (transcript-rebuilt; emitter-appended) ---
"""Pipeline reference for scband-word-embedding-24240795418869 (READ-ONLY COPY).

The authoritative reference and input builder live on the scoring server;
editing this copy changes nothing except your own understanding.
"""

import jax, jax.numpy as jnp
import numpy as np

VOCAB = 1000000
EMBED = 64
LN_EPS = 1e-12


def setup_inputs(seed: int = 0) -> dict:
    key = jax.random.key(seed)
    k1, k2 = jax.random.split(key)
    x = jax.random.randint(k1, (4096, 200), 0, VOCAB, dtype=jnp.int64 if jax.config.jax_enable_x64 else jnp.int32).astype(jnp.int32)
    table = jax.random.normal(k2, (VOCAB, EMBED), dtype=jnp.float32) * 0.02
    gamma = jnp.ones((EMBED,), dtype=jnp.float32)
    beta = jnp.zeros((EMBED,), dtype=jnp.float32)
    return {"x": x, "table": table, "gamma": gamma, "beta": beta}


def reference(x, table, gamma, beta):
    # embedding lookup (gather)
    emb = jnp.take(table, x, axis=0)  # [B, L, E]
    # dropout with p=0.0 is identity
    # layer norm over last dim
    mean = jnp.mean(emb, axis=-1, keepdims=True)
    var = jnp.mean(jnp.square(emb - mean), axis=-1, keepdims=True)
    normed = (emb - mean) / jnp.sqrt(var + LN_EPS)
    out = normed * gamma + beta
    return out

if __name__ == "__main__":
    import jax
    _d = setup_inputs()
    print(jax.jit(kernel)(*tuple(_d.values())))

</pallas_src>

<mosaic_0001>
#map = affine_map<(d0, d1) -> (0, 0, 0)>
#map1 = affine_map<(d0, d1) -> (0, 0)>
#map2 = affine_map<(d0, d1) -> (0)>
module attributes {stable_mosaic.version = 14 : i64} {
  func.func @body(%arg0: i32, %arg1: i32, %arg2: memref<32x200x128xi32, #tpu.memory_space<hbm>>, %arg3: memref<1000000x64xf32, #tpu.memory_space<hbm>>, %arg4: memref<64xf32, #tpu.memory_space<hbm>>, %arg5: memref<64xf32, #tpu.memory_space<hbm>>, %arg6: memref<819200x64xf32, #tpu.memory_space<hbm>>, %arg7: memref<200x128xi32, #tpu.memory_space<vmem>>, %arg8: memref<128x64xf32, #tpu.memory_space<vmem>>, %arg9: memref<128x64xf32, #tpu.memory_space<vmem>>, %arg10: memref<128x64xf32, #tpu.memory_space<vmem>>, %arg11: memref<128x64xf32, #tpu.memory_space<vmem>>, %arg12: memref<128xf32, #tpu.memory_space<vmem>>, %arg13: memref<!tpu.dma_semaphore, #tpu.memory_space<semaphore_mem>>, %arg14: memref<!tpu.dma_semaphore, #tpu.memory_space<semaphore_mem>>, %arg15: memref<!tpu.dma_semaphore, #tpu.memory_space<semaphore_mem>>, %arg16: memref<!tpu.dma_semaphore, #tpu.memory_space<semaphore_mem>>) attributes {dimension_semantics = [#tpu.dimension_semantics<core_parallel>, #tpu.dimension_semantics<subcore_parallel>], iteration_bounds = array<i64: 2, 16>, scalar_prefetch = 0 : i64, scratch_operands = 10 : i64, tpu.core_type = #tpu.core_type<sc_vector_subcore>, window_params = [{transform_indices = #map}, {transform_indices = #map1}, {transform_indices = #map2}, {transform_indices = #map2}, {transform_indices = #map1}]} {
    %mul3A = arith.constant 2 : i32
    %mul3A_0 = arith.muli %arg1, %mul3A : i32
    %add3A = arith.addi %mul3A_0, %arg0 : i32
    %mul3A_1 = arith.constant 25600 : i32
    %mul3A_2 = arith.muli %add3A, %mul3A_1 : i32
    "tpu.region"() ({
      %run_scoped3A = tpu.sem_alloc : memref<!tpu.dma_semaphore, #tpu.memory_space<semaphore_mem>>
      %dma_start3A_43 = arith.constant 0 : i32
      %dma_start3A_44 = arith.constant 0 : i32
      %dma_start3A_45 = tpu.memref_slice %arg2[%add3A, %dma_start3A_43, %dma_start3A_44] : memref<32x200x128xi32, #tpu.memory_space<hbm>> -> memref<1x200x128xi32, #tpu.memory_space<hbm>>
      %dma_start3A_46 = tpu.memref_squeeze %dma_start3A_45 : memref<1x200x128xi32, #tpu.memory_space<hbm>> -> memref<200x128xi32, #tpu.memory_space<hbm>>
      %dma_start3A_47 = arith.constant 0 : i32
      %dma_start3A_48 = arith.constant 0 : i32
      %dma_start3A_49 = tpu.memref_slice %arg2[%add3A, %dma_start3A_47, %dma_start3A_48] : memref<32x200x128xi32, #tpu.memory_space<hbm>> -> memref<1x200x128xi32, #tpu.memory_space<hbm>>
      %dma_start3A_50 = tpu.memref_squeeze %dma_start3A_49 : memref<1x200x128xi32, #tpu.memory_space<hbm>> -> memref<200x128xi32, #tpu.memory_space<hbm>>
      tpu.enqueue_dma source(%dma_start3A_50 : memref<200x128xi32, #tpu.memory_space<hbm>>) target(%arg7 : memref<200x128xi32, #tpu.memory_space<vmem>>) target_semaphore(%run_scoped3A : memref<!tpu.dma_semaphore, #tpu.memory_space<semaphore_mem>>)
      %dma_wait3A_51 = arith.constant 0 : i32
      %dma_wait3A_52 = arith.constant 0 : i32
      %dma_wait3A_53 = tpu.memref_slice %arg2[%add3A, %dma_wait3A_51, %dma_wait3A_52] : memref<32x200x128xi32, #tpu.memory_space<hbm>> -> memref<1x200x128xi32, #tpu.memory_space<hbm>>
      %dma_wait3A_54 = tpu.memref_squeeze %dma_wait3A_53 : memref<1x200x128xi32, #tpu.memory_space<hbm>> -> memref<200x128xi32, #tpu.memory_space<hbm>>
      %dma_wait3A_55 = arith.constant 0 : i32
      %dma_wait3A_56 = arith.constant 0 : i32
      %dma_wait3A_57 = tpu.memref_slice %arg2[%add3A, %dma_wait3A_55, %dma_wait3A_56] : memref<32x200x128xi32, #tpu.memory_space<hbm>> -> memref<1x200x128xi32, #tpu.memory_space<hbm>>
      %dma_wait3A_58 = tpu.memref_squeeze %dma_wait3A_57 : memref<1x200x128xi32, #tpu.memory_space<hbm>> -> memref<200x128xi32, #tpu.memory_space<hbm>>
      tpu.wait_dma2 semaphore(%run_scoped3A : memref<!tpu.dma_semaphore, #tpu.memory_space<semaphore_mem>>) src(%dma_wait3A_58 : memref<200x128xi32, #tpu.memory_space<hbm>>) dst(%arg7 : memref<200x128xi32, #tpu.memory_space<vmem>>)
      tpu.yield
    }) : () -> ()
    "tpu.region"() ({
      %run_scoped3A = tpu.sem_alloc : memref<!tpu.dma_semaphore, #tpu.memory_space<semaphore_mem>>
      %dma_start3A_43 = arith.constant 0 : i32
      %dma_start3A_44 = tpu.memref_slice %arg12[%dma_start3A_43] : memref<128xf32, #tpu.memory_space<vmem>> -> memref<64xf32, #tpu.memory_space<vmem>>
      %dma_start3A_45 = arith.constant 0 : i32
      %dma_start3A_46 = tpu.memref_slice %arg12[%dma_start3A_45] : memref<128xf32, #tpu.memory_space<vmem>> -> memref<64xf32, #tpu.memory_space<vmem>>
      tpu.enqueue_dma source(%arg4 : memref<64xf32, #tpu.memory_space<hbm>>) target(%dma_start3A_46 : memref<64xf32, #tpu.memory_space<vmem>>) target_semaphore(%run_scoped3A : memref<!tpu.dma_semaphore, #tpu.memory_space<semaphore_mem>>)
      %dma_wait3A_47 = arith.constant 0 : i32
      %dma_wait3A_48 = tpu.memref_slice %arg12[%dma_wait3A_47] : memref<128xf32, #tpu.memory_space<vmem>> -> memref<64xf32, #tpu.memory_space<vmem>>
      %dma_wait3A_49 = arith.constant 0 : i32
      %dma_wait3A_50 = tpu.memref_slice %arg12[%dma_wait3A_49] : memref<128xf32, #tpu.memory_space<vmem>> -> memref<64xf32, #tpu.memory_space<vmem>>
      tpu.wait_dma2 semaphore(%run_scoped3A : memref<!tpu.dma_semaphore, #tpu.memory_space<semaphore_mem>>) src(%arg4 : memref<64xf32, #tpu.memory_space<hbm>>) dst(%dma_wait3A_50 : memref<64xf32, #tpu.memory_space<vmem>>)
      tpu.yield
    }) : () -> ()
    "tpu.region"() ({
      %run_scoped3A = tpu.sem_alloc : memref<!tpu.dma_semaphore, #tpu.memory_space<semaphore_mem>>
      %dma_start3A_43 = arith.constant 64 : i32
      %dma_start3A_44 = tpu.memref_slice %arg12[%dma_start3A_43] : memref<128xf32, #tpu.memory_space<vmem>> -> memref<64xf32, #tpu.memory_space<vmem>>
      %dma_start3A_45 = arith.constant 64 : i32
      %dma_start3A_46 = tpu.memref_slice %arg12[%dma_start3A_45] : memref<128xf32, #tpu.memory_space<vmem>> -> memref<64xf32, #tpu.memory_space<vmem>>
      tpu.enqueue_dma source(%arg5 : memref<64xf32, #tpu.memory_space<hbm>>) target(%dma_start3A_46 : memref<64xf32, #tpu.memory_space<vmem>>) target_semaphore(%run_scoped3A : memref<!tpu.dma_semaphore, #tpu.memory_space<semaphore_mem>>)
      %dma_wait3A_47 = arith.constant 64 : i32
      %dma_wait3A_48 = tpu.memref_slice %arg12[%dma_wait3A_47] : memref<128xf32, #tpu.memory_space<vmem>> -> memref<64xf32, #tpu.memory_space<vmem>>
      %dma_wait3A_49 = arith.constant 64 : i32
      %dma_wait3A_50 = tpu.memref_slice %arg12[%dma_wait3A_49] : memref<128xf32, #tpu.memory_space<vmem>> -> memref<64xf32, #tpu.memory_space<vmem>>
      tpu.wait_dma2 semaphore(%run_scoped3A : memref<!tpu.dma_semaphore, #tpu.memory_space<semaphore_mem>>) src(%arg5 : memref<64xf32, #tpu.memory_space<hbm>>) dst(%dma_wait3A_50 : memref<64xf32, #tpu.memory_space<vmem>>)
      tpu.yield
    }) : () -> ()
    %get3A = arith.constant 0 : index
    %get3A_3 = tpu.vector_load %arg12[%get3A] {strides = array<i32>} : memref<128xf32, #tpu.memory_space<vmem>>, vector<16xf32>,
    %get3A_4 = arith.constant 16 : index
    %get3A_5 = tpu.vector_load %arg12[%get3A_4] {strides = array<i32>} : memref<128xf32, #tpu.memory_space<vmem>>, vector<16xf32>,
    %get3A_6 = arith.constant 32 : index
    %get3A_7 = tpu.vector_load %arg12[%get3A_6] {strides = array<i32>} : memref<128xf32, #tpu.memory_space<vmem>>, vector<16xf32>,
    %get3A_8 = arith.constant 48 : index
    %get3A_9 = tpu.vector_load %arg12[%get3A_8] {strides = array<i32>} : memref<128xf32, #tpu.memory_space<vmem>>, vector<16xf32>,
    %get3A_10 = arith.constant 64 : index
    %get3A_11 = tpu.vector_load %arg12[%get3A_10] {strides = array<i32>} : memref<128xf32, #tpu.memory_space<vmem>>, vector<16xf32>,
    %get3A_12 = arith.constant 80 : index
    %get3A_13 = tpu.vector_load %arg12[%get3A_12] {strides = array<i32>} : memref<128xf32, #tpu.memory_space<vmem>>, vector<16xf32>,
    %get3A_14 = arith.constant 96 : index
    %get3A_15 = tpu.vector_load %arg12[%get3A_14] {strides = array<i32>} : memref<128xf32, #tpu.memory_space<vmem>>, vector<16xf32>,
    %get3A_16 = arith.constant 112 : index
    %get3A_17 = tpu.vector_load %arg12[%get3A_16] {strides = array<i32>} : memref<128xf32, #tpu.memory_space<vmem>>, vector<16xf32>,
    %dma_start3A = arith.constant 0 : i32
    %dma_start3A_18 = arith.constant 0 : i32
    %dma_start3A_19 = tpu.memref_slice %arg7[%dma_start3A, %dma_start3A_18] : memref<200x128xi32, #tpu.memory_space<vmem>> -> memref<1x128xi32, #tpu.memory_space<vmem>>
    %dma_start3A_20 = tpu.memref_squeeze %dma_start3A_19 : memref<1x128xi32, #tpu.memory_space<vmem>> -> memref<128xi32, #tpu.memory_space<vmem>>
    %dma_start3A_21 = arith.constant 0 : i32
    %dma_start3A_22 = arith.constant 0 : i32
    %dma_start3A_23 = tpu.memref_slice %arg3[%dma_start3A_21, %dma_start3A_22] : memref<1000000x64xf32, #tpu.memory_space<hbm>> -> memref<1000000x64xf32, #tpu.memory_space<hbm>>
    tpu.enqueue_indirect_dma source(%dma_start3A_23 : memref<1000000x64xf32, #tpu.memory_space<hbm>>) target(%arg8 : memref<128x64xf32, #tpu.memory_space<vmem>>) offsets(%dma_start3A_20 : memref<128xi32, #tpu.memory_space<vmem>>) semaphore(%arg13 : memref<!tpu.dma_semaphore, #tpu.memory_space<semaphore_mem>>)
    %dma_start3A_24 = arith.constant 1 : i32
    %dma_start3A_25 = arith.constant 0 : i32
    %dma_start3A_26 = tpu.memref_slice %arg7[%dma_start3A_24, %dma_start3A_25] : memref<200x128xi32, #tpu.memory_space<vmem>> -> memref<1x128xi32, #tpu.memory_space<vmem>>
    %dma_start3A_27 = tpu.memref_squeeze %dma_start3A_26 : memref<1x128xi32, #tpu.memory_space<vmem>> -> memref<128xi32, #tpu.memory_space<vmem>>
    %dma_start3A_28 = arith.constant 0 : i32
    %dma_start3A_29 = arith.constant 0 : i32
    %dma_start3A_30 = tpu.memref_slice %arg3[%dma_start3A_28, %dma_start3A_29] : memref<1000000x64xf32, #tpu.memory_space<hbm>> -> memref<1000000x64xf32, #tpu.memory_space<hbm>>
    tpu.enqueue_indirect_dma source(%dma_start3A_30 : memref<1000000x64xf32, #tpu.memory_space<hbm>>) target(%arg9 : memref<128x64xf32, #tpu.memory_space<vmem>>) offsets(%dma_start3A_27 : memref<128xi32, #tpu.memory_space<vmem>>) semaphore(%arg14 : memref<!tpu.dma_semaphore, #tpu.memory_space<semaphore_mem>>)
    %scan3A = arith.constant 0 : i32
    %scan3A_31 = arith.constant 0 : i32
    %scan3A_32 = arith.constant 100 : i32
    %scan3A_33 = arith.addi %scan3A_31, %scan3A_32 : i32
    %scan3A_34 = arith.constant 1 : i32
    scf.for %scan3A_43 = %scan3A_31 to %scan3A_33 step %scan3A_34  : i32 {
      %mul3A_44 = arith.constant 2 : i32
      %mul3A_45 = arith.muli %scan3A_43, %mul3A_44 : i32
      %add3A_46 = arith.constant 0 : i32
      %add3A_47 = arith.addi %mul3A_45, %add3A_46 : i32
      %dma_wait3A_48 = arith.constant 0 : i32
      %dma_wait3A_49 = tpu.memref_slice %arg7[%add3A_47, %dma_wait3A_48] : memref<200x128xi32, #tpu.memory_space<vmem>> -> memref<1x128xi32, #tpu.memory_space<vmem>>
      %dma_wait3A_50 = tpu.memref_squeeze %dma_wait3A_49 : memref<1x128xi32, #tpu.memory_space<vmem>> -> memref<128xi32, #tpu.memory_space<vmem>>
      %dma_wait3A_51 = arith.constant 0 : i32
      %dma_wait3A_52 = arith.constant 0 : i32
      %dma_wait3A_53 = tpu.memref_slice %arg3[%dma_wait3A_51, %dma_wait3A_52] : memref<1000000x64xf32, #tpu.memory_space<hbm>> -> memref<1000000x64xf32, #tpu.memory_space<hbm>>
      tpu.wait_indirect_dma semaphore(%arg13 : memref<!tpu.dma_semaphore, #tpu.memory_space<semaphore_mem>>) src(%dma_wait3A_53 : memref<1000000x64xf32, #tpu.memory_space<hbm>>) dst(%arg8 : memref<128x64xf32, #tpu.memory_space<vmem>>)
      %ge3A = arith.constant 2 : i32
      %ge3A_54 = arith.cmpi sge, %add3A_47, %ge3A : i32
      %convert_element_type3A = arith.extui %ge3A_54 : i1 to i32
      %cond3A = arith.constant 0 : i32
      %cond3A_55 = arith.cmpi ne, %convert_element_type3A, %cond3A : i32
      scf.if %cond3A_55 {
        %dma_wait3A_110 = arith.constant 0 : i32
        %dma_wait3A_111 = tpu.memref_slice %arg6[%mul3A_2, %dma_wait3A_110] : memref<819200x64xf32, #tpu.memory_space<hbm>> -> memref<128x64xf32, #tpu.memory_space<hbm>>
        %dma_wait3A_112 = arith.constant 0 : i32
        %dma_wait3A_113 = tpu.memref_slice %arg6[%mul3A_2, %dma_wait3A_112] : memref<819200x64xf32, #tpu.memory_space<hbm>> -> memref<128x64xf32, #tpu.memory_space<hbm>>
        tpu.wait_dma2 semaphore(%arg15 : memref<!tpu.dma_semaphore, #tpu.memory_space<semaphore_mem>>) src(%arg10 : memref<128x64xf32, #tpu.memory_space<vmem>>) dst(%dma_wait3A_113 : memref<128x64xf32, #tpu.memory_space<hbm>>)
      } else {
      }
      %scan3A_56 = arith.constant 0 : i32
      %scan3A_57 = arith.constant 0 : i32
      %scan3A_58 = arith.constant 8 : i32
      %scan3A_59 = arith.addi %scan3A_57, %scan3A_58 : i32
      %scan3A_60 = arith.constant 1 : i32
      scf.for %scan3A_110 = %scan3A_57 to %scan3A_59 step %scan3A_60  : i32 {
        %mul3A_111 = arith.constant 16 : i32
        %mul3A_112 = arith.muli %scan3A_110, %mul3A_111 : i32
        %add3A_113 = arith.constant 0 : i32
        %add3A_114 = arith.addi %mul3A_112, %add3A_113 : i32
        %get3A_115 = arith.index_cast %add3A_114 : i32 to index
        %get3A_116 = arith.constant 0 : index
        %get3A_117 = tpu.vector_load %arg8[%get3A_115, %get3A_116] {strides = array<i32>} : memref<128x64xf32, #tpu.memory_space<vmem>>, vector<16xf32>,
        %get3A_118 = arith.index_cast %add3A_114 : i32 to index
        %get3A_119 = arith.constant 16 : index
        %get3A_120 = tpu.vector_load %arg8[%get3A_118, %get3A_119] {strides = array<i32>} : memref<128x64xf32, #tpu.memory_space<vmem>>, vector<16xf32>,
        %get3A_121 = arith.index_cast %add3A_114 : i32 to index
        %get3A_122 = arith.constant 32 : index
        %get3A_123 = tpu.vector_load %arg8[%get3A_121, %get3A_122] {strides = array<i32>} : memref<128x64xf32, #tpu.memory_space<vmem>>, vector<16xf32>,
        %get3A_124 = arith.index_cast %add3A_114 : i32 to index
        %get3A_125 = arith.constant 48 : index
        %get3A_126 = tpu.vector_load %arg8[%get3A_124, %get3A_125] {strides = array<i32>} : memref<128x64xf32, #tpu.memory_space<vmem>>, vector<16xf32>,
        %mul3A_127 = arith.mulf %get3A_117, %get3A_117 : vector<16xf32>
        %add3A_128 = arith.addf %get3A_117, %get3A_120 : vector<16xf32>
        %mul3A_129 = arith.mulf %get3A_120, %get3A_120 : vector<16xf32>
        %add3A_130 = arith.addf %mul3A_127, %mul3A_129 : vector<16xf32>
        %add3A_131 = arith.addf %add3A_128, %get3A_123 : vector<16xf32>
        %mul3A_132 = arith.mulf %get3A_123, %get3A_123 : vector<16xf32>
        %add3A_133 = arith.addf %add3A_130, %mul3A_132 : vector<16xf32>
        %add3A_134 = arith.addf %add3A_131, %get3A_126 : vector<16xf32>
        %mul3A_135 = arith.mulf %get3A_126, %get3A_126 : vector<16xf32>
        %add3A_136 = arith.addf %add3A_133, %mul3A_135 : vector<16xf32>
        %reduce_sum3A = arith.constant true
        %reduce_sum3A_137 = vector.broadcast %reduce_sum3A : i1 to vector<16xi1>
        %reduce_sum3A_138 = tpu.scan <sum>, %add3A_134 masked %reduce_sum3A_137 : vector<16xf32>, vector<16xi1> -> vector<16xf32>
        %reduce_sum3A_139 = vector.extract %reduce_sum3A_138[15] : f32 from vector<16xf32>
        %reduce_sum3A_140 = arith.constant true
        %reduce_sum3A_141 = vector.broadcast %reduce_sum3A_140 : i1 to vector<16xi1>
        %reduce_sum3A_142 = tpu.scan <sum>, %add3A_136 masked %reduce_sum3A_141 : vector<16xf32>, vector<16xi1> -> vector<16xf32>
        %reduce_sum3A_143 = vector.extract %reduce_sum3A_142[15] : f32 from vector<16xf32>
        %mul3A_144 = arith.constant 1.562500e-02 : f32
        %mul3A_145 = arith.mulf %reduce_sum3A_139, %mul3A_144 : f32
        %mul3A_146 = arith.constant 1.562500e-02 : f32
        %mul3A_147 = arith.mulf %reduce_sum3A_143, %mul3A_146 : f32
        %mul3A_148 = arith.mulf %mul3A_145, %mul3A_145 : f32
        %sub3A = arith.subf %mul3A_147, %mul3A_148 : f32
        %max3A = arith.constant 0.000000e+00 : f32
        %max3A_149 = arith.maximumf %sub3A, %max3A : f32
        %add3A_150 = arith.constant 9.99999996E-13 : f32
        %add3A_151 = arith.addf %max3A_149, %add3A_150 : f32
        %bitcast_convert_type3A = arith.bitcast %add3A_151 : f32 to i32
        %shift_right_logical3A = arith.constant 1 : i32
        %shift_right_logical3A_152 = arith.shrui %bitcast_convert_type3A, %shift_right_logical3A : i32
        %sub3A_153 = arith.constant 1597463007 : i32
        %sub3A_154 = arith.subi %sub3A_153, %shift_right_logical3A_152 : i32
        %bitcast_convert_type3A_155 = arith.bitcast %sub3A_154 : i32 to f32
        %mul3A_156 = arith.constant 5.000000e-01 : f32
        %mul3A_157 = arith.mulf %add3A_151, %mul3A_156 : f32
        %mul3A_158 = arith.mulf %mul3A_157, %bitcast_convert_type3A_155 : f32
        %mul3A_159 = arith.mulf %mul3A_158, %bitcast_convert_type3A_155 : f32
        %sub3A_160 = arith.constant 1.500000e+00 : f32
        %sub3A_161 = arith.subf %sub3A_160, %mul3A_159 : f32
        %mul3A_162 = arith.mulf %bitcast_convert_type3A_155, %sub3A_161 : f32
        %mul3A_163 = arith.mulf %mul3A_157, %mul3A_162 : f32
        %mul3A_164 = arith.mulf %mul3A_163, %mul3A_162 : f32
        %sub3A_165 = arith.constant 1.500000e+00 : f32
        %sub3A_166 = arith.subf %sub3A_165, %mul3A_164 : f32
        %mul3A_167 = arith.mulf %mul3A_162, %sub3A_166 : f32
        %mul3A_168 = arith.mulf %mul3A_157, %mul3A_167 : f32
        %mul3A_169 = arith.mulf %mul3A_168, %mul3A_167 : f32
        %sub3A_170 = arith.constant 1.500000e+00 : f32
        %sub3A_171 = arith.subf %sub3A_170, %mul3A_169 : f32
        %mul3A_172 = arith.mulf %mul3A_167, %sub3A_171 : f32
        %mul3A_173 = arith.mulf %mul3A_145, %mul3A_172 : f32
        %mul3A_174 = vector.broadcast %mul3A_172 : f32 to vector<16xf32>
        %mul3A_175 = arith.mulf %get3A_117, %mul3A_174 : vector<16xf32>
        %sub3A_176 = vector.broadcast %mul3A_173 : f32 to vector<16xf32>
        %sub3A_177 = arith.subf %mul3A_175, %sub3A_176 : vector<16xf32>
        %mul3A_178 = arith.mulf %sub3A_177, %get3A_3 : vector<16xf32>
        %add3A_179 = arith.addf %mul3A_178, %get3A_11 : vector<16xf32>
        %swap3A = arith.index_cast %add3A_114 : i32 to index
        %swap3A_180 = arith.constant 0 : index
        %swap3A_181 = tpu.vector_load %arg10[%swap3A, %swap3A_180] {strides = array<i32>} : memref<128x64xf32, #tpu.memory_space<vmem>>, vector<16xf32>,
        tpu.vector_store %arg10[%swap3A, %swap3A_180], %add3A_179 {strides = array<i32>} : memref<128x64xf32, #tpu.memory_space<vmem>>, vector<16xf32>,
        %mul3A_182 = vector.broadcast %mul3A_172 : f32 to vector<16xf32>
        %mul3A_183 = arith.mulf %get3A_120, %mul3A_182 : vector<16xf32>
        %sub3A_184 = vector.broadcast %mul3A_173 : f32 to vector<16xf32>
        %sub3A_185 = arith.subf %mul3A_183, %sub3A_184 : vector<16xf32>
        %mul3A_186 = arith.mulf %sub3A_185, %get3A_5 : vector<16xf32>
        %add3A_187 = arith.addf %mul3A_186, %get3A_13 : vector<16xf32>
        %swap3A_188 = arith.index_cast %add3A_114 : i32 to index
        %swap3A_189 = arith.constant 16 : index
        %swap3A_190 = tpu.vector_load %arg10[%swap3A_188, %swap3A_189] {strides = array<i32>} : memref<128x64xf32, #tpu.memory_space<vmem>>, vector<16xf32>,
        tpu.vector_store %arg10[%swap3A_188, %swap3A_189], %add3A_187 {strides = array<i32>} : memref<128x64xf32, #tpu.memory_space<vmem>>, vector<16xf32>,
        %mul3A_191 = vector.broadcast %mul3A_172 : f32 to vector<16xf32>
        %mul3A_192 = arith.mulf %get3A_123, %mul3A_191 : vector<16xf32>
        %sub3A_193 = vector.broadcast %mul3A_173 : f32 to vector<16xf32>
        %sub3A_194 = arith.subf %mul3A_192, %sub3A_193 : vector<16xf32>
        %mul3A_195 = arith.mulf %sub3A_194, %get3A_7 : vector<16xf32>
        %add3A_196 = arith.addf %mul3A_195, %get3A_15 : vector<16xf32>
        %swap3A_197 = arith.index_cast %add3A_114 : i32 to index
        %swap3A_198 = arith.constant 32 : index
        %swap3A_199 = tpu.vector_load %arg10[%swap3A_197, %swap3A_198] {strides = array<i32>} : memref<128x64xf32, #tpu.memory_space<vmem>>, vector<16xf32>,
        tpu.vector_store %arg10[%swap3A_197, %swap3A_198], %add3A_196 {strides = array<i32>} : memref<128x64xf32, #tpu.memory_space<vmem>>, vector<16xf32>,
        %mul3A_200 = vector.broadcast %mul3A_172 : f32 to vector<16xf32>
        %mul3A_201 = arith.mulf %get3A_126, %mul3A_200 : vector<16xf32>
        %sub3A_202 = vector.broadcast %mul3A_173 : f32 to vector<16xf32>
        %sub3A_203 = arith.subf %mul3A_201, %sub3A_202 : vector<16xf32>
        %mul3A_204 = arith.mulf %sub3A_203, %get3A_9 : vector<16xf32>
        %add3A_205 = arith.addf %mul3A_204, %get3A_17 : vector<16xf32>
        %swap3A_206 = arith.index_cast %add3A_114 : i32 to index
        %swap3A_207 = arith.constant 48 : index
        %swap3A_208 = tpu.vector_load %arg10[%swap3A_206, %swap3A_207] {strides = array<i32>} : memref<128x64xf32, #tpu.memory_space<vmem>>, vector<16xf32>,
        tpu.vector_store %arg10[%swap3A_206, %swap3A_207], %add3A_205 {strides = array<i32>} : memref<128x64xf32, #tpu.memory_space<vmem>>, vector<16xf32>,
        %mul3A_209 = arith.constant 16 : i32
        %mul3A_210 = arith.muli %scan3A_110, %mul3A_209 : i32
        %add3A_211 = arith.constant 1 : i32
        %add3A_212 = arith.addi %mul3A_210, %add3A_211 : i32
        %get3A_213 = arith.index_cast %add3A_212 : i32 to index
        %get3A_214 = arith.constant 0 : index
        %get3A_215 = tpu.vector_load %arg8[%get3A_213, %get3A_214] {strides = array<i32>} : memref<128x64xf32, #tpu.memory_space<vmem>>, vector<16xf32>,
        %get3A_216 = arith.index_cast %add3A_212 : i32 to index
        %get3A_217 = arith.constant 16 : index
        %get3A_218 = tpu.vector_load %arg8[%get3A_216, %get3A_217] {strides = array<i32>} : memref<128x64xf32, #tpu.memory_space<vmem>>, vector<16xf32>,
        %get3A_219 = arith.index_cast %add3A_212 : i32 to index
        %get3A_220 = arith.constant 32 : index
        %get3A_221 = tpu.vector_load %arg8[%get3A_219, %get3A_220] {strides = array<i32>} : memref<128x64xf32, #tpu.memory_space<vmem>>, vector<16xf32>,
        %get3A_222 = arith.index_cast %add3A_212 : i32 to index
        %get3A_223 = arith.constant 48 : index
        %get3A_224 = tpu.vector_load %arg8[%get3A_222, %get3A_223] {strides = array<i32>} : memref<128x64xf32, #tpu.memory_space<vmem>>, vector<16xf32>,
        %mul3A_225 = arith.mulf %get3A_215, %get3A_215 : vector<16xf32>
        %add3A_226 = arith.addf %get3A_215, %get3A_218 : vector<16xf32>
        %mul3A_227 = arith.mulf %get3A_218, %get3A_218 : vector<16xf32>
        %add3A_228 = arith.addf %mul3A_225, %mul3A_227 : vector<16xf32>
        %add3A_229 = arith.addf %add3A_226, %get3A_221 : vector<16xf32>
        %mul3A_230 = arith.mulf %get3A_221, %get3A_221 : vector<16xf32>
        %add3A_231 = arith.addf %add3A_228, %mul3A_230 : vector<16xf32>
        %add3A_232 = arith.addf %add3A_229, %get3A_224 : vector<16xf32>
        %mul3A_233 = arith.mulf %get3A_224, %get3A_224 : vector<16xf32>
        %add3A_234 = arith.addf %add3A_231, %mul3A_233 : vector<16xf32>
        %reduce_sum3A_235 = arith.constant true
        %reduce_sum3A_236 = vector.broadcast %reduce_sum3A_235 : i1 to vector<16xi1>
        %reduce_sum3A_237 = tpu.scan <sum>, %add3A_232 masked %reduce_sum3A_236 : vector<16xf32>, vector<16xi1> -> vector<16xf32>
        %reduce_sum3A_238 = vector.extract %reduce_sum3A_237[15] : f32 from vector<16xf32>
        %reduce_sum3A_239 = arith.constant true
        %reduce_sum3A_240 = vector.broadcast %reduce_sum3A_239 : i1 to vector<16xi1>
        %reduce_sum3A_241 = tpu.scan <sum>, %add3A_234 masked %reduce_sum3A_240 : vector<16xf32>, vector<16xi1> -> vector<16xf32>
        %reduce_sum3A_242 = vector.extract %reduce_sum3A_241[15] : f32 from vector<16xf32>
        %mul3A_243 = arith.constant 1.562500e-02 : f32
        %mul3A_244 = arith.mulf %reduce_sum3A_238, %mul3A_243 : f32
        %mul3A_245 = arith.constant 1.562500e-02 : f32
        %mul3A_246 = arith.mulf %reduce_sum3A_242, %mul3A_245 : f32
        %mul3A_247 = arith.mulf %mul3A_244, %mul3A_244 : f32
        %sub3A_248 = arith.subf %mul3A_246, %mul3A_247 : f32
        %max3A_249 = arith.constant 0.000000e+00 : f32
        %max3A_250 = arith.maximumf %sub3A_248, %max3A_249 : f32
        %add3A_251 = arith.constant 9.99999996E-13 : f32
        %add3A_252 = arith.addf %max3A_250, %add3A_251 : f32
        %bitcast_convert_type3A_253 = arith.bitcast %add3A_252 : f32 to i32
        %shift_right_logical3A_254 = arith.constant 1 : i32
        %shift_right_logical3A_255 = arith.shrui %bitcast_convert_type3A_253, %shift_right_logical3A_254 : i32
        %sub3A_256 = arith.constant 1597463007 : i32
        %sub3A_257 = arith.subi %sub3A_256, %shift_right_logical3A_255 : i32
        %bitcast_convert_type3A_258 = arith.bitcast %sub3A_257 : i32 to f32
        %mul3A_259 = arith.constant 5.000000e-01 : f32
        %mul3A_260 = arith.mulf %add3A_252, %mul3A_259 : f32
        %mul3A_261 = arith.mulf %mul3A_260, %bitcast_convert_type3A_258 : f32
        %mul3A_262 = arith.mulf %mul3A_261, %bitcast_convert_type3A_258 : f32
        %sub3A_263 = arith.constant 1.500000e+00 : f32
        %sub3A_264 = arith.subf %sub3A_263, %mul3A_262 : f32
        %mul3A_265 = arith.mulf %bitcast_convert_type3A_258, %sub3A_264 : f32
        %mul3A_266 = arith.mulf %mul3A_260, %mul3A_265 : f32
        %mul3A_267 = arith.mulf %mul3A_266, %mul3A_265 : f32
        %sub3A_268 = arith.constant 1.500000e+00 : f32
        %sub3A_269 = arith.subf %sub3A_268, %mul3A_267 : f32
        %mul3A_270 = arith.mulf %mul3A_265, %sub3A_269 : f32
        %mul3A_271 = arith.mulf %mul3A_260, %mul3A_270 : f32
        %mul3A_272 = arith.mulf %mul3A_271, %mul3A_270 : f32
        %sub3A_273 = arith.constant 1.500000e+00 : f32
        %sub3A_274 = arith.subf %sub3A_273, %mul3A_272 : f32
        %mul3A_275 = arith.mulf %mul3A_270, %sub3A_274 : f32
        %mul3A_276 = arith.mulf %mul3A_244, %mul3A_275 : f32
        %mul3A_277 = vector.broadcast %mul3A_275 : f32 to vector<16xf32>
        %mul3A_278 = arith.mulf %get3A_215, %mul3A_277 : vector<16xf32>
        %sub3A_279 = vector.broadcast %mul3A_276 : f32 to vector<16xf32>
        %sub3A_280 = arith.subf %mul3A_278, %sub3A_279 : vector<16xf32>
        %mul3A_281 = arith.mulf %sub3A_280, %get3A_3 : vector<16xf32>
        %add3A_282 = arith.addf %mul3A_281, %get3A_11 : vector<16xf32>
        %swap3A_283 = arith.index_cast %add3A_212 : i32 to index
        %swap3A_284 = arith.constant 0 : index
        %swap3A_285 = tpu.vector_load %arg10[%swap3A_283, %swap3A_284] {strides = array<i32>} : memref<128x64xf32, #tpu.memory_space<vmem>>, vector<16xf32>,
        tpu.vector_store %arg10[%swap3A_283, %swap3A_284], %add3A_282 {strides = array<i32>} : memref<128x64xf32, #tpu.memory_space<vmem>>, vector<16xf32>,
        %mul3A_286 = vector.broadcast %mul3A_275 : f32 to vector<16xf32>
        %mul3A_287 = arith.mulf %get3A_218, %mul3A_286 : vector<16xf32>
        %sub3A_288 = vector.broadcast %mul3A_276 : f32 to vector<16xf32>
        %sub3A_289 = arith.subf %mul3A_287, %sub3A_288 : vector<16xf32>
        %mul3A_290 = arith.mulf %sub3A_289, %get3A_5 : vector<16xf32>
        %add3A_291 = arith.addf %mul3A_290, %get3A_13 : vector<16xf32>
        %swap3A_292 = arith.index_cast %add3A_212 : i32 to index
        %swap3A_293 = arith.constant 16 : index
        %swap3A_294 = tpu.vector_load %arg10[%swap3A_292, %swap3A_293] {strides = array<i32>} : memref<128x64xf32, #tpu.memory_space<vmem>>, vector<16xf32>,
        tpu.vector_store %arg10[%swap3A_292, %swap3A_293], %add3A_291 {strides = array<i32>} : memref<128x64xf32, #tpu.memory_space<vmem>>, vector<16xf32>,
        %mul3A_295 = vector.broadcast %mul3A_275 : f32 to vector<16xf32>
        %mul3A_296 = arith.mulf %get3A_221, %mul3A_295 : vector<16xf32>
        %sub3A_297 = vector.broadcast %mul3A_276 : f32 to vector<16xf32>
        %sub3A_298 = arith.subf %mul3A_296, %sub3A_297 : vector<16xf32>
        %mul3A_299 = arith.mulf %sub3A_298, %get3A_7 : vector<16xf32>
        %add3A_300 = arith.addf %mul3A_299, %get3A_15 : vector<16xf32>
        %swap3A_301 = arith.index_cast %add3A_212 : i32 to index
        %swap3A_302 = arith.constant 32 : index
        %swap3A_303 = tpu.vector_load %arg10[%swap3A_301, %swap3A_302] {strides = array<i32>} : memref<128x64xf32, #tpu.memory_space<vmem>>, vector<16xf32>,
        tpu.vector_store %arg10[%swap3A_301, %swap3A_302], %add3A_300 {strides = array<i32>} : memref<128x64xf32, #tpu.memory_space<vmem>>, vector<16xf32>,
        %mul3A_304 = vector.broadcast %mul3A_275 : f32 to vector<16xf32>
        %mul3A_305 = arith.mulf %get3A_224, %mul3A_304 : vector<16xf32>
        %sub3A_306 = vector.broadcast %mul3A_276 : f32 to vector<16xf32>
        %sub3A_307 = arith.subf %mul3A_305, %sub3A_306 : vector<16xf32>
        %mul3A_308 = arith.mulf %sub3A_307, %get3A_9 : vector<16xf32>
        %add3A_309 = arith.addf %mul3A_308, %get3A_17 : vector<16xf32>
        %swap3A_310 = arith.index_cast %add3A_212 : i32 to index
        %swap3A_311 = arith.constant 48 : index
        %swap3A_312 = tpu.vector_load %arg10[%swap3A_310, %swap3A_311] {strides = array<i32>} : memref<128x64xf32, #tpu.memory_space<vmem>>, vector<16xf32>,
        tpu.vector_store %arg10[%swap3A_310, %swap3A_311], %add3A_309 {strides = array<i32>} : memref<128x64xf32, #tpu.memory_space<vmem>>, vector<16xf32>,
        %mul3A_313 = arith.constant 16 : i32
        %mul3A_314 = arith.muli %scan3A_110, %mul3A_313 : i32
        %add3A_315 = arith.constant 2 : i32
        %add3A_316 = arith.addi %mul3A_314, %add3A_315 : i32
        %get3A_317 = arith.index_cast %add3A_316 : i32 to index
        %get3A_318 = arith.constant 0 : index
        %get3A_319 = tpu.vector_load %arg8[%get3A_317, %get3A_318] {strides = array<i32>} : memref<128x64xf32, #tpu.memory_space<vmem>>, vector<16xf32>,
        %get3A_320 = arith.index_cast %add3A_316 : i32 to index
        %get3A_321 = arith.constant 16 : index
        %get3A_322 = tpu.vector_load %arg8[%get3A_320, %get3A_321] {strides = array<i32>} : memref<128x64xf32, #tpu.memory_space<vmem>>, vector<16xf32>,
        %get3A_323 = arith.index_cast %add3A_316 : i32 to index
        %get3A_324 = arith.constant 32 : index
        %get3A_325 = tpu.vector_load %arg8[%get3A_323, %get3A_324] {strides = array<i32>} : memref<128x64xf32, #tpu.memory_space<vmem>>, vector<16xf32>,
        %get3A_326 = arith.index_cast %add3A_316 : i32 to index
        %get3A_327 = arith.constant 48 : index
        %get3A_328 = tpu.vector_load %arg8[%get3A_326, %get3A_327] {strides = array<i32>} : memref<128x64xf32, #tpu.memory_space<vmem>>, vector<16xf32>,
        %mul3A_329 = arith.mulf %get3A_319, %get3A_319 : vector<16xf32>
        %add3A_330 = arith.addf %get3A_319, %get3A_322 : vector<16xf32>
        %mul3A_331 = arith.mulf %get3A_322, %get3A_322 : vector<16xf32>
        %add3A_332 = arith.addf %mul3A_329, %mul3A_331 : vector<16xf32>
        %add3A_333 = arith.addf %add3A_330, %get3A_325 : vector<16xf32>
        %mul3A_334 = arith.mulf %get3A_325, %get3A_325 : vector<16xf32>
        %add3A_335 = arith.addf %add3A_332, %mul3A_334 : vector<16xf32>
        %add3A_336 = arith.addf %add3A_333, %get3A_328 : vector<16xf32>
        %mul3A_337 = arith.mulf %get3A_328, %get3A_328 : vector<16xf32>
        %add3A_338 = arith.addf %add3A_335, %mul3A_337 : vector<16xf32>
        %reduce_sum3A_339 = arith.constant true
        %reduce_sum3A_340 = vector.broadcast %reduce_sum3A_339 : i1 to vector<16xi1>
        %reduce_sum3A_341 = tpu.scan <sum>, %add3A_336 masked %reduce_sum3A_340 : vector<16xf32>, vector<16xi1> -> vector<16xf32>
        %reduce_sum3A_342 = vector.extract %reduce_sum3A_341[15] : f32 from vector<16xf32>
        %reduce_sum3A_343 = arith.constant true
        %reduce_sum3A_344 = vector.broadcast %reduce_sum3A_343 : i1 to vector<16xi1>
        %reduce_sum3A_345 = tpu.scan <sum>, %add3A_338 masked %reduce_sum3A_344 : vector<16xf32>, vector<16xi1> -> vector<16xf32>
        %reduce_sum3A_346 = vector.extract %reduce_sum3A_345[15] : f32 from vector<16xf32>
        %mul3A_347 = arith.constant 1.562500e-02 : f32
        %mul3A_348 = arith.mulf %reduce_sum3A_342, %mul3A_347 : f32
        %mul3A_349 = arith.constant 1.562500e-02 : f32
        %mul3A_350 = arith.mulf %reduce_sum3A_346, %mul3A_349 : f32
        %mul3A_351 = arith.mulf %mul3A_348, %mul3A_348 : f32
        %sub3A_352 = arith.subf %mul3A_350, %mul3A_351 : f32
        %max3A_353 = arith.constant 0.000000e+00 : f32
        %max3A_354 = arith.maximumf %sub3A_352, %max3A_353 : f32
        %add3A_355 = arith.constant 9.99999996E-13 : f32
        %add3A_356 = arith.addf %max3A_354, %add3A_355 : f32
        %bitcast_convert_type3A_357 = arith.bitcast %add3A_356 : f32 to i32
        %shift_right_logical3A_358 = arith.constant 1 : i32
        %shift_right_logical3A_359 = arith.shrui %bitcast_convert_type3A_357, %shift_right_logical3A_358 : i32
        %sub3A_360 = arith.constant 1597463007 : i32
        %sub3A_361 = arith.subi %sub3A_360, %shift_right_logical3A_359 : i32
        %bitcast_convert_type3A_362 = arith.bitcast %sub3A_361 : i32 to f32
        %mul3A_363 = arith.constant 5.000000e-01 : f32
        %mul3A_364 = arith.mulf %add3A_356, %mul3A_363 : f32
        %mul3A_365 = arith.mulf %mul3A_364, %bitcast_convert_type3A_362 : f32
        %mul3A_366 = arith.mulf %mul3A_365, %bitcast_convert_type3A_362 : f32
        %sub3A_367 = arith.constant 1.500000e+00 : f32
        %sub3A_368 = arith.subf %sub3A_367, %mul3A_366 : f32
        %mul3A_369 = arith.mulf %bitcast_convert_type3A_362, %sub3A_368 : f32
        %mul3A_370 = arith.mulf %mul3A_364, %mul3A_369 : f32
        %mul3A_371 = arith.mulf %mul3A_370, %mul3A_369 : f32
        %sub3A_372 = arith.constant 1.500000e+00 : f32
        %sub3A_373 = arith.subf %sub3A_372, %mul3A_371 : f32
        %mul3A_374 = arith.mulf %mul3A_369, %sub3A_373 : f32
        %mul3A_375 = arith.mulf %mul3A_364, %mul3A_374 : f32
        %mul3A_376 = arith.mulf %mul3A_375, %mul3A_374 : f32
        %sub3A_377 = arith.constant 1.500000e+00 : f32
        %sub3A_378 = arith.subf %sub3A_377, %mul3A_376 : f32
        %mul3A_379 = arith.mulf %mul3A_374, %sub3A_378 : f32
        %mul3A_380 = arith.mulf %mul3A_348, %mul3A_379 : f32
        %mul3A_381 = vector.broadcast %mul3A_379 : f32 to vector<16xf32>
        %mul3A_382 = arith.mulf %get3A_319, %mul3A_381 : vector<16xf32>
        %sub3A_383 = vector.broadcast %mul3A_380 : f32 to vector<16xf32>
        %sub3A_384 = arith.subf %mul3A_382, %sub3A_383 : vector<16xf32>
        %mul3A_385 = arith.mulf %sub3A_384, %get3A_3 : vector<16xf32>
        %add3A_386 = arith.addf %mul3A_385, %get3A_11 : vector<16xf32>
        %swap3A_387 = arith.index_cast %add3A_316 : i32 to index
        %swap3A_388 = arith.constant 0 : index
        %swap3A_389 = tpu.vector_load %arg10[%swap3A_387, %swap3A_388] {strides = array<i32>} : memref<128x64xf32, #tpu.memory_space<vmem>>, vector<16xf32>,
        tpu.vector_store %arg10[%swap3A_387, %swap3A_388], %add3A_386 {strides = array<i32>} : memref<128x64xf32, #tpu.memory_space<vmem>>, vector<16xf32>,
        %mul3A_390 = vector.broadcast %mul3A_379 : f32 to vector<16xf32>
        %mul3A_391 = arith.mulf %get3A_322, %mul3A_390 : vector<16xf32>
        %sub3A_392 = vector.broadcast %mul3A_380 : f32 to vector<16xf32>
        %sub3A_393 = arith.subf %mul3A_391, %sub3A_392 : vector<16xf32>
        %mul3A_394 = arith.mulf %sub3A_393, %get3A_5 : vector<16xf32>
        %add3A_395 = arith.addf %mul3A_394, %get3A_13 : vector<16xf32>
        %swap3A_396 = arith.index_cast %add3A_316 : i32 to index
        %swap3A_397 = arith.constant 16 : index
        %swap3A_398 = tpu.vector_load %arg10[%swap3A_396, %swap3A_397] {strides = array<i32>} : memref<128x64xf32, #tpu.memory_space<vmem>>, vector<16xf32>,
        tpu.vector_store %arg10[%swap3A_396, %swap3A_397], %add3A_395 {strides = array<i32>} : memref<128x64xf32, #tpu.memory_space<vmem>>, vector<16xf32>,
        %mul3A_399 = vector.broadcast %mul3A_379 : f32 to vector<16xf32>
        %mul3A_400 = arith.mulf %get3A_325, %mul3A_399 : vector<16xf32>
        %sub3A_401 = vector.broadcast %mul3A_380 : f32 to vector<16xf32>
        %sub3A_402 = arith.subf %mul3A_400, %sub3A_401 : vector<16xf32>
        %mul3A_403 = arith.mulf %sub3A_402, %get3A_7 : vector<16xf32>
        %add3A_404 = arith.addf %mul3A_403, %get3A_15 : vector<16xf32>
        %swap3A_405 = arith.index_cast %add3A_316 : i32 to index
        %swap3A_406 = arith.constant 32 : index
        %swap3A_407 = tpu.vector_load %arg10[%swap3A_405, %swap3A_406] {strides = array<i32>} : memref<128x64xf32, #tpu.memory_space<vmem>>, vector<16xf32>,
        tpu.vector_store %arg10[%swap3A_405, %swap3A_406], %add3A_404 {strides = array<i32>} : memref<128x64xf32, #tpu.memory_space<vmem>>, vector<16xf32>,
        %mul3A_408 = vector.broadcast %mul3A_379 : f32 to vector<16xf32>
        %mul3A_409 = arith.mulf %get3A_328, %mul3A_408 : vector<16xf32>
        %sub3A_410 = vector.broadcast %mul3A_380 : f32 to vector<16xf32>
        %sub3A_411 = arith.subf %mul3A_409, %sub3A_410 : vector<16xf32>
        %mul3A_412 = arith.mulf %sub3A_411, %get3A_9 : vector<16xf32>
        %add3A_413 = arith.addf %mul3A_412, %get3A_17 : vector<16xf32>
        %swap3A_414 = arith.index_cast %add3A_316 : i32 to index
        %swap3A_415 = arith.constant 48 : index
        %swap3A_416 = tpu.vector_load %arg10[%swap3A_414, %swap3A_415] {strides = array<i32>} : memref<128x64xf32, #tpu.memory_space<vmem>>, vector<16xf32>,
        tpu.vector_store %arg10[%swap3A_414, %swap3A_415], %add3A_413 {strides = array<i32>} : memref<128x64xf32, #tpu.memory_space<vmem>>, vector<16xf32>,
        %mul3A_417 = arith.constant 16 : i32
        %mul3A_418 = arith.muli %scan3A_110, %mul3A_417 : i32
        %add3A_419 = arith.constant 3 : i32
        %add3A_420 = arith.addi %mul3A_418, %add3A_419 : i32
        %get3A_421 = arith.index_cast %add3A_420 : i32 to index
        %get3A_422 = arith.constant 0 : index
        %get3A_423 = tpu.vector_load %arg8[%get3A_421, %get3A_422] {strides = array<i32>} : memref<128x64xf32, #tpu.memory_space<vmem>>, vector<16xf32>,
        %get3A_424 = arith.index_cast %add3A_420 : i32 to index
        %get3A_425 = arith.constant 16 : index
        %get3A_426 = tpu.vector_load %arg8[%get3A_424, %get3A_425] {strides = array<i32>} : memref<128x64xf32, #tpu.memory_space<vmem>>, vector<16xf32>,
        %get3A_427 = arith.index_cast %add3A_420 : i32 to index
        %get3A_428 = arith.constant 32 : index
        %get3A_429 = tpu.vector_load %arg8[%get3A_427, %get3A_428] {strides = array<i32>} : memref<128x64xf32, #tpu.memory_space<vmem>>, vector<16xf32>,
        %get3A_430 = arith.index_cast %add3A_420 : i32 to index
        %get3A_431 = arith.constant 48 : index
        %get3A_432 = tpu.vector_load %arg8[%get3A_430, %get3A_431] {strides = array<i32>} : memref<128x64xf32, #tpu.memory_space<vmem>>, vector<16xf32>,
        %mul3A_433 = arith.mulf %get3A_423, %get3A_423 : vector<16xf32>
        %add3A_434 = arith.addf %get3A_423, %get3A_426 : vector<16xf32>
        %mul3A_435 = arith.mulf %get3A_426, %get3A_426 : vector<16xf32>
        %add3A_436 = arith.addf %mul3A_433, %mul3A_435 : vector<16xf32>
        %add3A_437 = arith.addf %add3A_434, %get3A_429 : vector<16xf32>
        %mul3A_438 = arith.mulf %get3A_429, %get3A_429 : vector<16xf32>
        %add3A_439 = arith.addf %add3A_436, %mul3A_438 : vector<16xf32>
        %add3A_440 = arith.addf %add3A_437, %get3A_432 : vector<16xf32>
        %mul3A_441 = arith.mulf %get3A_432, %get3A_432 : vector<16xf32>
        %add3A_442 = arith.addf %add3A_439, %mul3A_441 : vector<16xf32>
        %reduce_sum3A_443 = arith.constant true
        %reduce_sum3A_444 = vector.broadcast %reduce_sum3A_443 : i1 to vector<16xi1>
        %reduce_sum3A_445 = tpu.scan <sum>, %add3A_440 masked %reduce_sum3A_444 : vector<16xf32>, vector<16xi1> -> vector<16xf32>
        %reduce_sum3A_446 = vector.extract %reduce_sum3A_445[15] : f32 from vector<16xf32>
        %reduce_sum3A_447 = arith.constant true
        %reduce_sum3A_448 = vector.broadcast %reduce_sum3A_447 : i1 to vector<16xi1>
        %reduce_sum3A_449 = tpu.scan <sum>, %add3A_442 masked %reduce_sum3A_448 : vector<16xf32>, vector<16xi1> -> vector<16xf32>
        %reduce_sum3A_450 = vector.extract %reduce_sum3A_449[15] : f32 from vector<16xf32>
        %mul3A_451 = arith.constant 1.562500e-02 : f32
        %mul3A_452 = arith.mulf %reduce_sum3A_446, %mul3A_451 : f32
        %mul3A_453 = arith.constant 1.562500e-02 : f32
        %mul3A_454 = arith.mulf %reduce_sum3A_450, %mul3A_453 : f32
        %mul3A_455 = arith.mulf %mul3A_452, %mul3A_452 : f32
        %sub3A_456 = arith.subf %mul3A_454, %mul3A_455 : f32
        %max3A_457 = arith.constant 0.000000e+00 : f32
        %max3A_458 = arith.maximumf %sub3A_456, %max3A_457 : f32
        %add3A_459 = arith.constant 9.99999996E-13 : f32
        %add3A_460 = arith.addf %max3A_458, %add3A_459 : f32
        %bitcast_convert_type3A_461 = arith.bitcast %add3A_460 : f32 to i32
        %shift_right_logical3A_462 = arith.constant 1 : i32
        %shift_right_logical3A_463 = arith.shrui %bitcast_convert_type3A_461, %shift_right_logical3A_462 : i32
        %sub3A_464 = arith.constant 1597463007 : i32
        %sub3A_465 = arith.subi %sub3A_464, %shift_right_logical3A_463 : i32
        %bitcast_convert_type3A_466 = arith.bitcast %sub3A_465 : i32 to f32
        %mul3A_467 = arith.constant 5.000000e-01 : f32
        %mul3A_468 = arith.mulf %add3A_460, %mul3A_467 : f32
        %mul3A_469 = arith.mulf %mul3A_468, %bitcast_convert_type3A_466 : f32
        %mul3A_470 = arith.mulf %mul3A_469, %bitcast_convert_type3A_466 : f32
        %sub3A_471 = arith.constant 1.500000e+00 : f32
        %sub3A_472 = arith.subf %sub3A_471, %mul3A_470 : f32
        %mul3A_473 = arith.mulf %bitcast_convert_type3A_466, %sub3A_472 : f32
        %mul3A_474 = arith.mulf %mul3A_468, %mul3A_473 : f32
        %mul3A_475 = arith.mulf %mul3A_474, %mul3A_473 : f32
        %sub3A_476 = arith.constant 1.500000e+00 : f32
        %sub3A_477 = arith.subf %sub3A_476, %mul3A_475 : f32
        %mul3A_478 = arith.mulf %mul3A_473, %sub3A_477 : f32
        %mul3A_479 = arith.mulf %mul3A_468, %mul3A_478 : f32
        %mul3A_480 = arith.mulf %mul3A_479, %mul3A_478 : f32
        %sub3A_481 = arith.constant 1.500000e+00 : f32
        %sub3A_482 = arith.subf %sub3A_481, %mul3A_480 : f32
        %mul3A_483 = arith.mulf %mul3A_478, %sub3A_482 : f32
        %mul3A_484 = arith.mulf %mul3A_452, %mul3A_483 : f32
        %mul3A_485 = vector.broadcast %mul3A_483 : f32 to vector<16xf32>
        %mul3A_486 = arith.mulf %get3A_423, %mul3A_485 : vector<16xf32>
        %sub3A_487 = vector.broadcast %mul3A_484 : f32 to vector<16xf32>
        %sub3A_488 = arith.subf %mul3A_486, %sub3A_487 : vector<16xf32>
        %mul3A_489 = arith.mulf %sub3A_488, %get3A_3 : vector<16xf32>
        %add3A_490 = arith.addf %mul3A_489, %get3A_11 : vector<16xf32>
        %swap3A_491 = arith.index_cast %add3A_420 : i32 to index
        %swap3A_492 = arith.constant 0 : index
        %swap3A_493 = tpu.vector_load %arg10[%swap3A_491, %swap3A_492] {strides = array<i32>} : memref<128x64xf32, #tpu.memory_space<vmem>>, vector<16xf32>,
        tpu.vector_store %arg10[%swap3A_491, %swap3A_492], %add3A_490 {strides = array<i32>} : memref<128x64xf32, #tpu.memory_space<vmem>>, vector<16xf32>,
        %mul3A_494 = vector.broadcast %mul3A_483 : f32 to vector<16xf32>
        %mul3A_495 = arith.mulf %get3A_426, %mul3A_494 : vector<16xf32>
        %sub3A_496 = vector.broadcast %mul3A_484 : f32 to vector<16xf32>
        %sub3A_497 = arith.subf %mul3A_495, %sub3A_496 : vector<16xf32>
        %mul3A_498 = arith.mulf %sub3A_497, %get3A_5 : vector<16xf32>
        %add3A_499 = arith.addf %mul3A_498, %get3A_13 : vector<16xf32>
        %swap3A_500 = arith.index_cast %add3A_420 : i32 to index
        %swap3A_501 = arith.constant 16 : index
        %swap3A_502 = tpu.vector_load %arg10[%swap3A_500, %swap3A_501] {strides = array<i32>} : memref<128x64xf32, #tpu.memory_space<vmem>>, vector<16xf32>,
        tpu.vector_store %arg10[%swap3A_500, %swap3A_501], %add3A_499 {strides = array<i32>} : memref<128x64xf32, #tpu.memory_space<vmem>>, vector<16xf32>,
        %mul3A_503 = vector.broadcast %mul3A_483 : f32 to vector<16xf32>
        %mul3A_504 = arith.mulf %get3A_429, %mul3A_503 : vector<16xf32>
        %sub3A_505 = vector.broadcast %mul3A_484 : f32 to vector<16xf32>
        %sub3A_506 = arith.subf %mul3A_504, %sub3A_505 : vector<16xf32>
        %mul3A_507 = arith.mulf %sub3A_506, %get3A_7 : vector<16xf32>
        %add3A_508 = arith.addf %mul3A_507, %get3A_15 : vector<16xf32>
        %swap3A_509 = arith.index_cast %add3A_420 : i32 to index
        %swap3A_510 = arith.constant 32 : index
        %swap3A_511 = tpu.vector_load %arg10[%swap3A_509, %swap3A_510] {strides = array<i32>} : memref<128x64xf32, #tpu.memory_space<vmem>>, vector<16xf32>,
        tpu.vector_store %arg10[%swap3A_509, %swap3A_510], %add3A_508 {strides = array<i32>} : memref<128x64xf32, #tpu.memory_space<vmem>>, vector<16xf32>,
        %mul3A_512 = vector.broadcast %mul3A_483 : f32 to vector<16xf32>
        %mul3A_513 = arith.mulf %get3A_432, %mul3A_512 : vector<16xf32>
        %sub3A_514 = vector.broadcast %mul3A_484 : f32 to vector<16xf32>
        %sub3A_515 = arith.subf %mul3A_513, %sub3A_514 : vector<16xf32>
        %mul3A_516 = arith.mulf %sub3A_515, %get3A_9 : vector<16xf32>
        %add3A_517 = arith.addf %mul3A_516, %get3A_17 : vector<16xf32>
        %swap3A_518 = arith.index_cast %add3A_420 : i32 to index
        %swap3A_519 = arith.constant 48 : index
        %swap3A_520 = tpu.vector_load %arg10[%swap3A_518, %swap3A_519] {strides = array<i32>} : memref<128x64xf32, #tpu.memory_space<vmem>>, vector<16xf32>,
        tpu.vector_store %arg10[%swap3A_518, %swap3A_519], %add3A_517 {strides = array<i32>} : memref<128x64xf32, #tpu.memory_space<vmem>>, vector<16xf32>,
        %mul3A_521 = arith.constant 16 : i32
        %mul3A_522 = arith.muli %scan3A_110, %mul3A_521 : i32
        %add3A_523 = arith.constant 4 : i32
        %add3A_524 = arith.addi %mul3A_522, %add3A_523 : i32
        %get3A_525 = arith.index_cast %add3A_524 : i32 to index
        %get3A_526 = arith.constant 0 : index
        %get3A_527 = tpu.vector_load %arg8[%get3A_525, %get3A_526] {strides = array<i32>} : memref<128x64xf32, #tpu.memory_space<vmem>>, vector<16xf32>,
        %get3A_528 = arith.index_cast %add3A_524 : i32 to index
        %get3A_529 = arith.constant 16 : index
        %get3A_530 = tpu.vector_load %arg8[%get3A_528, %get3A_529] {strides = array<i32>} : memref<128x64xf32, #tpu.memory_space<vmem>>, vector<16xf32>,
        %get3A_531 = arith.index_cast %add3A_524 : i32 to index
        %get3A_532 = arith.constant 32 : index
        %get3A_533 = tpu.vector_load %arg8[%get3A_531, %get3A_532] {strides = array<i32>} : memref<128x64xf32, #tpu.memory_space<vmem>>, vector<16xf32>,
        %get3A_534 = arith.index_cast %add3A_524 : i32 to index
        %get3A_535 = arith.constant 48 : index
        %get3A_536 = tpu.vector_load %arg8[%get3A_534, %get3A_535] {strides = array<i32>} : memref<128x64xf32, #tpu.memory_space<vmem>>, vector<16xf32>,
        %mul3A_537 = arith.mulf %get3A_527, %get3A_527 : vector<16xf32>
        %add3A_538 = arith.addf %get3A_527, %get3A_530 : vector<16xf32>
        %mul3A_539 = arith.mulf %get3A_530, %get3A_530 : vector<16xf32>
        %add3A_540 = arith.addf %mul3A_537, %mul3A_539 : vector<16xf32>
        %add3A_541 = arith.addf %add3A_538, %get3A_533 : vector<16xf32>
        %mul3A_542 = arith.mulf %get3A_533, %get3A_533 : vector<16xf32>
        %add3A_543 = arith.addf %add3A_540, %mul3A_542 : vector<16xf32>
        %add3A_544 = arith.addf %add3A_541, %get3A_536 : vector<16xf32>
        %mul3A_545 = arith.mulf %get3A_536, %get3A_536 : vector<16xf32>
        %add3A_546 = arith.addf %add3A_543, %mul3A_545 : vector<16xf32>
        %reduce_sum3A_547 = arith.constant true
        %reduce_sum3A_548 = vector.broadcast %reduce_sum3A_547 : i1 to vector<16xi1>
        %reduce_sum3A_549 = tpu.scan <sum>, %add3A_544 masked %reduce_sum3A_548 : vector<16xf32>, vector<16xi1> -> vector<16xf32>
        %reduce_sum3A_550 = vector.extract %reduce_sum3A_549[15] : f32 from vector<16xf32>
        %reduce_sum3A_551 = arith.constant true
        %reduce_sum3A_552 = vector.broadcast %reduce_sum3A_551 : i1 to vector<16xi1>
        %reduce_sum3A_553 = tpu.scan <sum>, %add3A_546 masked %reduce_sum3A_552 : vector<16xf32>, vector<16xi1> -> vector<16xf32>
        %reduce_sum3A_554 = vector.extract %reduce_sum3A_553[15] : f32 from vector<16xf32>
        %mul3A_555 = arith.constant 1.562500e-02 : f32
        %mul3A_556 = arith.mulf %reduce_sum3A_550, %mul3A_555 : f32
        %mul3A_557 = arith.constant 1.562500e-02 : f32
        %mul3A_558 = arith.mulf %reduce_sum3A_554, %mul3A_557 : f32
        %mul3A_559 = arith.mulf %mul3A_556, %mul3A_556 : f32
        %sub3A_560 = arith.subf %mul3A_558, %mul3A_559 : f32
        %max3A_561 = arith.constant 0.000000e+00 : f32
        %max3A_562 = arith.maximumf %sub3A_560, %max3A_561 : f32
        %add3A_563 = arith.constant 9.99999996E-13 : f32
        %add3A_564 = arith.addf %max3A_562, %add3A_563 : f32
        %bitcast_convert_type3A_565 = arith.bitcast %add3A_564 : f32 to i32
        %shift_right_logical3A_566 = arith.constant 1 : i32
        %shift_right_logical3A_567 = arith.shrui %bitcast_convert_type3A_565, %shift_right_logical3A_566 : i32
        %sub3A_568 = arith.constant 1597463007 : i32
        %sub3A_569 = arith.subi %sub3A_568, %shift_right_logical3A_567 : i32
        %bitcast_convert_type3A_570 = arith.bitcast %sub3A_569 : i32 to f32
        %mul3A_571 = arith.constant 5.000000e-01 : f32
        %mul3A_572 = arith.mulf %add3A_564, %mul3A_571 : f32
        %mul3A_573 = arith.mulf %mul3A_572, %bitcast_convert_type3A_570 : f32
        %mul3A_574 = arith.mulf %mul3A_573, %bitcast_convert_type3A_570 : f32
        %sub3A_575 = arith.constant 1.500000e+00 : f32
        %sub3A_576 = arith.subf %sub3A_575, %mul3A_574 : f32
        %mul3A_577 = arith.mulf %bitcast_convert_type3A_570, %sub3A_576 : f32
        %mul3A_578 = arith.mulf %mul3A_572, %mul3A_577 : f32
        %mul3A_579 = arith.mulf %mul3A_578, %mul3A_577 : f32
        %sub3A_580 = arith.constant 1.500000e+00 : f32
        %sub3A_581 = arith.subf %sub3A_580, %mul3A_579 : f32
        %mul3A_582 = arith.mulf %mul3A_577, %sub3A_581 : f32
        %mul3A_583 = arith.mulf %mul3A_572, %mul3A_582 : f32
        %mul3A_584 = arith.mulf %mul3A_583, %mul3A_582 : f32
        %sub3A_585 = arith.constant 1.500000e+00 : f32
        %sub3A_586 = arith.subf %sub3A_585, %mul3A_584 : f32
        %mul3A_587 = arith.mulf %mul3A_582, %sub3A_586 : f32
        %mul3A_588 = arith.mulf %mul3A_556, %mul3A_587 : f32
        %mul3A_589 = vector.broadcast %mul3A_587 : f32 to vector<16xf32>
        %mul3A_590 = arith.mulf %get3A_527, %mul3A_589 : vector<16xf32>
        %sub3A_591 = vector.broadcast %mul3A_588 : f32 to vector<16xf32>
        %sub3A_592 = arith.subf %mul3A_590, %sub3A_591 : vector<16xf32>
        %mul3A_593 = arith.mulf %sub3A_592, %get3A_3 : vector<16xf32>
        %add3A_594 = arith.addf %mul3A_593, %get3A_11 : vector<16xf32>
        %swap3A_595 = arith.index_cast %add3A_524 : i32 to index
        %swap3A_596 = arith.constant 0 : index
        %swap3A_597 = tpu.vector_load %arg10[%swap3A_595, %swap3A_596] {strides = array<i32>} : memref<128x64xf32, #tpu.memory_space<vmem>>, vector<16xf32>,
        tpu.vector_store %arg10[%swap3A_595, %swap3A_596], %add3A_594 {strides = array<i32>} : memref<128x64xf32, #tpu.memory_space<vmem>>, vector<16xf32>,
        %mul3A_598 = vector.broadcast %mul3A_587 : f32 to vector<16xf32>
        %mul3A_599 = arith.mulf %get3A_530, %mul3A_598 : vector<16xf32>
        %sub3A_600 = vector.broadcast %mul3A_588 : f32 to vector<16xf32>
        %sub3A_601 = arith.subf %mul3A_599, %sub3A_600 : vector<16xf32>
        %mul3A_602 = arith.mulf %sub3A_601, %get3A_5 : vector<16xf32>
        %add3A_603 = arith.addf %mul3A_602, %get3A_13 : vector<16xf32>
        %swap3A_604 = arith.index_cast %add3A_524 : i32 to index
        %swap3A_605 = arith.constant 16 : index
        %swap3A_606 = tpu.vector_load %arg10[%swap3A_604, %swap3A_605] {strides = array<i32>} : memref<128x64xf32, #tpu.memory_space<vmem>>, vector<16xf32>,
        tpu.vector_store %arg10[%swap3A_604, %swap3A_605], %add3A_603 {strides = array<i32>} : memref<128x64xf32, #tpu.memory_space<vmem>>, vector<16xf32>,
        %mul3A_607 = vector.broadcast %mul3A_587 : f32 to vector<16xf32>
        %mul3A_608 = arith.mulf %get3A_533, %mul3A_607 : vector<16xf32>
        %sub3A_609 = vector.broadcast %mul3A_588 : f32 to vector<16xf32>
        %sub3A_610 = arith.subf %mul3A_608, %sub3A_609 : vector<16xf32>
        %mul3A_611 = arith.mulf %sub3A_610, %get3A_7 : vector<16xf32>
        %add3A_612 = arith.addf %mul3A_611, %get3A_15 : vector<16xf32>
        %swap3A_613 = arith.index_cast %add3A_524 : i32 to index
        %swap3A_614 = arith.constant 32 : index
        %swap3A_615 = tpu.vector_load %arg10[%swap3A_613, %swap3A_614] {strides = array<i32>} : memref<128x64xf32, #tpu.memory_space<vmem>>, vector<16xf32>,
        tpu.vector_store %arg10[%swap3A_613, %swap3A_614], %add3A_612 {strides = array<i32>} : memref<128x64xf32, #tpu.memory_space<vmem>>, vector<16xf32>,
        %mul3A_616 = vector.broadcast %mul3A_587 : f32 to vector<16xf32>
        %mul3A_617 = arith.mulf %get3A_536, %mul3A_616 : vector<16xf32>
        %sub3A_618 = vector.broadcast %mul3A_588 : f32 to vector<16xf32>
        %sub3A_619 = arith.subf %mul3A_617, %sub3A_618 : vector<16xf32>
        %mul3A_620 = arith.mulf %sub3A_619, %get3A_9 : vector<16xf32>
        %add3A_621 = arith.addf %mul3A_620, %get3A_17 : vector<16xf32>
        %swap3A_622 = arith.index_cast %add3A_524 : i32 to index
        %swap3A_623 = arith.constant 48 : index
        %swap3A_624 = tpu.vector_load %arg10[%swap3A_622, %swap3A_623] {strides = array<i32>} : memref<128x64xf32, #tpu.memory_space<vmem>>, vector<16xf32>,
        tpu.vector_store %arg10[%swap3A_622, %swap3A_623], %add3A_621 {strides = array<i32>} : memref<128x64xf32, #tpu.memory_space<vmem>>, vector<16xf32>,
        %mul3A_625 = arith.constant 16 : i32
        %mul3A_626 = arith.muli %scan3A_110, %mul3A_625 : i32
        %add3A_627 = arith.constant 5 : i32
        %add3A_628 = arith.addi %mul3A_626, %add3A_627 : i32
        %get3A_629 = arith.index_cast %add3A_628 : i32 to index
        %get3A_630 = arith.constant 0 : index
        %get3A_631 = tpu.vector_load %arg8[%get3A_629, %get3A_630] {strides = array<i32>} : memref<128x64xf32, #tpu.memory_space<vmem>>, vector<16xf32>,
        %get3A_632 = arith.index_cast %add3A_628 : i32 to index
        %get3A_633 = arith.constant 16 : index
        %get3A_634 = tpu.vector_load %arg8[%get3A_632, %get3A_633] {strides = array<i32>} : memref<128x64xf32, #tpu.memory_space<vmem>>, vector<16xf32>,
        %get3A_635 = arith.index_cast %add3A_628 : i32 to index
        %get3A_636 = arith.constant 32 : index
        %get3A_637 = tpu.vector_load %arg8[%get3A_635, %get3A_636] {strides = array<i32>} : memref<128x64xf32, #tpu.memory_space<vmem>>, vector<16xf32>,
        %get3A_638 = arith.index_cast %add3A_628 : i32 to index
        %get3A_639 = arith.constant 48 : index
        %get3A_640 = tpu.vector_load %arg8[%get3A_638, %get3A_639] {strides = array<i32>} : memref<128x64xf32, #tpu.memory_space<vmem>>, vector<16xf32>,
        %mul3A_641 = arith.mulf %get3A_631, %get3A_631 : vector<16xf32>
        %add3A_642 = arith.addf %get3A_631, %get3A_634 : vector<16xf32>
        %mul3A_643 = arith.mulf %get3A_634, %get3A_634 : vector<16xf32>
        %add3A_644 = arith.addf %mul3A_641, %mul3A_643 : vector<16xf32>
        %add3A_645 = arith.addf %add3A_642, %get3A_637 : vector<16xf32>
        %mul3A_646 = arith.mulf %get3A_637, %get3A_637 : vector<16xf32>
        %add3A_647 = arith.addf %add3A_644, %mul3A_646 : vector<16xf32>
        %add3A_648 = arith.addf %add3A_645, %get3A_640 : vector<16xf32>
        %mul3A_649 = arith.mulf %get3A_640, %get3A_640 : vector<16xf32>
        %add3A_650 = arith.addf %add3A_647, %mul3A_649 : vector<16xf32>
        %reduce_sum3A_651 = arith.constant true
        %reduce_sum3A_652 = vector.broadcast %reduce_sum3A_651 : i1 to vector<16xi1>
        %reduce_sum3A_653 = tpu.scan <sum>, %add3A_648 masked %reduce_sum3A_652 : vector<16xf32>, vector<16xi1> -> vector<16xf32>
        %reduce_sum3A_654 = vector.extract %reduce_sum3A_653[15] : f32 from vector<16xf32>
        %reduce_sum3A_655 = arith.constant true
        %reduce_sum3A_656 = vector.broadcast %reduce_sum3A_655 : i1 to vector<16xi1>
        %reduce_sum3A_657 = tpu.scan <sum>, %add3A_650 masked %reduce_sum3A_656 : vector<16xf32>, vector<16xi1> -> vector<16xf32>
        %reduce_sum3A_658 = vector.extract %reduce_sum3A_657[15] : f32 from vector<16xf32>
        %mul3A_659 = arith.constant 1.562500e-02 : f32
        %mul3A_660 = arith.mulf %reduce_sum3A_654, %mul3A_659 : f32
        %mul3A_661 = arith.constant 1.562500e-02 : f32
        %mul3A_662 = arith.mulf %reduce_sum3A_658, %mul3A_661 : f32
        %mul3A_663 = arith.mulf %mul3A_660, %mul3A_660 : f32
        %sub3A_664 = arith.subf %mul3A_662, %mul3A_663 : f32
        %max3A_665 = arith.constant 0.000000e+00 : f32
        %max3A_666 = arith.maximumf %sub3A_664, %max3A_665 : f32
        %add3A_667 = arith.constant 9.99999996E-13 : f32
        %add3A_668 = arith.addf %max3A_666, %add3A_667 : f32
        %bitcast_convert_type3A_669 = arith.bitcast %add3A_668 : f32 to i32
        %shift_right_logical3A_670 = arith.constant 1 : i32
        %shift_right_logical3A_671 = arith.shrui %bitcast_convert_type3A_669, %shift_right_logical3A_670 : i32
        %sub3A_672 = arith.constant 1597463007 : i32
        %sub3A_673 = arith.subi %sub3A_672, %shift_right_logical3A_671 : i32
        %bitcast_convert_type3A_674 = arith.bitcast %sub3A_673 : i32 to f32
        %mul3A_675 = arith.constant 5.000000e-01 : f32
        %mul3A_676 = arith.mulf %add3A_668, %mul3A_675 : f32
        %mul3A_677 = arith.mulf %mul3A_676, %bitcast_convert_type3A_674 : f32
        %mul3A_678 = arith.mulf %mul3A_677, %bitcast_convert_type3A_674 : f32
        %sub3A_679 = arith.constant 1.500000e+00 : f32
        %sub3A_680 = arith.subf %sub3A_679, %mul3A_678 : f32
        %mul3A_681 = arith.mulf %bitcast_convert_type3A_674, %sub3A_680 : f32
        %mul3A_682 = arith.mulf %mul3A_676, %mul3A_681 : f32
        %mul3A_683 = arith.mulf %mul3A_682, %mul3A_681 : f32
        %sub3A_684 = arith.constant 1.500000e+00 : f32
        %sub3A_685 = arith.subf %sub3A_684, %mul3A_683 : f32
        %mul3A_686 = arith.mulf %mul3A_681, %sub3A_685 : f32
        %mul3A_687 = arith.mulf %mul3A_676, %mul3A_686 : f32
        %mul3A_688 = arith.mulf %mul3A_687, %mul3A_686 : f32
        %sub3A_689 = arith.constant 1.500000e+00 : f32
        %sub3A_690 = arith.subf %sub3A_689, %mul3A_688 : f32
        %mul3A_691 = arith.mulf %mul3A_686, %sub3A_690 : f32
        %mul3A_692 = arith.mulf %mul3A_660, %mul3A_691 : f32
        %mul3A_693 = vector.broadcast %mul3A_691 : f32 to vector<16xf32>
        %mul3A_694 = arith.mulf %get3A_631, %mul3A_693 : vector<16xf32>
        %sub3A_695 = vector.broadcast %mul3A_692 : f32 to vector<16xf32>
        %sub3A_696 = arith.subf %mul3A_694, %sub3A_695 : vector<16xf32>
        %mul3A_697 = arith.mulf %sub3A_696, %get3A_3 : vector<16xf32>
        %add3A_698 = arith.addf %mul3A_697, %get3A_11 : vector<16xf32>
        %swap3A_699 = arith.index_cast %add3A_628 : i32 to index
        %swap3A_700 = arith.constant 0 : index
        %swap3A_701 = tpu.vector_load %arg10[%swap3A_699, %swap3A_700] {strides = array<i32>} : memref<128x64xf32, #tpu.memory_space<vmem>>, vector<16xf32>,
        tpu.vector_store %arg10[%swap3A_699, %swap3A_700], %add3A_698 {strides = array<i32>} : memref<128x64xf32, #tpu.memory_space<vmem>>, vector<16xf32>,
        %mul3A_702 = vector.broadcast %mul3A_691 : f32 to vector<16xf32>
        %mul3A_703 = arith.mulf %get3A_634, %mul3A_702 : vector<16xf32>
        %sub3A_704 = vector.broadcast %mul3A_692 : f32 to vector<16xf32>
        %sub3A_705 = arith.subf %mul3A_703, %sub3A_704 : vector<16xf32>
        %mul3A_706 = arith.mulf %sub3A_705, %get3A_5 : vector<16xf32>
        %add3A_707 = arith.addf %mul3A_706, %get3A_13 : vector<16xf32>
        %swap3A_708 = arith.index_cast %add3A_628 : i32 to index
        %swap3A_709 = arith.constant 16 : index
        %swap3A_710 = tpu.vector_load %arg10[%swap3A_708, %swap3A_709] {strides = array<i32>} : memref<128x64xf32, #tpu.memory_space<vmem>>, vector<16xf32>,
        tpu.vector_store %arg10[%swap3A_708, %swap3A_709], %add3A_707 {strides = array<i32>} : memref<128x64xf32, #tpu.memory_space<vmem>>, vector<16xf32>,
        %mul3A_711 = vector.broadcast %mul3A_691 : f32 to vector<16xf32>
        %mul3A_712 = arith.mulf %get3A_637, %mul3A_711 : vector<16xf32>
        %sub3A_713 = vector.broadcast %mul3A_692 : f32 to vector<16xf32>
        %sub3A_714 = arith.subf %mul3A_712, %sub3A_713 : vector<16xf32>
        %mul3A_715 = arith.mulf %sub3A_714, %get3A_7 : vector<16xf32>
        %add3A_716 = arith.addf %mul3A_715, %get3A_15 : vector<16xf32>
        %swap3A_717 = arith.index_cast %add3A_628 : i32 to index
        %swap3A_718 = arith.constant 32 : index
        %swap3A_719 = tpu.vector_load %arg10[%swap3A_717, %swap3A_718] {strides = array<i32>} : memref<128x64xf32, #tpu.memory_space<vmem>>, vector<16xf32>,
        tpu.vector_store %arg10[%swap3A_717, %swap3A_718], %add3A_716 {strides = array<i32>} : memref<128x64xf32, #tpu.memory_space<vmem>>, vector<16xf32>,
        %mul3A_720 = vector.broadcast %mul3A_691 : f32 to vector<16xf32>
        %mul3A_721 = arith.mulf %get3A_640, %mul3A_720 : vector<16xf32>
        %sub3A_722 = vector.broadcast %mul3A_692 : f32 to vector<16xf32>
        %sub3A_723 = arith.subf %mul3A_721, %sub3A_722 : vector<16xf32>
        %mul3A_724 = arith.mulf %sub3A_723, %get3A_9 : vector<16xf32>
        %add3A_725 = arith.addf %mul3A_724, %get3A_17 : vector<16xf32>
        %swap3A_726 = arith.index_cast %add3A_628 : i32 to index
        %swap3A_727 = arith.constant 48 : index
        %swap3A_728 = tpu.vector_load %arg10[%swap3A_726, %swap3A_727] {strides = array<i32>} : memref<128x64xf32, #tpu.memory_space<vmem>>, vector<16xf32>,
        tpu.vector_store %arg10[%swap3A_726, %swap3A_727], %add3A_725 {strides = array<i32>} : memref<128x64xf32, #tpu.memory_space<vmem>>, vector<16xf32>,
        %mul3A_729 = arith.constant 16 : i32
        %mul3A_730 = arith.muli %scan3A_110, %mul3A_729 : i32
        %add3A_731 = arith.constant 6 : i32
        %add3A_732 = arith.addi %mul3A_730, %add3A_731 : i32
        %get3A_733 = arith.index_cast %add3A_732 : i32 to index
        %get3A_734 = arith.constant 0 : index
        %get3A_735 = tpu.vector_load %arg8[%get3A_733, %get3A_734] {strides = array<i32>} : memref<128x64xf32, #tpu.memory_space<vmem>>, vector<16xf32>,
        %get3A_736 = arith.index_cast %add3A_732 : i32 to index
        %get3A_737 = arith.constant 16 : index
        %get3A_738 = tpu.vector_load %arg8[%get3A_736, %get3A_737] {strides = array<i32>} : memref<128x64xf32, #tpu.memory_space<vmem>>, vector<16xf32>,
        %get3A_739 = arith.index_cast %add3A_732 : i32 to index
        %get3A_740 = arith.constant 32 : index
        %get3A_741 = tpu.vector_load %arg8[%get3A_739, %get3A_740] {strides = array<i32>} : memref<128x64xf32, #tpu.memory_space<vmem>>, vector<16xf32>,
        %get3A_742 = arith.index_cast %add3A_732 : i32 to index
        %get3A_743 = arith.constant 48 : index
        %get3A_744 = tpu.vector_load %arg8[%get3A_742, %get3A_743] {strides = array<i32>} : memref<128x64xf32, #tpu.memory_space<vmem>>, vector<16xf32>,
        %mul3A_745 = arith.mulf %get3A_735, %get3A_735 : vector<16xf32>
        %add3A_746 = arith.addf %get3A_735, %get3A_738 : vector<16xf32>
        %mul3A_747 = arith.mulf %get3A_738, %get3A_738 : vector<16xf32>
        %add3A_748 = arith.addf %mul3A_745, %mul3A_747 : vector<16xf32>
        %add3A_749 = arith.addf %add3A_746, %get3A_741 : vector<16xf32>
        %mul3A_750 = arith.mulf %get3A_741, %get3A_741 : vector<16xf32>
        %add3A_751 = arith.addf %add3A_748, %mul3A_750 : vector<16xf32>
        %add3A_752 = arith.addf %add3A_749, %get3A_744 : vector<16xf32>
        %mul3A_753 = arith.mulf %get3A_744, %get3A_744 : vector<16xf32>
        %add3A_754 = arith.addf %add3A_751, %mul3A_753 : vector<16xf32>
        %reduce_sum3A_755 = arith.constant true
        %reduce_sum3A_756 = vector.broadcast %reduce_sum3A_755 : i1 to vector<16xi1>
        %reduce_sum3A_757 = tpu.scan <sum>, %add3A_752 masked %reduce_sum3A_756 : vector<16xf32>, vector<16xi1> -> vector<16xf32>
        %reduce_sum3A_758 = vector.extract %reduce_sum3A_757[15] : f32 from vector<16xf32>
        %reduce_sum3A_759 = arith.constant true
        %reduce_sum3A_760 = vector.broadcast %reduce_sum3A_759 : i1 to vector<16xi1>
        %reduce_sum3A_761 = tpu.scan <sum>, %add3A_754 masked %reduce_sum3A_760 : vector<16xf32>, vector<16xi1> -> vector<16xf32>
        %reduce_sum3A_762 = vector.extract %reduce_sum3A_761[15] : f32 from vector<16xf32>
        %mul3A_763 = arith.constant 1.562500e-02 : f32
        %mul3A_764 = arith.mulf %reduce_sum3A_758, %mul3A_763 : f32
        %mul3A_765 = arith.constant 1.562500e-02 : f32
        %mul3A_766 = arith.mulf %reduce_sum3A_762, %mul3A_765 : f32
        %mul3A_767 = arith.mulf %mul3A_764, %mul3A_764 : f32
        %sub3A_768 = arith.subf %mul3A_766, %mul3A_767 : f32
        %max3A_769 = arith.constant 0.000000e+00 : f32
        %max3A_770 = arith.maximumf %sub3A_768, %max3A_769 : f32
        %add3A_771 = arith.constant 9.99999996E-13 : f32
        %add3A_772 = arith.addf %max3A_770, %add3A_771 : f32
        %bitcast_convert_type3A_773 = arith.bitcast %add3A_772 : f32 to i32
        %shift_right_logical3A_774 = arith.constant 1 : i32
        %shift_right_logical3A_775 = arith.shrui %bitcast_convert_type3A_773, %shift_right_logical3A_774 : i32
        %sub3A_776 = arith.constant 1597463007 : i32
        %sub3A_777 = arith.subi %sub3A_776, %shift_right_logical3A_775 : i32
        %bitcast_convert_type3A_778 = arith.bitcast %sub3A_777 : i32 to f32
        %mul3A_779 = arith.constant 5.000000e-01 : f32
        %mul3A_780 = arith.mulf %add3A_772, %mul3A_779 : f32
        %mul3A_781 = arith.mulf %mul3A_780, %bitcast_convert_type3A_778 : f32
        %mul3A_782 = arith.mulf %mul3A_781, %bitcast_convert_type3A_778 : f32
        %sub3A_783 = arith.constant 1.500000e+00 : f32
        %sub3A_784 = arith.subf %sub3A_783, %mul3A_782 : f32
        %mul3A_785 = arith.mulf %bitcast_convert_type3A_778, %sub3A_784 : f32
        %mul3A_786 = arith.mulf %mul3A_780, %mul3A_785 : f32
        %mul3A_787 = arith.mulf %mul3A_786, %mul3A_785 : f32
        %sub3A_788 = arith.constant 1.500000e+00 : f32
        %sub3A_789 = arith.subf %sub3A_788, %mul3A_787 : f32
        %mul3A_790 = arith.mulf %mul3A_785, %sub3A_789 : f32
        %mul3A_791 = arith.mulf %mul3A_780, %mul3A_790 : f32
        %mul3A_792 = arith.mulf %mul3A_791, %mul3A_790 : f32
        %sub3A_793 = arith.constant 1.500000e+00 : f32
        %sub3A_794 = arith.subf %sub3A_793, %mul3A_792 : f32
        %mul3A_795 = arith.mulf %mul3A_790, %sub3A_794 : f32
        %mul3A_796 = arith.mulf %mul3A_764, %mul3A_795 : f32
        %mul3A_797 = vector.broadcast %mul3A_795 : f32 to vector<16xf32>
        %mul3A_798 = arith.mulf %get3A_735, %mul3A_797 : vector<16xf32>
        %sub3A_799 = vector.broadcast %mul3A_796 : f32 to vector<16xf32>
        %sub3A_800 = arith.subf %mul3A_798, %sub3A_799 : vector<16xf32>
        %mul3A_801 = arith.mulf %sub3A_800, %get3A_3 : vector<16xf32>
        %add3A_802 = arith.addf %mul3A_801, %get3A_11 : vector<16xf32>
        %swap3A_803 = arith.index_cast %add3A_732 : i32 to index
        %swap3A_804 = arith.constant 0 : index
        %swap3A_805 = tpu.vector_load %arg10[%swap3A_803, %swap3A_804] {strides = array<i32>} : memref<128x64xf32, #tpu.memory_space<vmem>>, vector<16xf32>,
        tpu.vector_store %arg10[%swap3A_803, %swap3A_804], %add3A_802 {strides = array<i32>} : memref<128x64xf32, #tpu.memory_space<vmem>>, vector<16xf32>,
        %mul3A_806 = vector.broadcast %mul3A_795 : f32 to vector<16xf32>
        %mul3A_807 = arith.mulf %get3A_738, %mul3A_806 : vector<16xf32>
        %sub3A_808 = vector.broadcast %mul3A_796 : f32 to vector<16xf32>
        %sub3A_809 = arith.subf %mul3A_807, %sub3A_808 : vector<16xf32>
        %mul3A_810 = arith.mulf %sub3A_809, %get3A_5 : vector<16xf32>
        %add3A_811 = arith.addf %mul3A_810, %get3A_13 : vector<16xf32>
        %swap3A_812 = arith.index_cast %add3A_732 : i32 to index
        %swap3A_813 = arith.constant 16 : index
        %swap3A_814 = tpu.vector_load %arg10[%swap3A_812, %swap3A_813] {strides = array<i32>} : memref<128x64xf32, #tpu.memory_space<vmem>>, vector<16xf32>,
        tpu.vector_store %arg10[%swap3A_812, %swap3A_813], %add3A_811 {strides = array<i32>} : memref<128x64xf32, #tpu.memory_space<vmem>>, vector<16xf32>,
        %mul3A_815 = vector.broadcast %mul3A_795 : f32 to vector<16xf32>
        %mul3A_816 = arith.mulf %get3A_741, %mul3A_815 : vector<16xf32>
        %sub3A_817 = vector.broadcast %mul3A_796 : f32 to vector<16xf32>
        %sub3A_818 = arith.subf %mul3A_816, %sub3A_817 : vector<16xf32>
        %mul3A_819 = arith.mulf %sub3A_818, %get3A_7 : vector<16xf32>
        %add3A_820 = arith.addf %mul3A_819, %get3A_15 : vector<16xf32>
        %swap3A_821 = arith.index_cast %add3A_732 : i32 to index
        %swap3A_822 = arith.constant 32 : index
        %swap3A_823 = tpu.vector_load %arg10[%swap3A_821, %swap3A_822] {strides = array<i32>} : memref<128x64xf32, #tpu.memory_space<vmem>>, vector<16xf32>,
        tpu.vector_store %arg10[%swap3A_821, %swap3A_822], %add3A_820 {strides = array<i32>} : memref<128x64xf32, #tpu.memory_space<vmem>>, vector<16xf32>,
        %mul3A_824 = vector.broadcast %mul3A_795 : f32 to vector<16xf32>
        %mul3A_825 = arith.mulf %get3A_744, %mul3A_824 : vector<16xf32>
        %sub3A_826 = vector.broadcast %mul3A_796 : f32 to vector<16xf32>
        %sub3A_827 = arith.subf %mul3A_825, %sub3A_826 : vector<16xf32>
        %mul3A_828 = arith.mulf %sub3A_827, %get3A_9 : vector<16xf32>
        %add3A_829 = arith.addf %mul3A_828, %get3A_17 : vector<16xf32>
        %swap3A_830 = arith.index_cast %add3A_732 : i32 to index
        %swap3A_831 = arith.constant 48 : index
        %swap3A_832 = tpu.vector_load %arg10[%swap3A_830, %swap3A_831] {strides = array<i32>} : memref<128x64xf32, #tpu.memory_space<vmem>>, vector<16xf32>,
        tpu.vector_store %arg10[%swap3A_830, %swap3A_831], %add3A_829 {strides = array<i32>} : memref<128x64xf32, #tpu.memory_space<vmem>>, vector<16xf32>,
        %mul3A_833 = arith.constant 16 : i32
        %mul3A_834 = arith.muli %scan3A_110, %mul3A_833 : i32
        %add3A_835 = arith.constant 7 : i32
        %add3A_836 = arith.addi %mul3A_834, %add3A_835 : i32
        %get3A_837 = arith.index_cast %add3A_836 : i32 to index
        %get3A_838 = arith.constant 0 : index
        %get3A_839 = tpu.vector_load %arg8[%get3A_837, %get3A_838] {strides = array<i32>} : memref<128x64xf32, #tpu.memory_space<vmem>>, vector<16xf32>,
        %get3A_840 = arith.index_cast %add3A_836 : i32 to index
        %get3A_841 = arith.constant 16 : index
        %get3A_842 = tpu.vector_load %arg8[%get3A_840, %get3A_841] {strides = array<i32>} : memref<128x64xf32, #tpu.memory_space<vmem>>, vector<16xf32>,
        %get3A_843 = arith.index_cast %add3A_836 : i32 to index
        %get3A_844 = arith.constant 32 : index
        %get3A_845 = tpu.vector_load %arg8[%get3A_843, %get3A_844] {strides = array<i32>} : memref<128x64xf32, #tpu.memory_space<vmem>>, vector<16xf32>,
        %get3A_846 = arith.index_cast %add3A_836 : i32 to index
        %get3A_847 = arith.constant 48 : index
        %get3A_848 = tpu.vector_load %arg8[%get3A_846, %get3A_847] {strides = array<i32>} : memref<128x64xf32, #tpu.memory_space<vmem>>, vector<16xf32>,
        %mul3A_849 = arith.mulf %get3A_839, %get3A_839 : vector<16xf32>
        %add3A_850 = arith.addf %get3A_839, %get3A_842 : vector<16xf32>
        %mul3A_851 = arith.mulf %get3A_842, %get3A_842 : vector<16xf32>
        %add3A_852 = arith.addf %mul3A_849, %mul3A_851 : vector<16xf32>
        %add3A_853 = arith.addf %add3A_850, %get3A_845 : vector<16xf32>
        %mul3A_854 = arith.mulf %get3A_845, %get3A_845 : vector<16xf32>
        %add3A_855 = arith.addf %add3A_852, %mul3A_854 : vector<16xf32>
        %add3A_856 = arith.addf %add3A_853, %get3A_848 : vector<16xf32>
        %mul3A_857 = arith.mulf %get3A_848, %get3A_848 : vector<16xf32>
        %add3A_858 = arith.addf %add3A_855, %mul3A_857 : vector<16xf32>
        %reduce_sum3A_859 = arith.constant true
        %reduce_sum3A_860 = vector.broadcast %reduce_sum3A_859 : i1 to vector<16xi1>
        %reduce_sum3A_861 = tpu.scan <sum>, %add3A_856 masked %reduce_sum3A_860 : vector<16xf32>, vector<16xi1> -> vector<16xf32>
        %reduce_sum3A_862 = vector.extract %reduce_sum3A_861[15] : f32 from vector<16xf32>
        %reduce_sum3A_863 = arith.constant true
        %reduce_sum3A_864 = vector.broadcast %reduce_sum3A_863 : i1 to vector<16xi1>
        %reduce_sum3A_865 = tpu.scan <sum>, %add3A_858 masked %reduce_sum3A_864 : vector<16xf32>, vector<16xi1> -> vector<16xf32>
        %reduce_sum3A_866 = vector.extract %reduce_sum3A_865[15] : f32 from vector<16xf32>
        %mul3A_867 = arith.constant 1.562500e-02 : f32
        %mul3A_868 = arith.mulf %reduce_sum3A_862, %mul3A_867 : f32
        %mul3A_869 = arith.constant 1.562500e-02 : f32
        %mul3A_870 = arith.mulf %reduce_sum3A_866, %mul3A_869 : f32
        %mul3A_871 = arith.mulf %mul3A_868, %mul3A_868 : f32
        %sub3A_872 = arith.subf %mul3A_870, %mul3A_871 : f32
        %max3A_873 = arith.constant 0.000000e+00 : f32
        %max3A_874 = arith.maximumf %sub3A_872, %max3A_873 : f32
        %add3A_875 = arith.constant 9.99999996E-13 : f32
        %add3A_876 = arith.addf %max3A_874, %add3A_875 : f32
        %bitcast_convert_type3A_877 = arith.bitcast %add3A_876 : f32 to i32
        %shift_right_logical3A_878 = arith.constant 1 : i32
        %shift_right_logical3A_879 = arith.shrui %bitcast_convert_type3A_877, %shift_right_logical3A_878 : i32
        %sub3A_880 = arith.constant 1597463007 : i32
        %sub3A_881 = arith.subi %sub3A_880, %shift_right_logical3A_879 : i32
        %bitcast_convert_type3A_882 = arith.bitcast %sub3A_881 : i32 to f32
        %mul3A_883 = arith.constant 5.000000e-01 : f32
        %mul3A_884 = arith.mulf %add3A_876, %mul3A_883 : f32
        %mul3A_885 = arith.mulf %mul3A_884, %bitcast_convert_type3A_882 : f32
        %mul3A_886 = arith.mulf %mul3A_885, %bitcast_convert_type3A_882 : f32
        %sub3A_887 = arith.constant 1.500000e+00 : f32
        %sub3A_888 = arith.subf %sub3A_887, %mul3A_886 : f32
        %mul3A_889 = arith.mulf %bitcast_convert_type3A_882, %sub3A_888 : f32
        %mul3A_890 = arith.mulf %mul3A_884, %mul3A_889 : f32
        %mul3A_891 = arith.mulf %mul3A_890, %mul3A_889 : f32
        %sub3A_892 = arith.constant 1.500000e+00 : f32
        %sub3A_893 = arith.subf %sub3A_892, %mul3A_891 : f32
        %mul3A_894 = arith.mulf %mul3A_889, %sub3A_893 : f32
        %mul3A_895 = arith.mulf %mul3A_884, %mul3A_894 : f32
        %mul3A_896 = arith.mulf %mul3A_895, %mul3A_894 : f32
        %sub3A_897 = arith.constant 1.500000e+00 : f32
        %sub3A_898 = arith.subf %sub3A_897, %mul3A_896 : f32
        %mul3A_899 = arith.mulf %mul3A_894, %sub3A_898 : f32
        %mul3A_900 = arith.mulf %mul3A_868, %mul3A_899 : f32
        %mul3A_901 = vector.broadcast %mul3A_899 : f32 to vector<16xf32>
        %mul3A_902 = arith.mulf %get3A_839, %mul3A_901 : vector<16xf32>
        %sub3A_903 = vector.broadcast %mul3A_900 : f32 to vector<16xf32>
        %sub3A_904 = arith.subf %mul3A_902, %sub3A_903 : vector<16xf32>
        %mul3A_905 = arith.mulf %sub3A_904, %get3A_3 : vector<16xf32>
        %add3A_906 = arith.addf %mul3A_905, %get3A_11 : vector<16xf32>
        %swap3A_907 = arith.index_cast %add3A_836 : i32 to index
        %swap3A_908 = arith.constant 0 : index
        %swap3A_909 = tpu.vector_load %arg10[%swap3A_907, %swap3A_908] {strides = array<i32>} : memref<128x64xf32, #tpu.memory_space<vmem>>, vector<16xf32>,
        tpu.vector_store %arg10[%swap3A_907, %swap3A_908], %add3A_906 {strides = array<i32>} : memref<128x64xf32, #tpu.memory_space<vmem>>, vector<16xf32>,
        %mul3A_910 = vector.broadcast %mul3A_899 : f32 to vector<16xf32>
        %mul3A_911 = arith.mulf %get3A_842, %mul3A_910 : vector<16xf32>
        %sub3A_912 = vector.broadcast %mul3A_900 : f32 to vector<16xf32>
        %sub3A_913 = arith.subf %mul3A_911, %sub3A_912 : vector<16xf32>
        %mul3A_914 = arith.mulf %sub3A_913, %get3A_5 : vector<16xf32>
        %add3A_915 = arith.addf %mul3A_914, %get3A_13 : vector<16xf32>
        %swap3A_916 = arith.index_cast %add3A_836 : i32 to index
        %swap3A_917 = arith.constant 16 : index
        %swap3A_918 = tpu.vector_load %arg10[%swap3A_916, %swap3A_917] {strides = array<i32>} : memref<128x64xf32, #tpu.memory_space<vmem>>, vector<16xf32>,
        tpu.vector_store %arg10[%swap3A_916, %swap3A_917], %add3A_915 {strides = array<i32>} : memref<128x64xf32, #tpu.memory_space<vmem>>, vector<16xf32>,
        %mul3A_919 = vector.broadcast %mul3A_899 : f32 to vector<16xf32>
        %mul3A_920 = arith.mulf %get3A_845, %mul3A_919 : vector<16xf32>
        %sub3A_921 = vector.broadcast %mul3A_900 : f32 to vector<16xf32>
        %sub3A_922 = arith.subf %mul3A_920, %sub3A_921 : vector<16xf32>
        %mul3A_923 = arith.mulf %sub3A_922, %get3A_7 : vector<16xf32>
        %add3A_924 = arith.addf %mul3A_923, %get3A_15 : vector<16xf32>
        %swap3A_925 = arith.index_cast %add3A_836 : i32 to index
        %swap3A_926 = arith.constant 32 : index
        %swap3A_927 = tpu.vector_load %arg10[%swap3A_925, %swap3A_926] {strides = array<i32>} : memref<128x64xf32, #tpu.memory_space<vmem>>, vector<16xf32>,
        tpu.vector_store %arg10[%swap3A_925, %swap3A_926], %add3A_924 {strides = array<i32>} : memref<128x64xf32, #tpu.memory_space<vmem>>, vector<16xf32>,
        %mul3A_928 = vector.broadcast %mul3A_899 : f32 to vector<16xf32>
        %mul3A_929 = arith.mulf %get3A_848, %mul3A_928 : vector<16xf32>
        %sub3A_930 = vector.broadcast %mul3A_900 : f32 to vector<16xf32>
        %sub3A_931 = arith.subf %mul3A_929, %sub3A_930 : vector<16xf32>
        %mul3A_932 = arith.mulf %sub3A_931, %get3A_9 : vector<16xf32>
        %add3A_933 = arith.addf %mul3A_932, %get3A_17 : vector<16xf32>
        %swap3A_934 = arith.index_cast %add3A_836 : i32 to index
        %swap3A_935 = arith.constant 48 : index
        %swap3A_936 = tpu.vector_load %arg10[%swap3A_934, %swap3A_935] {strides = array<i32>} : memref<128x64xf32, #tpu.memory_space<vmem>>, vector<16xf32>,
        tpu.vector_store %arg10[%swap3A_934, %swap3A_935], %add3A_933 {strides = array<i32>} : memref<128x64xf32, #tpu.memory_space<vmem>>, vector<16xf32>,
        %mul3A_937 = arith.constant 16 : i32
        %mul3A_938 = arith.muli %scan3A_110, %mul3A_937 : i32
        %add3A_939 = arith.constant 8 : i32
        %add3A_940 = arith.addi %mul3A_938, %add3A_939 : i32
        %get3A_941 = arith.index_cast %add3A_940 : i32 to index
        %get3A_942 = arith.constant 0 : index
        %get3A_943 = tpu.vector_load %arg8[%get3A_941, %get3A_942] {strides = array<i32>} : memref<128x64xf32, #tpu.memory_space<vmem>>, vector<16xf32>,
        %get3A_944 = arith.index_cast %add3A_940 : i32 to index
        %get3A_945 = arith.constant 16 : index
        %get3A_946 = tpu.vector_load %arg8[%get3A_944, %get3A_945] {strides = array<i32>} : memref<128x64xf32, #tpu.memory_space<vmem>>, vector<16xf32>,
        %get3A_947 = arith.index_cast %add3A_940 : i32 to index
        %get3A_948 = arith.constant 32 : index
        %get3A_949 = tpu.vector_load %arg8[%get3A_947, %get3A_948] {strides = array<i32>} : memref<128x64xf32, #tpu.memory_space<vmem>>, vector<16xf32>,
        %get3A_950 = arith.index_cast %add3A_940 : i32 to index
        %get3A_951 = arith.constant 48 : index
        %get3A_952 = tpu.vector_load %arg8[%get3A_950, %get3A_951] {strides = array<i32>} : memref<128x64xf32, #tpu.memory_space<vmem>>, vector<16xf32>,
        %mul3A_953 = arith.mulf %get3A_943, %get3A_943 : vector<16xf32>
        %add3A_954 = arith.addf %get3A_943, %get3A_946 : vector<16xf32>
        %mul3A_955 = arith.mulf %get3A_946, %get3A_946 : vector<16xf32>
        %add3A_956 = arith.addf %mul3A_953, %mul3A_955 : vector<16xf32>
        %add3A_957 = arith.addf %add3A_954, %get3A_949 : vector<16xf32>
        %mul3A_958 = arith.mulf %get3A_949, %get3A_949 : vector<16xf32>
        %add3A_959 = arith.addf %add3A_956, %mul3A_958 : vector<16xf32>
        %add3A_960 = arith.addf %add3A_957, %get3A_952 : vector<16xf32>
        %mul3A_961 = arith.mulf %get3A_952, %get3A_952 : vector<16xf32>
        %add3A_962 = arith.addf %add3A_959, %mul3A_961 : vector<16xf32>
        %reduce_sum3A_963 = arith.constant true
        %reduce_sum3A_964 = vector.broadcast %reduce_sum3A_963 : i1 to vector<16xi1>
        %reduce_sum3A_965 = tpu.scan <sum>, %add3A_960 masked %reduce_sum3A_964 : vector<16xf32>, vector<16xi1> -> vector<16xf32>
        %reduce_sum3A_966 = vector.extract %reduce_sum3A_965[15] : f32 from vector<16xf32>
        %reduce_sum3A_967 = arith.constant true
        %reduce_sum3A_968 = vector.broadcast %reduce_sum3A_967 : i1 to vector<16xi1>
        %reduce_sum3A_969 = tpu.scan <sum>, %add3A_962 masked %reduce_sum3A_968 : vector<16xf32>, vector<16xi1> -> vector<16xf32>
        %reduce_sum3A_970 = vector.extract %reduce_sum3A_969[15] : f32 from vector<16xf32>
        %mul3A_971 = arith.constant 1.562500e-02 : f32
        %mul3A_972 = arith.mulf %reduce_sum3A_966, %mul3A_971 : f32
        %mul3A_973 = arith.constant 1.562500e-02 : f32
        %mul3A_974 = arith.mulf %reduce_sum3A_970, %mul3A_973 : f32
        %mul3A_975 = arith.mulf %mul3A_972, %mul3A_972 : f32
        %sub3A_976 = arith.subf %mul3A_974, %mul3A_975 : f32
        %max3A_977 = arith.constant 0.000000e+00 : f32
        %max3A_978 = arith.maximumf %sub3A_976, %max3A_977 : f32
        %add3A_979 = arith.constant 9.99999996E-13 : f32
        %add3A_980 = arith.addf %max3A_978, %add3A_979 : f32
        %bitcast_convert_type3A_981 = arith.bitcast %add3A_980 : f32 to i32
        %shift_right_logical3A_982 = arith.constant 1 : i32
        %shift_right_logical3A_983 = arith.shrui %bitcast_convert_type3A_981, %shift_right_logical3A_982 : i32
        %sub3A_984 = arith.constant 1597463007 : i32
        %sub3A_985 = arith.subi %sub3A_984, %shift_right_logical3A_983 : i32
        %bitcast_convert_type3A_986 = arith.bitcast %sub3A_985 : i32 to f32
        %mul3A_987 = arith.constant 5.000000e-01 : f32
        %mul3A_988 = arith.mulf %add3A_980, %mul3A_987 : f32
        %mul3A_989 = arith.mulf %mul3A_988, %bitcast_convert_type3A_986 : f32
        %mul3A_990 = arith.mulf %mul3A_989, %bitcast_convert_type3A_986 : f32
        %sub3A_991 = arith.constant 1.500000e+00 : f32
        %sub3A_992 = arith.subf %sub3A_991, %mul3A_990 : f32
        %mul3A_993 = arith.mulf %bitcast_convert_type3A_986, %sub3A_992 : f32
        %mul3A_994 = arith.mulf %mul3A_988, %mul3A_993 : f32
        %mul3A_995 = arith.mulf %mul3A_994, %mul3A_993 : f32
        %sub3A_996 = arith.constant 1.500000e+00 : f32
        %sub3A_997 = arith.subf %sub3A_996, %mul3A_995 : f32
        %mul3A_998 = arith.mulf %mul3A_993, %sub3A_997 : f32
        %mul3A_999 = arith.mulf %mul3A_988, %mul3A_998 : f32
        %mul3A_1000 = arith.mulf %mul3A_999, %mul3A_998 : f32
        %sub3A_1001 = arith.constant 1.500000e+00 : f32
        %sub3A_1002 = arith.subf %sub3A_1001, %mul3A_1000 : f32
        %mul3A_1003 = arith.mulf %mul3A_998, %sub3A_1002 : f32
        %mul3A_1004 = arith.mulf %mul3A_972, %mul3A_1003 : f32
        %mul3A_1005 = vector.broadcast %mul3A_1003 : f32 to vector<16xf32>
        %mul3A_1006 = arith.mulf %get3A_943, %mul3A_1005 : vector<16xf32>
        %sub3A_1007 = vector.broadcast %mul3A_1004 : f32 to vector<16xf32>
        %sub3A_1008 = arith.subf %mul3A_1006, %sub3A_1007 : vector<16xf32>
        %mul3A_1009 = arith.mulf %sub3A_1008, %get3A_3 : vector<16xf32>
        %add3A_1010 = arith.addf %mul3A_1009, %get3A_11 : vector<16xf32>
        %swap3A_1011 = arith.index_cast %add3A_940 : i32 to index
        %swap3A_1012 = arith.constant 0 : index
        %swap3A_1013 = tpu.vector_load %arg10[%swap3A_1011, %swap3A_1012] {strides = array<i32>} : memref<128x64xf32, #tpu.memory_space<vmem>>, vector<16xf32>,
        tpu.vector_store %arg10[%swap3A_1011, %swap3A_1012], %add3A_1010 {strides = array<i32>} : memref<128x64xf32, #tpu.memory_space<vmem>>, vector<16xf32>,
        %mul3A_1014 = vector.broadcast %mul3A_1003 : f32 to vector<16xf32>
        %mul3A_1015 = arith.mulf %get3A_946, %mul3A_1014 : vector<16xf32>
        %sub3A_1016 = vector.broadcast %mul3A_1004 : f32 to vector<16xf32>
        %sub3A_1017 = arith.subf %mul3A_1015, %sub3A_1016 : vector<16xf32>
        %mul3A_1018 = arith.mulf %sub3A_1017, %get3A_5 : vector<16xf32>
        %add3A_1019 = arith.addf %mul3A_1018, %get3A_13 : vector<16xf32>
        %swap3A_1020 = arith.index_cast %add3A_940 : i32 to index
        %swap3A_1021 = arith.constant 16 : index
        %swap3A_1022 = tpu.vector_load %arg10[%swap3A_1020, %swap3A_1021] {strides = array<i32>} : memref<128x64xf32, #tpu.memory_space<vmem>>, vector<16xf32>,
        tpu.vector_store %arg10[%swap3A_1020, %swap3A_1021], %add3A_1019 {strides = array<i32>} : memref<128x64xf32, #tpu.memory_space<vmem>>, vector<16xf32>,
        %mul3A_1023 = vector.broadcast %mul3A_1003 : f32 to vector<16xf32>
        %mul3A_1024 = arith.mulf %get3A_949, %mul3A_1023 : vector<16xf32>
        %sub3A_1025 = vector.broadcast %mul3A_1004 : f32 to vector<16xf32>
        %sub3A_1026 = arith.subf %mul3A_1024, %sub3A_1025 : vector<16xf32>
        %mul3A_1027 = arith.mulf %sub3A_1026, %get3A_7 : vector<16xf32>
        %add3A_1028 = arith.addf %mul3A_1027, %get3A_15 : vector<16xf32>
        %swap3A_1029 = arith.index_cast %add3A_940 : i32 to index
        %swap3A_1030 = arith.constant 32 : index
        %swap3A_1031 = tpu.vector_load %arg10[%swap3A_1029, %swap3A_1030] {strides = array<i32>} : memref<128x64xf32, #tpu.memory_space<vmem>>, vector<16xf32>,
        tpu.vector_store %arg10[%swap3A_1029, %swap3A_1030], %add3A_1028 {strides = array<i32>} : memref<128x64xf32, #tpu.memory_space<vmem>>, vector<16xf32>,
        %mul3A_1032 = vector.broadcast %mul3A_1003 : f32 to vector<16xf32>
        %mul3A_1033 = arith.mulf %get3A_952, %mul3A_1032 : vector<16xf32>
        %sub3A_1034 = vector.broadcast %mul3A_1004 : f32 to vector<16xf32>
        %sub3A_1035 = arith.subf %mul3A_1033, %sub3A_1034 : vector<16xf32>
        %mul3A_1036 = arith.mulf %sub3A_1035, %get3A_9 : vector<16xf32>
        %add3A_1037 = arith.addf %mul3A_1036, %get3A_17 : vector<16xf32>
        %swap3A_1038 = arith.index_cast %add3A_940 : i32 to index
        %swap3A_1039 = arith.constant 48 : index
        %swap3A_1040 = tpu.vector_load %arg10[%swap3A_1038, %swap3A_1039] {strides = array<i32>} : memref<128x64xf32, #tpu.memory_space<vmem>>, vector<16xf32>,
        tpu.vector_store %arg10[%swap3A_1038, %swap3A_1039], %add3A_1037 {strides = array<i32>} : memref<128x64xf32, #tpu.memory_space<vmem>>, vector<16xf32>,
        %mul3A_1041 = arith.constant 16 : i32
        %mul3A_1042 = arith.muli %scan3A_110, %mul3A_1041 : i32
        %add3A_1043 = arith.constant 9 : i32
        %add3A_1044 = arith.addi %mul3A_1042, %add3A_1043 : i32
        %get3A_1045 = arith.index_cast %add3A_1044 : i32 to index
        %get3A_1046 = arith.constant 0 : index
        %get3A_1047 = tpu.vector_load %arg8[%get3A_1045, %get3A_1046] {strides = array<i32>} : memref<128x64xf32, #tpu.memory_space<vmem>>, vector<16xf32>,
        %get3A_1048 = arith.index_cast %add3A_1044 : i32 to index
        %get3A_1049 = arith.constant 16 : index
        %get3A_1050 = tpu.vector_load %arg8[%get3A_1048, %get3A_1049] {strides = array<i32>} : memref<128x64xf32, #tpu.memory_space<vmem>>, vector<16xf32>,
        %get3A_1051 = arith.index_cast %add3A_1044 : i32 to index
        %get3A_1052 = arith.constant 32 : index
        %get3A_1053 = tpu.vector_load %arg8[%get3A_1051, %get3A_1052] {strides = array<i32>} : memref<128x64xf32, #tpu.memory_space<vmem>>, vector<16xf32>,
        %get3A_1054 = arith.index_cast %add3A_1044 : i32 to index
        %get3A_1055 = arith.constant 48 : index
        %get3A_1056 = tpu.vector_load %arg8[%get3A_1054, %get3A_1055] {strides = array<i32>} : memref<128x64xf32, #tpu.memory_space<vmem>>, vector<16xf32>,
        %mul3A_1057 = arith.mulf %get3A_1047, %get3A_1047 : vector<16xf32>
        %add3A_1058 = arith.addf %get3A_1047, %get3A_1050 : vector<16xf32>
        %mul3A_1059 = arith.mulf %get3A_1050, %get3A_1050 : vector<16xf32>
        %add3A_1060 = arith.addf %mul3A_1057, %mul3A_1059 : vector<16xf32>
        %add3A_1061 = arith.addf %add3A_1058, %get3A_1053 : vector<16xf32>
        %mul3A_1062 = arith.mulf %get3A_1053, %get3A_1053 : vector<16xf32>
        %add3A_1063 = arith.addf %add3A_1060, %mul3A_1062 : vector<16xf32>
        %add3A_1064 = arith.addf %add3A_1061, %get3A_1056 : vector<16xf32>
        %mul3A_1065 = arith.mulf %get3A_1056, %get3A_1056 : vector<16xf32>
        %add3A_1066 = arith.addf %add3A_1063, %mul3A_1065 : vector<16xf32>
        %reduce_sum3A_1067 = arith.constant true
        %reduce_sum3A_1068 = vector.broadcast %reduce_sum3A_1067 : i1 to vector<16xi1>
        %reduce_sum3A_1069 = tpu.scan <sum>, %add3A_1064 masked %reduce_sum3A_1068 : vector<16xf32>, vector<16xi1> -> vector<16xf32>
        %reduce_sum3A_1070 = vector.extract %reduce_sum3A_1069[15] : f32 from vector<16xf32>
        %reduce_sum3A_1071 = arith.constant true
        %reduce_sum3A_1072 = vector.broadcast %reduce_sum3A_1071 : i1 to vector<16xi1>
        %reduce_sum3A_1073 = tpu.scan <sum>, %add3A_1066 masked %reduce_sum3A_1072 : vector<16xf32>, vector<16xi1> -> vector<16xf32>
        %reduce_sum3A_1074 = vector.extract %reduce_sum3A_1073[15] : f32 from vector<16xf32>
        %mul3A_1075 = arith.constant 1.562500e-02 : f32
        %mul3A_1076 = arith.mulf %reduce_sum3A_1070, %mul3A_1075 : f32
        %mul3A_1077 = arith.constant 1.562500e-02 : f32
        %mul3A_1078 = arith.mulf %reduce_sum3A_1074, %mul3A_1077 : f32
        %mul3A_1079 = arith.mulf %mul3A_1076, %mul3A_1076 : f32
        %sub3A_1080 = arith.subf %mul3A_1078, %mul3A_1079 : f32
        %max3A_1081 = arith.constant 0.000000e+00 : f32
        %max3A_1082 = arith.maximumf %sub3A_1080, %max3A_1081 : f32
        %add3A_1083 = arith.constant 9.99999996E-13 : f32
        %add3A_1084 = arith.addf %max3A_1082, %add3A_1083 : f32
        %bitcast_convert_type3A_1085 = arith.bitcast %add3A_1084 : f32 to i32
        %shift_right_logical3A_1086 = arith.constant 1 : i32
        %shift_right_logical3A_1087 = arith.shrui %bitcast_convert_type3A_1085, %shift_right_logical3A_1086 : i32
        %sub3A_1088 = arith.constant 1597463007 : i32
        %sub3A_1089 = arith.subi %sub3A_1088, %shift_right_logical3A_1087 : i32
        %bitcast_convert_type3A_1090 = arith.bitcast %sub3A_1089 : i32 to f32
        %mul3A_1091 = arith.constant 5.000000e-01 : f32
        %mul3A_1092 = arith.mulf %add3A_1084, %mul3A_1091 : f32
        %mul3A_1093 = arith.mulf %mul3A_1092, %bitcast_convert_type3A_1090 : f32
        %mul3A_1094 = arith.mulf %mul3A_1093, %bitcast_convert_type3A_1090 : f32
        %sub3A_1095 = arith.constant 1.500000e+00 : f32
        %sub3A_1096 = arith.subf %sub3A_1095, %mul3A_1094 : f32
        %mul3A_1097 = arith.mulf %bitcast_convert_type3A_1090, %sub3A_1096 : f32
        %mul3A_1098 = arith.mulf %mul3A_1092, %mul3A_1097 : f32
        %mul3A_1099 = arith.mulf %mul3A_1098, %mul3A_1097 : f32
        %sub3A_1100 = arith.constant 1.500000e+00 : f32
        %sub3A_1101 = arith.subf %sub3A_1100, %mul3A_1099 : f32
        %mul3A_1102 = arith.mulf %mul3A_1097, %sub3A_1101 : f32
        %mul3A_1103 = arith.mulf %mul3A_1092, %mul3A_1102 : f32
        %mul3A_1104 = arith.mulf %mul3A_1103, %mul3A_1102 : f32
        %sub3A_1105 = arith.constant 1.500000e+00 : f32
        %sub3A_1106 = arith.subf %sub3A_1105, %mul3A_1104 : f32
        %mul3A_1107 = arith.mulf %mul3A_1102, %sub3A_1106 : f32
        %mul3A_1108 = arith.mulf %mul3A_1076, %mul3A_1107 : f32
        %mul3A_1109 = vector.broadcast %mul3A_1107 : f32 to vector<16xf32>
        %mul3A_1110 = arith.mulf %get3A_1047, %mul3A_1109 : vector<16xf32>
        %sub3A_1111 = vector.broadcast %mul3A_1108 : f32 to vector<16xf32>
        %sub3A_1112 = arith.subf %mul3A_1110, %sub3A_1111 : vector<16xf32>
        %mul3A_1113 = arith.mulf %sub3A_1112, %get3A_3 : vector<16xf32>
        %add3A_1114 = arith.addf %mul3A_1113, %get3A_11 : vector<16xf32>
        %swap3A_1115 = arith.index_cast %add3A_1044 : i32 to index
        %swap3A_1116 = arith.constant 0 : index
        %swap3A_1117 = tpu.vector_load %arg10[%swap3A_1115, %swap3A_1116] {strides = array<i32>} : memref<128x64xf32, #tpu.memory_space<vmem>>, vector<16xf32>,
        tpu.vector_store %arg10[%swap3A_1115, %swap3A_1116], %add3A_1114 {strides = array<i32>} : memref<128x64xf32, #tpu.memory_space<vmem>>, vector<16xf32>,
        %mul3A_1118 = vector.broadcast %mul3A_1107 : f32 to vector<16xf32>
        %mul3A_1119 = arith.mulf %get3A_1050, %mul3A_1118 : vector<16xf32>
        %sub3A_1120 = vector.broadcast %mul3A_1108 : f32 to vector<16xf32>
        %sub3A_1121 = arith.subf %mul3A_1119, %sub3A_1120 : vector<16xf32>
        %mul3A_1122 = arith.mulf %sub3A_1121, %get3A_5 : vector<16xf32>
        %add3A_1123 = arith.addf %mul3A_1122, %get3A_13 : vector<16xf32>
        %swap3A_1124 = arith.index_cast %add3A_1044 : i32 to index
        %swap3A_1125 = arith.constant 16 : index
        %swap3A_1126 = tpu.vector_load %arg10[%swap3A_1124, %swap3A_1125] {strides = array<i32>} : memref<128x64xf32, #tpu.memory_space<vmem>>, vector<16xf32>,
        tpu.vector_store %arg10[%swap3A_1124, %swap3A_1125], %add3A_1123 {strides = array<i32>} : memref<128x64xf32, #tpu.memory_space<vmem>>, vector<16xf32>,
        %mul3A_1127 = vector.broadcast %mul3A_1107 : f32 to vector<16xf32>
        %mul3A_1128 = arith.mulf %get3A_1053, %mul3A_1127 : vector<16xf32>
        %sub3A_1129 = vector.broadcast %mul3A_1108 : f32 to vector<16xf32>
        %sub3A_1130 = arith.subf %mul3A_1128, %sub3A_1129 : vector<16xf32>
        %mul3A_1131 = arith.mulf %sub3A_1130, %get3A_7 : vector<16xf32>
        %add3A_1132 = arith.addf %mul3A_1131, %get3A_15 : vector<16xf32>
        %swap3A_1133 = arith.index_cast %add3A_1044 : i32 to index
        %swap3A_1134 = arith.constant 32 : index
        %swap3A_1135 = tpu.vector_load %arg10[%swap3A_1133, %swap3A_1134] {strides = array<i32>} : memref<128x64xf32, #tpu.memory_space<vmem>>, vector<16xf32>,
        tpu.vector_store %arg10[%swap3A_1133, %swap3A_1134], %add3A_1132 {strides = array<i32>} : memref<128x64xf32, #tpu.memory_space<vmem>>, vector<16xf32>,
        %mul3A_1136 = vector.broadcast %mul3A_1107 : f32 to vector<16xf32>
        %mul3A_1137 = arith.mulf %get3A_1056, %mul3A_1136 : vector<16xf32>
        %sub3A_1138 = vector.broadcast %mul3A_1108 : f32 to vector<16xf32>
        %sub3A_1139 = arith.subf %mul3A_1137, %sub3A_1138 : vector<16xf32>
        %mul3A_1140 = arith.mulf %sub3A_1139, %get3A_9 : vector<16xf32>
        %add3A_1141 = arith.addf %mul3A_1140, %get3A_17 : vector<16xf32>
        %swap3A_1142 = arith.index_cast %add3A_1044 : i32 to index
        %swap3A_1143 = arith.constant 48 : index
        %swap3A_1144 = tpu.vector_load %arg10[%swap3A_1142, %swap3A_1143] {strides = array<i32>} : memref<128x64xf32, #tpu.memory_space<vmem>>, vector<16xf32>,
        tpu.vector_store %arg10[%swap3A_1142, %swap3A_1143], %add3A_1141 {strides = array<i32>} : memref<128x64xf32, #tpu.memory_space<vmem>>, vector<16xf32>,
        %mul3A_1145 = arith.constant 16 : i32
        %mul3A_1146 = arith.muli %scan3A_110, %mul3A_1145 : i32
        %add3A_1147 = arith.constant 10 : i32
        %add3A_1148 = arith.addi %mul3A_1146, %add3A_1147 : i32
        %get3A_1149 = arith.index_cast %add3A_1148 : i32 to index
        %get3A_1150 = arith.constant 0 : index
        %get3A_1151 = tpu.vector_load %arg8[%get3A_1149, %get3A_1150] {strides = array<i32>} : memref<128x64xf32, #tpu.memory_space<vmem>>, vector<16xf32>,
        %get3A_1152 = arith.index_cast %add3A_1148 : i32 to index
        %get3A_1153 = arith.constant 16 : index
        %get3A_1154 = tpu.vector_load %arg8[%get3A_1152, %get3A_1153] {strides = array<i32>} : memref<128x64xf32, #tpu.memory_space<vmem>>, vector<16xf32>,
        %get3A_1155 = arith.index_cast %add3A_1148 : i32 to index
        %get3A_1156 = arith.constant 32 : index
        %get3A_1157 = tpu.vector_load %arg8[%get3A_1155, %get3A_1156] {strides = array<i32>} : memref<128x64xf32, #tpu.memory_space<vmem>>, vector<16xf32>,
        %get3A_1158 = arith.index_cast %add3A_1148 : i32 to index
        %get3A_1159 = arith.constant 48 : index
        %get3A_1160 = tpu.vector_load %arg8[%get3A_1158, %get3A_1159] {strides = array<i32>} : memref<128x64xf32, #tpu.memory_space<vmem>>, vector<16xf32>,
        %mul3A_1161 = arith.mulf %get3A_1151, %get3A_1151 : vector<16xf32>
        %add3A_1162 = arith.addf %get3A_1151, %get3A_1154 : vector<16xf32>
        %mul3A_1163 = arith.mulf %get3A_1154, %get3A_1154 : vector<16xf32>
        %add3A_1164 = arith.addf %mul3A_1161, %mul3A_1163 : vector<16xf32>
        %add3A_1165 = arith.addf %add3A_1162, %get3A_1157 : vector<16xf32>
        %mul3A_1166 = arith.mulf %get3A_1157, %get3A_1157 : vector<16xf32>
        %add3A_1167 = arith.addf %add3A_1164, %mul3A_1166 : vector<16xf32>
        %add3A_1168 = arith.addf %add3A_1165, %get3A_1160 : vector<16xf32>
        %mul3A_1169 = arith.mulf %get3A_1160, %get3A_1160 : vector<16xf32>
        %add3A_1170 = arith.addf %add3A_1167, %mul3A_1169 : vector<16xf32>
        %reduce_sum3A_1171 = arith.constant true
        %reduce_sum3A_1172 = vector.broadcast %reduce_sum3A_1171 : i1 to vector<16xi1>
        %reduce_sum3A_1173 = tpu.scan <sum>, %add3A_1168 masked %reduce_sum3A_1172 : vector<16xf32>, vector<16xi1> -> vector<16xf32>
        %reduce_sum3A_1174 = vector.extract %reduce_sum3A_1173[15] : f32 from vector<16xf32>
        %reduce_sum3A_1175 = arith.constant true
        %reduce_sum3A_1176 = vector.broadcast %reduce_sum3A_1175 : i1 to vector<16xi1>
        %reduce_sum3A_1177 = tpu.scan <sum>, %add3A_1170 masked %reduce_sum3A_1176 : vector<16xf32>, vector<16xi1> -> vector<16xf32>
        %reduce_sum3A_1178 = vector.extract %reduce_sum3A_1177[15] : f32 from vector<16xf32>
        %mul3A_1179 = arith.constant 1.562500e-02 : f32
        %mul3A_1180 = arith.mulf %reduce_sum3A_1174, %mul3A_1179 : f32
        %mul3A_1181 = arith.constant 1.562500e-02 : f32
        %mul3A_1182 = arith.mulf %reduce_sum3A_1178, %mul3A_1181 : f32
        %mul3A_1183 = arith.mulf %mul3A_1180, %mul3A_1180 : f32
        %sub3A_1184 = arith.subf %mul3A_1182, %mul3A_1183 : f32
        %max3A_1185 = arith.constant 0.000000e+00 : f32
        %max3A_1186 = arith.maximumf %sub3A_1184, %max3A_1185 : f32
        %add3A_1187 = arith.constant 9.99999996E-13 : f32
        %add3A_1188 = arith.addf %max3A_1186, %add3A_1187 : f32
        %bitcast_convert_type3A_1189 = arith.bitcast %add3A_1188 : f32 to i32
        %shift_right_logical3A_1190 = arith.constant 1 : i32
        %shift_right_logical3A_1191 = arith.shrui %bitcast_convert_type3A_1189, %shift_right_logical3A_1190 : i32
        %sub3A_1192 = arith.constant 1597463007 : i32
        %sub3A_1193 = arith.subi %sub3A_1192, %shift_right_logical3A_1191 : i32
        %bitcast_convert_type3A_1194 = arith.bitcast %sub3A_1193 : i32 to f32
        %mul3A_1195 = arith.constant 5.000000e-01 : f32
        %mul3A_1196 = arith.mulf %add3A_1188, %mul3A_1195 : f32
        %mul3A_1197 = arith.mulf %mul3A_1196, %bitcast_convert_type3A_1194 : f32
        %mul3A_1198 = arith.mulf %mul3A_1197, %bitcast_convert_type3A_1194 : f32
        %sub3A_1199 = arith.constant 1.500000e+00 : f32
        %sub3A_1200 = arith.subf %sub3A_1199, %mul3A_1198 : f32
        %mul3A_1201 = arith.mulf %bitcast_convert_type3A_1194, %sub3A_1200 : f32
        %mul3A_1202 = arith.mulf %mul3A_1196, %mul3A_1201 : f32
        %mul3A_1203 = arith.mulf %mul3A_1202, %mul3A_1201 : f32
        %sub3A_1204 = arith.constant 1.500000e+00 : f32
        %sub3A_1205 = arith.subf %sub3A_1204, %mul3A_1203 : f32
        %mul3A_1206 = arith.mulf %mul3A_1201, %sub3A_1205 : f32
        %mul3A_1207 = arith.mulf %mul3A_1196, %mul3A_1206 : f32
        %mul3A_1208 = arith.mulf %mul3A_1207, %mul3A_1206 : f32
        %sub3A_1209 = arith.constant 1.500000e+00 : f32
        %sub3A_1210 = arith.subf %sub3A_1209, %mul3A_1208 : f32
        %mul3A_1211 = arith.mulf %mul3A_1206, %sub3A_1210 : f32
        %mul3A_1212 = arith.mulf %mul3A_1180, %mul3A_1211 : f32
        %mul3A_1213 = vector.broadcast %mul3A_1211 : f32 to vector<16xf32>
        %mul3A_1214 = arith.mulf %get3A_1151, %mul3A_1213 : vector<16xf32>
        %sub3A_1215 = vector.broadcast %mul3A_1212 : f32 to vector<16xf32>
        %sub3A_1216 = arith.subf %mul3A_1214, %sub3A_1215 : vector<16xf32>
        %mul3A_1217 = arith.mulf %sub3A_1216, %get3A_3 : vector<16xf32>
        %add3A_1218 = arith.addf %mul3A_1217, %get3A_11 : vector<16xf32>
        %swap3A_1219 = arith.index_cast %add3A_1148 : i32 to index
        %swap3A_1220 = arith.constant 0 : index
        %swap3A_1221 = tpu.vector_load %arg10[%swap3A_1219, %swap3A_1220] {strides = array<i32>} : memref<128x64xf32, #tpu.memory_space<vmem>>, vector<16xf32>,
        tpu.vector_store %arg10[%swap3A_1219, %swap3A_1220], %add3A_1218 {strides = array<i32>} : memref<128x64xf32, #tpu.memory_space<vmem>>, vector<16xf32>,
        %mul3A_1222 = vector.broadcast %mul3A_1211 : f32 to vector<16xf32>
        %mul3A_1223 = arith.mulf %get3A_1154, %mul3A_1222 : vector<16xf32>
        %sub3A_1224 = vector.broadcast %mul3A_1212 : f32 to vector<16xf32>
        %sub3A_1225 = arith.subf %mul3A_1223, %sub3A_1224 : vector<16xf32>
        %mul3A_1226 = arith.mulf %sub3A_1225, %get3A_5 : vector<16xf32>
        %add3A_1227 = arith.addf %mul3A_1226, %get3A_13 : vector<16xf32>
        %swap3A_1228 = arith.index_cast %add3A_1148 : i32 to index
        %swap3A_1229 = arith.constant 16 : index
        %swap3A_1230 = tpu.vector_load %arg10[%swap3A_1228, %swap3A_1229] {strides = array<i32>} : memref<128x64xf32, #tpu.memory_space<vmem>>, vector<16xf32>,
        tpu.vector_store %arg10[%swap3A_1228, %swap3A_1229], %add3A_1227 {strides = array<i32>} : memref<128x64xf32, #tpu.memory_space<vmem>>, vector<16xf32>,
        %mul3A_1231 = vector.broadcast %mul3A_1211 : f32 to vector<16xf32>
        %mul3A_1232 = arith.mulf %get3A_1157, %mul3A_1231 : vector<16xf32>
        %sub3A_1233 = vector.broadcast %mul3A_1212 : f32 to vector<16xf32>
        %sub3A_1234 = arith.subf %mul3A_1232, %sub3A_1233 : vector<16xf32>
        %mul3A_1235 = arith.mulf %sub3A_1234, %get3A_7 : vector<16xf32>
        %add3A_1236 = arith.addf %mul3A_1235, %get3A_15 : vector<16xf32>
        %swap3A_1237 = arith.index_cast %add3A_1148 : i32 to index
        %swap3A_1238 = arith.constant 32 : index
        %swap3A_1239 = tpu.vector_load %arg10[%swap3A_1237, %swap3A_1238] {strides = array<i32>} : memref<128x64xf32, #tpu.memory_space<vmem>>, vector<16xf32>,
        tpu.vector_store %arg10[%swap3A_1237, %swap3A_1238], %add3A_1236 {strides = array<i32>} : memref<128x64xf32, #tpu.memory_space<vmem>>, vector<16xf32>,
        %mul3A_1240 = vector.broadcast %mul3A_1211 : f32 to vector<16xf32>
        %mul3A_1241 = arith.mulf %get3A_1160, %mul3A_1240 : vector<16xf32>
        %sub3A_1242 = vector.broadcast %mul3A_1212 : f32 to vector<16xf32>
        %sub3A_1243 = arith.subf %mul3A_1241, %sub3A_1242 : vector<16xf32>
        %mul3A_1244 = arith.mulf %sub3A_1243, %get3A_9 : vector<16xf32>
        %add3A_1245 = arith.addf %mul3A_1244, %get3A_17 : vector<16xf32>
        %swap3A_1246 = arith.index_cast %add3A_1148 : i32 to index
        %swap3A_1247 = arith.constant 48 : index
        %swap3A_1248 = tpu.vector_load %arg10[%swap3A_1246, %swap3A_1247] {strides = array<i32>} : memref<128x64xf32, #tpu.memory_space<vmem>>, vector<16xf32>,
        tpu.vector_store %arg10[%swap3A_1246, %swap3A_1247], %add3A_1245 {strides = array<i32>} : memref<128x64xf32, #tpu.memory_space<vmem>>, vector<16xf32>,
        %mul3A_1249 = arith.constant 16 : i32
        %mul3A_1250 = arith.muli %scan3A_110, %mul3A_1249 : i32
        %add3A_1251 = arith.constant 11 : i32
        %add3A_1252 = arith.addi %mul3A_1250, %add3A_1251 : i32
        %get3A_1253 = arith.index_cast %add3A_1252 : i32 to index
        %get3A_1254 = arith.constant 0 : index
        %get3A_1255 = tpu.vector_load %arg8[%get3A_1253, %get3A_1254] {strides = array<i32>} : memref<128x64xf32, #tpu.memory_space<vmem>>, vector<16xf32>,
        %get3A_1256 = arith.index_cast %add3A_1252 : i32 to index
        %get3A_1257 = arith.constant 16 : index
        %get3A_1258 = tpu.vector_load %arg8[%get3A_1256, %get3A_1257] {strides = array<i32>} : memref<128x64xf32, #tpu.memory_space<vmem>>, vector<16xf32>,
        %get3A_1259 = arith.index_cast %add3A_1252 : i32 to index
        %get3A_1260 = arith.constant 32 : index
        %get3A_1261 = tpu.vector_load %arg8[%get3A_1259, %get3A_1260] {strides = array<i32>} : memref<128x64xf32, #tpu.memory_space<vmem>>, vector<16xf32>,
        %get3A_1262 = arith.index_cast %add3A_1252 : i32 to index
        %get3A_1263 = arith.constant 48 : index
        %get3A_1264 = tpu.vector_load %arg8[%get3A_1262, %get3A_1263] {strides = array<i32>} : memref<128x64xf32, #tpu.memory_space<vmem>>, vector<16xf32>,
        %mul3A_1265 = arith.mulf %get3A_1255, %get3A_1255 : vector<16xf32>
        %add3A_1266 = arith.addf %get3A_1255, %get3A_1258 : vector<16xf32>
        %mul3A_1267 = arith.mulf %get3A_1258, %get3A_1258 : vector<16xf32>
        %add3A_1268 = arith.addf %mul3A_1265, %mul3A_1267 : vector<16xf32>
        %add3A_1269 = arith.addf %add3A_1266, %get3A_1261 : vector<16xf32>
        %mul3A_1270 = arith.mulf %get3A_1261, %get3A_1261 : vector<16xf32>
        %add3A_1271 = arith.addf %add3A_1268, %mul3A_1270 : vector<16xf32>
        %add3A_1272 = arith.addf %add3A_1269, %get3A_1264 : vector<16xf32>
        %mul3A_1273 = arith.mulf %get3A_1264, %get3A_1264 : vector<16xf32>
        %add3A_1274 = arith.addf %add3A_1271, %mul3A_1273 : vector<16xf32>
        %reduce_sum3A_1275 = arith.constant true
        %reduce_sum3A_1276 = vector.broadcast %reduce_sum3A_1275 : i1 to vector<16xi1>
        %reduce_sum3A_1277 = tpu.scan <sum>, %add3A_1272 masked %reduce_sum3A_1276 : vector<16xf32>, vector<16xi1> -> vector<16xf32>
        %reduce_sum3A_1278 = vector.extract %reduce_sum3A_1277[15] : f32 from vector<16xf32>
        %reduce_sum3A_1279 = arith.constant true
        %reduce_sum3A_1280 = vector.broadcast %reduce_sum3A_1279 : i1 to vector<16xi1>
        %reduce_sum3A_1281 = tpu.scan <sum>, %add3A_1274 masked %reduce_sum3A_1280 : vector<16xf32>, vector<16xi1> -> vector<16xf32>
        %reduce_sum3A_1282 = vector.extract %reduce_sum3A_1281[15] : f32 from vector<16xf32>
        %mul3A_1283 = arith.constant 1.562500e-02 : f32
        %mul3A_1284 = arith.mulf %reduce_sum3A_1278, %mul3A_1283 : f32
        %mul3A_1285 = arith.constant 1.562500e-02 : f32
        %mul3A_1286 = arith.mulf %reduce_sum3A_1282, %mul3A_1285 : f32
        %mul3A_1287 = arith.mulf %mul3A_1284, %mul3A_1284 : f32
        %sub3A_1288 = arith.subf %mul3A_1286, %mul3A_1287 : f32
        %max3A_1289 = arith.constant 0.000000e+00 : f32
        %max3A_1290 = arith.maximumf %sub3A_1288, %max3A_1289 : f32
        %add3A_1291 = arith.constant 9.99999996E-13 : f32
        %add3A_1292 = arith.addf %max3A_1290, %add3A_1291 : f32
        %bitcast_convert_type3A_1293 = arith.bitcast %add3A_1292 : f32 to i32
        %shift_right_logical3A_1294 = arith.constant 1 : i32
        %shift_right_logical3A_1295 = arith.shrui %bitcast_convert_type3A_1293, %shift_right_logical3A_1294 : i32
        %sub3A_1296 = arith.constant 1597463007 : i32
        %sub3A_1297 = arith.subi %sub3A_1296, %shift_right_logical3A_1295 : i32
        %bitcast_convert_type3A_1298 = arith.bitcast %sub3A_1297 : i32 to f32
        %mul3A_1299 = arith.constant 5.000000e-01 : f32
        %mul3A_1300 = arith.mulf %add3A_1292, %mul3A_1299 : f32
        %mul3A_1301 = arith.mulf %mul3A_1300, %bitcast_convert_type3A_1298 : f32
        %mul3A_1302 = arith.mulf %mul3A_1301, %bitcast_convert_type3A_1298 : f32
        %sub3A_1303 = arith.constant 1.500000e+00 : f32
        %sub3A_1304 = arith.subf %sub3A_1303, %mul3A_1302 : f32
        %mul3A_1305 = arith.mulf %bitcast_convert_type3A_1298, %sub3A_1304 : f32
        %mul3A_1306 = arith.mulf %mul3A_1300, %mul3A_1305 : f32
        %mul3A_1307 = arith.mulf %mul3A_1306, %mul3A_1305 : f32
        %sub3A_1308 = arith.constant 1.500000e+00 : f32
        %sub3A_1309 = arith.subf %sub3A_1308, %mul3A_1307 : f32
        %mul3A_1310 = arith.mulf %mul3A_1305, %sub3A_1309 : f32
        %mul3A_1311 = arith.mulf %mul3A_1300, %mul3A_1310 : f32
        %mul3A_1312 = arith.mulf %mul3A_1311, %mul3A_1310 : f32
        %sub3A_1313 = arith.constant 1.500000e+00 : f32
        %sub3A_1314 = arith.subf %sub3A_1313, %mul3A_1312 : f32
        %mul3A_1315 = arith.mulf %mul3A_1310, %sub3A_1314 : f32
        %mul3A_1316 = arith.mulf %mul3A_1284, %mul3A_1315 : f32
        %mul3A_1317 = vector.broadcast %mul3A_1315 : f32 to vector<16xf32>
        %mul3A_1318 = arith.mulf %get3A_1255, %mul3A_1317 : vector<16xf32>
        %sub3A_1319 = vector.broadcast %mul3A_1316 : f32 to vector<16xf32>
        %sub3A_1320 = arith.subf %mul3A_1318, %sub3A_1319 : vector<16xf32>
        %mul3A_1321 = arith.mulf %sub3A_1320, %get3A_3 : vector<16xf32>
        %add3A_1322 = arith.addf %mul3A_1321, %get3A_11 : vector<16xf32>
        %swap3A_1323 = arith.index_cast %add3A_1252 : i32 to index
        %swap3A_1324 = arith.constant 0 : index
        %swap3A_1325 = tpu.vector_load %arg10[%swap3A_1323, %swap3A_1324] {strides = array<i32>} : memref<128x64xf32, #tpu.memory_space<vmem>>, vector<16xf32>,
        tpu.vector_store %arg10[%swap3A_1323, %swap3A_1324], %add3A_1322 {strides = array<i32>} : memref<128x64xf32, #tpu.memory_space<vmem>>, vector<16xf32>,
        %mul3A_1326 = vector.broadcast %mul3A_1315 : f32 to vector<16xf32>
        %mul3A_1327 = arith.mulf %get3A_1258, %mul3A_1326 : vector<16xf32>
        %sub3A_1328 = vector.broadcast %mul3A_1316 : f32 to vector<16xf32>
        %sub3A_1329 = arith.subf %mul3A_1327, %sub3A_1328 : vector<16xf32>
        %mul3A_1330 = arith.mulf %sub3A_1329, %get3A_5 : vector<16xf32>
        %add3A_1331 = arith.addf %mul3A_1330, %get3A_13 : vector<16xf32>
        %swap3A_1332 = arith.index_cast %add3A_1252 : i32 to index
        %swap3A_1333 = arith.constant 16 : index
        %swap3A_1334 = tpu.vector_load %arg10[%swap3A_1332, %swap3A_1333] {strides = array<i32>} : memref<128x64xf32, #tpu.memory_space<vmem>>, vector<16xf32>,
        tpu.vector_store %arg10[%swap3A_1332, %swap3A_1333], %add3A_1331 {strides = array<i32>} : memref<128x64xf32, #tpu.memory_space<vmem>>, vector<16xf32>,
        %mul3A_1335 = vector.broadcast %mul3A_1315 : f32 to vector<16xf32>
        %mul3A_1336 = arith.mulf %get3A_1261, %mul3A_1335 : vector<16xf32>
        %sub3A_1337 = vector.broadcast %mul3A_1316 : f32 to vector<16xf32>
        %sub3A_1338 = arith.subf %mul3A_1336, %sub3A_1337 : vector<16xf32>
        %mul3A_1339 = arith.mulf %sub3A_1338, %get3A_7 : vector<16xf32>
        %add3A_1340 = arith.addf %mul3A_1339, %get3A_15 : vector<16xf32>
        %swap3A_1341 = arith.index_cast %add3A_1252 : i32 to index
        %swap3A_1342 = arith.constant 32 : index
        %swap3A_1343 = tpu.vector_load %arg10[%swap3A_1341, %swap3A_1342] {strides = array<i32>} : memref<128x64xf32, #tpu.memory_space<vmem>>, vector<16xf32>,
        tpu.vector_store %arg10[%swap3A_1341, %swap3A_1342], %add3A_1340 {strides = array<i32>} : memref<128x64xf32, #tpu.memory_space<vmem>>, vector<16xf32>,
        %mul3A_1344 = vector.broadcast %mul3A_1315 : f32 to vector<16xf32>
        %mul3A_1345 = arith.mulf %get3A_1264, %mul3A_1344 : vector<16xf32>
        %sub3A_1346 = vector.broadcast %mul3A_1316 : f32 to vector<16xf32>
        %sub3A_1347 = arith.subf %mul3A_1345, %sub3A_1346 : vector<16xf32>
        %mul3A_1348 = arith.mulf %sub3A_1347, %get3A_9 : vector<16xf32>
        %add3A_1349 = arith.addf %mul3A_1348, %get3A_17 : vector<16xf32>
        %swap3A_1350 = arith.index_cast %add3A_1252 : i32 to index
        %swap3A_1351 = arith.constant 48 : index
        %swap3A_1352 = tpu.vector_load %arg10[%swap3A_1350, %swap3A_1351] {strides = array<i32>} : memref<128x64xf32, #tpu.memory_space<vmem>>, vector<16xf32>,
        tpu.vector_store %arg10[%swap3A_1350, %swap3A_1351], %add3A_1349 {strides = array<i32>} : memref<128x64xf32, #tpu.memory_space<vmem>>, vector<16xf32>,
        %mul3A_1353 = arith.constant 16 : i32
        %mul3A_1354 = arith.muli %scan3A_110, %mul3A_1353 : i32
        %add3A_1355 = arith.constant 12 : i32
        %add3A_1356 = arith.addi %mul3A_1354, %add3A_1355 : i32
        %get3A_1357 = arith.index_cast %add3A_1356 : i32 to index
        %get3A_1358 = arith.constant 0 : index
        %get3A_1359 = tpu.vector_load %arg8[%get3A_1357, %get3A_1358] {strides = array<i32>} : memref<128x64xf32, #tpu.memory_space<vmem>>, vector<16xf32>,
        %get3A_1360 = arith.index_cast %add3A_1356 : i32 to index
        %get3A_1361 = arith.constant 16 : index
        %get3A_1362 = tpu.vector_load %arg8[%get3A_1360, %get3A_1361] {strides = array<i32>} : memref<128x64xf32, #tpu.memory_space<vmem>>, vector<16xf32>,
        %get3A_1363 = arith.index_cast %add3A_1356 : i32 to index
        %get3A_1364 = arith.constant 32 : index
        %get3A_1365 = tpu.vector_load %arg8[%get3A_1363, %get3A_1364] {strides = array<i32>} : memref<128x64xf32, #tpu.memory_space<vmem>>, vector<16xf32>,
        %get3A_1366 = arith.index_cast %add3A_1356 : i32 to index
        %get3A_1367 = arith.constant 48 : index
        %get3A_1368 = tpu.vector_load %arg8[%get3A_1366, %get3A_1367] {strides = array<i32>} : memref<128x64xf32, #tpu.memory_space<vmem>>, vector<16xf32>,
        %mul3A_1369 = arith.mulf %get3A_1359, %get3A_1359 : vector<16xf32>
        %add3A_1370 = arith.addf %get3A_1359, %get3A_1362 : vector<16xf32>
        %mul3A_1371 = arith.mulf %get3A_1362, %get3A_1362 : vector<16xf32>
        %add3A_1372 = arith.addf %mul3A_1369, %mul3A_1371 : vector<16xf32>
        %add3A_1373 = arith.addf %add3A_1370, %get3A_1365 : vector<16xf32>
        %mul3A_1374 = arith.mulf %get3A_1365, %get3A_1365 : vector<16xf32>
        %add3A_1375 = arith.addf %add3A_1372, %mul3A_1374 : vector<16xf32>
        %add3A_1376 = arith.addf %add3A_1373, %get3A_1368 : vector<16xf32>
        %mul3A_1377 = arith.mulf %get3A_1368, %get3A_1368 : vector<16xf32>
        %add3A_1378 = arith.addf %add3A_1375, %mul3A_1377 : vector<16xf32>
        %reduce_sum3A_1379 = arith.constant true
        %reduce_sum3A_1380 = vector.broadcast %reduce_sum3A_1379 : i1 to vector<16xi1>
        %reduce_sum3A_1381 = tpu.scan <sum>, %add3A_1376 masked %reduce_sum3A_1380 : vector<16xf32>, vector<16xi1> -> vector<16xf32>
        %reduce_sum3A_1382 = vector.extract %reduce_sum3A_1381[15] : f32 from vector<16xf32>
        %reduce_sum3A_1383 = arith.constant true
        %reduce_sum3A_1384 = vector.broadcast %reduce_sum3A_1383 : i1 to vector<16xi1>
        %reduce_sum3A_1385 = tpu.scan <sum>, %add3A_1378 masked %reduce_sum3A_1384 : vector<16xf32>, vector<16xi1> -> vector<16xf32>
        %reduce_sum3A_1386 = vector.extract %reduce_sum3A_1385[15] : f32 from vector<16xf32>
        %mul3A_1387 = arith.constant 1.562500e-02 : f32
        %mul3A_1388 = arith.mulf %reduce_sum3A_1382, %mul3A_1387 : f32
        %mul3A_1389 = arith.constant 1.562500e-02 : f32
        %mul3A_1390 = arith.mulf %reduce_sum3A_1386, %mul3A_1389 : f32
        %mul3A_1391 = arith.mulf %mul3A_1388, %mul3A_1388 : f32
        %sub3A_1392 = arith.subf %mul3A_1390, %mul3A_1391 : f32
        %max3A_1393 = arith.constant 0.000000e+00 : f32
        %max3A_1394 = arith.maximumf %sub3A_1392, %max3A_1393 : f32
        %add3A_1395 = arith.constant 9.99999996E-13 : f32
        %add3A_1396 = arith.addf %max3A_1394, %add3A_1395 : f32
        %bitcast_convert_type3A_1397 = arith.bitcast %add3A_1396 : f32 to i32
        %shift_right_logical3A_1398 = arith.constant 1 : i32
        %shift_right_logical3A_1399 = arith.shrui %bitcast_convert_type3A_1397, %shift_right_logical3A_1398 : i32
        %sub3A_1400 = arith.constant 1597463007 : i32
        %sub3A_1401 = arith.subi %sub3A_1400, %shift_right_logical3A_1399 : i32
        %bitcast_convert_type3A_1402 = arith.bitcast %sub3A_1401 : i32 to f32
        %mul3A_1403 = arith.constant 5.000000e-01 : f32
        %mul3A_1404 = arith.mulf %add3A_1396, %mul3A_1403 : f32
        %mul3A_1405 = arith.mulf %mul3A_1404, %bitcast_convert_type3A_1402 : f32
        %mul3A_1406 = arith.mulf %mul3A_1405, %bitcast_convert_type3A_1402 : f32
        %sub3A_1407 = arith.constant 1.500000e+00 : f32
        %sub3A_1408 = arith.subf %sub3A_1407, %mul3A_1406 : f32
        %mul3A_1409 = arith.mulf %bitcast_convert_type3A_1402, %sub3A_1408 : f32
        %mul3A_1410 = arith.mulf %mul3A_1404, %mul3A_1409 : f32
        %mul3A_1411 = arith.mulf %mul3A_1410, %mul3A_1409 : f32
        %sub3A_1412 = arith.constant 1.500000e+00 : f32
        %sub3A_1413 = arith.subf %sub3A_1412, %mul3A_1411 : f32
        %mul3A_1414 = arith.mulf %mul3A_1409, %sub3A_1413 : f32
        %mul3A_1415 = arith.mulf %mul3A_1404, %mul3A_1414 : f32
        %mul3A_1416 = arith.mulf %mul3A_1415, %mul3A_1414 : f32
        %sub3A_1417 = arith.constant 1.500000e+00 : f32
        %sub3A_1418 = arith.subf %sub3A_1417, %mul3A_1416 : f32
        %mul3A_1419 = arith.mulf %mul3A_1414, %sub3A_1418 : f32
        %mul3A_1420 = arith.mulf %mul3A_1388, %mul3A_1419 : f32
        %mul3A_1421 = vector.broadcast %mul3A_1419 : f32 to vector<16xf32>
        %mul3A_1422 = arith.mulf %get3A_1359, %mul3A_1421 : vector<16xf32>
        %sub3A_1423 = vector.broadcast %mul3A_1420 : f32 to vector<16xf32>
        %sub3A_1424 = arith.subf %mul3A_1422, %sub3A_1423 : vector<16xf32>
        %mul3A_1425 = arith.mulf %sub3A_1424, %get3A_3 : vector<16xf32>
        %add3A_1426 = arith.addf %mul3A_1425, %get3A_11 : vector<16xf32>
        %swap3A_1427 = arith.index_cast %add3A_1356 : i32 to index
        %swap3A_1428 = arith.constant 0 : index
        %swap3A_1429 = tpu.vector_load %arg10[%swap3A_1427, %swap3A_1428] {strides = array<i32>} : memref<128x64xf32, #tpu.memory_space<vmem>>, vector<16xf32>,
        tpu.vector_store %arg10[%swap3A_1427, %swap3A_1428], %add3A_1426 {strides = array<i32>} : memref<128x64xf32, #tpu.memory_space<vmem>>, vector<16xf32>,
        %mul3A_1430 = vector.broadcast %mul3A_1419 : f32 to vector<16xf32>
        %mul3A_1431 = arith.mulf %get3A_1362, %mul3A_1430 : vector<16xf32>
        %sub3A_1432 = vector.broadcast %mul3A_1420 : f32 to vector<16xf32>
        %sub3A_1433 = arith.subf %mul3A_1431, %sub3A_1432 : vector<16xf32>
        %mul3A_1434 = arith.mulf %sub3A_1433, %get3A_5 : vector<16xf32>
        %add3A_1435 = arith.addf %mul3A_1434, %get3A_13 : vector<16xf32>
        %swap3A_1436 = arith.index_cast %add3A_1356 : i32 to index
        %swap3A_1437 = arith.constant 16 : index
        %swap3A_1438 = tpu.vector_load %arg10[%swap3A_1436, %swap3A_1437] {strides = array<i32>} : memref<128x64xf32, #tpu.memory_space<vmem>>, vector<16xf32>,
        tpu.vector_store %arg10[%swap3A_1436, %swap3A_1437], %add3A_1435 {strides = array<i32>} : memref<128x64xf32, #tpu.memory_space<vmem>>, vector<16xf32>,
        %mul3A_1439 = vector.broadcast %mul3A_1419 : f32 to vector<16xf32>
        %mul3A_1440 = arith.mulf %get3A_1365, %mul3A_1439 : vector<16xf32>
        %sub3A_1441 = vector.broadcast %mul3A_1420 : f32 to vector<16xf32>
        %sub3A_1442 = arith.subf %mul3A_1440, %sub3A_1441 : vector<16xf32>
        %mul3A_1443 = arith.mulf %sub3A_1442, %get3A_7 : vector<16xf32>
        %add3A_1444 = arith.addf %mul3A_1443, %get3A_15 : vector<16xf32>
        %swap3A_1445 = arith.index_cast %add3A_1356 : i32 to index
        %swap3A_1446 = arith.constant 32 : index
        %swap3A_1447 = tpu.vector_load %arg10[%swap3A_1445, %swap3A_1446] {strides = array<i32>} : memref<128x64xf32, #tpu.memory_space<vmem>>, vector<16xf32>,
        tpu.vector_store %arg10[%swap3A_1445, %swap3A_1446], %add3A_1444 {strides = array<i32>} : memref<128x64xf32, #tpu.memory_space<vmem>>, vector<16xf32>,
        %mul3A_1448 = vector.broadcast %mul3A_1419 : f32 to vector<16xf32>
        %mul3A_1449 = arith.mulf %get3A_1368, %mul3A_1448 : vector<16xf32>
        %sub3A_1450 = vector.broadcast %mul3A_1420 : f32 to vector<16xf32>
        %sub3A_1451 = arith.subf %mul3A_1449, %sub3A_1450 : vector<16xf32>
        %mul3A_1452 = arith.mulf %sub3A_1451, %get3A_9 : vector<16xf32>
        %add3A_1453 = arith.addf %mul3A_1452, %get3A_17 : vector<16xf32>
        %swap3A_1454 = arith.index_cast %add3A_1356 : i32 to index
        %swap3A_1455 = arith.constant 48 : index
        %swap3A_1456 = tpu.vector_load %arg10[%swap3A_1454, %swap3A_1455] {strides = array<i32>} : memref<128x64xf32, #tpu.memory_space<vmem>>, vector<16xf32>,
        tpu.vector_store %arg10[%swap3A_1454, %swap3A_1455], %add3A_1453 {strides = array<i32>} : memref<128x64xf32, #tpu.memory_space<vmem>>, vector<16xf32>,
        %mul3A_1457 = arith.constant 16 : i32
        %mul3A_1458 = arith.muli %scan3A_110, %mul3A_1457 : i32
        %add3A_1459 = arith.constant 13 : i32
        %add3A_1460 = arith.addi %mul3A_1458, %add3A_1459 : i32
        %get3A_1461 = arith.index_cast %add3A_1460 : i32 to index
        %get3A_1462 = arith.constant 0 : index
        %get3A_1463 = tpu.vector_load %arg8[%get3A_1461, %get3A_1462] {strides = array<i32>} : memref<128x64xf32, #tpu.memory_space<vmem>>, vector<16xf32>,
        %get3A_1464 = arith.index_cast %add3A_1460 : i32 to index
        %get3A_1465 = arith.constant 16 : index
        %get3A_1466 = tpu.vector_load %arg8[%get3A_1464, %get3A_1465] {strides = array<i32>} : memref<128x64xf32, #tpu.memory_space<vmem>>, vector<16xf32>,
        %get3A_1467 = arith.index_cast %add3A_1460 : i32 to index
        %get3A_1468 = arith.constant 32 : index
        %get3A_1469 = tpu.vector_load %arg8[%get3A_1467, %get3A_1468] {strides = array<i32>} : memref<128x64xf32, #tpu.memory_space<vmem>>, vector<16xf32>,
        %get3A_1470 = arith.index_cast %add3A_1460 : i32 to index
        %get3A_1471 = arith.constant 48 : index
        %get3A_1472 = tpu.vector_load %arg8[%get3A_1470, %get3A_1471] {strides = array<i32>} : memref<128x64xf32, #tpu.memory_space<vmem>>, vector<16xf32>,
        %mul3A_1473 = arith.mulf %get3A_1463, %get3A_1463 : vector<16xf32>
        %add3A_1474 = arith.addf %get3A_1463, %get3A_1466 : vector<16xf32>
        %mul3A_1475 = arith.mulf %get3A_1466, %get3A_1466 : vector<16xf32>
        %add3A_1476 = arith.addf %mul3A_1473, %mul3A_1475 : vector<16xf32>
        %add3A_1477 = arith.addf %add3A_1474, %get3A_1469 : vector<16xf32>
        %mul3A_1478 = arith.mulf %get3A_1469, %get3A_1469 : vector<16xf32>
        %add3A_1479 = arith.addf %add3A_1476, %mul3A_1478 : vector<16xf32>
        %add3A_1480 = arith.addf %add3A_1477, %get3A_1472 : vector<16xf32>
        %mul3A_1481 = arith.mulf %get3A_1472, %get3A_1472 : vector<16xf32>
        %add3A_1482 = arith.addf %add3A_1479, %mul3A_1481 : vector<16xf32>
        %reduce_sum3A_1483 = arith.constant true
        %reduce_sum3A_1484 = vector.broadcast %reduce_sum3A_1483 : i1 to vector<16xi1>
        %reduce_sum3A_1485 = tpu.scan <sum>, %add3A_1480 masked %reduce_sum3A_1484 : vector<16xf32>, vector<16xi1> -> vector<16xf32>
        %reduce_sum3A_1486 = vector.extract %reduce_sum3A_1485[15] : f32 from vector<16xf32>
        %reduce_sum3A_1487 = arith.constant true
        %reduce_sum3A_1488 = vector.broadcast %reduce_sum3A_1487 : i1 to vector<16xi1>
        %reduce_sum3A_1489 = tpu.scan <sum>, %add3A_1482 masked %reduce_sum3A_1488 : vector<16xf32>, vector<16xi1> -> vector<16xf32>
        %reduce_sum3A_1490 = vector.extract %reduce_sum3A_1489[15] : f32 from vector<16xf32>
        %mul3A_1491 = arith.constant 1.562500e-02 : f32
        %mul3A_1492 = arith.mulf %reduce_sum3A_1486, %mul3A_1491 : f32
        %mul3A_1493 = arith.constant 1.562500e-02 : f32
        %mul3A_1494 = arith.mulf %reduce_sum3A_1490, %mul3A_1493 : f32
        %mul3A_1495 = arith.mulf %mul3A_1492, %mul3A_1492 : f32
        %sub3A_1496 = arith.subf %mul3A_1494, %mul3A_1495 : f32
        %max3A_1497 = arith.constant 0.000000e+00 : f32
        %max3A_1498 = arith.maximumf %sub3A_1496, %max3A_1497 : f32
        %add3A_1499 = arith.constant 9.99999996E-13 : f32
        %add3A_1500 = arith.addf %max3A_1498, %add3A_1499 : f32
        %bitcast_convert_type3A_1501 = arith.bitcast %add3A_1500 : f32 to i32
        %shift_right_logical3A_1502 = arith.constant 1 : i32
        %shift_right_logical3A_1503 = arith.shrui %bitcast_convert_type3A_1501, %shift_right_logical3A_1502 : i32
        %sub3A_1504 = arith.constant 1597463007 : i32
        %sub3A_1505 = arith.subi %sub3A_1504, %shift_right_logical3A_1503 : i32
        %bitcast_convert_type3A_1506 = arith.bitcast %sub3A_1505 : i32 to f32
        %mul3A_1507 = arith.constant 5.000000e-01 : f32
        %mul3A_1508 = arith.mulf %add3A_1500, %mul3A_1507 : f32
        %mul3A_1509 = arith.mulf %mul3A_1508, %bitcast_convert_type3A_1506 : f32
        %mul3A_1510 = arith.mulf %mul3A_1509, %bitcast_convert_type3A_1506 : f32
        %sub3A_1511 = arith.constant 1.500000e+00 : f32
        %sub3A_1512 = arith.subf %sub3A_1511, %mul3A_1510 : f32
        %mul3A_1513 = arith.mulf %bitcast_convert_type3A_1506, %sub3A_1512 : f32
        %mul3A_1514 = arith.mulf %mul3A_1508, %mul3A_1513 : f32
        %mul3A_1515 = arith.mulf %mul3A_1514, %mul3A_1513 : f32
        %sub3A_1516 = arith.constant 1.500000e+00 : f32
        %sub3A_1517 = arith.subf %sub3A_1516, %mul3A_1515 : f32
        %mul3A_1518 = arith.mulf %mul3A_1513, %sub3A_1517 : f32
        %mul3A_1519 = arith.mulf %mul3A_1508, %mul3A_1518 : f32
        %mul3A_1520 = arith.mulf %mul3A_1519, %mul3A_1518 : f32
        %sub3A_1521 = arith.constant 1.500000e+00 : f32
        %sub3A_1522 = arith.subf %sub3A_1521, %mul3A_1520 : f32
        %mul3A_1523 = arith.mulf %mul3A_1518, %sub3A_1522 : f32
        %mul3A_1524 = arith.mulf %mul3A_1492, %mul3A_1523 : f32
        %mul3A_1525 = vector.broadcast %mul3A_1523 : f32 to vector<16xf32>
        %mul3A_1526 = arith.mulf %get3A_1463, %mul3A_1525 : vector<16xf32>
        %sub3A_1527 = vector.broadcast %mul3A_1524 : f32 to vector<16xf32>
        %sub3A_1528 = arith.subf %mul3A_1526, %sub3A_1527 : vector<16xf32>
        %mul3A_1529 = arith.mulf %sub3A_1528, %get3A_3 : vector<16xf32>
        %add3A_1530 = arith.addf %mul3A_1529, %get3A_11 : vector<16xf32>
        %swap3A_1531 = arith.index_cast %add3A_1460 : i32 to index
        %swap3A_1532 = arith.constant 0 : index
        %swap3A_1533 = tpu.vector_load %arg10[%swap3A_1531, %swap3A_1532] {strides = array<i32>} : memref<128x64xf32, #tpu.memory_space<vmem>>, vector<16xf32>,
        tpu.vector_store %arg10[%swap3A_1531, %swap3A_1532], %add3A_1530 {strides = array<i32>} : memref<128x64xf32, #tpu.memory_space<vmem>>, vector<16xf32>,
        %mul3A_1534 = vector.broadcast %mul3A_1523 : f32 to vector<16xf32>
        %mul3A_1535 = arith.mulf %get3A_1466, %mul3A_1534 : vector<16xf32>
        %sub3A_1536 = vector.broadcast %mul3A_1524 : f32 to vector<16xf32>
        %sub3A_1537 = arith.subf %mul3A_1535, %sub3A_1536 : vector<16xf32>
        %mul3A_1538 = arith.mulf %sub3A_1537, %get3A_5 : vector<16xf32>
        %add3A_1539 = arith.addf %mul3A_1538, %get3A_13 : vector<16xf32>
        %swap3A_1540 = arith.index_cast %add3A_1460 : i32 to index
        %swap3A_1541 = arith.constant 16 : index
        %swap3A_1542 = tpu.vector_load %arg10[%swap3A_1540, %swap3A_1541] {strides = array<i32>} : memref<128x64xf32, #tpu.memory_space<vmem>>, vector<16xf32>,
        tpu.vector_store %arg10[%swap3A_1540, %swap3A_1541], %add3A_1539 {strides = array<i32>} : memref<128x64xf32, #tpu.memory_space<vmem>>, vector<16xf32>,
        %mul3A_1543 = vector.broadcast %mul3A_1523 : f32 to vector<16xf32>
        %mul3A_1544 = arith.mulf %get3A_1469, %mul3A_1543 : vector<16xf32>
        %sub3A_1545 = vector.broadcast %mul3A_1524 : f32 to vector<16xf32>
        %sub3A_1546 = arith.subf %mul3A_1544, %sub3A_1545 : vector<16xf32>
        %mul3A_1547 = arith.mulf %sub3A_1546, %get3A_7 : vector<16xf32>
        %add3A_1548 = arith.addf %mul3A_1547, %get3A_15 : vector<16xf32>
        %swap3A_1549 = arith.index_cast %add3A_1460 : i32 to index
        %swap3A_1550 = arith.constant 32 : index
        %swap3A_1551 = tpu.vector_load %arg10[%swap3A_1549, %swap3A_1550] {strides = array<i32>} : memref<128x64xf32, #tpu.memory_space<vmem>>, vector<16xf32>,
        tpu.vector_store %arg10[%swap3A_1549, %swap3A_1550], %add3A_1548 {strides = array<i32>} : memref<128x64xf32, #tpu.memory_space<vmem>>, vector<16xf32>,
        %mul3A_1552 = vector.broadcast %mul3A_1523 : f32 to vector<16xf32>
        %mul3A_1553 = arith.mulf %get3A_1472, %mul3A_1552 : vector<16xf32>
        %sub3A_1554 = vector.broadcast %mul3A_1524 : f32 to vector<16xf32>
        %sub3A_1555 = arith.subf %mul3A_1553, %sub3A_1554 : vector<16xf32>
        %mul3A_1556 = arith.mulf %sub3A_1555, %get3A_9 : vector<16xf32>
        %add3A_1557 = arith.addf %mul3A_1556, %get3A_17 : vector<16xf32>
        %swap3A_1558 = arith.index_cast %add3A_1460 : i32 to index
        %swap3A_1559 = arith.constant 48 : index
        %swap3A_1560 = tpu.vector_load %arg10[%swap3A_1558, %swap3A_1559] {strides = array<i32>} : memref<128x64xf32, #tpu.memory_space<vmem>>, vector<16xf32>,
        tpu.vector_store %arg10[%swap3A_1558, %swap3A_1559], %add3A_1557 {strides = array<i32>} : memref<128x64xf32, #tpu.memory_space<vmem>>, vector<16xf32>,
        %mul3A_1561 = arith.constant 16 : i32
        %mul3A_1562 = arith.muli %scan3A_110, %mul3A_1561 : i32
        %add3A_1563 = arith.constant 14 : i32
        %add3A_1564 = arith.addi %mul3A_1562, %add3A_1563 : i32
        %get3A_1565 = arith.index_cast %add3A_1564 : i32 to index
        %get3A_1566 = arith.constant 0 : index
        %get3A_1567 = tpu.vector_load %arg8[%get3A_1565, %get3A_1566] {strides = array<i32>} : memref<128x64xf32, #tpu.memory_space<vmem>>, vector<16xf32>,
        %get3A_1568 = arith.index_cast %add3A_1564 : i32 to index
        %get3A_1569 = arith.constant 16 : index
        %get3A_1570 = tpu.vector_load %arg8[%get3A_1568, %get3A_1569] {strides = array<i32>} : memref<128x64xf32, #tpu.memory_space<vmem>>, vector<16xf32>,
        %get3A_1571 = arith.index_cast %add3A_1564 : i32 to index
        %get3A_1572 = arith.constant 32 : index
        %get3A_1573 = tpu.vector_load %arg8[%get3A_1571, %get3A_1572] {strides = array<i32>} : memref<128x64xf32, #tpu.memory_space<vmem>>, vector<16xf32>,
        %get3A_1574 = arith.index_cast %add3A_1564 : i32 to index
        %get3A_1575 = arith.constant 48 : index
        %get3A_1576 = tpu.vector_load %arg8[%get3A_1574, %get3A_1575] {strides = array<i32>} : memref<128x64xf32, #tpu.memory_space<vmem>>, vector<16xf32>,
        %mul3A_1577 = arith.mulf %get3A_1567, %get3A_1567 : vector<16xf32>
        %add3A_1578 = arith.addf %get3A_1567, %get3A_1570 : vector<16xf32>
        %mul3A_1579 = arith.mulf %get3A_1570, %get3A_1570 : vector<16xf32>
        %add3A_1580 = arith.addf %mul3A_1577, %mul3A_1579 : vector<16xf32>
        %add3A_1581 = arith.addf %add3A_1578, %get3A_1573 : vector<16xf32>
        %mul3A_1582 = arith.mulf %get3A_1573, %get3A_1573 : vector<16xf32>
        %add3A_1583 = arith.addf %add3A_1580, %mul3A_1582 : vector<16xf32>
        %add3A_1584 = arith.addf %add3A_1581, %get3A_1576 : vector<16xf32>
        %mul3A_1585 = arith.mulf %get3A_1576, %get3A_1576 : vector<16xf32>
        %add3A_1586 = arith.addf %add3A_1583, %mul3A_1585 : vector<16xf32>
        %reduce_sum3A_1587 = arith.constant true
        %reduce_sum3A_1588 = vector.broadcast %reduce_sum3A_1587 : i1 to vector<16xi1>
        %reduce_sum3A_1589 = tpu.scan <sum>, %add3A_1584 masked %reduce_sum3A_1588 : vector<16xf32>, vector<16xi1> -> vector<16xf32>
        %reduce_sum3A_1590 = vector.extract %reduce_sum3A_1589[15] : f32 from vector<16xf32>
        %reduce_sum3A_1591 = arith.constant true
        %reduce_sum3A_1592 = vector.broadcast %reduce_sum3A_1591 : i1 to vector<16xi1>
        %reduce_sum3A_1593 = tpu.scan <sum>, %add3A_1586 masked %reduce_sum3A_1592 : vector<16xf32>, vector<16xi1> -> vector<16xf32>
        %reduce_sum3A_1594 = vector.extract %reduce_sum3A_1593[15] : f32 from vector<16xf32>
        %mul3A_1595 = arith.constant 1.562500e-02 : f32
        %mul3A_1596 = arith.mulf %reduce_sum3A_1590, %mul3A_1595 : f32
        %mul3A_1597 = arith.constant 1.562500e-02 : f32
        %mul3A_1598 = arith.mulf %reduce_sum3A_1594, %mul3A_1597 : f32
        %mul3A_1599 = arith.mulf %mul3A_1596, %mul3A_1596 : f32
        %sub3A_1600 = arith.subf %mul3A_1598, %mul3A_1599 : f32
        %max3A_1601 = arith.constant 0.000000e+00 : f32
        %max3A_1602 = arith.maximumf %sub3A_1600, %max3A_1601 : f32
        %add3A_1603 = arith.constant 9.99999996E-13 : f32
        %add3A_1604 = arith.addf %max3A_1602, %add3A_1603 : f32
        %bitcast_convert_type3A_1605 = arith.bitcast %add3A_1604 : f32 to i32
        %shift_right_logical3A_1606 = arith.constant 1 : i32
        %shift_right_logical3A_1607 = arith.shrui %bitcast_convert_type3A_1605, %shift_right_logical3A_1606 : i32
        %sub3A_1608 = arith.constant 1597463007 : i32
        %sub3A_1609 = arith.subi %sub3A_1608, %shift_right_logical3A_1607 : i32
        %bitcast_convert_type3A_1610 = arith.bitcast %sub3A_1609 : i32 to f32
        %mul3A_1611 = arith.constant 5.000000e-01 : f32
        %mul3A_1612 = arith.mulf %add3A_1604, %mul3A_1611 : f32
        %mul3A_1613 = arith.mulf %mul3A_1612, %bitcast_convert_type3A_1610 : f32
        %mul3A_1614 = arith.mulf %mul3A_1613, %bitcast_convert_type3A_1610 : f32
        %sub3A_1615 = arith.constant 1.500000e+00 : f32
        %sub3A_1616 = arith.subf %sub3A_1615, %mul3A_1614 : f32
        %mul3A_1617 = arith.mulf %bitcast_convert_type3A_1610, %sub3A_1616 : f32
        %mul3A_1618 = arith.mulf %mul3A_1612, %mul3A_1617 : f32
        %mul3A_1619 = arith.mulf %mul3A_1618, %mul3A_1617 : f32
        %sub3A_1620 = arith.constant 1.500000e+00 : f32
        %sub3A_1621 = arith.subf %sub3A_1620, %mul3A_1619 : f32
        %mul3A_1622 = arith.mulf %mul3A_1617, %sub3A_1621 : f32
        %mul3A_1623 = arith.mulf %mul3A_1612, %mul3A_1622 : f32
        %mul3A_1624 = arith.mulf %mul3A_1623, %mul3A_1622 : f32
        %sub3A_1625 = arith.constant 1.500000e+00 : f32
        %sub3A_1626 = arith.subf %sub3A_1625, %mul3A_1624 : f32
        %mul3A_1627 = arith.mulf %mul3A_1622, %sub3A_1626 : f32
        %mul3A_1628 = arith.mulf %mul3A_1596, %mul3A_1627 : f32
        %mul3A_1629 = vector.broadcast %mul3A_1627 : f32 to vector<16xf32>
        %mul3A_1630 = arith.mulf %get3A_1567, %mul3A_1629 : vector<16xf32>
        %sub3A_1631 = vector.broadcast %mul3A_1628 : f32 to vector<16xf32>
        %sub3A_1632 = arith.subf %mul3A_1630, %sub3A_1631 : vector<16xf32>
        %mul3A_1633 = arith.mulf %sub3A_1632, %get3A_3 : vector<16xf32>
        %add3A_1634 = arith.addf %mul3A_1633, %get3A_11 : vector<16xf32>
        %swap3A_1635 = arith.index_cast %add3A_1564 : i32 to index
        %swap3A_1636 = arith.constant 0 : index
        %swap3A_1637 = tpu.vector_load %arg10[%swap3A_1635, %swap3A_1636] {strides = array<i32>} : memref<128x64xf32, #tpu.memory_space<vmem>>, vector<16xf32>,
        tpu.vector_store %arg10[%swap3A_1635, %swap3A_1636], %add3A_1634 {strides = array<i32>} : memref<128x64xf32, #tpu.memory_space<vmem>>, vector<16xf32>,
        %mul3A_1638 = vector.broadcast %mul3A_1627 : f32 to vector<16xf32>
        %mul3A_1639 = arith.mulf %get3A_1570, %mul3A_1638 : vector<16xf32>
        %sub3A_1640 = vector.broadcast %mul3A_1628 : f32 to vector<16xf32>
        %sub3A_1641 = arith.subf %mul3A_1639, %sub3A_1640 : vector<16xf32>
        %mul3A_1642 = arith.mulf %sub3A_1641, %get3A_5 : vector<16xf32>
        %add3A_1643 = arith.addf %mul3A_1642, %get3A_13 : vector<16xf32>
        %swap3A_1644 = arith.index_cast %add3A_1564 : i32 to index
        %swap3A_1645 = arith.constant 16 : index
        %swap3A_1646 = tpu.vector_load %arg10[%swap3A_1644, %swap3A_1645] {strides = array<i32>} : memref<128x64xf32, #tpu.memory_space<vmem>>, vector<16xf32>,
        tpu.vector_store %arg10[%swap3A_1644, %swap3A_1645], %add3A_1643 {strides = array<i32>} : memref<128x64xf32, #tpu.memory_space<vmem>>, vector<16xf32>,
        %mul3A_1647 = vector.broadcast %mul3A_1627 : f32 to vector<16xf32>
        %mul3A_1648 = arith.mulf %get3A_1573, %mul3A_1647 : vector<16xf32>
        %sub3A_1649 = vector.broadcast %mul3A_1628 : f32 to vector<16xf32>
        %sub3A_1650 = arith.subf %mul3A_1648, %sub3A_1649 : vector<16xf32>
        %mul3A_1651 = arith.mulf %sub3A_1650, %get3A_7 : vector<16xf32>
        %add3A_1652 = arith.addf %mul3A_1651, %get3A_15 : vector<16xf32>
        %swap3A_1653 = arith.index_cast %add3A_1564 : i32 to index
        %swap3A_1654 = arith.constant 32 : index
        %swap3A_1655 = tpu.vector_load %arg10[%swap3A_1653, %swap3A_1654] {strides = array<i32>} : memref<128x64xf32, #tpu.memory_space<vmem>>, vector<16xf32>,
        tpu.vector_store %arg10[%swap3A_1653, %swap3A_1654], %add3A_1652 {strides = array<i32>} : memref<128x64xf32, #tpu.memory_space<vmem>>, vector<16xf32>,
        %mul3A_1656 = vector.broadcast %mul3A_1627 : f32 to vector<16xf32>
        %mul3A_1657 = arith.mulf %get3A_1576, %mul3A_1656 : vector<16xf32>
        %sub3A_1658 = vector.broadcast %mul3A_1628 : f32 to vector<16xf32>
        %sub3A_1659 = arith.subf %mul3A_1657, %sub3A_1658 : vector<16xf32>
        %mul3A_1660 = arith.mulf %sub3A_1659, %get3A_9 : vector<16xf32>
        %add3A_1661 = arith.addf %mul3A_1660, %get3A_17 : vector<16xf32>
        %swap3A_1662 = arith.index_cast %add3A_1564 : i32 to index
        %swap3A_1663 = arith.constant 48 : index
        %swap3A_1664 = tpu.vector_load %arg10[%swap3A_1662, %swap3A_1663] {strides = array<i32>} : memref<128x64xf32, #tpu.memory_space<vmem>>, vector<16xf32>,
        tpu.vector_store %arg10[%swap3A_1662, %swap3A_1663], %add3A_1661 {strides = array<i32>} : memref<128x64xf32, #tpu.memory_space<vmem>>, vector<16xf32>,
        %mul3A_1665 = arith.constant 16 : i32
        %mul3A_1666 = arith.muli %scan3A_110, %mul3A_1665 : i32
        %add3A_1667 = arith.constant 15 : i32
        %add3A_1668 = arith.addi %mul3A_1666, %add3A_1667 : i32
        %get3A_1669 = arith.index_cast %add3A_1668 : i32 to index
        %get3A_1670 = arith.constant 0 : index
        %get3A_1671 = tpu.vector_load %arg8[%get3A_1669, %get3A_1670] {strides = array<i32>} : memref<128x64xf32, #tpu.memory_space<vmem>>, vector<16xf32>,
        %get3A_1672 = arith.index_cast %add3A_1668 : i32 to index
        %get3A_1673 = arith.constant 16 : index
        %get3A_1674 = tpu.vector_load %arg8[%get3A_1672, %get3A_1673] {strides = array<i32>} : memref<128x64xf32, #tpu.memory_space<vmem>>, vector<16xf32>,
        %get3A_1675 = arith.index_cast %add3A_1668 : i32 to index
        %get3A_1676 = arith.constant 32 : index
        %get3A_1677 = tpu.vector_load %arg8[%get3A_1675, %get3A_1676] {strides = array<i32>} : memref<128x64xf32, #tpu.memory_space<vmem>>, vector<16xf32>,
        %get3A_1678 = arith.index_cast %add3A_1668 : i32 to index
        %get3A_1679 = arith.constant 48 : index
        %get3A_1680 = tpu.vector_load %arg8[%get3A_1678, %get3A_1679] {strides = array<i32>} : memref<128x64xf32, #tpu.memory_space<vmem>>, vector<16xf32>,
        %mul3A_1681 = arith.mulf %get3A_1671, %get3A_1671 : vector<16xf32>
        %add3A_1682 = arith.addf %get3A_1671, %get3A_1674 : vector<16xf32>
        %mul3A_1683 = arith.mulf %get3A_1674, %get3A_1674 : vector<16xf32>
        %add3A_1684 = arith.addf %mul3A_1681, %mul3A_1683 : vector<16xf32>
        %add3A_1685 = arith.addf %add3A_1682, %get3A_1677 : vector<16xf32>
        %mul3A_1686 = arith.mulf %get3A_1677, %get3A_1677 : vector<16xf32>
        %add3A_1687 = arith.addf %add3A_1684, %mul3A_1686 : vector<16xf32>
        %add3A_1688 = arith.addf %add3A_1685, %get3A_1680 : vector<16xf32>
        %mul3A_1689 = arith.mulf %get3A_1680, %get3A_1680 : vector<16xf32>
        %add3A_1690 = arith.addf %add3A_1687, %mul3A_1689 : vector<16xf32>
        %reduce_sum3A_1691 = arith.constant true
        %reduce_sum3A_1692 = vector.broadcast %reduce_sum3A_1691 : i1 to vector<16xi1>
        %reduce_sum3A_1693 = tpu.scan <sum>, %add3A_1688 masked %reduce_sum3A_1692 : vector<16xf32>, vector<16xi1> -> vector<16xf32>
        %reduce_sum3A_1694 = vector.extract %reduce_sum3A_1693[15] : f32 from vector<16xf32>
        %reduce_sum3A_1695 = arith.constant true
        %reduce_sum3A_1696 = vector.broadcast %reduce_sum3A_1695 : i1 to vector<16xi1>
        %reduce_sum3A_1697 = tpu.scan <sum>, %add3A_1690 masked %reduce_sum3A_1696 : vector<16xf32>, vector<16xi1> -> vector<16xf32>
        %reduce_sum3A_1698 = vector.extract %reduce_sum3A_1697[15] : f32 from vector<16xf32>
        %mul3A_1699 = arith.constant 1.562500e-02 : f32
        %mul3A_1700 = arith.mulf %reduce_sum3A_1694, %mul3A_1699 : f32
        %mul3A_1701 = arith.constant 1.562500e-02 : f32
        %mul3A_1702 = arith.mulf %reduce_sum3A_1698, %mul3A_1701 : f32
        %mul3A_1703 = arith.mulf %mul3A_1700, %mul3A_1700 : f32
        %sub3A_1704 = arith.subf %mul3A_1702, %mul3A_1703 : f32
        %max3A_1705 = arith.constant 0.000000e+00 : f32
        %max3A_1706 = arith.maximumf %sub3A_1704, %max3A_1705 : f32
        %add3A_1707 = arith.constant 9.99999996E-13 : f32
        %add3A_1708 = arith.addf %max3A_1706, %add3A_1707 : f32
        %bitcast_convert_type3A_1709 = arith.bitcast %add3A_1708 : f32 to i32
        %shift_right_logical3A_1710 = arith.constant 1 : i32
        %shift_right_logical3A_1711 = arith.shrui %bitcast_convert_type3A_1709, %shift_right_logical3A_1710 : i32
        %sub3A_1712 = arith.constant 1597463007 : i32
        %sub3A_1713 = arith.subi %sub3A_1712, %shift_right_logical3A_1711 : i32
        %bitcast_convert_type3A_1714 = arith.bitcast %sub3A_1713 : i32 to f32
        %mul3A_1715 = arith.constant 5.000000e-01 : f32
        %mul3A_1716 = arith.mulf %add3A_1708, %mul3A_1715 : f32
        %mul3A_1717 = arith.mulf %mul3A_1716, %bitcast_convert_type3A_1714 : f32
        %mul3A_1718 = arith.mulf %mul3A_1717, %bitcast_convert_type3A_1714 : f32
        %sub3A_1719 = arith.constant 1.500000e+00 : f32
        %sub3A_1720 = arith.subf %sub3A_1719, %mul3A_1718 : f32
        %mul3A_1721 = arith.mulf %bitcast_convert_type3A_1714, %sub3A_1720 : f32
        %mul3A_1722 = arith.mulf %mul3A_1716, %mul3A_1721 : f32
        %mul3A_1723 = arith.mulf %mul3A_1722, %mul3A_1721 : f32
        %sub3A_1724 = arith.constant 1.500000e+00 : f32
        %sub3A_1725 = arith.subf %sub3A_1724, %mul3A_1723 : f32
        %mul3A_1726 = arith.mulf %mul3A_1721, %sub3A_1725 : f32
        %mul3A_1727 = arith.mulf %mul3A_1716, %mul3A_1726 : f32
        %mul3A_1728 = arith.mulf %mul3A_1727, %mul3A_1726 : f32
        %sub3A_1729 = arith.constant 1.500000e+00 : f32
        %sub3A_1730 = arith.subf %sub3A_1729, %mul3A_1728 : f32
        %mul3A_1731 = arith.mulf %mul3A_1726, %sub3A_1730 : f32
        %mul3A_1732 = arith.mulf %mul3A_1700, %mul3A_1731 : f32
        %mul3A_1733 = vector.broadcast %mul3A_1731 : f32 to vector<16xf32>
        %mul3A_1734 = arith.mulf %get3A_1671, %mul3A_1733 : vector<16xf32>
        %sub3A_1735 = vector.broadcast %mul3A_1732 : f32 to vector<16xf32>
        %sub3A_1736 = arith.subf %mul3A_1734, %sub3A_1735 : vector<16xf32>
        %mul3A_1737 = arith.mulf %sub3A_1736, %get3A_3 : vector<16xf32>
        %add3A_1738 = arith.addf %mul3A_1737, %get3A_11 : vector<16xf32>
        %swap3A_1739 = arith.index_cast %add3A_1668 : i32 to index
        %swap3A_1740 = arith.constant 0 : index
        %swap3A_1741 = tpu.vector_load %arg10[%swap3A_1739, %swap3A_1740] {strides = array<i32>} : memref<128x64xf32, #tpu.memory_space<vmem>>, vector<16xf32>,
        tpu.vector_store %arg10[%swap3A_1739, %swap3A_1740], %add3A_1738 {strides = array<i32>} : memref<128x64xf32, #tpu.memory_space<vmem>>, vector<16xf32>,
        %mul3A_1742 = vector.broadcast %mul3A_1731 : f32 to vector<16xf32>
        %mul3A_1743 = arith.mulf %get3A_1674, %mul3A_1742 : vector<16xf32>
        %sub3A_1744 = vector.broadcast %mul3A_1732 : f32 to vector<16xf32>
        %sub3A_1745 = arith.subf %mul3A_1743, %sub3A_1744 : vector<16xf32>
        %mul3A_1746 = arith.mulf %sub3A_1745, %get3A_5 : vector<16xf32>
        %add3A_1747 = arith.addf %mul3A_1746, %get3A_13 : vector<16xf32>
        %swap3A_1748 = arith.index_cast %add3A_1668 : i32 to index
        %swap3A_1749 = arith.constant 16 : index
        %swap3A_1750 = tpu.vector_load %arg10[%swap3A_1748, %swap3A_1749] {strides = array<i32>} : memref<128x64xf32, #tpu.memory_space<vmem>>, vector<16xf32>,
        tpu.vector_store %arg10[%swap3A_1748, %swap3A_1749], %add3A_1747 {strides = array<i32>} : memref<128x64xf32, #tpu.memory_space<vmem>>, vector<16xf32>,
        %mul3A_1751 = vector.broadcast %mul3A_1731 : f32 to vector<16xf32>
        %mul3A_1752 = arith.mulf %get3A_1677, %mul3A_1751 : vector<16xf32>
        %sub3A_1753 = vector.broadcast %mul3A_1732 : f32 to vector<16xf32>
        %sub3A_1754 = arith.subf %mul3A_1752, %sub3A_1753 : vector<16xf32>
        %mul3A_1755 = arith.mulf %sub3A_1754, %get3A_7 : vector<16xf32>
        %add3A_1756 = arith.addf %mul3A_1755, %get3A_15 : vector<16xf32>
        %swap3A_1757 = arith.index_cast %add3A_1668 : i32 to index
        %swap3A_1758 = arith.constant 32 : index
        %swap3A_1759 = tpu.vector_load %arg10[%swap3A_1757, %swap3A_1758] {strides = array<i32>} : memref<128x64xf32, #tpu.memory_space<vmem>>, vector<16xf32>,
        tpu.vector_store %arg10[%swap3A_1757, %swap3A_1758], %add3A_1756 {strides = array<i32>} : memref<128x64xf32, #tpu.memory_space<vmem>>, vector<16xf32>,
        %mul3A_1760 = vector.broadcast %mul3A_1731 : f32 to vector<16xf32>
        %mul3A_1761 = arith.mulf %get3A_1680, %mul3A_1760 : vector<16xf32>
        %sub3A_1762 = vector.broadcast %mul3A_1732 : f32 to vector<16xf32>
        %sub3A_1763 = arith.subf %mul3A_1761, %sub3A_1762 : vector<16xf32>
        %mul3A_1764 = arith.mulf %sub3A_1763, %get3A_9 : vector<16xf32>
        %add3A_1765 = arith.addf %mul3A_1764, %get3A_17 : vector<16xf32>
        %swap3A_1766 = arith.index_cast %add3A_1668 : i32 to index
        %swap3A_1767 = arith.constant 48 : index
        %swap3A_1768 = tpu.vector_load %arg10[%swap3A_1766, %swap3A_1767] {strides = array<i32>} : memref<128x64xf32, #tpu.memory_space<vmem>>, vector<16xf32>,
        tpu.vector_store %arg10[%swap3A_1766, %swap3A_1767], %add3A_1765 {strides = array<i32>} : memref<128x64xf32, #tpu.memory_space<vmem>>, vector<16xf32>,
      }
      %scan3A_61 = arith.constant 8 : i32
      %mul3A_62 = arith.constant 128 : i32
      %mul3A_63 = arith.muli %add3A_47, %mul3A_62 : i32
      %add3A_64 = arith.addi %mul3A_2, %mul3A_63 : i32
      %dma_start3A_65 = arith.constant 0 : i32
      %dma_start3A_66 = tpu.memref_slice %arg6[%add3A_64, %dma_start3A_65] : memref<819200x64xf32, #tpu.memory_space<hbm>> -> memref<128x64xf32, #tpu.memory_space<hbm>>
      %dma_start3A_67 = arith.constant 0 : i32
      %dma_start3A_68 = tpu.memref_slice %arg6[%add3A_64, %dma_start3A_67] : memref<819200x64xf32, #tpu.memory_space<hbm>> -> memref<128x64xf32, #tpu.memory_space<hbm>>
      tpu.enqueue_dma source(%arg10 : memref<128x64xf32, #tpu.memory_space<vmem>>) target(%dma_start3A_68 : memref<128x64xf32, #tpu.memory_space<hbm>>) target_semaphore(%arg15 : memref<!tpu.dma_semaphore, #tpu.memory_space<semaphore_mem>>)
      %add3A_69 = arith.constant 2 : i32
      %add3A_70 = arith.addi %add3A_47, %add3A_69 : i32
      %lt3A = arith.constant 200 : i32
      %lt3A_71 = arith.cmpi slt, %add3A_70, %lt3A : i32
      %convert_element_type3A_72 = arith.extui %lt3A_71 : i1 to i32
      %cond3A_73 = arith.constant 0 : i32
      %cond3A_74 = arith.cmpi ne, %convert_element_type3A_72, %cond3A_73 : i32
      scf.if %cond3A_74 {
        %add3A_110 = arith.constant 2 : i32
        %add3A_111 = arith.addi %add3A_47, %add3A_110 : i32
        %dma_start3A_112 = arith.constant 0 : i32
        %dma_start3A_113 = tpu.memref_slice %arg7[%add3A_111, %dma_start3A_112] : memref<200x128xi32, #tpu.memory_space<vmem>> -> memref<1x128xi32, #tpu.memory_space<vmem>>
        %dma_start3A_114 = tpu.memref_squeeze %dma_start3A_113 : memref<1x128xi32, #tpu.memory_space<vmem>> -> memref<128xi32, #tpu.memory_space<vmem>>
        %dma_start3A_115 = arith.constant 0 : i32
        %dma_start3A_116 = arith.constant 0 : i32
        %dma_start3A_117 = tpu.memref_slice %arg3[%dma_start3A_115, %dma_start3A_116] : memref<1000000x64xf32, #tpu.memory_space<hbm>> -> memref<1000000x64xf32, #tpu.memory_space<hbm>>
        tpu.enqueue_indirect_dma source(%dma_start3A_117 : memref<1000000x64xf32, #tpu.memory_space<hbm>>) target(%arg8 : memref<128x64xf32, #tpu.memory_space<vmem>>) offsets(%dma_start3A_114 : memref<128xi32, #tpu.memory_space<vmem>>) semaphore(%arg13 : memref<!tpu.dma_semaphore, #tpu.memory_space<semaphore_mem>>)
      } else {
      }
      %mul3A_75 = arith.constant 2 : i32
      %mul3A_76 = arith.muli %scan3A_43, %mul3A_75 : i32
      %add3A_77 = arith.constant 1 : i32
      %add3A_78 = arith.addi %mul3A_76, %add3A_77 : i32
      %dma_wait3A_79 = arith.constant 0 : i32
      %dma_wait3A_80 = tpu.memref_slice %arg7[%add3A_78, %dma_wait3A_79] : memref<200x128xi32, #tpu.memory_space<vmem>> -> memref<1x128xi32, #tpu.memory_space<vmem>>
      %dma_wait3A_81 = tpu.memref_squeeze %dma_wait3A_80 : memref<1x128xi32, #tpu.memory_space<vmem>> -> memref<128xi32, #tpu.memory_space<vmem>>
      %dma_wait3A_82 = arith.constant 0 : i32
      %dma_wait3A_83 = arith.constant 0 : i32
      %dma_wait3A_84 = tpu.memref_slice %arg3[%dma_wait3A_82, %dma_wait3A_83] : memref<1000000x64xf32, #tpu.memory_space<hbm>> -> memref<1000000x64xf32, #tpu.memory_space<hbm>>
      tpu.wait_indirect_dma semaphore(%arg14 : memref<!tpu.dma_semaphore, #tpu.memory_space<semaphore_mem>>) src(%dma_wait3A_84 : memref<1000000x64xf32, #tpu.memory_space<hbm>>) dst(%arg9 : memref<128x64xf32, #tpu.memory_space<vmem>>)
      %ge3A_85 = arith.constant 2 : i32
      %ge3A_86 = arith.cmpi sge, %add3A_78, %ge3A_85 : i32
      %convert_element_type3A_87 = arith.extui %ge3A_86 : i1 to i32
      %cond3A_88 = arith.constant 0 : i32
      %cond3A_89 = arith.cmpi ne, %convert_element_type3A_87, %cond3A_88 : i32
      scf.if %cond3A_89 {
        %dma_wait3A_110 = arith.constant 0 : i32
        %dma_wait3A_111 = tpu.memref_slice %arg6[%mul3A_2, %dma_wait3A_110] : memref<819200x64xf32, #tpu.memory_space<hbm>> -> memref<128x64xf32, #tpu.memory_space<hbm>>
        %dma_wait3A_112 = arith.constant 0 : i32
        %dma_wait3A_113 = tpu.memref_slice %arg6[%mul3A_2, %dma_wait3A_112] : memref<819200x64xf32, #tpu.memory_space<hbm>> -> memref<128x64xf32, #tpu.memory_space<hbm>>
        tpu.wait_dma2 semaphore(%arg16 : memref<!tpu.dma_semaphore, #tpu.memory_space<semaphore_mem>>) src(%arg11 : memref<128x64xf32, #tpu.memory_space<vmem>>) dst(%dma_wait3A_113 : memref<128x64xf32, #tpu.memory_space<hbm>>)
      } else {
      }
      %scan3A_90 = arith.constant 0 : i32
      %scan3A_91 = arith.constant 0 : i32
      %scan3A_92 = arith.constant 8 : i32
      %scan3A_93 = arith.addi %scan3A_91, %scan3A_92 : i32
      %scan3A_94 = arith.constant 1 : i32
      scf.for %scan3A_110 = %scan3A_91 to %scan3A_93 step %scan3A_94  : i32 {
        %mul3A_111 = arith.constant 16 : i32
        %mul3A_112 = arith.muli %scan3A_110, %mul3A_111 : i32
        %add3A_113 = arith.constant 0 : i32
        %add3A_114 = arith.addi %mul3A_112, %add3A_113 : i32
        %get3A_115 = arith.index_cast %add3A_114 : i32 to index
        %get3A_116 = arith.constant 0 : index
        %get3A_117 = tpu.vector_load %arg9[%get3A_115, %get3A_116] {strides = array<i32>} : memref<128x64xf32, #tpu.memory_space<vmem>>, vector<16xf32>,
        %get3A_118 = arith.index_cast %add3A_114 : i32 to index
        %get3A_119 = arith.constant 16 : index
        %get3A_120 = tpu.vector_load %arg9[%get3A_118, %get3A_119] {strides = array<i32>} : memref<128x64xf32, #tpu.memory_space<vmem>>, vector<16xf32>,
        %get3A_121 = arith.index_cast %add3A_114 : i32 to index
        %get3A_122 = arith.constant 32 : index
        %get3A_123 = tpu.vector_load %arg9[%get3A_121, %get3A_122] {strides = array<i32>} : memref<128x64xf32, #tpu.memory_space<vmem>>, vector<16xf32>,
        %get3A_124 = arith.index_cast %add3A_114 : i32 to index
        %get3A_125 = arith.constant 48 : index
        %get3A_126 = tpu.vector_load %arg9[%get3A_124, %get3A_125] {strides = array<i32>} : memref<128x64xf32, #tpu.memory_space<vmem>>, vector<16xf32>,
        %mul3A_127 = arith.mulf %get3A_117, %get3A_117 : vector<16xf32>
        %add3A_128 = arith.addf %get3A_117, %get3A_120 : vector<16xf32>
        %mul3A_129 = arith.mulf %get3A_120, %get3A_120 : vector<16xf32>
        %add3A_130 = arith.addf %mul3A_127, %mul3A_129 : vector<16xf32>
        %add3A_131 = arith.addf %add3A_128, %get3A_123 : vector<16xf32>
        %mul3A_132 = arith.mulf %get3A_123, %get3A_123 : vector<16xf32>
        %add3A_133 = arith.addf %add3A_130, %mul3A_132 : vector<16xf32>
        %add3A_134 = arith.addf %add3A_131, %get3A_126 : vector<16xf32>
        %mul3A_135 = arith.mulf %get3A_126, %get3A_126 : vector<16xf32>
        %add3A_136 = arith.addf %add3A_133, %mul3A_135 : vector<16xf32>
        %reduce_sum3A = arith.constant true
        %reduce_sum3A_137 = vector.broadcast %reduce_sum3A : i1 to vector<16xi1>
        %reduce_sum3A_138 = tpu.scan <sum>, %add3A_134 masked %reduce_sum3A_137 : vector<16xf32>, vector<16xi1> -> vector<16xf32>
        %reduce_sum3A_139 = vector.extract %reduce_sum3A_138[15] : f32 from vector<16xf32>
        %reduce_sum3A_140 = arith.constant true
        %reduce_sum3A_141 = vector.broadcast %reduce_sum3A_140 : i1 to vector<16xi1>
        %reduce_sum3A_142 = tpu.scan <sum>, %add3A_136 masked %reduce_sum3A_141 : vector<16xf32>, vector<16xi1> -> vector<16xf32>
        %reduce_sum3A_143 = vector.extract %reduce_sum3A_142[15] : f32 from vector<16xf32>
        %mul3A_144 = arith.constant 1.562500e-02 : f32
        %mul3A_145 = arith.mulf %reduce_sum3A_139, %mul3A_144 : f32
        %mul3A_146 = arith.constant 1.562500e-02 : f32
        %mul3A_147 = arith.mulf %reduce_sum3A_143, %mul3A_146 : f32
        %mul3A_148 = arith.mulf %mul3A_145, %mul3A_145 : f32
        %sub3A = arith.subf %mul3A_147, %mul3A_148 : f32
        %max3A = arith.constant 0.000000e+00 : f32
        %max3A_149 = arith.maximumf %sub3A, %max3A : f32
        %add3A_150 = arith.constant 9.99999996E-13 : f32
        %add3A_151 = arith.addf %max3A_149, %add3A_150 : f32
        %bitcast_convert_type3A = arith.bitcast %add3A_151 : f32 to i32
        %shift_right_logical3A = arith.constant 1 : i32
        %shift_right_logical3A_152 = arith.shrui %bitcast_convert_type3A, %shift_right_logical3A : i32
        %sub3A_153 = arith.constant 1597463007 : i32
        %sub3A_154 = arith.subi %sub3A_153, %shift_right_logical3A_152 : i32
        %bitcast_convert_type3A_155 = arith.bitcast %sub3A_154 : i32 to f32
        %mul3A_156 = arith.constant 5.000000e-01 : f32
        %mul3A_157 = arith.mulf %add3A_151, %mul3A_156 : f32
        %mul3A_158 = arith.mulf %mul3A_157, %bitcast_convert_type3A_155 : f32
        %mul3A_159 = arith.mulf %mul3A_158, %bitcast_convert_type3A_155 : f32
        %sub3A_160 = arith.constant 1.500000e+00 : f32
        %sub3A_161 = arith.subf %sub3A_160, %mul3A_159 : f32
        %mul3A_162 = arith.mulf %bitcast_convert_type3A_155, %sub3A_161 : f32
        %mul3A_163 = arith.mulf %mul3A_157, %mul3A_162 : f32
        %mul3A_164 = arith.mulf %mul3A_163, %mul3A_162 : f32
        %sub3A_165 = arith.constant 1.500000e+00 : f32
        %sub3A_166 = arith.subf %sub3A_165, %mul3A_164 : f32
        %mul3A_167 = arith.mulf %mul3A_162, %sub3A_166 : f32
        %mul3A_168 = arith.mulf %mul3A_157, %mul3A_167 : f32
        %mul3A_169 = arith.mulf %mul3A_168, %mul3A_167 : f32
        %sub3A_170 = arith.constant 1.500000e+00 : f32
        %sub3A_171 = arith.subf %sub3A_170, %mul3A_169 : f32
        %mul3A_172 = arith.mulf %mul3A_167, %sub3A_171 : f32
        %mul3A_173 = arith.mulf %mul3A_145, %mul3A_172 : f32
        %mul3A_174 = vector.broadcast %mul3A_172 : f32 to vector<16xf32>
        %mul3A_175 = arith.mulf %get3A_117, %mul3A_174 : vector<16xf32>
        %sub3A_176 = vector.broadcast %mul3A_173 : f32 to vector<16xf32>
        %sub3A_177 = arith.subf %mul3A_175, %sub3A_176 : vector<16xf32>
        %mul3A_178 = arith.mulf %sub3A_177, %get3A_3 : vector<16xf32>
        %add3A_179 = arith.addf %mul3A_178, %get3A_11 : vector<16xf32>
        %swap3A = arith.index_cast %add3A_114 : i32 to index
        %swap3A_180 = arith.constant 0 : index
        %swap3A_181 = tpu.vector_load %arg11[%swap3A, %swap3A_180] {strides = array<i32>} : memref<128x64xf32, #tpu.memory_space<vmem>>, vector<16xf32>,
        tpu.vector_store %arg11[%swap3A, %swap3A_180], %add3A_179 {strides = array<i32>} : memref<128x64xf32, #tpu.memory_space<vmem>>, vector<16xf32>,
        %mul3A_182 = vector.broadcast %mul3A_172 : f32 to vector<16xf32>
        %mul3A_183 = arith.mulf %get3A_120, %mul3A_182 : vector<16xf32>
        %sub3A_184 = vector.broadcast %mul3A_173 : f32 to vector<16xf32>
        %sub3A_185 = arith.subf %mul3A_183, %sub3A_184 : vector<16xf32>
        %mul3A_186 = arith.mulf %sub3A_185, %get3A_5 : vector<16xf32>
        %add3A_187 = arith.addf %mul3A_186, %get3A_13 : vector<16xf32>
        %swap3A_188 = arith.index_cast %add3A_114 : i32 to index
        %swap3A_189 = arith.constant 16 : index
        %swap3A_190 = tpu.vector_load %arg11[%swap3A_188, %swap3A_189] {strides = array<i32>} : memref<128x64xf32, #tpu.memory_space<vmem>>, vector<16xf32>,
        tpu.vector_store %arg11[%swap3A_188, %swap3A_189], %add3A_187 {strides = array<i32>} : memref<128x64xf32, #tpu.memory_space<vmem>>, vector<16xf32>,
        %mul3A_191 = vector.broadcast %mul3A_172 : f32 to vector<16xf32>
        %mul3A_192 = arith.mulf %get3A_123, %mul3A_191 : vector<16xf32>
        %sub3A_193 = vector.broadcast %mul3A_173 : f32 to vector<16xf32>
        %sub3A_194 = arith.subf %mul3A_192, %sub3A_193 : vector<16xf32>
        %mul3A_195 = arith.mulf %sub3A_194, %get3A_7 : vector<16xf32>
        %add3A_196 = arith.addf %mul3A_195, %get3A_15 : vector<16xf32>
        %swap3A_197 = arith.index_cast %add3A_114 : i32 to index
        %swap3A_198 = arith.constant 32 : index
        %swap3A_199 = tpu.vector_load %arg11[%swap3A_197, %swap3A_198] {strides = array<i32>} : memref<128x64xf32, #tpu.memory_space<vmem>>, vector<16xf32>,
        tpu.vector_store %arg11[%swap3A_197, %swap3A_198], %add3A_196 {strides = array<i32>} : memref<128x64xf32, #tpu.memory_space<vmem>>, vector<16xf32>,
        %mul3A_200 = vector.broadcast %mul3A_172 : f32 to vector<16xf32>
        %mul3A_201 = arith.mulf %get3A_126, %mul3A_200 : vector<16xf32>
        %sub3A_202 = vector.broadcast %mul3A_173 : f32 to vector<16xf32>
        %sub3A_203 = arith.subf %mul3A_201, %sub3A_202 : vector<16xf32>
        %mul3A_204 = arith.mulf %sub3A_203, %get3A_9 : vector<16xf32>
        %add3A_205 = arith.addf %mul3A_204, %get3A_17 : vector<16xf32>
        %swap3A_206 = arith.index_cast %add3A_114 : i32 to index
        %swap3A_207 = arith.constant 48 : index
        %swap3A_208 = tpu.vector_load %arg11[%swap3A_206, %swap3A_207] {strides = array<i32>} : memref<128x64xf32, #tpu.memory_space<vmem>>, vector<16xf32>,
        tpu.vector_store %arg11[%swap3A_206, %swap3A_207], %add3A_205 {strides = array<i32>} : memref<128x64xf32, #tpu.memory_space<vmem>>, vector<16xf32>,
        %mul3A_209 = arith.constant 16 : i32
        %mul3A_210 = arith.muli %scan3A_110, %mul3A_209 : i32
        %add3A_211 = arith.constant 1 : i32
        %add3A_212 = arith.addi %mul3A_210, %add3A_211 : i32
        %get3A_213 = arith.index_cast %add3A_212 : i32 to index
        %get3A_214 = arith.constant 0 : index
        %get3A_215 = tpu.vector_load %arg9[%get3A_213, %get3A_214] {strides = array<i32>} : memref<128x64xf32, #tpu.memory_space<vmem>>, vector<16xf32>,
        %get3A_216 = arith.index_cast %add3A_212 : i32 to index
        %get3A_217 = arith.constant 16 : index
        %get3A_218 = tpu.vector_load %arg9[%get3A_216, %get3A_217] {strides = array<i32>} : memref<128x64xf32, #tpu.memory_space<vmem>>, vector<16xf32>,
        %get3A_219 = arith.index_cast %add3A_212 : i32 to index
        %get3A_220 = arith.constant 32 : index
        %get3A_221 = tpu.vector_load %arg9[%get3A_219, %get3A_220] {strides = array<i32>} : memref<128x64xf32, #tpu.memory_space<vmem>>, vector<16xf32>,
        %get3A_222 = arith.index_cast %add3A_212 : i32 to index
        %get3A_223 = arith.constant 48 : index
        %get3A_224 = tpu.vector_load %arg9[%get3A_222, %get3A_223] {strides = array<i32>} : memref<128x64xf32, #tpu.memory_space<vmem>>, vector<16xf32>,
        %mul3A_225 = arith.mulf %get3A_215, %get3A_215 : vector<16xf32>
        %add3A_226 = arith.addf %get3A_215, %get3A_218 : vector<16xf32>
        %mul3A_227 = arith.mulf %get3A_218, %get3A_218 : vector<16xf32>
        %add3A_228 = arith.addf %mul3A_225, %mul3A_227 : vector<16xf32>
        %add3A_229 = arith.addf %add3A_226, %get3A_221 : vector<16xf32>
        %mul3A_230 = arith.mulf %get3A_221, %get3A_221 : vector<16xf32>
        %add3A_231 = arith.addf %add3A_228, %mul3A_230 : vector<16xf32>
        %add3A_232 = arith.addf %add3A_229, %get3A_224 : vector<16xf32>
        %mul3A_233 = arith.mulf %get3A_224, %get3A_224 : vector<16xf32>
        %add3A_234 = arith.addf %add3A_231, %mul3A_233 : vector<16xf32>
        %reduce_sum3A_235 = arith.constant true
        %reduce_sum3A_236 = vector.broadcast %reduce_sum3A_235 : i1 to vector<16xi1>
        %reduce_sum3A_237 = tpu.scan <sum>, %add3A_232 masked %reduce_sum3A_236 : vector<16xf32>, vector<16xi1> -> vector<16xf32>
        %reduce_sum3A_238 = vector.extract %reduce_sum3A_237[15] : f32 from vector<16xf32>
        %reduce_sum3A_239 = arith.constant true
        %reduce_sum3A_240 = vector.broadcast %reduce_sum3A_239 : i1 to vector<16xi1>
        %reduce_sum3A_241 = tpu.scan <sum>, %add3A_234 masked %reduce_sum3A_240 : vector<16xf32>, vector<16xi1> -> vector<16xf32>
        %reduce_sum3A_242 = vector.extract %reduce_sum3A_241[15] : f32 from vector<16xf32>
        %mul3A_243 = arith.constant 1.562500e-02 : f32
        %mul3A_244 = arith.mulf %reduce_sum3A_238, %mul3A_243 : f32
        %mul3A_245 = arith.constant 1.562500e-02 : f32
        %mul3A_246 = arith.mulf %reduce_sum3A_242, %mul3A_245 : f32
        %mul3A_247 = arith.mulf %mul3A_244, %mul3A_244 : f32
        %sub3A_248 = arith.subf %mul3A_246, %mul3A_247 : f32
        %max3A_249 = arith.constant 0.000000e+00 : f32
        %max3A_250 = arith.maximumf %sub3A_248, %max3A_249 : f32
        %add3A_251 = arith.constant 9.99999996E-13 : f32
        %add3A_252 = arith.addf %max3A_250, %add3A_251 : f32
        %bitcast_convert_type3A_253 = arith.bitcast %add3A_252 : f32 to i32
        %shift_right_logical3A_254 = arith.constant 1 : i32
        %shift_right_logical3A_255 = arith.shrui %bitcast_convert_type3A_253, %shift_right_logical3A_254 : i32
        %sub3A_256 = arith.constant 1597463007 : i32
        %sub3A_257 = arith.subi %sub3A_256, %shift_right_logical3A_255 : i32
        %bitcast_convert_type3A_258 = arith.bitcast %sub3A_257 : i32 to f32
        %mul3A_259 = arith.constant 5.000000e-01 : f32
        %mul3A_260 = arith.mulf %add3A_252, %mul3A_259 : f32
        %mul3A_261 = arith.mulf %mul3A_260, %bitcast_convert_type3A_258 : f32
        %mul3A_262 = arith.mulf %mul3A_261, %bitcast_convert_type3A_258 : f32
        %sub3A_263 = arith.constant 1.500000e+00 : f32
        %sub3A_264 = arith.subf %sub3A_263, %mul3A_262 : f32
        %mul3A_265 = arith.mulf %bitcast_convert_type3A_258, %sub3A_264 : f32
        %mul3A_266 = arith.mulf %mul3A_260, %mul3A_265 : f32
        %mul3A_267 = arith.mulf %mul3A_266, %mul3A_265 : f32
        %sub3A_268 = arith.constant 1.500000e+00 : f32
        %sub3A_269 = arith.subf %sub3A_268, %mul3A_267 : f32
        %mul3A_270 = arith.mulf %mul3A_265, %sub3A_269 : f32
        %mul3A_271 = arith.mulf %mul3A_260, %mul3A_270 : f32
        %mul3A_272 = arith.mulf %mul3A_271, %mul3A_270 : f32
        %sub3A_273 = arith.constant 1.500000e+00 : f32
        %sub3A_274 = arith.subf %sub3A_273, %mul3A_272 : f32
        %mul3A_275 = arith.mulf %mul3A_270, %sub3A_274 : f32
        %mul3A_276 = arith.mulf %mul3A_244, %mul3A_275 : f32
        %mul3A_277 = vector.broadcast %mul3A_275 : f32 to vector<16xf32>
        %mul3A_278 = arith.mulf %get3A_215, %mul3A_277 : vector<16xf32>
        %sub3A_279 = vector.broadcast %mul3A_276 : f32 to vector<16xf32>
        %sub3A_280 = arith.subf %mul3A_278, %sub3A_279 : vector<16xf32>
        %mul3A_281 = arith.mulf %sub3A_280, %get3A_3 : vector<16xf32>
        %add3A_282 = arith.addf %mul3A_281, %get3A_11 : vector<16xf32>
        %swap3A_283 = arith.index_cast %add3A_212 : i32 to index
        %swap3A_284 = arith.constant 0 : index
        %swap3A_285 = tpu.vector_load %arg11[%swap3A_283, %swap3A_284] {strides = array<i32>} : memref<128x64xf32, #tpu.memory_space<vmem>>, vector<16xf32>,
        tpu.vector_store %arg11[%swap3A_283, %swap3A_284], %add3A_282 {strides = array<i32>} : memref<128x64xf32, #tpu.memory_space<vmem>>, vector<16xf32>,
        %mul3A_286 = vector.broadcast %mul3A_275 : f32 to vector<16xf32>
        %mul3A_287 = arith.mulf %get3A_218, %mul3A_286 : vector<16xf32>
        %sub3A_288 = vector.broadcast %mul3A_276 : f32 to vector<16xf32>
        %sub3A_289 = arith.subf %mul3A_287, %sub3A_288 : vector<16xf32>
        %mul3A_290 = arith.mulf %sub3A_289, %get3A_5 : vector<16xf32>
        %add3A_291 = arith.addf %mul3A_290, %get3A_13 : vector<16xf32>
        %swap3A_292 = arith.index_cast %add3A_212 : i32 to index
        %swap3A_293 = arith.constant 16 : index
        %swap3A_294 = tpu.vector_load %arg11[%swap3A_292, %swap3A_293] {strides = array<i32>} : memref<128x64xf32, #tpu.memory_space<vmem>>, vector<16xf32>,
        tpu.vector_store %arg11[%swap3A_292, %swap3A_293], %add3A_291 {strides = array<i32>} : memref<128x64xf32, #tpu.memory_space<vmem>>, vector<16xf32>,
        %mul3A_295 = vector.broadcast %mul3A_275 : f32 to vector<16xf32>
        %mul3A_296 = arith.mulf %get3A_221, %mul3A_295 : vector<16xf32>
        %sub3A_297 = vector.broadcast %mul3A_276 : f32 to vector<16xf32>
        %sub3A_298 = arith.subf %mul3A_296, %sub3A_297 : vector<16xf32>
        %mul3A_299 = arith.mulf %sub3A_298, %get3A_7 : vector<16xf32>
        %add3A_300 = arith.addf %mul3A_299, %get3A_15 : vector<16xf32>
        %swap3A_301 = arith.index_cast %add3A_212 : i32 to index
        %swap3A_302 = arith.constant 32 : index
        %swap3A_303 = tpu.vector_load %arg11[%swap3A_301, %swap3A_302] {strides = array<i32>} : memref<128x64xf32, #tpu.memory_space<vmem>>, vector<16xf32>,
        tpu.vector_store %arg11[%swap3A_301, %swap3A_302], %add3A_300 {strides = array<i32>} : memref<128x64xf32, #tpu.memory_space<vmem>>, vector<16xf32>,
        %mul3A_304 = vector.broadcast %mul3A_275 : f32 to vector<16xf32>
        %mul3A_305 = arith.mulf %get3A_224, %mul3A_304 : vector<16xf32>
        %sub3A_306 = vector.broadcast %mul3A_276 : f32 to vector<16xf32>
        %sub3A_307 = arith.subf %mul3A_305, %sub3A_306 : vector<16xf32>
        %mul3A_308 = arith.mulf %sub3A_307, %get3A_9 : vector<16xf32>
        %add3A_309 = arith.addf %mul3A_308, %get3A_17 : vector<16xf32>
        %swap3A_310 = arith.index_cast %add3A_212 : i32 to index
        %swap3A_311 = arith.constant 48 : index
        %swap3A_312 = tpu.vector_load %arg11[%swap3A_310, %swap3A_311] {strides = array<i32>} : memref<128x64xf32, #tpu.memory_space<vmem>>, vector<16xf32>,
        tpu.vector_store %arg11[%swap3A_310, %swap3A_311], %add3A_309 {strides = array<i32>} : memref<128x64xf32, #tpu.memory_space<vmem>>, vector<16xf32>,
        %mul3A_313 = arith.constant 16 : i32
        %mul3A_314 = arith.muli %scan3A_110, %mul3A_313 : i32
        %add3A_315 = arith.constant 2 : i32
        %add3A_316 = arith.addi %mul3A_314, %add3A_315 : i32
        %get3A_317 = arith.index_cast %add3A_316 : i32 to index
        %get3A_318 = arith.constant 0 : index
        %get3A_319 = tpu.vector_load %arg9[%get3A_317, %get3A_318] {strides = array<i32>} : memref<128x64xf32, #tpu.memory_space<vmem>>, vector<16xf32>,
        %get3A_320 = arith.index_cast %add3A_316 : i32 to index
        %get3A_321 = arith.constant 16 : index
        %get3A_322 = tpu.vector_load %arg9[%get3A_320, %get3A_321] {strides = array<i32>} : memref<128x64xf32, #tpu.memory_space<vmem>>, vector<16xf32>,
        %get3A_323 = arith.index_cast %add3A_316 : i32 to index
        %get3A_324 = arith.constant 32 : index
        %get3A_325 = tpu.vector_load %arg9[%get3A_323, %get3A_324] {strides = array<i32>} : memref<128x64xf32, #tpu.memory_space<vmem>>, vector<16xf32>,
        %get3A_326 = arith.index_cast %add3A_316 : i32 to index
        %get3A_327 = arith.constant 48 : index
        %get3A_328 = tpu.vector_load %arg9[%get3A_326, %get3A_327] {strides = array<i32>} : memref<128x64xf32, #tpu.memory_space<vmem>>, vector<16xf32>,
        %mul3A_329 = arith.mulf %get3A_319, %get3A_319 : vector<16xf32>
        %add3A_330 = arith.addf %get3A_319, %get3A_322 : vector<16xf32>
        %mul3A_331 = arith.mulf %get3A_322, %get3A_322 : vector<16xf32>
        %add3A_332 = arith.addf %mul3A_329, %mul3A_331 : vector<16xf32>
        %add3A_333 = arith.addf %add3A_330, %get3A_325 : vector<16xf32>
        %mul3A_334 = arith.mulf %get3A_325, %get3A_325 : vector<16xf32>
        %add3A_335 = arith.addf %add3A_332, %mul3A_334 : vector<16xf32>
        %add3A_336 = arith.addf %add3A_333, %get3A_328 : vector<16xf32>
        %mul3A_337 = arith.mulf %get3A_328, %get3A_328 : vector<16xf32>
        %add3A_338 = arith.addf %add3A_335, %mul3A_337 : vector<16xf32>
        %reduce_sum3A_339 = arith.constant true
        %reduce_sum3A_340 = vector.broadcast %reduce_sum3A_339 : i1 to vector<16xi1>
        %reduce_sum3A_341 = tpu.scan <sum>, %add3A_336 masked %reduce_sum3A_340 : vector<16xf32>, vector<16xi1> -> vector<16xf32>
        %reduce_sum3A_342 = vector.extract %reduce_sum3A_341[15] : f32 from vector<16xf32>
        %reduce_sum3A_343 = arith.constant true
        %reduce_sum3A_344 = vector.broadcast %reduce_sum3A_343 : i1 to vector<16xi1>
        %reduce_sum3A_345 = tpu.scan <sum>, %add3A_338 masked %reduce_sum3A_344 : vector<16xf32>, vector<16xi1> -> vector<16xf32>
        %reduce_sum3A_346 = vector.extract %reduce_sum3A_345[15] : f32 from vector<16xf32>
        %mul3A_347 = arith.constant 1.562500e-02 : f32
        %mul3A_348 = arith.mulf %reduce_sum3A_342, %mul3A_347 : f32
        %mul3A_349 = arith.constant 1.562500e-02 : f32
        %mul3A_350 = arith.mulf %reduce_sum3A_346, %mul3A_349 : f32
        %mul3A_351 = arith.mulf %mul3A_348, %mul3A_348 : f32
        %sub3A_352 = arith.subf %mul3A_350, %mul3A_351 : f32
        %max3A_353 = arith.constant 0.000000e+00 : f32
        %max3A_354 = arith.maximumf %sub3A_352, %max3A_353 : f32
        %add3A_355 = arith.constant 9.99999996E-13 : f32
        %add3A_356 = arith.addf %max3A_354, %add3A_355 : f32
        %bitcast_convert_type3A_357 = arith.bitcast %add3A_356 : f32 to i32
        %shift_right_logical3A_358 = arith.constant 1 : i32
        %shift_right_logical3A_359 = arith.shrui %bitcast_convert_type3A_357, %shift_right_logical3A_358 : i32
        %sub3A_360 = arith.constant 1597463007 : i32
        %sub3A_361 = arith.subi %sub3A_360, %shift_right_logical3A_359 : i32
        %bitcast_convert_type3A_362 = arith.bitcast %sub3A_361 : i32 to f32
        %mul3A_363 = arith.constant 5.000000e-01 : f32
        %mul3A_364 = arith.mulf %add3A_356, %mul3A_363 : f32
        %mul3A_365 = arith.mulf %mul3A_364, %bitcast_convert_type3A_362 : f32
        %mul3A_366 = arith.mulf %mul3A_365, %bitcast_convert_type3A_362 : f32
        %sub3A_367 = arith.constant 1.500000e+00 : f32
        %sub3A_368 = arith.subf %sub3A_367, %mul3A_366 : f32
        %mul3A_369 = arith.mulf %bitcast_convert_type3A_362, %sub3A_368 : f32
        %mul3A_370 = arith.mulf %mul3A_364, %mul3A_369 : f32
        %mul3A_371 = arith.mulf %mul3A_370, %mul3A_369 : f32
        %sub3A_372 = arith.constant 1.500000e+00 : f32
        %sub3A_373 = arith.subf %sub3A_372, %mul3A_371 : f32
        %mul3A_374 = arith.mulf %mul3A_369, %sub3A_373 : f32
        %mul3A_375 = arith.mulf %mul3A_364, %mul3A_374 : f32
        %mul3A_376 = arith.mulf %mul3A_375, %mul3A_374 : f32
        %sub3A_377 = arith.constant 1.500000e+00 : f32
        %sub3A_378 = arith.subf %sub3A_377, %mul3A_376 : f32
        %mul3A_379 = arith.mulf %mul3A_374, %sub3A_378 : f32
        %mul3A_380 = arith.mulf %mul3A_348, %mul3A_379 : f32
        %mul3A_381 = vector.broadcast %mul3A_379 : f32 to vector<16xf32>
        %mul3A_382 = arith.mulf %get3A_319, %mul3A_381 : vector<16xf32>
        %sub3A_383 = vector.broadcast %mul3A_380 : f32 to vector<16xf32>
        %sub3A_384 = arith.subf %mul3A_382, %sub3A_383 : vector<16xf32>
        %mul3A_385 = arith.mulf %sub3A_384, %get3A_3 : vector<16xf32>
        %add3A_386 = arith.addf %mul3A_385, %get3A_11 : vector<16xf32>
        %swap3A_387 = arith.index_cast %add3A_316 : i32 to index
        %swap3A_388 = arith.constant 0 : index
        %swap3A_389 = tpu.vector_load %arg11[%swap3A_387, %swap3A_388] {strides = array<i32>} : memref<128x64xf32, #tpu.memory_space<vmem>>, vector<16xf32>,
        tpu.vector_store %arg11[%swap3A_387, %swap3A_388], %add3A_386 {strides = array<i32>} : memref<128x64xf32, #tpu.memory_space<vmem>>, vector<16xf32>,
        %mul3A_390 = vector.broadcast %mul3A_379 : f32 to vector<16xf32>
        %mul3A_391 = arith.mulf %get3A_322, %mul3A_390 : vector<16xf32>
        %sub3A_392 = vector.broadcast %mul3A_380 : f32 to vector<16xf32>
        %sub3A_393 = arith.subf %mul3A_391, %sub3A_392 : vector<16xf32>
        %mul3A_394 = arith.mulf %sub3A_393, %get3A_5 : vector<16xf32>
        %add3A_395 = arith.addf %mul3A_394, %get3A_13 : vector<16xf32>
        %swap3A_396 = arith.index_cast %add3A_316 : i32 to index
        %swap3A_397 = arith.constant 16 : index
        %swap3A_398 = tpu.vector_load %arg11[%swap3A_396, %swap3A_397] {strides = array<i32>} : memref<128x64xf32, #tpu.memory_space<vmem>>, vector<16xf32>,
        tpu.vector_store %arg11[%swap3A_396, %swap3A_397], %add3A_395 {strides = array<i32>} : memref<128x64xf32, #tpu.memory_space<vmem>>, vector<16xf32>,
        %mul3A_399 = vector.broadcast %mul3A_379 : f32 to vector<16xf32>
        %mul3A_400 = arith.mulf %get3A_325, %mul3A_399 : vector<16xf32>
        %sub3A_401 = vector.broadcast %mul3A_380 : f32 to vector<16xf32>
        %sub3A_402 = arith.subf %mul3A_400, %sub3A_401 : vector<16xf32>
        %mul3A_403 = arith.mulf %sub3A_402, %get3A_7 : vector<16xf32>
        %add3A_404 = arith.addf %mul3A_403, %get3A_15 : vector<16xf32>
        %swap3A_405 = arith.index_cast %add3A_316 : i32 to index
        %swap3A_406 = arith.constant 32 : index
        %swap3A_407 = tpu.vector_load %arg11[%swap3A_405, %swap3A_406] {strides = array<i32>} : memref<128x64xf32, #tpu.memory_space<vmem>>, vector<16xf32>,
        tpu.vector_store %arg11[%swap3A_405, %swap3A_406], %add3A_404 {strides = array<i32>} : memref<128x64xf32, #tpu.memory_space<vmem>>, vector<16xf32>,
        %mul3A_408 = vector.broadcast %mul3A_379 : f32 to vector<16xf32>
        %mul3A_409 = arith.mulf %get3A_328, %mul3A_408 : vector<16xf32>
        %sub3A_410 = vector.broadcast %mul3A_380 : f32 to vector<16xf32>
        %sub3A_411 = arith.subf %mul3A_409, %sub3A_410 : vector<16xf32>
        %mul3A_412 = arith.mulf %sub3A_411, %get3A_9 : vector<16xf32>
        %add3A_413 = arith.addf %mul3A_412, %get3A_17 : vector<16xf32>
        %swap3A_414 = arith.index_cast %add3A_316 : i32 to index
        %swap3A_415 = arith.constant 48 : index
        %swap3A_416 = tpu.vector_load %arg11[%swap3A_414, %swap3A_415] {strides = array<i32>} : memref<128x64xf32, #tpu.memory_space<vmem>>, vector<16xf32>,
        tpu.vector_store %arg11[%swap3A_414, %swap3A_415], %add3A_413 {strides = array<i32>} : memref<128x64xf32, #tpu.memory_space<vmem>>, vector<16xf32>,
        %mul3A_417 = arith.constant 16 : i32
        %mul3A_418 = arith.muli %scan3A_110, %mul3A_417 : i32
        %add3A_419 = arith.constant 3 : i32
        %add3A_420 = arith.addi %mul3A_418, %add3A_419 : i32
        %get3A_421 = arith.index_cast %add3A_420 : i32 to index
        %get3A_422 = arith.constant 0 : index
        %get3A_423 = tpu.vector_load %arg9[%get3A_421, %get3A_422] {strides = array<i32>} : memref<128x64xf32, #tpu.memory_space<vmem>>, vector<16xf32>,
        %get3A_424 = arith.index_cast %add3A_420 : i32 to index
        %get3A_425 = arith.constant 16 : index
        %get3A_426 = tpu.vector_load %arg9[%get3A_424, %get3A_425] {strides = array<i32>} : memref<128x64xf32, #tpu.memory_space<vmem>>, vector<16xf32>,
        %get3A_427 = arith.index_cast %add3A_420 : i32 to index
        %get3A_428 = arith.constant 32 : index
        %get3A_429 = tpu.vector_load %arg9[%get3A_427, %get3A_428] {strides = array<i32>} : memref<128x64xf32, #tpu.memory_space<vmem>>, vector<16xf32>,
        %get3A_430 = arith.index_cast %add3A_420 : i32 to index
        %get3A_431 = arith.constant 48 : index
        %get3A_432 = tpu.vector_load %arg9[%get3A_430, %get3A_431] {strides = array<i32>} : memref<128x64xf32, #tpu.memory_space<vmem>>, vector<16xf32>,
        %mul3A_433 = arith.mulf %get3A_423, %get3A_423 : vector<16xf32>
        %add3A_434 = arith.addf %get3A_423, %get3A_426 : vector<16xf32>
        %mul3A_435 = arith.mulf %get3A_426, %get3A_426 : vector<16xf32>
        %add3A_436 = arith.addf %mul3A_433, %mul3A_435 : vector<16xf32>
        %add3A_437 = arith.addf %add3A_434, %get3A_429 : vector<16xf32>
        %mul3A_438 = arith.mulf %get3A_429, %get3A_429 : vector<16xf32>
        %add3A_439 = arith.addf %add3A_436, %mul3A_438 : vector<16xf32>
        %add3A_440 = arith.addf %add3A_437, %get3A_432 : vector<16xf32>
        %mul3A_441 = arith.mulf %get3A_432, %get3A_432 : vector<16xf32>
        %add3A_442 = arith.addf %add3A_439, %mul3A_441 : vector<16xf32>
        %reduce_sum3A_443 = arith.constant true
        %reduce_sum3A_444 = vector.broadcast %reduce_sum3A_443 : i1 to vector<16xi1>
        %reduce_sum3A_445 = tpu.scan <sum>, %add3A_440 masked %reduce_sum3A_444 : vector<16xf32>, vector<16xi1> -> vector<16xf32>
        %reduce_sum3A_446 = vector.extract %reduce_sum3A_445[15] : f32 from vector<16xf32>
        %reduce_sum3A_447 = arith.constant true
        %reduce_sum3A_448 = vector.broadcast %reduce_sum3A_447 : i1 to vector<16xi1>
        %reduce_sum3A_449 = tpu.scan <sum>, %add3A_442 masked %reduce_sum3A_448 : vector<16xf32>, vector<16xi1> -> vector<16xf32>
        %reduce_sum3A_450 = vector.extract %reduce_sum3A_449[15] : f32 from vector<16xf32>
        %mul3A_451 = arith.constant 1.562500e-02 : f32
        %mul3A_452 = arith.mulf %reduce_sum3A_446, %mul3A_451 : f32
        %mul3A_453 = arith.constant 1.562500e-02 : f32
        %mul3A_454 = arith.mulf %reduce_sum3A_450, %mul3A_453 : f32
        %mul3A_455 = arith.mulf %mul3A_452, %mul3A_452 : f32
        %sub3A_456 = arith.subf %mul3A_454, %mul3A_455 : f32
        %max3A_457 = arith.constant 0.000000e+00 : f32
        %max3A_458 = arith.maximumf %sub3A_456, %max3A_457 : f32
        %add3A_459 = arith.constant 9.99999996E-13 : f32
        %add3A_460 = arith.addf %max3A_458, %add3A_459 : f32
        %bitcast_convert_type3A_461 = arith.bitcast %add3A_460 : f32 to i32
        %shift_right_logical3A_462 = arith.constant 1 : i32
        %shift_right_logical3A_463 = arith.shrui %bitcast_convert_type3A_461, %shift_right_logical3A_462 : i32
        %sub3A_464 = arith.constant 1597463007 : i32
        %sub3A_465 = arith.subi %sub3A_464, %shift_right_logical3A_463 : i32
        %bitcast_convert_type3A_466 = arith.bitcast %sub3A_465 : i32 to f32
        %mul3A_467 = arith.constant 5.000000e-01 : f32
        %mul3A_468 = arith.mulf %add3A_460, %mul3A_467 : f32
        %mul3A_469 = arith.mulf %mul3A_468, %bitcast_convert_type3A_466 : f32
        %mul3A_470 = arith.mulf %mul3A_469, %bitcast_convert_type3A_466 : f32
        %sub3A_471 = arith.constant 1.500000e+00 : f32
        %sub3A_472 = arith.subf %sub3A_471, %mul3A_470 : f32
        %mul3A_473 = arith.mulf %bitcast_convert_type3A_466, %sub3A_472 : f32
        %mul3A_474 = arith.mulf %mul3A_468, %mul3A_473 : f32
        %mul3A_475 = arith.mulf %mul3A_474, %mul3A_473 : f32
        %sub3A_476 = arith.constant 1.500000e+00 : f32
        %sub3A_477 = arith.subf %sub3A_476, %mul3A_475 : f32
        %mul3A_478 = arith.mulf %mul3A_473, %sub3A_477 : f32
        %mul3A_479 = arith.mulf %mul3A_468, %mul3A_478 : f32
        %mul3A_480 = arith.mulf %mul3A_479, %mul3A_478 : f32
        %sub3A_481 = arith.constant 1.500000e+00 : f32
        %sub3A_482 = arith.subf %sub3A_481, %mul3A_480 : f32
        %mul3A_483 = arith.mulf %mul3A_478, %sub3A_482 : f32
        %mul3A_484 = arith.mulf %mul3A_452, %mul3A_483 : f32
        %mul3A_485 = vector.broadcast %mul3A_483 : f32 to vector<16xf32>
        %mul3A_486 = arith.mulf %get3A_423, %mul3A_485 : vector<16xf32>
        %sub3A_487 = vector.broadcast %mul3A_484 : f32 to vector<16xf32>
        %sub3A_488 = arith.subf %mul3A_486, %sub3A_487 : vector<16xf32>
        %mul3A_489 = arith.mulf %sub3A_488, %get3A_3 : vector<16xf32>
        %add3A_490 = arith.addf %mul3A_489, %get3A_11 : vector<16xf32>
        %swap3A_491 = arith.index_cast %add3A_420 : i32 to index
        %swap3A_492 = arith.constant 0 : index
        %swap3A_493 = tpu.vector_load %arg11[%swap3A_491, %swap3A_492] {strides = array<i32>} : memref<128x64xf32, #tpu.memory_space<vmem>>, vector<16xf32>,
        tpu.vector_store %arg11[%swap3A_491, %swap3A_492], %add3A_490 {strides = array<i32>} : memref<128x64xf32, #tpu.memory_space<vmem>>, vector<16xf32>,
        %mul3A_494 = vector.broadcast %mul3A_483 : f32 to vector<16xf32>
        %mul3A_495 = arith.mulf %get3A_426, %mul3A_494 : vector<16xf32>
        %sub3A_496 = vector.broadcast %mul3A_484 : f32 to vector<16xf32>
        %sub3A_497 = arith.subf %mul3A_495, %sub3A_496 : vector<16xf32>
        %mul3A_498 = arith.mulf %sub3A_497, %get3A_5 : vector<16xf32>
        %add3A_499 = arith.addf %mul3A_498, %get3A_13 : vector<16xf32>
        %swap3A_500 = arith.index_cast %add3A_420 : i32 to index
        %swap3A_501 = arith.constant 16 : index
        %swap3A_502 = tpu.vector_load %arg11[%swap3A_500, %swap3A_501] {strides = array<i32>} : memref<128x64xf32, #tpu.memory_space<vmem>>, vector<16xf32>,
        tpu.vector_store %arg11[%swap3A_500, %swap3A_501], %add3A_499 {strides = array<i32>} : memref<128x64xf32, #tpu.memory_space<vmem>>, vector<16xf32>,
        %mul3A_503 = vector.broadcast %mul3A_483 : f32 to vector<16xf32>
        %mul3A_504 = arith.mulf %get3A_429, %mul3A_503 : vector<16xf32>
        %sub3A_505 = vector.broadcast %mul3A_484 : f32 to vector<16xf32>
        %sub3A_506 = arith.subf %mul3A_504, %sub3A_505 : vector<16xf32>
        %mul3A_507 = arith.mulf %sub3A_506, %get3A_7 : vector<16xf32>
        %add3A_508 = arith.addf %mul3A_507, %get3A_15 : vector<16xf32>
        %swap3A_509 = arith.index_cast %add3A_420 : i32 to index
        %swap3A_510 = arith.constant 32 : index
        %swap3A_511 = tpu.vector_load %arg11[%swap3A_509, %swap3A_510] {strides = array<i32>} : memref<128x64xf32, #tpu.memory_space<vmem>>, vector<16xf32>,
        tpu.vector_store %arg11[%swap3A_509, %swap3A_510], %add3A_508 {strides = array<i32>} : memref<128x64xf32, #tpu.memory_space<vmem>>, vector<16xf32>,
        %mul3A_512 = vector.broadcast %mul3A_483 : f32 to vector<16xf32>
        %mul3A_513 = arith.mulf %get3A_432, %mul3A_512 : vector<16xf32>
        %sub3A_514 = vector.broadcast %mul3A_484 : f32 to vector<16xf32>
        %sub3A_515 = arith.subf %mul3A_513, %sub3A_514 : vector<16xf32>
        %mul3A_516 = arith.mulf %sub3A_515, %get3A_9 : vector<16xf32>
        %add3A_517 = arith.addf %mul3A_516, %get3A_17 : vector<16xf32>
        %swap3A_518 = arith.index_cast %add3A_420 : i32 to index
        %swap3A_519 = arith.constant 48 : index
        %swap3A_520 = tpu.vector_load %arg11[%swap3A_518, %swap3A_519] {strides = array<i32>} : memref<128x64xf32, #tpu.memory_space<vmem>>, vector<16xf32>,
        tpu.vector_store %arg11[%swap3A_518, %swap3A_519], %add3A_517 {strides = array<i32>} : memref<128x64xf32, #tpu.memory_space<vmem>>, vector<16xf32>,
        %mul3A_521 = arith.constant 16 : i32
        %mul3A_522 = arith.muli %scan3A_110, %mul3A_521 : i32
        %add3A_523 = arith.constant 4 : i32
        %add3A_524 = arith.addi %mul3A_522, %add3A_523 : i32
        %get3A_525 = arith.index_cast %add3A_524 : i32 to index
        %get3A_526 = arith.constant 0 : index
        %get3A_527 = tpu.vector_load %arg9[%get3A_525, %get3A_526] {strides = array<i32>} : memref<128x64xf32, #tpu.memory_space<vmem>>, vector<16xf32>,
        %get3A_528 = arith.index_cast %add3A_524 : i32 to index
        %get3A_529 = arith.constant 16 : index
        %get3A_530 = tpu.vector_load %arg9[%get3A_528, %get3A_529] {strides = array<i32>} : memref<128x64xf32, #tpu.memory_space<vmem>>, vector<16xf32>,
        %get3A_531 = arith.index_cast %add3A_524 : i32 to index
        %get3A_532 = arith.constant 32 : index
        %get3A_533 = tpu.vector_load %arg9[%get3A_531, %get3A_532] {strides = array<i32>} : memref<128x64xf32, #tpu.memory_space<vmem>>, vector<16xf32>,
        %get3A_534 = arith.index_cast %add3A_524 : i32 to index
        %get3A_535 = arith.constant 48 : index
        %get3A_536 = tpu.vector_load %arg9[%get3A_534, %get3A_535] {strides = array<i32>} : memref<128x64xf32, #tpu.memory_space<vmem>>, vector<16xf32>,
        %mul3A_537 = arith.mulf %get3A_527, %get3A_527 : vector<16xf32>
        %add3A_538 = arith.addf %get3A_527, %get3A_530 : vector<16xf32>
        %mul3A_539 = arith.mulf %get3A_530, %get3A_530 : vector<16xf32>
        %add3A_540 = arith.addf %mul3A_537, %mul3A_539 : vector<16xf32>
        %add3A_541 = arith.addf %add3A_538, %get3A_533 : vector<16xf32>
        %mul3A_542 = arith.mulf %get3A_533, %get3A_533 : vector<16xf32>
        %add3A_543 = arith.addf %add3A_540, %mul3A_542 : vector<16xf32>
        %add3A_544 = arith.addf %add3A_541, %get3A_536 : vector<16xf32>
        %mul3A_545 = arith.mulf %get3A_536, %get3A_536 : vector<16xf32>
        %add3A_546 = arith.addf %add3A_543, %mul3A_545 : vector<16xf32>
        %reduce_sum3A_547 = arith.constant true
        %reduce_sum3A_548 = vector.broadcast %reduce_sum3A_547 : i1 to vector<16xi1>
        %reduce_sum3A_549 = tpu.scan <sum>, %add3A_544 masked %reduce_sum3A_548 : vector<16xf32>, vector<16xi1> -> vector<16xf32>
        %reduce_sum3A_550 = vector.extract %reduce_sum3A_549[15] : f32 from vector<16xf32>
        %reduce_sum3A_551 = arith.constant true
        %reduce_sum3A_552 = vector.broadcast %reduce_sum3A_551 : i1 to vector<16xi1>
        %reduce_sum3A_553 = tpu.scan <sum>, %add3A_546 masked %reduce_sum3A_552 : vector<16xf32>, vector<16xi1> -> vector<16xf32>
        %reduce_sum3A_554 = vector.extract %reduce_sum3A_553[15] : f32 from vector<16xf32>
        %mul3A_555 = arith.constant 1.562500e-02 : f32
        %mul3A_556 = arith.mulf %reduce_sum3A_550, %mul3A_555 : f32
        %mul3A_557 = arith.constant 1.562500e-02 : f32
        %mul3A_558 = arith.mulf %reduce_sum3A_554, %mul3A_557 : f32
        %mul3A_559 = arith.mulf %mul3A_556, %mul3A_556 : f32
        %sub3A_560 = arith.subf %mul3A_558, %mul3A_559 : f32
        %max3A_561 = arith.constant 0.000000e+00 : f32
        %max3A_562 = arith.maximumf %sub3A_560, %max3A_561 : f32
        %add3A_563 = arith.constant 9.99999996E-13 : f32
        %add3A_564 = arith.addf %max3A_562, %add3A_563 : f32
        %bitcast_convert_type3A_565 = arith.bitcast %add3A_564 : f32 to i32
        %shift_right_logical3A_566 = arith.constant 1 : i32
        %shift_right_logical3A_567 = arith.shrui %bitcast_convert_type3A_565, %shift_right_logical3A_566 : i32
        %sub3A_568 = arith.constant 1597463007 : i32
        %sub3A_569 = arith.subi %sub3A_568, %shift_right_logical3A_567 : i32
        %bitcast_convert_type3A_570 = arith.bitcast %sub3A_569 : i32 to f32
        %mul3A_571 = arith.constant 5.000000e-01 : f32
        %mul3A_572 = arith.mulf %add3A_564, %mul3A_571 : f32
        %mul3A_573 = arith.mulf %mul3A_572, %bitcast_convert_type3A_570 : f32
        %mul3A_574 = arith.mulf %mul3A_573, %bitcast_convert_type3A_570 : f32
        %sub3A_575 = arith.constant 1.500000e+00 : f32
        %sub3A_576 = arith.subf %sub3A_575, %mul3A_574 : f32
        %mul3A_577 = arith.mulf %bitcast_convert_type3A_570, %sub3A_576 : f32
        %mul3A_578 = arith.mulf %mul3A_572, %mul3A_577 : f32
        %mul3A_579 = arith.mulf %mul3A_578, %mul3A_577 : f32
        %sub3A_580 = arith.constant 1.500000e+00 : f32
        %sub3A_581 = arith.subf %sub3A_580, %mul3A_579 : f32
        %mul3A_582 = arith.mulf %mul3A_577, %sub3A_581 : f32
        %mul3A_583 = arith.mulf %mul3A_572, %mul3A_582 : f32
        %mul3A_584 = arith.mulf %mul3A_583, %mul3A_582 : f32
        %sub3A_585 = arith.constant 1.500000e+00 : f32
        %sub3A_586 = arith.subf %sub3A_585, %mul3A_584 : f32
        %mul3A_587 = arith.mulf %mul3A_582, %sub3A_586 : f32
        %mul3A_588 = arith.mulf %mul3A_556, %mul3A_587 : f32
        %mul3A_589 = vector.broadcast %mul3A_587 : f32 to vector<16xf32>
        %mul3A_590 = arith.mulf %get3A_527, %mul3A_589 : vector<16xf32>
        %sub3A_591 = vector.broadcast %mul3A_588 : f32 to vector<16xf32>
        %sub3A_592 = arith.subf %mul3A_590, %sub3A_591 : vector<16xf32>
        %mul3A_593 = arith.mulf %sub3A_592, %get3A_3 : vector<16xf32>
        %add3A_594 = arith.addf %mul3A_593, %get3A_11 : vector<16xf32>
        %swap3A_595 = arith.index_cast %add3A_524 : i32 to index
        %swap3A_596 = arith.constant 0 : index
        %swap3A_597 = tpu.vector_load %arg11[%swap3A_595, %swap3A_596] {strides = array<i32>} : memref<128x64xf32, #tpu.memory_space<vmem>>, vector<16xf32>,
        tpu.vector_store %arg11[%swap3A_595, %swap3A_596], %add3A_594 {strides = array<i32>} : memref<128x64xf32, #tpu.memory_space<vmem>>, vector<16xf32>,
        %mul3A_598 = vector.broadcast %mul3A_587 : f32 to vector<16xf32>
        %mul3A_599 = arith.mulf %get3A_530, %mul3A_598 : vector<16xf32>
        %sub3A_600 = vector.broadcast %mul3A_588 : f32 to vector<16xf32>
        %sub3A_601 = arith.subf %mul3A_599, %sub3A_600 : vector<16xf32>
        %mul3A_602 = arith.mulf %sub3A_601, %get3A_5 : vector<16xf32>
        %add3A_603 = arith.addf %mul3A_602, %get3A_13 : vector<16xf32>
        %swap3A_604 = arith.index_cast %add3A_524 : i32 to index
        %swap3A_605 = arith.constant 16 : index
        %swap3A_606 = tpu.vector_load %arg11[%swap3A_604, %swap3A_605] {strides = array<i32>} : memref<128x64xf32, #tpu.memory_space<vmem>>, vector<16xf32>,
        tpu.vector_store %arg11[%swap3A_604, %swap3A_605], %add3A_603 {strides = array<i32>} : memref<128x64xf32, #tpu.memory_space<vmem>>, vector<16xf32>,
        %mul3A_607 = vector.broadcast %mul3A_587 : f32 to vector<16xf32>
        %mul3A_608 = arith.mulf %get3A_533, %mul3A_607 : vector<16xf32>
        %sub3A_609 = vector.broadcast %mul3A_588 : f32 to vector<16xf32>
        %sub3A_610 = arith.subf %mul3A_608, %sub3A_609 : vector<16xf32>
        %mul3A_611 = arith.mulf %sub3A_610, %get3A_7 : vector<16xf32>
        %add3A_612 = arith.addf %mul3A_611, %get3A_15 : vector<16xf32>
        %swap3A_613 = arith.index_cast %add3A_524 : i32 to index
        %swap3A_614 = arith.constant 32 : index
        %swap3A_615 = tpu.vector_load %arg11[%swap3A_613, %swap3A_614] {strides = array<i32>} : memref<128x64xf32, #tpu.memory_space<vmem>>, vector<16xf32>,
        tpu.vector_store %arg11[%swap3A_613, %swap3A_614], %add3A_612 {strides = array<i32>} : memref<128x64xf32, #tpu.memory_space<vmem>>, vector<16xf32>,
        %mul3A_616 = vector.broadcast %mul3A_587 : f32 to vector<16xf32>
        %mul3A_617 = arith.mulf %get3A_536, %mul3A_616 : vector<16xf32>
        %sub3A_618 = vector.broadcast %mul3A_588 : f32 to vector<16xf32>
        %sub3A_619 = arith.subf %mul3A_617, %sub3A_618 : vector<16xf32>
        %mul3A_620 = arith.mulf %sub3A_619, %get3A_9 : vector<16xf32>
        %add3A_621 = arith.addf %mul3A_620, %get3A_17 : vector<16xf32>
        %swap3A_622 = arith.index_cast %add3A_524 : i32 to index
        %swap3A_623 = arith.constant 48 : index
        %swap3A_624 = tpu.vector_load %arg11[%swap3A_622, %swap3A_623] {strides = array<i32>} : memref<128x64xf32, #tpu.memory_space<vmem>>, vector<16xf32>,
        tpu.vector_store %arg11[%swap3A_622, %swap3A_623], %add3A_621 {strides = array<i32>} : memref<128x64xf32, #tpu.memory_space<vmem>>, vector<16xf32>,
        %mul3A_625 = arith.constant 16 : i32
        %mul3A_626 = arith.muli %scan3A_110, %mul3A_625 : i32
        %add3A_627 = arith.constant 5 : i32
        %add3A_628 = arith.addi %mul3A_626, %add3A_627 : i32
        %get3A_629 = arith.index_cast %add3A_628 : i32 to index
        %get3A_630 = arith.constant 0 : index
        %get3A_631 = tpu.vector_load %arg9[%get3A_629, %get3A_630] {strides = array<i32>} : memref<128x64xf32, #tpu.memory_space<vmem>>, vector<16xf32>,
        %get3A_632 = arith.index_cast %add3A_628 : i32 to index
        %get3A_633 = arith.constant 16 : index
        %get3A_634 = tpu.vector_load %arg9[%get3A_632, %get3A_633] {strides = array<i32>} : memref<128x64xf32, #tpu.memory_space<vmem>>, vector<16xf32>,
        %get3A_635 = arith.index_cast %add3A_628 : i32 to index
        %get3A_636 = arith.constant 32 : index
        %get3A_637 = tpu.vector_load %arg9[%get3A_635, %get3A_636] {strides = array<i32>} : memref<128x64xf32, #tpu.memory_space<vmem>>, vector<16xf32>,
        %get3A_638 = arith.index_cast %add3A_628 : i32 to index
        %get3A_639 = arith.constant 48 : index
        %get3A_640 = tpu.vector_load %arg9[%get3A_638, %get3A_639] {strides = array<i32>} : memref<128x64xf32, #tpu.memory_space<vmem>>, vector<16xf32>,
        %mul3A_641 = arith.mulf %get3A_631, %get3A_631 : vector<16xf32>
        %add3A_642 = arith.addf %get3A_631, %get3A_634 : vector<16xf32>
        %mul3A_643 = arith.mulf %get3A_634, %get3A_634 : vector<16xf32>
        %add3A_644 = arith.addf %mul3A_641, %mul3A_643 : vector<16xf32>
        %add3A_645 = arith.addf %add3A_642, %get3A_637 : vector<16xf32>
        %mul3A_646 = arith.mulf %get3A_637, %get3A_637 : vector<16xf32>
        %add3A_647 = arith.addf %add3A_644, %mul3A_646 : vector<16xf32>
        %add3A_648 = arith.addf %add3A_645, %get3A_640 : vector<16xf32>
        %mul3A_649 = arith.mulf %get3A_640, %get3A_640 : vector<16xf32>
        %add3A_650 = arith.addf %add3A_647, %mul3A_649 : vector<16xf32>
        %reduce_sum3A_651 = arith.constant true
        %reduce_sum3A_652 = vector.broadcast %reduce_sum3A_651 : i1 to vector<16xi1>
        %reduce_sum3A_653 = tpu.scan <sum>, %add3A_648 masked %reduce_sum3A_652 : vector<16xf32>, vector<16xi1> -> vector<16xf32>
        %reduce_sum3A_654 = vector.extract %reduce_sum3A_653[15] : f32 from vector<16xf32>
        %reduce_sum3A_655 = arith.constant true
        %reduce_sum3A_656 = vector.broadcast %reduce_sum3A_655 : i1 to vector<16xi1>
        %reduce_sum3A_657 = tpu.scan <sum>, %add3A_650 masked %reduce_sum3A_656 : vector<16xf32>, vector<16xi1> -> vector<16xf32>
        %reduce_sum3A_658 = vector.extract %reduce_sum3A_657[15] : f32 from vector<16xf32>
        %mul3A_659 = arith.constant 1.562500e-02 : f32
        %mul3A_660 = arith.mulf %reduce_sum3A_654, %mul3A_659 : f32
        %mul3A_661 = arith.constant 1.562500e-02 : f32
        %mul3A_662 = arith.mulf %reduce_sum3A_658, %mul3A_661 : f32
        %mul3A_663 = arith.mulf %mul3A_660, %mul3A_660 : f32
        %sub3A_664 = arith.subf %mul3A_662, %mul3A_663 : f32
        %max3A_665 = arith.constant 0.000000e+00 : f32
        %max3A_666 = arith.maximumf %sub3A_664, %max3A_665 : f32
        %add3A_667 = arith.constant 9.99999996E-13 : f32
        %add3A_668 = arith.addf %max3A_666, %add3A_667 : f32
        %bitcast_convert_type3A_669 = arith.bitcast %add3A_668 : f32 to i32
        %shift_right_logical3A_670 = arith.constant 1 : i32
        %shift_right_logical3A_671 = arith.shrui %bitcast_convert_type3A_669, %shift_right_logical3A_670 : i32
        %sub3A_672 = arith.constant 1597463007 : i32
        %sub3A_673 = arith.subi %sub3A_672, %shift_right_logical3A_671 : i32
        %bitcast_convert_type3A_674 = arith.bitcast %sub3A_673 : i32 to f32
        %mul3A_675 = arith.constant 5.000000e-01 : f32
        %mul3A_676 = arith.mulf %add3A_668, %mul3A_675 : f32
        %mul3A_677 = arith.mulf %mul3A_676, %bitcast_convert_type3A_674 : f32
        %mul3A_678 = arith.mulf %mul3A_677, %bitcast_convert_type3A_674 : f32
        %sub3A_679 = arith.constant 1.500000e+00 : f32
        %sub3A_680 = arith.subf %sub3A_679, %mul3A_678 : f32
        %mul3A_681 = arith.mulf %bitcast_convert_type3A_674, %sub3A_680 : f32
        %mul3A_682 = arith.mulf %mul3A_676, %mul3A_681 : f32
        %mul3A_683 = arith.mulf %mul3A_682, %mul3A_681 : f32
        %sub3A_684 = arith.constant 1.500000e+00 : f32
        %sub3A_685 = arith.subf %sub3A_684, %mul3A_683 : f32
        %mul3A_686 = arith.mulf %mul3A_681, %sub3A_685 : f32
        %mul3A_687 = arith.mulf %mul3A_676, %mul3A_686 : f32
        %mul3A_688 = arith.mulf %mul3A_687, %mul3A_686 : f32
        %sub3A_689 = arith.constant 1.500000e+00 : f32
        %sub3A_690 = arith.subf %sub3A_689, %mul3A_688 : f32
        %mul3A_691 = arith.mulf %mul3A_686, %sub3A_690 : f32
        %mul3A_692 = arith.mulf %mul3A_660, %mul3A_691 : f32
        %mul3A_693 = vector.broadcast %mul3A_691 : f32 to vector<16xf32>
        %mul3A_694 = arith.mulf %get3A_631, %mul3A_693 : vector<16xf32>
        %sub3A_695 = vector.broadcast %mul3A_692 : f32 to vector<16xf32>
        %sub3A_696 = arith.subf %mul3A_694, %sub3A_695 : vector<16xf32>
        %mul3A_697 = arith.mulf %sub3A_696, %get3A_3 : vector<16xf32>
        %add3A_698 = arith.addf %mul3A_697, %get3A_11 : vector<16xf32>
        %swap3A_699 = arith.index_cast %add3A_628 : i32 to index
        %swap3A_700 = arith.constant 0 : index
        %swap3A_701 = tpu.vector_load %arg11[%swap3A_699, %swap3A_700] {strides = array<i32>} : memref<128x64xf32, #tpu.memory_space<vmem>>, vector<16xf32>,
        tpu.vector_store %arg11[%swap3A_699, %swap3A_700], %add3A_698 {strides = array<i32>} : memref<128x64xf32, #tpu.memory_space<vmem>>, vector<16xf32>,
        %mul3A_702 = vector.broadcast %mul3A_691 : f32 to vector<16xf32>
        %mul3A_703 = arith.mulf %get3A_634, %mul3A_702 : vector<16xf32>
        %sub3A_704 = vector.broadcast %mul3A_692 : f32 to vector<16xf32>
        %sub3A_705 = arith.subf %mul3A_703, %sub3A_704 : vector<16xf32>
        %mul3A_706 = arith.mulf %sub3A_705, %get3A_5 : vector<16xf32>
        %add3A_707 = arith.addf %mul3A_706, %get3A_13 : vector<16xf32>
        %swap3A_708 = arith.index_cast %add3A_628 : i32 to index
        %swap3A_709 = arith.constant 16 : index
        %swap3A_710 = tpu.vector_load %arg11[%swap3A_708, %swap3A_709] {strides = array<i32>} : memref<128x64xf32, #tpu.memory_space<vmem>>, vector<16xf32>,
        tpu.vector_store %arg11[%swap3A_708, %swap3A_709], %add3A_707 {strides = array<i32>} : memref<128x64xf32, #tpu.memory_space<vmem>>, vector<16xf32>,
        %mul3A_711 = vector.broadcast %mul3A_691 : f32 to vector<16xf32>
        %mul3A_712 = arith.mulf %get3A_637, %mul3A_711 : vector<16xf32>
        %sub3A_713 = vector.broadcast %mul3A_692 : f32 to vector<16xf32>
        %sub3A_714 = arith.subf %mul3A_712, %sub3A_713 : vector<16xf32>
        %mul3A_715 = arith.mulf %sub3A_714, %get3A_7 : vector<16xf32>
        %add3A_716 = arith.addf %mul3A_715, %get3A_15 : vector<16xf32>
        %swap3A_717 = arith.index_cast %add3A_628 : i32 to index
        %swap3A_718 = arith.constant 32 : index
        %swap3A_719 = tpu.vector_load %arg11[%swap3A_717, %swap3A_718] {strides = array<i32>} : memref<128x64xf32, #tpu.memory_space<vmem>>, vector<16xf32>,
        tpu.vector_store %arg11[%swap3A_717, %swap3A_718], %add3A_716 {strides = array<i32>} : memref<128x64xf32, #tpu.memory_space<vmem>>, vector<16xf32>,
        %mul3A_720 = vector.broadcast %mul3A_691 : f32 to vector<16xf32>
        %mul3A_721 = arith.mulf %get3A_640, %mul3A_720 : vector<16xf32>
        %sub3A_722 = vector.broadcast %mul3A_692 : f32 to vector<16xf32>
        %sub3A_723 = arith.subf %mul3A_721, %sub3A_722 : vector<16xf32>
        %mul3A_724 = arith.mulf %sub3A_723, %get3A_9 : vector<16xf32>
        %add3A_725 = arith.addf %mul3A_724, %get3A_17 : vector<16xf32>
        %swap3A_726 = arith.index_cast %add3A_628 : i32 to index
        %swap3A_727 = arith.constant 48 : index
        %swap3A_728 = tpu.vector_load %arg11[%swap3A_726, %swap3A_727] {strides = array<i32>} : memref<128x64xf32, #tpu.memory_space<vmem>>, vector<16xf32>,
        tpu.vector_store %arg11[%swap3A_726, %swap3A_727], %add3A_725 {strides = array<i32>} : memref<128x64xf32, #tpu.memory_space<vmem>>, vector<16xf32>,
        %mul3A_729 = arith.constant 16 : i32
        %mul3A_730 = arith.muli %scan3A_110, %mul3A_729 : i32
        %add3A_731 = arith.constant 6 : i32
        %add3A_732 = arith.addi %mul3A_730, %add3A_731 : i32
        %get3A_733 = arith.index_cast %add3A_732 : i32 to index
        %get3A_734 = arith.constant 0 : index
        %get3A_735 = tpu.vector_load %arg9[%get3A_733, %get3A_734] {strides = array<i32>} : memref<128x64xf32, #tpu.memory_space<vmem>>, vector<16xf32>,
        %get3A_736 = arith.index_cast %add3A_732 : i32 to index
        %get3A_737 = arith.constant 16 : index
        %get3A_738 = tpu.vector_load %arg9[%get3A_736, %get3A_737] {strides = array<i32>} : memref<128x64xf32, #tpu.memory_space<vmem>>, vector<16xf32>,
        %get3A_739 = arith.index_cast %add3A_732 : i32 to index
        %get3A_740 = arith.constant 32 : index
        %get3A_741 = tpu.vector_load %arg9[%get3A_739, %get3A_740] {strides = array<i32>} : memref<128x64xf32, #tpu.memory_space<vmem>>, vector<16xf32>,
        %get3A_742 = arith.index_cast %add3A_732 : i32 to index
        %get3A_743 = arith.constant 48 : index
        %get3A_744 = tpu.vector_load %arg9[%get3A_742, %get3A_743] {strides = array<i32>} : memref<128x64xf32, #tpu.memory_space<vmem>>, vector<16xf32>,
        %mul3A_745 = arith.mulf %get3A_735, %get3A_735 : vector<16xf32>
        %add3A_746 = arith.addf %get3A_735, %get3A_738 : vector<16xf32>
        %mul3A_747 = arith.mulf %get3A_738, %get3A_738 : vector<16xf32>
        %add3A_748 = arith.addf %mul3A_745, %mul3A_747 : vector<16xf32>
        %add3A_749 = arith.addf %add3A_746, %get3A_741 : vector<16xf32>
        %mul3A_750 = arith.mulf %get3A_741, %get3A_741 : vector<16xf32>
        %add3A_751 = arith.addf %add3A_748, %mul3A_750 : vector<16xf32>
        %add3A_752 = arith.addf %add3A_749, %get3A_744 : vector<16xf32>
        %mul3A_753 = arith.mulf %get3A_744, %get3A_744 : vector<16xf32>
        %add3A_754 = arith.addf %add3A_751, %mul3A_753 : vector<16xf32>
        %reduce_sum3A_755 = arith.constant true
        %reduce_sum3A_756 = vector.broadcast %reduce_sum3A_755 : i1 to vector<16xi1>
        %reduce_sum3A_757 = tpu.scan <sum>, %add3A_752 masked %reduce_sum3A_756 : vector<16xf32>, vector<16xi1> -> vector<16xf32>
        %reduce_sum3A_758 = vector.extract %reduce_sum3A_757[15] : f32 from vector<16xf32>
        %reduce_sum3A_759 = arith.constant true
        %reduce_sum3A_760 = vector.broadcast %reduce_sum3A_759 : i1 to vector<16xi1>
        %reduce_sum3A_761 = tpu.scan <sum>, %add3A_754 masked %reduce_sum3A_760 : vector<16xf32>, vector<16xi1> -> vector<16xf32>
        %reduce_sum3A_762 = vector.extract %reduce_sum3A_761[15] : f32 from vector<16xf32>
        %mul3A_763 = arith.constant 1.562500e-02 : f32
        %mul3A_764 = arith.mulf %reduce_sum3A_758, %mul3A_763 : f32
        %mul3A_765 = arith.constant 1.562500e-02 : f32
        %mul3A_766 = arith.mulf %reduce_sum3A_762, %mul3A_765 : f32
        %mul3A_767 = arith.mulf %mul3A_764, %mul3A_764 : f32
        %sub3A_768 = arith.subf %mul3A_766, %mul3A_767 : f32
        %max3A_769 = arith.constant 0.000000e+00 : f32
        %max3A_770 = arith.maximumf %sub3A_768, %max3A_769 : f32
        %add3A_771 = arith.constant 9.99999996E-13 : f32
        %add3A_772 = arith.addf %max3A_770, %add3A_771 : f32
        %bitcast_convert_type3A_773 = arith.bitcast %add3A_772 : f32 to i32
        %shift_right_logical3A_774 = arith.constant 1 : i32
        %shift_right_logical3A_775 = arith.shrui %bitcast_convert_type3A_773, %shift_right_logical3A_774 : i32
        %sub3A_776 = arith.constant 1597463007 : i32
        %sub3A_777 = arith.subi %sub3A_776, %shift_right_logical3A_775 : i32
        %bitcast_convert_type3A_778 = arith.bitcast %sub3A_777 : i32 to f32
        %mul3A_779 = arith.constant 5.000000e-01 : f32
        %mul3A_780 = arith.mulf %add3A_772, %mul3A_779 : f32
        %mul3A_781 = arith.mulf %mul3A_780, %bitcast_convert_type3A_778 : f32
        %mul3A_782 = arith.mulf %mul3A_781, %bitcast_convert_type3A_778 : f32
        %sub3A_783 = arith.constant 1.500000e+00 : f32
        %sub3A_784 = arith.subf %sub3A_783, %mul3A_782 : f32
        %mul3A_785 = arith.mulf %bitcast_convert_type3A_778, %sub3A_784 : f32
        %mul3A_786 = arith.mulf %mul3A_780, %mul3A_785 : f32
        %mul3A_787 = arith.mulf %mul3A_786, %mul3A_785 : f32
        %sub3A_788 = arith.constant 1.500000e+00 : f32
        %sub3A_789 = arith.subf %sub3A_788, %mul3A_787 : f32
        %mul3A_790 = arith.mulf %mul3A_785, %sub3A_789 : f32
        %mul3A_791 = arith.mulf %mul3A_780, %mul3A_790 : f32
        %mul3A_792 = arith.mulf %mul3A_791, %mul3A_790 : f32
        %sub3A_793 = arith.constant 1.500000e+00 : f32
        %sub3A_794 = arith.subf %sub3A_793, %mul3A_792 : f32
        %mul3A_795 = arith.mulf %mul3A_790, %sub3A_794 : f32
        %mul3A_796 = arith.mulf %mul3A_764, %mul3A_795 : f32
        %mul3A_797 = vector.broadcast %mul3A_795 : f32 to vector<16xf32>
        %mul3A_798 = arith.mulf %get3A_735, %mul3A_797 : vector<16xf32>
        %sub3A_799 = vector.broadcast %mul3A_796 : f32 to vector<16xf32>
        %sub3A_800 = arith.subf %mul3A_798, %sub3A_799 : vector<16xf32>
        %mul3A_801 = arith.mulf %sub3A_800, %get3A_3 : vector<16xf32>
        %add3A_802 = arith.addf %mul3A_801, %get3A_11 : vector<16xf32>
        %swap3A_803 = arith.index_cast %add3A_732 : i32 to index
        %swap3A_804 = arith.constant 0 : index
        %swap3A_805 = tpu.vector_load %arg11[%swap3A_803, %swap3A_804] {strides = array<i32>} : memref<128x64xf32, #tpu.memory_space<vmem>>, vector<16xf32>,
        tpu.vector_store %arg11[%swap3A_803, %swap3A_804], %add3A_802 {strides = array<i32>} : memref<128x64xf32, #tpu.memory_space<vmem>>, vector<16xf32>,
        %mul3A_806 = vector.broadcast %mul3A_795 : f32 to vector<16xf32>
        %mul3A_807 = arith.mulf %get3A_738, %mul3A_806 : vector<16xf32>
        %sub3A_808 = vector.broadcast %mul3A_796 : f32 to vector<16xf32>
        %sub3A_809 = arith.subf %mul3A_807, %sub3A_808 : vector<16xf32>
        %mul3A_810 = arith.mulf %sub3A_809, %get3A_5 : vector<16xf32>
        %add3A_811 = arith.addf %mul3A_810, %get3A_13 : vector<16xf32>
        %swap3A_812 = arith.index_cast %add3A_732 : i32 to index
        %swap3A_813 = arith.constant 16 : index
        %swap3A_814 = tpu.vector_load %arg11[%swap3A_812, %swap3A_813] {strides = array<i32>} : memref<128x64xf32, #tpu.memory_space<vmem>>, vector<16xf32>,
        tpu.vector_store %arg11[%swap3A_812, %swap3A_813], %add3A_811 {strides = array<i32>} : memref<128x64xf32, #tpu.memory_space<vmem>>, vector<16xf32>,
        %mul3A_815 = vector.broadcast %mul3A_795 : f32 to vector<16xf32>
        %mul3A_816 = arith.mulf %get3A_741, %mul3A_815 : vector<16xf32>
        %sub3A_817 = vector.broadcast %mul3A_796 : f32 to vector<16xf32>
        %sub3A_818 = arith.subf %mul3A_816, %sub3A_817 : vector<16xf32>
        %mul3A_819 = arith.mulf %sub3A_818, %get3A_7 : vector<16xf32>
        %add3A_820 = arith.addf %mul3A_819, %get3A_15 : vector<16xf32>
        %swap3A_821 = arith.index_cast %add3A_732 : i32 to index
        %swap3A_822 = arith.constant 32 : index
        %swap3A_823 = tpu.vector_load %arg11[%swap3A_821, %swap3A_822] {strides = array<i32>} : memref<128x64xf32, #tpu.memory_space<vmem>>, vector<16xf32>,
        tpu.vector_store %arg11[%swap3A_821, %swap3A_822], %add3A_820 {strides = array<i32>} : memref<128x64xf32, #tpu.memory_space<vmem>>, vector<16xf32>,
        %mul3A_824 = vector.broadcast %mul3A_795 : f32 to vector<16xf32>
        %mul3A_825 = arith.mulf %get3A_744, %mul3A_824 : vector<16xf32>
        %sub3A_826 = vector.broadcast %mul3A_796 : f32 to vector<16xf32>
        %sub3A_827 = arith.subf %mul3A_825, %sub3A_826 : vector<16xf32>
        %mul3A_828 = arith.mulf %sub3A_827, %get3A_9 : vector<16xf32>
        %add3A_829 = arith.addf %mul3A_828, %get3A_17 : vector<16xf32>
        %swap3A_830 = arith.index_cast %add3A_732 : i32 to index
        %swap3A_831 = arith.constant 48 : index
        %swap3A_832 = tpu.vector_load %arg11[%swap3A_830, %swap3A_831] {strides = array<i32>} : memref<128x64xf32, #tpu.memory_space<vmem>>, vector<16xf32>,
        tpu.vector_store %arg11[%swap3A_830, %swap3A_831], %add3A_829 {strides = array<i32>} : memref<128x64xf32, #tpu.memory_space<vmem>>, vector<16xf32>,
        %mul3A_833 = arith.constant 16 : i32
        %mul3A_834 = arith.muli %scan3A_110, %mul3A_833 : i32
        %add3A_835 = arith.constant 7 : i32
        %add3A_836 = arith.addi %mul3A_834, %add3A_835 : i32
        %get3A_837 = arith.index_cast %add3A_836 : i32 to index
        %get3A_838 = arith.constant 0 : index
        %get3A_839 = tpu.vector_load %arg9[%get3A_837, %get3A_838] {strides = array<i32>} : memref<128x64xf32, #tpu.memory_space<vmem>>, vector<16xf32>,
        %get3A_840 = arith.index_cast %add3A_836 : i32 to index
        %get3A_841 = arith.constant 16 : index
        %get3A_842 = tpu.vector_load %arg9[%get3A_840, %get3A_841] {strides = array<i32>} : memref<128x64xf32, #tpu.memory_space<vmem>>, vector<16xf32>,
        %get3A_843 = arith.index_cast %add3A_836 : i32 to index
        %get3A_844 = arith.constant 32 : index
        %get3A_845 = tpu.vector_load %arg9[%get3A_843, %get3A_844] {strides = array<i32>} : memref<128x64xf32, #tpu.memory_space<vmem>>, vector<16xf32>,
        %get3A_846 = arith.index_cast %add3A_836 : i32 to index
        %get3A_847 = arith.constant 48 : index
        %get3A_848 = tpu.vector_load %arg9[%get3A_846, %get3A_847] {strides = array<i32>} : memref<128x64xf32, #tpu.memory_space<vmem>>, vector<16xf32>,
        %mul3A_849 = arith.mulf %get3A_839, %get3A_839 : vector<16xf32>
        %add3A_850 = arith.addf %get3A_839, %get3A_842 : vector<16xf32>
        %mul3A_851 = arith.mulf %get3A_842, %get3A_842 : vector<16xf32>
        %add3A_852 = arith.addf %mul3A_849, %mul3A_851 : vector<16xf32>
        %add3A_853 = arith.addf %add3A_850, %get3A_845 : vector<16xf32>
        %mul3A_854 = arith.mulf %get3A_845, %get3A_845 : vector<16xf32>
        %add3A_855 = arith.addf %add3A_852, %mul3A_854 : vector<16xf32>
        %add3A_856 = arith.addf %add3A_853, %get3A_848 : vector<16xf32>
        %mul3A_857 = arith.mulf %get3A_848, %get3A_848 : vector<16xf32>
        %add3A_858 = arith.addf %add3A_855, %mul3A_857 : vector<16xf32>
        %reduce_sum3A_859 = arith.constant true
        %reduce_sum3A_860 = vector.broadcast %reduce_sum3A_859 : i1 to vector<16xi1>
        %reduce_sum3A_861 = tpu.scan <sum>, %add3A_856 masked %reduce_sum3A_860 : vector<16xf32>, vector<16xi1> -> vector<16xf32>
        %reduce_sum3A_862 = vector.extract %reduce_sum3A_861[15] : f32 from vector<16xf32>
        %reduce_sum3A_863 = arith.constant true
        %reduce_sum3A_864 = vector.broadcast %reduce_sum3A_863 : i1 to vector<16xi1>
        %reduce_sum3A_865 = tpu.scan <sum>, %add3A_858 masked %reduce_sum3A_864 : vector<16xf32>, vector<16xi1> -> vector<16xf32>
        %reduce_sum3A_866 = vector.extract %reduce_sum3A_865[15] : f32 from vector<16xf32>
        %mul3A_867 = arith.constant 1.562500e-02 : f32
        %mul3A_868 = arith.mulf %reduce_sum3A_862, %mul3A_867 : f32
        %mul3A_869 = arith.constant 1.562500e-02 : f32
        %mul3A_870 = arith.mulf %reduce_sum3A_866, %mul3A_869 : f32
        %mul3A_871 = arith.mulf %mul3A_868, %mul3A_868 : f32
        %sub3A_872 = arith.subf %mul3A_870, %mul3A_871 : f32
        %max3A_873 = arith.constant 0.000000e+00 : f32
        %max3A_874 = arith.maximumf %sub3A_872, %max3A_873 : f32
        %add3A_875 = arith.constant 9.99999996E-13 : f32
        %add3A_876 = arith.addf %max3A_874, %add3A_875 : f32
        %bitcast_convert_type3A_877 = arith.bitcast %add3A_876 : f32 to i32
        %shift_right_logical3A_878 = arith.constant 1 : i32
        %shift_right_logical3A_879 = arith.shrui %bitcast_convert_type3A_877, %shift_right_logical3A_878 : i32
        %sub3A_880 = arith.constant 1597463007 : i32
        %sub3A_881 = arith.subi %sub3A_880, %shift_right_logical3A_879 : i32
        %bitcast_convert_type3A_882 = arith.bitcast %sub3A_881 : i32 to f32
        %mul3A_883 = arith.constant 5.000000e-01 : f32
        %mul3A_884 = arith.mulf %add3A_876, %mul3A_883 : f32
        %mul3A_885 = arith.mulf %mul3A_884, %bitcast_convert_type3A_882 : f32
        %mul3A_886 = arith.mulf %mul3A_885, %bitcast_convert_type3A_882 : f32
        %sub3A_887 = arith.constant 1.500000e+00 : f32
        %sub3A_888 = arith.subf %sub3A_887, %mul3A_886 : f32
        %mul3A_889 = arith.mulf %bitcast_convert_type3A_882, %sub3A_888 : f32
        %mul3A_890 = arith.mulf %mul3A_884, %mul3A_889 : f32
        %mul3A_891 = arith.mulf %mul3A_890, %mul3A_889 : f32
        %sub3A_892 = arith.constant 1.500000e+00 : f32
        %sub3A_893 = arith.subf %sub3A_892, %mul3A_891 : f32
        %mul3A_894 = arith.mulf %mul3A_889, %sub3A_893 : f32
        %mul3A_895 = arith.mulf %mul3A_884, %mul3A_894 : f32
        %mul3A_896 = arith.mulf %mul3A_895, %mul3A_894 : f32
        %sub3A_897 = arith.constant 1.500000e+00 : f32
        %sub3A_898 = arith.subf %sub3A_897, %mul3A_896 : f32
        %mul3A_899 = arith.mulf %mul3A_894, %sub3A_898 : f32
        %mul3A_900 = arith.mulf %mul3A_868, %mul3A_899 : f32
        %mul3A_901 = vector.broadcast %mul3A_899 : f32 to vector<16xf32>
        %mul3A_902 = arith.mulf %get3A_839, %mul3A_901 : vector<16xf32>
        %sub3A_903 = vector.broadcast %mul3A_900 : f32 to vector<16xf32>
        %sub3A_904 = arith.subf %mul3A_902, %sub3A_903 : vector<16xf32>
        %mul3A_905 = arith.mulf %sub3A_904, %get3A_3 : vector<16xf32>
        %add3A_906 = arith.addf %mul3A_905, %get3A_11 : vector<16xf32>
        %swap3A_907 = arith.index_cast %add3A_836 : i32 to index
        %swap3A_908 = arith.constant 0 : index
        %swap3A_909 = tpu.vector_load %arg11[%swap3A_907, %swap3A_908] {strides = array<i32>} : memref<128x64xf32, #tpu.memory_space<vmem>>, vector<16xf32>,
        tpu.vector_store %arg11[%swap3A_907, %swap3A_908], %add3A_906 {strides = array<i32>} : memref<128x64xf32, #tpu.memory_space<vmem>>, vector<16xf32>,
        %mul3A_910 = vector.broadcast %mul3A_899 : f32 to vector<16xf32>
        %mul3A_911 = arith.mulf %get3A_842, %mul3A_910 : vector<16xf32>
        %sub3A_912 = vector.broadcast %mul3A_900 : f32 to vector<16xf32>
        %sub3A_913 = arith.subf %mul3A_911, %sub3A_912 : vector<16xf32>
        %mul3A_914 = arith.mulf %sub3A_913, %get3A_5 : vector<16xf32>
        %add3A_915 = arith.addf %mul3A_914, %get3A_13 : vector<16xf32>
        %swap3A_916 = arith.index_cast %add3A_836 : i32 to index
        %swap3A_917 = arith.constant 16 : index
        %swap3A_918 = tpu.vector_load %arg11[%swap3A_916, %swap3A_917] {strides = array<i32>} : memref<128x64xf32, #tpu.memory_space<vmem>>, vector<16xf32>,
        tpu.vector_store %arg11[%swap3A_916, %swap3A_917], %add3A_915 {strides = array<i32>} : memref<128x64xf32, #tpu.memory_space<vmem>>, vector<16xf32>,
        %mul3A_919 = vector.broadcast %mul3A_899 : f32 to vector<16xf32>
        %mul3A_920 = arith.mulf %get3A_845, %mul3A_919 : vector<16xf32>
        %sub3A_921 = vector.broadcast %mul3A_900 : f32 to vector<16xf32>
        %sub3A_922 = arith.subf %mul3A_920, %sub3A_921 : vector<16xf32>
        %mul3A_923 = arith.mulf %sub3A_922, %get3A_7 : vector<16xf32>
        %add3A_924 = arith.addf %mul3A_923, %get3A_15 : vector<16xf32>
        %swap3A_925 = arith.index_cast %add3A_836 : i32 to index
        %swap3A_926 = arith.constant 32 : index
        %swap3A_927 = tpu.vector_load %arg11[%swap3A_925, %swap3A_926] {strides = array<i32>} : memref<128x64xf32, #tpu.memory_space<vmem>>, vector<16xf32>,
        tpu.vector_store %arg11[%swap3A_925, %swap3A_926], %add3A_924 {strides = array<i32>} : memref<128x64xf32, #tpu.memory_space<vmem>>, vector<16xf32>,
        %mul3A_928 = vector.broadcast %mul3A_899 : f32 to vector<16xf32>
        %mul3A_929 = arith.mulf %get3A_848, %mul3A_928 : vector<16xf32>
        %sub3A_930 = vector.broadcast %mul3A_900 : f32 to vector<16xf32>
        %sub3A_931 = arith.subf %mul3A_929, %sub3A_930 : vector<16xf32>
        %mul3A_932 = arith.mulf %sub3A_931, %get3A_9 : vector<16xf32>
        %add3A_933 = arith.addf %mul3A_932, %get3A_17 : vector<16xf32>
        %swap3A_934 = arith.index_cast %add3A_836 : i32 to index
        %swap3A_935 = arith.constant 48 : index
        %swap3A_936 = tpu.vector_load %arg11[%swap3A_934, %swap3A_935] {strides = array<i32>} : memref<128x64xf32, #tpu.memory_space<vmem>>, vector<16xf32>,
        tpu.vector_store %arg11[%swap3A_934, %swap3A_935], %add3A_933 {strides = array<i32>} : memref<128x64xf32, #tpu.memory_space<vmem>>, vector<16xf32>,
        %mul3A_937 = arith.constant 16 : i32
        %mul3A_938 = arith.muli %scan3A_110, %mul3A_937 : i32
        %add3A_939 = arith.constant 8 : i32
        %add3A_940 = arith.addi %mul3A_938, %add3A_939 : i32
        %get3A_941 = arith.index_cast %add3A_940 : i32 to index
        %get3A_942 = arith.constant 0 : index
        %get3A_943 = tpu.vector_load %arg9[%get3A_941, %get3A_942] {strides = array<i32>} : memref<128x64xf32, #tpu.memory_space<vmem>>, vector<16xf32>,
        %get3A_944 = arith.index_cast %add3A_940 : i32 to index
        %get3A_945 = arith.constant 16 : index
        %get3A_946 = tpu.vector_load %arg9[%get3A_944, %get3A_945] {strides = array<i32>} : memref<128x64xf32, #tpu.memory_space<vmem>>, vector<16xf32>,
        %get3A_947 = arith.index_cast %add3A_940 : i32 to index
        %get3A_948 = arith.constant 32 : index
        %get3A_949 = tpu.vector_load %arg9[%get3A_947, %get3A_948] {strides = array<i32>} : memref<128x64xf32, #tpu.memory_space<vmem>>, vector<16xf32>,
        %get3A_950 = arith.index_cast %add3A_940 : i32 to index
        %get3A_951 = arith.constant 48 : index
        %get3A_952 = tpu.vector_load %arg9[%get3A_950, %get3A_951] {strides = array<i32>} : memref<128x64xf32, #tpu.memory_space<vmem>>, vector<16xf32>,
        %mul3A_953 = arith.mulf %get3A_943, %get3A_943 : vector<16xf32>
        %add3A_954 = arith.addf %get3A_943, %get3A_946 : vector<16xf32>
        %mul3A_955 = arith.mulf %get3A_946, %get3A_946 : vector<16xf32>
        %add3A_956 = arith.addf %mul3A_953, %mul3A_955 : vector<16xf32>
        %add3A_957 = arith.addf %add3A_954, %get3A_949 : vector<16xf32>
        %mul3A_958 = arith.mulf %get3A_949, %get3A_949 : vector<16xf32>
        %add3A_959 = arith.addf %add3A_956, %mul3A_958 : vector<16xf32>
        %add3A_960 = arith.addf %add3A_957, %get3A_952 : vector<16xf32>
        %mul3A_961 = arith.mulf %get3A_952, %get3A_952 : vector<16xf32>
        %add3A_962 = arith.addf %add3A_959, %mul3A_961 : vector<16xf32>
        %reduce_sum3A_963 = arith.constant true
        %reduce_sum3A_964 = vector.broadcast %reduce_sum3A_963 : i1 to vector<16xi1>
        %reduce_sum3A_965 = tpu.scan <sum>, %add3A_960 masked %reduce_sum3A_964 : vector<16xf32>, vector<16xi1> -> vector<16xf32>
        %reduce_sum3A_966 = vector.extract %reduce_sum3A_965[15] : f32 from vector<16xf32>
        %reduce_sum3A_967 = arith.constant true
        %reduce_sum3A_968 = vector.broadcast %reduce_sum3A_967 : i1 to vector<16xi1>
        %reduce_sum3A_969 = tpu.scan <sum>, %add3A_962 masked %reduce_sum3A_968 : vector<16xf32>, vector<16xi1> -> vector<16xf32>
        %reduce_sum3A_970 = vector.extract %reduce_sum3A_969[15] : f32 from vector<16xf32>
        %mul3A_971 = arith.constant 1.562500e-02 : f32
        %mul3A_972 = arith.mulf %reduce_sum3A_966, %mul3A_971 : f32
        %mul3A_973 = arith.constant 1.562500e-02 : f32
        %mul3A_974 = arith.mulf %reduce_sum3A_970, %mul3A_973 : f32
        %mul3A_975 = arith.mulf %mul3A_972, %mul3A_972 : f32
        %sub3A_976 = arith.subf %mul3A_974, %mul3A_975 : f32
        %max3A_977 = arith.constant 0.000000e+00 : f32
        %max3A_978 = arith.maximumf %sub3A_976, %max3A_977 : f32
        %add3A_979 = arith.constant 9.99999996E-13 : f32
        %add3A_980 = arith.addf %max3A_978, %add3A_979 : f32
        %bitcast_convert_type3A_981 = arith.bitcast %add3A_980 : f32 to i32
        %shift_right_logical3A_982 = arith.constant 1 : i32
        %shift_right_logical3A_983 = arith.shrui %bitcast_convert_type3A_981, %shift_right_logical3A_982 : i32
        %sub3A_984 = arith.constant 1597463007 : i32
        %sub3A_985 = arith.subi %sub3A_984, %shift_right_logical3A_983 : i32
        %bitcast_convert_type3A_986 = arith.bitcast %sub3A_985 : i32 to f32
        %mul3A_987 = arith.constant 5.000000e-01 : f32
        %mul3A_988 = arith.mulf %add3A_980, %mul3A_987 : f32
        %mul3A_989 = arith.mulf %mul3A_988, %bitcast_convert_type3A_986 : f32
        %mul3A_990 = arith.mulf %mul3A_989, %bitcast_convert_type3A_986 : f32
        %sub3A_991 = arith.constant 1.500000e+00 : f32
        %sub3A_992 = arith.subf %sub3A_991, %mul3A_990 : f32
        %mul3A_993 = arith.mulf %bitcast_convert_type3A_986, %sub3A_992 : f32
        %mul3A_994 = arith.mulf %mul3A_988, %mul3A_993 : f32
        %mul3A_995 = arith.mulf %mul3A_994, %mul3A_993 : f32
        %sub3A_996 = arith.constant 1.500000e+00 : f32
        %sub3A_997 = arith.subf %sub3A_996, %mul3A_995 : f32
        %mul3A_998 = arith.mulf %mul3A_993, %sub3A_997 : f32
        %mul3A_999 = arith.mulf %mul3A_988, %mul3A_998 : f32
        %mul3A_1000 = arith.mulf %mul3A_999, %mul3A_998 : f32
        %sub3A_1001 = arith.constant 1.500000e+00 : f32
        %sub3A_1002 = arith.subf %sub3A_1001, %mul3A_1000 : f32
        %mul3A_1003 = arith.mulf %mul3A_998, %sub3A_1002 : f32
        %mul3A_1004 = arith.mulf %mul3A_972, %mul3A_1003 : f32
        %mul3A_1005 = vector.broadcast %mul3A_1003 : f32 to vector<16xf32>
        %mul3A_1006 = arith.mulf %get3A_943, %mul3A_1005 : vector<16xf32>
        %sub3A_1007 = vector.broadcast %mul3A_1004 : f32 to vector<16xf32>
        %sub3A_1008 = arith.subf %mul3A_1006, %sub3A_1007 : vector<16xf32>
        %mul3A_1009 = arith.mulf %sub3A_1008, %get3A_3 : vector<16xf32>
        %add3A_1010 = arith.addf %mul3A_1009, %get3A_11 : vector<16xf32>
        %swap3A_1011 = arith.index_cast %add3A_940 : i32 to index
        %swap3A_1012 = arith.constant 0 : index
        %swap3A_1013 = tpu.vector_load %arg11[%swap3A_1011, %swap3A_1012] {strides = array<i32>} : memref<128x64xf32, #tpu.memory_space<vmem>>, vector<16xf32>,
        tpu.vector_store %arg11[%swap3A_1011, %swap3A_1012], %add3A_1010 {strides = array<i32>} : memref<128x64xf32, #tpu.memory_space<vmem>>, vector<16xf32>,
        %mul3A_1014 = vector.broadcast %mul3A_1003 : f32 to vector<16xf32>
        %mul3A_1015 = arith.mulf %get3A_946, %mul3A_1014 : vector<16xf32>
        %sub3A_1016 = vector.broadcast %mul3A_1004 : f32 to vector<16xf32>
        %sub3A_1017 = arith.subf %mul3A_1015, %sub3A_1016 : vector<16xf32>
        %mul3A_1018 = arith.mulf %sub3A_1017, %get3A_5 : vector<16xf32>
        %add3A_1019 = arith.addf %mul3A_1018, %get3A_13 : vector<16xf32>
        %swap3A_1020 = arith.index_cast %add3A_940 : i32 to index
        %swap3A_1021 = arith.constant 16 : index
        %swap3A_1022 = tpu.vector_load %arg11[%swap3A_1020, %swap3A_1021] {strides = array<i32>} : memref<128x64xf32, #tpu.memory_space<vmem>>, vector<16xf32>,
        tpu.vector_store %arg11[%swap3A_1020, %swap3A_1021], %add3A_1019 {strides = array<i32>} : memref<128x64xf32, #tpu.memory_space<vmem>>, vector<16xf32>,
        %mul3A_1023 = vector.broadcast %mul3A_1003 : f32 to vector<16xf32>
        %mul3A_1024 = arith.mulf %get3A_949, %mul3A_1023 : vector<16xf32>
        %sub3A_1025 = vector.broadcast %mul3A_1004 : f32 to vector<16xf32>
        %sub3A_1026 = arith.subf %mul3A_1024, %sub3A_1025 : vector<16xf32>
        %mul3A_1027 = arith.mulf %sub3A_1026, %get3A_7 : vector<16xf32>
        %add3A_1028 = arith.addf %mul3A_1027, %get3A_15 : vector<16xf32>
        %swap3A_1029 = arith.index_cast %add3A_940 : i32 to index
        %swap3A_1030 = arith.constant 32 : index
        %swap3A_1031 = tpu.vector_load %arg11[%swap3A_1029, %swap3A_1030] {strides = array<i32>} : memref<128x64xf32, #tpu.memory_space<vmem>>, vector<16xf32>,
        tpu.vector_store %arg11[%swap3A_1029, %swap3A_1030], %add3A_1028 {strides = array<i32>} : memref<128x64xf32, #tpu.memory_space<vmem>>, vector<16xf32>,
        %mul3A_1032 = vector.broadcast %mul3A_1003 : f32 to vector<16xf32>
        %mul3A_1033 = arith.mulf %get3A_952, %mul3A_1032 : vector<16xf32>
        %sub3A_1034 = vector.broadcast %mul3A_1004 : f32 to vector<16xf32>
        %sub3A_1035 = arith.subf %mul3A_1033, %sub3A_1034 : vector<16xf32>
        %mul3A_1036 = arith.mulf %sub3A_1035, %get3A_9 : vector<16xf32>
        %add3A_1037 = arith.addf %mul3A_1036, %get3A_17 : vector<16xf32>
        %swap3A_1038 = arith.index_cast %add3A_940 : i32 to index
        %swap3A_1039 = arith.constant 48 : index
        %swap3A_1040 = tpu.vector_load %arg11[%swap3A_1038, %swap3A_1039] {strides = array<i32>} : memref<128x64xf32, #tpu.memory_space<vmem>>, vector<16xf32>,
        tpu.vector_store %arg11[%swap3A_1038, %swap3A_1039], %add3A_1037 {strides = array<i32>} : memref<128x64xf32, #tpu.memory_space<vmem>>, vector<16xf32>,
        %mul3A_1041 = arith.constant 16 : i32
        %mul3A_1042 = arith.muli %scan3A_110, %mul3A_1041 : i32
        %add3A_1043 = arith.constant 9 : i32
        %add3A_1044 = arith.addi %mul3A_1042, %add3A_1043 : i32
        %get3A_1045 = arith.index_cast %add3A_1044 : i32 to index
        %get3A_1046 = arith.constant 0 : index
        %get3A_1047 = tpu.vector_load %arg9[%get3A_1045, %get3A_1046] {strides = array<i32>} : memref<128x64xf32, #tpu.memory_space<vmem>>, vector<16xf32>,
        %get3A_1048 = arith.index_cast %add3A_1044 : i32 to index
        %get3A_1049 = arith.constant 16 : index
        %get3A_1050 = tpu.vector_load %arg9[%get3A_1048, %get3A_1049] {strides = array<i32>} : memref<128x64xf32, #tpu.memory_space<vmem>>, vector<16xf32>,
        %get3A_1051 = arith.index_cast %add3A_1044 : i32 to index
        %get3A_1052 = arith.constant 32 : index
        %get3A_1053 = tpu.vector_load %arg9[%get3A_1051, %get3A_1052] {strides = array<i32>} : memref<128x64xf32, #tpu.memory_space<vmem>>, vector<16xf32>,
        %get3A_1054 = arith.index_cast %add3A_1044 : i32 to index
        %get3A_1055 = arith.constant 48 : index
        %get3A_1056 = tpu.vector_load %arg9[%get3A_1054, %get3A_1055] {strides = array<i32>} : memref<128x64xf32, #tpu.memory_space<vmem>>, vector<16xf32>,
        %mul3A_1057 = arith.mulf %get3A_1047, %get3A_1047 : vector<16xf32>
        %add3A_1058 = arith.addf %get3A_1047, %get3A_1050 : vector<16xf32>
        %mul3A_1059 = arith.mulf %get3A_1050, %get3A_1050 : vector<16xf32>
        %add3A_1060 = arith.addf %mul3A_1057, %mul3A_1059 : vector<16xf32>
        %add3A_1061 = arith.addf %add3A_1058, %get3A_1053 : vector<16xf32>
        %mul3A_1062 = arith.mulf %get3A_1053, %get3A_1053 : vector<16xf32>
        %add3A_1063 = arith.addf %add3A_1060, %mul3A_1062 : vector<16xf32>
        %add3A_1064 = arith.addf %add3A_1061, %get3A_1056 : vector<16xf32>
        %mul3A_1065 = arith.mulf %get3A_1056, %get3A_1056 : vector<16xf32>
        %add3A_1066 = arith.addf %add3A_1063, %mul3A_1065 : vector<16xf32>
        %reduce_sum3A_1067 = arith.constant true
        %reduce_sum3A_1068 = vector.broadcast %reduce_sum3A_1067 : i1 to vector<16xi1>
        %reduce_sum3A_1069 = tpu.scan <sum>, %add3A_1064 masked %reduce_sum3A_1068 : vector<16xf32>, vector<16xi1> -> vector<16xf32>
        %reduce_sum3A_1070 = vector.extract %reduce_sum3A_1069[15] : f32 from vector<16xf32>
        %reduce_sum3A_1071 = arith.constant true
        %reduce_sum3A_1072 = vector.broadcast %reduce_sum3A_1071 : i1 to vector<16xi1>
        %reduce_sum3A_1073 = tpu.scan <sum>, %add3A_1066 masked %reduce_sum3A_1072 : vector<16xf32>, vector<16xi1> -> vector<16xf32>
        %reduce_sum3A_1074 = vector.extract %reduce_sum3A_1073[15] : f32 from vector<16xf32>
        %mul3A_1075 = arith.constant 1.562500e-02 : f32
        %mul3A_1076 = arith.mulf %reduce_sum3A_1070, %mul3A_1075 : f32
        %mul3A_1077 = arith.constant 1.562500e-02 : f32
        %mul3A_1078 = arith.mulf %reduce_sum3A_1074, %mul3A_1077 : f32
        %mul3A_1079 = arith.mulf %mul3A_1076, %mul3A_1076 : f32
        %sub3A_1080 = arith.subf %mul3A_1078, %mul3A_1079 : f32
        %max3A_1081 = arith.constant 0.000000e+00 : f32
        %max3A_1082 = arith.maximumf %sub3A_1080, %max3A_1081 : f32
        %add3A_1083 = arith.constant 9.99999996E-13 : f32
        %add3A_1084 = arith.addf %max3A_1082, %add3A_1083 : f32
        %bitcast_convert_type3A_1085 = arith.bitcast %add3A_1084 : f32 to i32
        %shift_right_logical3A_1086 = arith.constant 1 : i32
        %shift_right_logical3A_1087 = arith.shrui %bitcast_convert_type3A_1085, %shift_right_logical3A_1086 : i32
        %sub3A_1088 = arith.constant 1597463007 : i32
        %sub3A_1089 = arith.subi %sub3A_1088, %shift_right_logical3A_1087 : i32
        %bitcast_convert_type3A_1090 = arith.bitcast %sub3A_1089 : i32 to f32
        %mul3A_1091 = arith.constant 5.000000e-01 : f32
        %mul3A_1092 = arith.mulf %add3A_1084, %mul3A_1091 : f32
        %mul3A_1093 = arith.mulf %mul3A_1092, %bitcast_convert_type3A_1090 : f32
        %mul3A_1094 = arith.mulf %mul3A_1093, %bitcast_convert_type3A_1090 : f32
        %sub3A_1095 = arith.constant 1.500000e+00 : f32
        %sub3A_1096 = arith.subf %sub3A_1095, %mul3A_1094 : f32
        %mul3A_1097 = arith.mulf %bitcast_convert_type3A_1090, %sub3A_1096 : f32
        %mul3A_1098 = arith.mulf %mul3A_1092, %mul3A_1097 : f32
        %mul3A_1099 = arith.mulf %mul3A_1098, %mul3A_1097 : f32
        %sub3A_1100 = arith.constant 1.500000e+00 : f32
        %sub3A_1101 = arith.subf %sub3A_1100, %mul3A_1099 : f32
        %mul3A_1102 = arith.mulf %mul3A_1097, %sub3A_1101 : f32
        %mul3A_1103 = arith.mulf %mul3A_1092, %mul3A_1102 : f32
        %mul3A_1104 = arith.mulf %mul3A_1103, %mul3A_1102 : f32
        %sub3A_1105 = arith.constant 1.500000e+00 : f32
        %sub3A_1106 = arith.subf %sub3A_1105, %mul3A_1104 : f32
        %mul3A_1107 = arith.mulf %mul3A_1102, %sub3A_1106 : f32
        %mul3A_1108 = arith.mulf %mul3A_1076, %mul3A_1107 : f32
        %mul3A_1109 = vector.broadcast %mul3A_1107 : f32 to vector<16xf32>
        %mul3A_1110 = arith.mulf %get3A_1047, %mul3A_1109 : vector<16xf32>
        %sub3A_1111 = vector.broadcast %mul3A_1108 : f32 to vector<16xf32>
        %sub3A_1112 = arith.subf %mul3A_1110, %sub3A_1111 : vector<16xf32>
        %mul3A_1113 = arith.mulf %sub3A_1112, %get3A_3 : vector<16xf32>
        %add3A_1114 = arith.addf %mul3A_1113, %get3A_11 : vector<16xf32>
        %swap3A_1115 = arith.index_cast %add3A_1044 : i32 to index
        %swap3A_1116 = arith.constant 0 : index
        %swap3A_1117 = tpu.vector_load %arg11[%swap3A_1115, %swap3A_1116] {strides = array<i32>} : memref<128x64xf32, #tpu.memory_space<vmem>>, vector<16xf32>,
        tpu.vector_store %arg11[%swap3A_1115, %swap3A_1116], %add3A_1114 {strides = array<i32>} : memref<128x64xf32, #tpu.memory_space<vmem>>, vector<16xf32>,
        %mul3A_1118 = vector.broadcast %mul3A_1107 : f32 to vector<16xf32>
        %mul3A_1119 = arith.mulf %get3A_1050, %mul3A_1118 : vector<16xf32>
        %sub3A_1120 = vector.broadcast %mul3A_1108 : f32 to vector<16xf32>
        %sub3A_1121 = arith.subf %mul3A_1119, %sub3A_1120 : vector<16xf32>
        %mul3A_1122 = arith.mulf %sub3A_1121, %get3A_5 : vector<16xf32>
        %add3A_1123 = arith.addf %mul3A_1122, %get3A_13 : vector<16xf32>
        %swap3A_1124 = arith.index_cast %add3A_1044 : i32 to index
        %swap3A_1125 = arith.constant 16 : index
        %swap3A_1126 = tpu.vector_load %arg11[%swap3A_1124, %swap3A_1125] {strides = array<i32>} : memref<128x64xf32, #tpu.memory_space<vmem>>, vector<16xf32>,
        tpu.vector_store %arg11[%swap3A_1124, %swap3A_1125], %add3A_1123 {strides = array<i32>} : memref<128x64xf32, #tpu.memory_space<vmem>>, vector<16xf32>,
        %mul3A_1127 = vector.broadcast %mul3A_1107 : f32 to vector<16xf32>
        %mul3A_1128 = arith.mulf %get3A_1053, %mul3A_1127 : vector<16xf32>
        %sub3A_1129 = vector.broadcast %mul3A_1108 : f32 to vector<16xf32>
        %sub3A_1130 = arith.subf %mul3A_1128, %sub3A_1129 : vector<16xf32>
        %mul3A_1131 = arith.mulf %sub3A_1130, %get3A_7 : vector<16xf32>
        %add3A_1132 = arith.addf %mul3A_1131, %get3A_15 : vector<16xf32>
        %swap3A_1133 = arith.index_cast %add3A_1044 : i32 to index
        %swap3A_1134 = arith.constant 32 : index
        %swap3A_1135 = tpu.vector_load %arg11[%swap3A_1133, %swap3A_1134] {strides = array<i32>} : memref<128x64xf32, #tpu.memory_space<vmem>>, vector<16xf32>,
        tpu.vector_store %arg11[%swap3A_1133, %swap3A_1134], %add3A_1132 {strides = array<i32>} : memref<128x64xf32, #tpu.memory_space<vmem>>, vector<16xf32>,
        %mul3A_1136 = vector.broadcast %mul3A_1107 : f32 to vector<16xf32>
        %mul3A_1137 = arith.mulf %get3A_1056, %mul3A_1136 : vector<16xf32>
        %sub3A_1138 = vector.broadcast %mul3A_1108 : f32 to vector<16xf32>
        %sub3A_1139 = arith.subf %mul3A_1137, %sub3A_1138 : vector<16xf32>
        %mul3A_1140 = arith.mulf %sub3A_1139, %get3A_9 : vector<16xf32>
        %add3A_1141 = arith.addf %mul3A_1140, %get3A_17 : vector<16xf32>
        %swap3A_1142 = arith.index_cast %add3A_1044 : i32 to index
        %swap3A_1143 = arith.constant 48 : index
        %swap3A_1144 = tpu.vector_load %arg11[%swap3A_1142, %swap3A_1143] {strides = array<i32>} : memref<128x64xf32, #tpu.memory_space<vmem>>, vector<16xf32>,
        tpu.vector_store %arg11[%swap3A_1142, %swap3A_1143], %add3A_1141 {strides = array<i32>} : memref<128x64xf32, #tpu.memory_space<vmem>>, vector<16xf32>,
        %mul3A_1145 = arith.constant 16 : i32
        %mul3A_1146 = arith.muli %scan3A_110, %mul3A_1145 : i32
        %add3A_1147 = arith.constant 10 : i32
        %add3A_1148 = arith.addi %mul3A_1146, %add3A_1147 : i32
        %get3A_1149 = arith.index_cast %add3A_1148 : i32 to index
        %get3A_1150 = arith.constant 0 : index
        %get3A_1151 = tpu.vector_load %arg9[%get3A_1149, %get3A_1150] {strides = array<i32>} : memref<128x64xf32, #tpu.memory_space<vmem>>, vector<16xf32>,
        %get3A_1152 = arith.index_cast %add3A_1148 : i32 to index
        %get3A_1153 = arith.constant 16 : index
        %get3A_1154 = tpu.vector_load %arg9[%get3A_1152, %get3A_1153] {strides = array<i32>} : memref<128x64xf32, #tpu.memory_space<vmem>>, vector<16xf32>,
        %get3A_1155 = arith.index_cast %add3A_1148 : i32 to index
        %get3A_1156 = arith.constant 32 : index
        %get3A_1157 = tpu.vector_load %arg9[%get3A_1155, %get3A_1156] {strides = array<i32>} : memref<128x64xf32, #tpu.memory_space<vmem>>, vector<16xf32>,
        %get3A_1158 = arith.index_cast %add3A_1148 : i32 to index
        %get3A_1159 = arith.constant 48 : index
        %get3A_1160 = tpu.vector_load %arg9[%get3A_1158, %get3A_1159] {strides = array<i32>} : memref<128x64xf32, #tpu.memory_space<vmem>>, vector<16xf32>,
        %mul3A_1161 = arith.mulf %get3A_1151, %get3A_1151 : vector<16xf32>
        %add3A_1162 = arith.addf %get3A_1151, %get3A_1154 : vector<16xf32>
        %mul3A_1163 = arith.mulf %get3A_1154, %get3A_1154 : vector<16xf32>
        %add3A_1164 = arith.addf %mul3A_1161, %mul3A_1163 : vector<16xf32>
        %add3A_1165 = arith.addf %add3A_1162, %get3A_1157 : vector<16xf32>
        %mul3A_1166 = arith.mulf %get3A_1157, %get3A_1157 : vector<16xf32>
        %add3A_1167 = arith.addf %add3A_1164, %mul3A_1166 : vector<16xf32>
        %add3A_1168 = arith.addf %add3A_1165, %get3A_1160 : vector<16xf32>
        %mul3A_1169 = arith.mulf %get3A_1160, %get3A_1160 : vector<16xf32>
        %add3A_1170 = arith.addf %add3A_1167, %mul3A_1169 : vector<16xf32>
        %reduce_sum3A_1171 = arith.constant true
        %reduce_sum3A_1172 = vector.broadcast %reduce_sum3A_1171 : i1 to vector<16xi1>
        %reduce_sum3A_1173 = tpu.scan <sum>, %add3A_1168 masked %reduce_sum3A_1172 : vector<16xf32>, vector<16xi1> -> vector<16xf32>
        %reduce_sum3A_1174 = vector.extract %reduce_sum3A_1173[15] : f32 from vector<16xf32>
        %reduce_sum3A_1175 = arith.constant true
        %reduce_sum3A_1176 = vector.broadcast %reduce_sum3A_1175 : i1 to vector<16xi1>
        %reduce_sum3A_1177 = tpu.scan <sum>, %add3A_1170 masked %reduce_sum3A_1176 : vector<16xf32>, vector<16xi1> -> vector<16xf32>
        %reduce_sum3A_1178 = vector.extract %reduce_sum3A_1177[15] : f32 from vector<16xf32>
        %mul3A_1179 = arith.constant 1.562500e-02 : f32
        %mul3A_1180 = arith.mulf %reduce_sum3A_1174, %mul3A_1179 : f32
        %mul3A_1181 = arith.constant 1.562500e-02 : f32
        %mul3A_1182 = arith.mulf %reduce_sum3A_1178, %mul3A_1181 : f32
        %mul3A_1183 = arith.mulf %mul3A_1180, %mul3A_1180 : f32
        %sub3A_1184 = arith.subf %mul3A_1182, %mul3A_1183 : f32
        %max3A_1185 = arith.constant 0.000000e+00 : f32
        %max3A_1186 = arith.maximumf %sub3A_1184, %max3A_1185 : f32
        %add3A_1187 = arith.constant 9.99999996E-13 : f32
        %add3A_1188 = arith.addf %max3A_1186, %add3A_1187 : f32
        %bitcast_convert_type3A_1189 = arith.bitcast %add3A_1188 : f32 to i32
        %shift_right_logical3A_1190 = arith.constant 1 : i32
        %shift_right_logical3A_1191 = arith.shrui %bitcast_convert_type3A_1189, %shift_right_logical3A_1190 : i32
        %sub3A_1192 = arith.constant 1597463007 : i32
        %sub3A_1193 = arith.subi %sub3A_1192, %shift_right_logical3A_1191 : i32
        %bitcast_convert_type3A_1194 = arith.bitcast %sub3A_1193 : i32 to f32
        %mul3A_1195 = arith.constant 5.000000e-01 : f32
        %mul3A_1196 = arith.mulf %add3A_1188, %mul3A_1195 : f32
        %mul3A_1197 = arith.mulf %mul3A_1196, %bitcast_convert_type3A_1194 : f32
        %mul3A_1198 = arith.mulf %mul3A_1197, %bitcast_convert_type3A_1194 : f32
        %sub3A_1199 = arith.constant 1.500000e+00 : f32
        %sub3A_1200 = arith.subf %sub3A_1199, %mul3A_1198 : f32
        %mul3A_1201 = arith.mulf %bitcast_convert_type3A_1194, %sub3A_1200 : f32
        %mul3A_1202 = arith.mulf %mul3A_1196, %mul3A_1201 : f32
        %mul3A_1203 = arith.mulf %mul3A_1202, %mul3A_1201 : f32
        %sub3A_1204 = arith.constant 1.500000e+00 : f32
        %sub3A_1205 = arith.subf %sub3A_1204, %mul3A_1203 : f32
        %mul3A_1206 = arith.mulf %mul3A_1201, %sub3A_1205 : f32
        %mul3A_1207 = arith.mulf %mul3A_1196, %mul3A_1206 : f32
        %mul3A_1208 = arith.mulf %mul3A_1207, %mul3A_1206 : f32
        %sub3A_1209 = arith.constant 1.500000e+00 : f32
        %sub3A_1210 = arith.subf %sub3A_1209, %mul3A_1208 : f32
        %mul3A_1211 = arith.mulf %mul3A_1206, %sub3A_1210 : f32
        %mul3A_1212 = arith.mulf %mul3A_1180, %mul3A_1211 : f32
        %mul3A_1213 = vector.broadcast %mul3A_1211 : f32 to vector<16xf32>
        %mul3A_1214 = arith.mulf %get3A_1151, %mul3A_1213 : vector<16xf32>
        %sub3A_1215 = vector.broadcast %mul3A_1212 : f32 to vector<16xf32>
        %sub3A_1216 = arith.subf %mul3A_1214, %sub3A_1215 : vector<16xf32>
        %mul3A_1217 = arith.mulf %sub3A_1216, %get3A_3 : vector<16xf32>
        %add3A_1218 = arith.addf %mul3A_1217, %get3A_11 : vector<16xf32>
        %swap3A_1219 = arith.index_cast %add3A_1148 : i32 to index
        %swap3A_1220 = arith.constant 0 : index
        %swap3A_1221 = tpu.vector_load %arg11[%swap3A_1219, %swap3A_1220] {strides = array<i32>} : memref<128x64xf32, #tpu.memory_space<vmem>>, vector<16xf32>,
        tpu.vector_store %arg11[%swap3A_1219, %swap3A_1220], %add3A_1218 {strides = array<i32>} : memref<128x64xf32, #tpu.memory_space<vmem>>, vector<16xf32>,
        %mul3A_1222 = vector.broadcast %mul3A_1211 : f32 to vector<16xf32>
        %mul3A_1223 = arith.mulf %get3A_1154, %mul3A_1222 : vector<16xf32>
        %sub3A_1224 = vector.broadcast %mul3A_1212 : f32 to vector<16xf32>
        %sub3A_1225 = arith.subf %mul3A_1223, %sub3A_1224 : vector<16xf32>
        %mul3A_1226 = arith.mulf %sub3A_1225, %get3A_5 : vector<16xf32>
        %add3A_1227 = arith.addf %mul3A_1226, %get3A_13 : vector<16xf32>
        %swap3A_1228 = arith.index_cast %add3A_1148 : i32 to index
        %swap3A_1229 = arith.constant 16 : index
        %swap3A_1230 = tpu.vector_load %arg11[%swap3A_1228, %swap3A_1229] {strides = array<i32>} : memref<128x64xf32, #tpu.memory_space<vmem>>, vector<16xf32>,
        tpu.vector_store %arg11[%swap3A_1228, %swap3A_1229], %add3A_1227 {strides = array<i32>} : memref<128x64xf32, #tpu.memory_space<vmem>>, vector<16xf32>,
        %mul3A_1231 = vector.broadcast %mul3A_1211 : f32 to vector<16xf32>
        %mul3A_1232 = arith.mulf %get3A_1157, %mul3A_1231 : vector<16xf32>
        %sub3A_1233 = vector.broadcast %mul3A_1212 : f32 to vector<16xf32>
        %sub3A_1234 = arith.subf %mul3A_1232, %sub3A_1233 : vector<16xf32>
        %mul3A_1235 = arith.mulf %sub3A_1234, %get3A_7 : vector<16xf32>
        %add3A_1236 = arith.addf %mul3A_1235, %get3A_15 : vector<16xf32>
        %swap3A_1237 = arith.index_cast %add3A_1148 : i32 to index
        %swap3A_1238 = arith.constant 32 : index
        %swap3A_1239 = tpu.vector_load %arg11[%swap3A_1237, %swap3A_1238] {strides = array<i32>} : memref<128x64xf32, #tpu.memory_space<vmem>>, vector<16xf32>,
        tpu.vector_store %arg11[%swap3A_1237, %swap3A_1238], %add3A_1236 {strides = array<i32>} : memref<128x64xf32, #tpu.memory_space<vmem>>, vector<16xf32>,
        %mul3A_1240 = vector.broadcast %mul3A_1211 : f32 to vector<16xf32>
        %mul3A_1241 = arith.mulf %get3A_1160, %mul3A_1240 : vector<16xf32>
        %sub3A_1242 = vector.broadcast %mul3A_1212 : f32 to vector<16xf32>
        %sub3A_1243 = arith.subf %mul3A_1241, %sub3A_1242 : vector<16xf32>
        %mul3A_1244 = arith.mulf %sub3A_1243, %get3A_9 : vector<16xf32>
        %add3A_1245 = arith.addf %mul3A_1244, %get3A_17 : vector<16xf32>
        %swap3A_1246 = arith.index_cast %add3A_1148 : i32 to index
        %swap3A_1247 = arith.constant 48 : index
        %swap3A_1248 = tpu.vector_load %arg11[%swap3A_1246, %swap3A_1247] {strides = array<i32>} : memref<128x64xf32, #tpu.memory_space<vmem>>, vector<16xf32>,
        tpu.vector_store %arg11[%swap3A_1246, %swap3A_1247], %add3A_1245 {strides = array<i32>} : memref<128x64xf32, #tpu.memory_space<vmem>>, vector<16xf32>,
        %mul3A_1249 = arith.constant 16 : i32
        %mul3A_1250 = arith.muli %scan3A_110, %mul3A_1249 : i32
        %add3A_1251 = arith.constant 11 : i32
        %add3A_1252 = arith.addi %mul3A_1250, %add3A_1251 : i32
        %get3A_1253 = arith.index_cast %add3A_1252 : i32 to index
        %get3A_1254 = arith.constant 0 : index
        %get3A_1255 = tpu.vector_load %arg9[%get3A_1253, %get3A_1254] {strides = array<i32>} : memref<128x64xf32, #tpu.memory_space<vmem>>, vector<16xf32>,
        %get3A_1256 = arith.index_cast %add3A_1252 : i32 to index
        %get3A_1257 = arith.constant 16 : index
        %get3A_1258 = tpu.vector_load %arg9[%get3A_1256, %get3A_1257] {strides = array<i32>} : memref<128x64xf32, #tpu.memory_space<vmem>>, vector<16xf32>,
        %get3A_1259 = arith.index_cast %add3A_1252 : i32 to index
        %get3A_1260 = arith.constant 32 : index
        %get3A_1261 = tpu.vector_load %arg9[%get3A_1259, %get3A_1260] {strides = array<i32>} : memref<128x64xf32, #tpu.memory_space<vmem>>, vector<16xf32>,
        %get3A_1262 = arith.index_cast %add3A_1252 : i32 to index
        %get3A_1263 = arith.constant 48 : index
        %get3A_1264 = tpu.vector_load %arg9[%get3A_1262, %get3A_1263] {strides = array<i32>} : memref<128x64xf32, #tpu.memory_space<vmem>>, vector<16xf32>,
        %mul3A_1265 = arith.mulf %get3A_1255, %get3A_1255 : vector<16xf32>
        %add3A_1266 = arith.addf %get3A_1255, %get3A_1258 : vector<16xf32>
        %mul3A_1267 = arith.mulf %get3A_1258, %get3A_1258 : vector<16xf32>
        %add3A_1268 = arith.addf %mul3A_1265, %mul3A_1267 : vector<16xf32>
        %add3A_1269 = arith.addf %add3A_1266, %get3A_1261 : vector<16xf32>
        %mul3A_1270 = arith.mulf %get3A_1261, %get3A_1261 : vector<16xf32>
        %add3A_1271 = arith.addf %add3A_1268, %mul3A_1270 : vector<16xf32>
        %add3A_1272 = arith.addf %add3A_1269, %get3A_1264 : vector<16xf32>
        %mul3A_1273 = arith.mulf %get3A_1264, %get3A_1264 : vector<16xf32>
        %add3A_1274 = arith.addf %add3A_1271, %mul3A_1273 : vector<16xf32>
        %reduce_sum3A_1275 = arith.constant true
        %reduce_sum3A_1276 = vector.broadcast %reduce_sum3A_1275 : i1 to vector<16xi1>
        %reduce_sum3A_1277 = tpu.scan <sum>, %add3A_1272 masked %reduce_sum3A_1276 : vector<16xf32>, vector<16xi1> -> vector<16xf32>
        %reduce_sum3A_1278 = vector.extract %reduce_sum3A_1277[15] : f32 from vector<16xf32>
        %reduce_sum3A_1279 = arith.constant true
        %reduce_sum3A_1280 = vector.broadcast %reduce_sum3A_1279 : i1 to vector<16xi1>
        %reduce_sum3A_1281 = tpu.scan <sum>, %add3A_1274 masked %reduce_sum3A_1280 : vector<16xf32>, vector<16xi1> -> vector<16xf32>
        %reduce_sum3A_1282 = vector.extract %reduce_sum3A_1281[15] : f32 from vector<16xf32>
        %mul3A_1283 = arith.constant 1.562500e-02 : f32
        %mul3A_1284 = arith.mulf %reduce_sum3A_1278, %mul3A_1283 : f32
        %mul3A_1285 = arith.constant 1.562500e-02 : f32
        %mul3A_1286 = arith.mulf %reduce_sum3A_1282, %mul3A_1285 : f32
        %mul3A_1287 = arith.mulf %mul3A_1284, %mul3A_1284 : f32
        %sub3A_1288 = arith.subf %mul3A_1286, %mul3A_1287 : f32
        %max3A_1289 = arith.constant 0.000000e+00 : f32
        %max3A_1290 = arith.maximumf %sub3A_1288, %max3A_1289 : f32
        %add3A_1291 = arith.constant 9.99999996E-13 : f32
        %add3A_1292 = arith.addf %max3A_1290, %add3A_1291 : f32
        %bitcast_convert_type3A_1293 = arith.bitcast %add3A_1292 : f32 to i32
        %shift_right_logical3A_1294 = arith.constant 1 : i32
        %shift_right_logical3A_1295 = arith.shrui %bitcast_convert_type3A_1293, %shift_right_logical3A_1294 : i32
        %sub3A_1296 = arith.constant 1597463007 : i32
        %sub3A_1297 = arith.subi %sub3A_1296, %shift_right_logical3A_1295 : i32
        %bitcast_convert_type3A_1298 = arith.bitcast %sub3A_1297 : i32 to f32
        %mul3A_1299 = arith.constant 5.000000e-01 : f32
        %mul3A_1300 = arith.mulf %add3A_1292, %mul3A_1299 : f32
        %mul3A_1301 = arith.mulf %mul3A_1300, %bitcast_convert_type3A_1298 : f32
        %mul3A_1302 = arith.mulf %mul3A_1301, %bitcast_convert_type3A_1298 : f32
        %sub3A_1303 = arith.constant 1.500000e+00 : f32
        %sub3A_1304 = arith.subf %sub3A_1303, %mul3A_1302 : f32
        %mul3A_1305 = arith.mulf %bitcast_convert_type3A_1298, %sub3A_1304 : f32
        %mul3A_1306 = arith.mulf %mul3A_1300, %mul3A_1305 : f32
        %mul3A_1307 = arith.mulf %mul3A_1306, %mul3A_1305 : f32
        %sub3A_1308 = arith.constant 1.500000e+00 : f32
        %sub3A_1309 = arith.subf %sub3A_1308, %mul3A_1307 : f32
        %mul3A_1310 = arith.mulf %mul3A_1305, %sub3A_1309 : f32
        %mul3A_1311 = arith.mulf %mul3A_1300, %mul3A_1310 : f32
        %mul3A_1312 = arith.mulf %mul3A_1311, %mul3A_1310 : f32
        %sub3A_1313 = arith.constant 1.500000e+00 : f32
        %sub3A_1314 = arith.subf %sub3A_1313, %mul3A_1312 : f32
        %mul3A_1315 = arith.mulf %mul3A_1310, %sub3A_1314 : f32
        %mul3A_1316 = arith.mulf %mul3A_1284, %mul3A_1315 : f32
        %mul3A_1317 = vector.broadcast %mul3A_1315 : f32 to vector<16xf32>
        %mul3A_1318 = arith.mulf %get3A_1255, %mul3A_1317 : vector<16xf32>
        %sub3A_1319 = vector.broadcast %mul3A_1316 : f32 to vector<16xf32>
        %sub3A_1320 = arith.subf %mul3A_1318, %sub3A_1319 : vector<16xf32>
        %mul3A_1321 = arith.mulf %sub3A_1320, %get3A_3 : vector<16xf32>
        %add3A_1322 = arith.addf %mul3A_1321, %get3A_11 : vector<16xf32>
        %swap3A_1323 = arith.index_cast %add3A_1252 : i32 to index
        %swap3A_1324 = arith.constant 0 : index
        %swap3A_1325 = tpu.vector_load %arg11[%swap3A_1323, %swap3A_1324] {strides = array<i32>} : memref<128x64xf32, #tpu.memory_space<vmem>>, vector<16xf32>,
        tpu.vector_store %arg11[%swap3A_1323, %swap3A_1324], %add3A_1322 {strides = array<i32>} : memref<128x64xf32, #tpu.memory_space<vmem>>, vector<16xf32>,
        %mul3A_1326 = vector.broadcast %mul3A_1315 : f32 to vector<16xf32>
        %mul3A_1327 = arith.mulf %get3A_1258, %mul3A_1326 : vector<16xf32>
        %sub3A_1328 = vector.broadcast %mul3A_1316 : f32 to vector<16xf32>
        %sub3A_1329 = arith.subf %mul3A_1327, %sub3A_1328 : vector<16xf32>
        %mul3A_1330 = arith.mulf %sub3A_1329, %get3A_5 : vector<16xf32>
        %add3A_1331 = arith.addf %mul3A_1330, %get3A_13 : vector<16xf32>
        %swap3A_1332 = arith.index_cast %add3A_1252 : i32 to index
        %swap3A_1333 = arith.constant 16 : index
        %swap3A_1334 = tpu.vector_load %arg11[%swap3A_1332, %swap3A_1333] {strides = array<i32>} : memref<128x64xf32, #tpu.memory_space<vmem>>, vector<16xf32>,
        tpu.vector_store %arg11[%swap3A_1332, %swap3A_1333], %add3A_1331 {strides = array<i32>} : memref<128x64xf32, #tpu.memory_space<vmem>>, vector<16xf32>,
        %mul3A_1335 = vector.broadcast %mul3A_1315 : f32 to vector<16xf32>
        %mul3A_1336 = arith.mulf %get3A_1261, %mul3A_1335 : vector<16xf32>
        %sub3A_1337 = vector.broadcast %mul3A_1316 : f32 to vector<16xf32>
        %sub3A_1338 = arith.subf %mul3A_1336, %sub3A_1337 : vector<16xf32>
        %mul3A_1339 = arith.mulf %sub3A_1338, %get3A_7 : vector<16xf32>
        %add3A_1340 = arith.addf %mul3A_1339, %get3A_15 : vector<16xf32>
        %swap3A_1341 = arith.index_cast %add3A_1252 : i32 to index
        %swap3A_1342 = arith.constant 32 : index
        %swap3A_1343 = tpu.vector_load %arg11[%swap3A_1341, %swap3A_1342] {strides = array<i32>} : memref<128x64xf32, #tpu.memory_space<vmem>>, vector<16xf32>,
        tpu.vector_store %arg11[%swap3A_1341, %swap3A_1342], %add3A_1340 {strides = array<i32>} : memref<128x64xf32, #tpu.memory_space<vmem>>, vector<16xf32>,
        %mul3A_1344 = vector.broadcast %mul3A_1315 : f32 to vector<16xf32>
        %mul3A_1345 = arith.mulf %get3A_1264, %mul3A_1344 : vector<16xf32>
        %sub3A_1346 = vector.broadcast %mul3A_1316 : f32 to vector<16xf32>
        %sub3A_1347 = arith.subf %mul3A_1345, %sub3A_1346 : vector<16xf32>
        %mul3A_1348 = arith.mulf %sub3A_1347, %get3A_9 : vector<16xf32>
        %add3A_1349 = arith.addf %mul3A_1348, %get3A_17 : vector<16xf32>
        %swap3A_1350 = arith.index_cast %add3A_1252 : i32 to index
        %swap3A_1351 = arith.constant 48 : index
        %swap3A_1352 = tpu.vector_load %arg11[%swap3A_1350, %swap3A_1351] {strides = array<i32>} : memref<128x64xf32, #tpu.memory_space<vmem>>, vector<16xf32>,
        tpu.vector_store %arg11[%swap3A_1350, %swap3A_1351], %add3A_1349 {strides = array<i32>} : memref<128x64xf32, #tpu.memory_space<vmem>>, vector<16xf32>,
        %mul3A_1353 = arith.constant 16 : i32
        %mul3A_1354 = arith.muli %scan3A_110, %mul3A_1353 : i32
        %add3A_1355 = arith.constant 12 : i32
        %add3A_1356 = arith.addi %mul3A_1354, %add3A_1355 : i32
        %get3A_1357 = arith.index_cast %add3A_1356 : i32 to index
        %get3A_1358 = arith.constant 0 : index
        %get3A_1359 = tpu.vector_load %arg9[%get3A_1357, %get3A_1358] {strides = array<i32>} : memref<128x64xf32, #tpu.memory_space<vmem>>, vector<16xf32>,
        %get3A_1360 = arith.index_cast %add3A_1356 : i32 to index
        %get3A_1361 = arith.constant 16 : index
        %get3A_1362 = tpu.vector_load %arg9[%get3A_1360, %get3A_1361] {strides = array<i32>} : memref<128x64xf32, #tpu.memory_space<vmem>>, vector<16xf32>,
        %get3A_1363 = arith.index_cast %add3A_1356 : i32 to index
        %get3A_1364 = arith.constant 32 : index
        %get3A_1365 = tpu.vector_load %arg9[%get3A_1363, %get3A_1364] {strides = array<i32>} : memref<128x64xf32, #tpu.memory_space<vmem>>, vector<16xf32>,
        %get3A_1366 = arith.index_cast %add3A_1356 : i32 to index
        %get3A_1367 = arith.constant 48 : index
        %get3A_1368 = tpu.vector_load %arg9[%get3A_1366, %get3A_1367] {strides = array<i32>} : memref<128x64xf32, #tpu.memory_space<vmem>>, vector<16xf32>,
        %mul3A_1369 = arith.mulf %get3A_1359, %get3A_1359 : vector<16xf32>
        %add3A_1370 = arith.addf %get3A_1359, %get3A_1362 : vector<16xf32>
        %mul3A_1371 = arith.mulf %get3A_1362, %get3A_1362 : vector<16xf32>
        %add3A_1372 = arith.addf %mul3A_1369, %mul3A_1371 : vector<16xf32>
        %add3A_1373 = arith.addf %add3A_1370, %get3A_1365 : vector<16xf32>
        %mul3A_1374 = arith.mulf %get3A_1365, %get3A_1365 : vector<16xf32>
        %add3A_1375 = arith.addf %add3A_1372, %mul3A_1374 : vector<16xf32>
        %add3A_1376 = arith.addf %add3A_1373, %get3A_1368 : vector<16xf32>
        %mul3A_1377 = arith.mulf %get3A_1368, %get3A_1368 : vector<16xf32>
        %add3A_1378 = arith.addf %add3A_1375, %mul3A_1377 : vector<16xf32>
        %reduce_sum3A_1379 = arith.constant true
        %reduce_sum3A_1380 = vector.broadcast %reduce_sum3A_1379 : i1 to vector<16xi1>
        %reduce_sum3A_1381 = tpu.scan <sum>, %add3A_1376 masked %reduce_sum3A_1380 : vector<16xf32>, vector<16xi1> -> vector<16xf32>
        %reduce_sum3A_1382 = vector.extract %reduce_sum3A_1381[15] : f32 from vector<16xf32>
        %reduce_sum3A_1383 = arith.constant true
        %reduce_sum3A_1384 = vector.broadcast %reduce_sum3A_1383 : i1 to vector<16xi1>
        %reduce_sum3A_1385 = tpu.scan <sum>, %add3A_1378 masked %reduce_sum3A_1384 : vector<16xf32>, vector<16xi1> -> vector<16xf32>
        %reduce_sum3A_1386 = vector.extract %reduce_sum3A_1385[15] : f32 from vector<16xf32>
        %mul3A_1387 = arith.constant 1.562500e-02 : f32
        %mul3A_1388 = arith.mulf %reduce_sum3A_1382, %mul3A_1387 : f32
        %mul3A_1389 = arith.constant 1.562500e-02 : f32
        %mul3A_1390 = arith.mulf %reduce_sum3A_1386, %mul3A_1389 : f32
        %mul3A_1391 = arith.mulf %mul3A_1388, %mul3A_1388 : f32
        %sub3A_1392 = arith.subf %mul3A_1390, %mul3A_1391 : f32
        %max3A_1393 = arith.constant 0.000000e+00 : f32
        %max3A_1394 = arith.maximumf %sub3A_1392, %max3A_1393 : f32
        %add3A_1395 = arith.constant 9.99999996E-13 : f32
        %add3A_1396 = arith.addf %max3A_1394, %add3A_1395 : f32
        %bitcast_convert_type3A_1397 = arith.bitcast %add3A_1396 : f32 to i32
        %shift_right_logical3A_1398 = arith.constant 1 : i32
        %shift_right_logical3A_1399 = arith.shrui %bitcast_convert_type3A_1397, %shift_right_logical3A_1398 : i32
        %sub3A_1400 = arith.constant 1597463007 : i32
        %sub3A_1401 = arith.subi %sub3A_1400, %shift_right_logical3A_1399 : i32
        %bitcast_convert_type3A_1402 = arith.bitcast %sub3A_1401 : i32 to f32
        %mul3A_1403 = arith.constant 5.000000e-01 : f32
        %mul3A_1404 = arith.mulf %add3A_1396, %mul3A_1403 : f32
        %mul3A_1405 = arith.mulf %mul3A_1404, %bitcast_convert_type3A_1402 : f32
        %mul3A_1406 = arith.mulf %mul3A_1405, %bitcast_convert_type3A_1402 : f32
        %sub3A_1407 = arith.constant 1.500000e+00 : f32
        %sub3A_1408 = arith.subf %sub3A_1407, %mul3A_1406 : f32
        %mul3A_1409 = arith.mulf %bitcast_convert_type3A_1402, %sub3A_1408 : f32
        %mul3A_1410 = arith.mulf %mul3A_1404, %mul3A_1409 : f32
        %mul3A_1411 = arith.mulf %mul3A_1410, %mul3A_1409 : f32
        %sub3A_1412 = arith.constant 1.500000e+00 : f32
        %sub3A_1413 = arith.subf %sub3A_1412, %mul3A_1411 : f32
        %mul3A_1414 = arith.mulf %mul3A_1409, %sub3A_1413 : f32
        %mul3A_1415 = arith.mulf %mul3A_1404, %mul3A_1414 : f32
        %mul3A_1416 = arith.mulf %mul3A_1415, %mul3A_1414 : f32
        %sub3A_1417 = arith.constant 1.500000e+00 : f32
        %sub3A_1418 = arith.subf %sub3A_1417, %mul3A_1416 : f32
        %mul3A_1419 = arith.mulf %mul3A_1414, %sub3A_1418 : f32
        %mul3A_1420 = arith.mulf %mul3A_1388, %mul3A_1419 : f32
        %mul3A_1421 = vector.broadcast %mul3A_1419 : f32 to vector<16xf32>
        %mul3A_1422 = arith.mulf %get3A_1359, %mul3A_1421 : vector<16xf32>
        %sub3A_1423 = vector.broadcast %mul3A_1420 : f32 to vector<16xf32>
        %sub3A_1424 = arith.subf %mul3A_1422, %sub3A_1423 : vector<16xf32>
        %mul3A_1425 = arith.mulf %sub3A_1424, %get3A_3 : vector<16xf32>
        %add3A_1426 = arith.addf %mul3A_1425, %get3A_11 : vector<16xf32>
        %swap3A_1427 = arith.index_cast %add3A_1356 : i32 to index
        %swap3A_1428 = arith.constant 0 : index
        %swap3A_1429 = tpu.vector_load %arg11[%swap3A_1427, %swap3A_1428] {strides = array<i32>} : memref<128x64xf32, #tpu.memory_space<vmem>>, vector<16xf32>,
        tpu.vector_store %arg11[%swap3A_1427, %swap3A_1428], %add3A_1426 {strides = array<i32>} : memref<128x64xf32, #tpu.memory_space<vmem>>, vector<16xf32>,
        %mul3A_1430 = vector.broadcast %mul3A_1419 : f32 to vector<16xf32>
        %mul3A_1431 = arith.mulf %get3A_1362, %mul3A_1430 : vector<16xf32>
        %sub3A_1432 = vector.broadcast %mul3A_1420 : f32 to vector<16xf32>
        %sub3A_1433 = arith.subf %mul3A_1431, %sub3A_1432 : vector<16xf32>
        %mul3A_1434 = arith.mulf %sub3A_1433, %get3A_5 : vector<16xf32>
        %add3A_1435 = arith.addf %mul3A_1434, %get3A_13 : vector<16xf32>
        %swap3A_1436 = arith.index_cast %add3A_1356 : i32 to index
        %swap3A_1437 = arith.constant 16 : index
        %swap3A_1438 = tpu.vector_load %arg11[%swap3A_1436, %swap3A_1437] {strides = array<i32>} : memref<128x64xf32, #tpu.memory_space<vmem>>, vector<16xf32>,
        tpu.vector_store %arg11[%swap3A_1436, %swap3A_1437], %add3A_1435 {strides = array<i32>} : memref<128x64xf32, #tpu.memory_space<vmem>>, vector<16xf32>,
        %mul3A_1439 = vector.broadcast %mul3A_1419 : f32 to vector<16xf32>
        %mul3A_1440 = arith.mulf %get3A_1365, %mul3A_1439 : vector<16xf32>
        %sub3A_1441 = vector.broadcast %mul3A_1420 : f32 to vector<16xf32>
        %sub3A_1442 = arith.subf %mul3A_1440, %sub3A_1441 : vector<16xf32>
        %mul3A_1443 = arith.mulf %sub3A_1442, %get3A_7 : vector<16xf32>
        %add3A_1444 = arith.addf %mul3A_1443, %get3A_15 : vector<16xf32>
        %swap3A_1445 = arith.index_cast %add3A_1356 : i32 to index
        %swap3A_1446 = arith.constant 32 : index
        %swap3A_1447 = tpu.vector_load %arg11[%swap3A_1445, %swap3A_1446] {strides = array<i32>} : memref<128x64xf32, #tpu.memory_space<vmem>>, vector<16xf32>,
        tpu.vector_store %arg11[%swap3A_1445, %swap3A_1446], %add3A_1444 {strides = array<i32>} : memref<128x64xf32, #tpu.memory_space<vmem>>, vector<16xf32>,
        %mul3A_1448 = vector.broadcast %mul3A_1419 : f32 to vector<16xf32>
        %mul3A_1449 = arith.mulf %get3A_1368, %mul3A_1448 : vector<16xf32>
        %sub3A_1450 = vector.broadcast %mul3A_1420 : f32 to vector<16xf32>
        %sub3A_1451 = arith.subf %mul3A_1449, %sub3A_1450 : vector<16xf32>
        %mul3A_1452 = arith.mulf %sub3A_1451, %get3A_9 : vector<16xf32>
        %add3A_1453 = arith.addf %mul3A_1452, %get3A_17 : vector<16xf32>
        %swap3A_1454 = arith.index_cast %add3A_1356 : i32 to index
        %swap3A_1455 = arith.constant 48 : index
        %swap3A_1456 = tpu.vector_load %arg11[%swap3A_1454, %swap3A_1455] {strides = array<i32>} : memref<128x64xf32, #tpu.memory_space<vmem>>, vector<16xf32>,
        tpu.vector_store %arg11[%swap3A_1454, %swap3A_1455], %add3A_1453 {strides = array<i32>} : memref<128x64xf32, #tpu.memory_space<vmem>>, vector<16xf32>,
        %mul3A_1457 = arith.constant 16 : i32
        %mul3A_1458 = arith.muli %scan3A_110, %mul3A_1457 : i32
        %add3A_1459 = arith.constant 13 : i32
        %add3A_1460 = arith.addi %mul3A_1458, %add3A_1459 : i32
        %get3A_1461 = arith.index_cast %add3A_1460 : i32 to index
        %get3A_1462 = arith.constant 0 : index
        %get3A_1463 = tpu.vector_load %arg9[%get3A_1461, %get3A_1462] {strides = array<i32>} : memref<128x64xf32, #tpu.memory_space<vmem>>, vector<16xf32>,
        %get3A_1464 = arith.index_cast %add3A_1460 : i32 to index
        %get3A_1465 = arith.constant 16 : index
        %get3A_1466 = tpu.vector_load %arg9[%get3A_1464, %get3A_1465] {strides = array<i32>} : memref<128x64xf32, #tpu.memory_space<vmem>>, vector<16xf32>,
        %get3A_1467 = arith.index_cast %add3A_1460 : i32 to index
        %get3A_1468 = arith.constant 32 : index
        %get3A_1469 = tpu.vector_load %arg9[%get3A_1467, %get3A_1468] {strides = array<i32>} : memref<128x64xf32, #tpu.memory_space<vmem>>, vector<16xf32>,
        %get3A_1470 = arith.index_cast %add3A_1460 : i32 to index
        %get3A_1471 = arith.constant 48 : index
        %get3A_1472 = tpu.vector_load %arg9[%get3A_1470, %get3A_1471] {strides = array<i32>} : memref<128x64xf32, #tpu.memory_space<vmem>>, vector<16xf32>,
        %mul3A_1473 = arith.mulf %get3A_1463, %get3A_1463 : vector<16xf32>
        %add3A_1474 = arith.addf %get3A_1463, %get3A_1466 : vector<16xf32>
        %mul3A_1475 = arith.mulf %get3A_1466, %get3A_1466 : vector<16xf32>
        %add3A_1476 = arith.addf %mul3A_1473, %mul3A_1475 : vector<16xf32>
        %add3A_1477 = arith.addf %add3A_1474, %get3A_1469 : vector<16xf32>
        %mul3A_1478 = arith.mulf %get3A_1469, %get3A_1469 : vector<16xf32>
        %add3A_1479 = arith.addf %add3A_1476, %mul3A_1478 : vector<16xf32>
        %add3A_1480 = arith.addf %add3A_1477, %get3A_1472 : vector<16xf32>
        %mul3A_1481 = arith.mulf %get3A_1472, %get3A_1472 : vector<16xf32>
        %add3A_1482 = arith.addf %add3A_1479, %mul3A_1481 : vector<16xf32>
        %reduce_sum3A_1483 = arith.constant true
        %reduce_sum3A_1484 = vector.broadcast %reduce_sum3A_1483 : i1 to vector<16xi1>
        %reduce_sum3A_1485 = tpu.scan <sum>, %add3A_1480 masked %reduce_sum3A_1484 : vector<16xf32>, vector<16xi1> -> vector<16xf32>
        %reduce_sum3A_1486 = vector.extract %reduce_sum3A_1485[15] : f32 from vector<16xf32>
        %reduce_sum3A_1487 = arith.constant true
        %reduce_sum3A_1488 = vector.broadcast %reduce_sum3A_1487 : i1 to vector<16xi1>
        %reduce_sum3A_1489 = tpu.scan <sum>, %add3A_1482 masked %reduce_sum3A_1488 : vector<16xf32>, vector<16xi1> -> vector<16xf32>
        %reduce_sum3A_1490 = vector.extract %reduce_sum3A_1489[15] : f32 from vector<16xf32>
        %mul3A_1491 = arith.constant 1.562500e-02 : f32
        %mul3A_1492 = arith.mulf %reduce_sum3A_1486, %mul3A_1491 : f32
        %mul3A_1493 = arith.constant 1.562500e-02 : f32
        %mul3A_1494 = arith.mulf %reduce_sum3A_1490, %mul3A_1493 : f32
        %mul3A_1495 = arith.mulf %mul3A_1492, %mul3A_1492 : f32
        %sub3A_1496 = arith.subf %mul3A_1494, %mul3A_1495 : f32
        %max3A_1497 = arith.constant 0.000000e+00 : f32
        %max3A_1498 = arith.maximumf %sub3A_1496, %max3A_1497 : f32
        %add3A_1499 = arith.constant 9.99999996E-13 : f32
        %add3A_1500 = arith.addf %max3A_1498, %add3A_1499 : f32
        %bitcast_convert_type3A_1501 = arith.bitcast %add3A_1500 : f32 to i32
        %shift_right_logical3A_1502 = arith.constant 1 : i32
        %shift_right_logical3A_1503 = arith.shrui %bitcast_convert_type3A_1501, %shift_right_logical3A_1502 : i32
        %sub3A_1504 = arith.constant 1597463007 : i32
        %sub3A_1505 = arith.subi %sub3A_1504, %shift_right_logical3A_1503 : i32
        %bitcast_convert_type3A_1506 = arith.bitcast %sub3A_1505 : i32 to f32
        %mul3A_1507 = arith.constant 5.000000e-01 : f32
        %mul3A_1508 = arith.mulf %add3A_1500, %mul3A_1507 : f32
        %mul3A_1509 = arith.mulf %mul3A_1508, %bitcast_convert_type3A_1506 : f32
        %mul3A_1510 = arith.mulf %mul3A_1509, %bitcast_convert_type3A_1506 : f32
        %sub3A_1511 = arith.constant 1.500000e+00 : f32
        %sub3A_1512 = arith.subf %sub3A_1511, %mul3A_1510 : f32
        %mul3A_1513 = arith.mulf %bitcast_convert_type3A_1506, %sub3A_1512 : f32
        %mul3A_1514 = arith.mulf %mul3A_1508, %mul3A_1513 : f32
        %mul3A_1515 = arith.mulf %mul3A_1514, %mul3A_1513 : f32
        %sub3A_1516 = arith.constant 1.500000e+00 : f32
        %sub3A_1517 = arith.subf %sub3A_1516, %mul3A_1515 : f32
        %mul3A_1518 = arith.mulf %mul3A_1513, %sub3A_1517 : f32
        %mul3A_1519 = arith.mulf %mul3A_1508, %mul3A_1518 : f32
        %mul3A_1520 = arith.mulf %mul3A_1519, %mul3A_1518 : f32
        %sub3A_1521 = arith.constant 1.500000e+00 : f32
        %sub3A_1522 = arith.subf %sub3A_1521, %mul3A_1520 : f32
        %mul3A_1523 = arith.mulf %mul3A_1518, %sub3A_1522 : f32
        %mul3A_1524 = arith.mulf %mul3A_1492, %mul3A_1523 : f32
        %mul3A_1525 = vector.broadcast %mul3A_1523 : f32 to vector<16xf32>
        %mul3A_1526 = arith.mulf %get3A_1463, %mul3A_1525 : vector<16xf32>
        %sub3A_1527 = vector.broadcast %mul3A_1524 : f32 to vector<16xf32>
        %sub3A_1528 = arith.subf %mul3A_1526, %sub3A_1527 : vector<16xf32>
        %mul3A_1529 = arith.mulf %sub3A_1528, %get3A_3 : vector<16xf32>
        %add3A_1530 = arith.addf %mul3A_1529, %get3A_11 : vector<16xf32>
        %swap3A_1531 = arith.index_cast %add3A_1460 : i32 to index
        %swap3A_1532 = arith.constant 0 : index
        %swap3A_1533 = tpu.vector_load %arg11[%swap3A_1531, %swap3A_1532] {strides = array<i32>} : memref<128x64xf32, #tpu.memory_space<vmem>>, vector<16xf32>,
        tpu.vector_store %arg11[%swap3A_1531, %swap3A_1532], %add3A_1530 {strides = array<i32>} : memref<128x64xf32, #tpu.memory_space<vmem>>, vector<16xf32>,
        %mul3A_1534 = vector.broadcast %mul3A_1523 : f32 to vector<16xf32>
        %mul3A_1535 = arith.mulf %get3A_1466, %mul3A_1534 : vector<16xf32>
        %sub3A_1536 = vector.broadcast %mul3A_1524 : f32 to vector<16xf32>
        %sub3A_1537 = arith.subf %mul3A_1535, %sub3A_1536 : vector<16xf32>
        %mul3A_1538 = arith.mulf %sub3A_1537, %get3A_5 : vector<16xf32>
        %add3A_1539 = arith.addf %mul3A_1538, %get3A_13 : vector<16xf32>
        %swap3A_1540 = arith.index_cast %add3A_1460 : i32 to index
        %swap3A_1541 = arith.constant 16 : index
        %swap3A_1542 = tpu.vector_load %arg11[%swap3A_1540, %swap3A_1541] {strides = array<i32>} : memref<128x64xf32, #tpu.memory_space<vmem>>, vector<16xf32>,
        tpu.vector_store %arg11[%swap3A_1540, %swap3A_1541], %add3A_1539 {strides = array<i32>} : memref<128x64xf32, #tpu.memory_space<vmem>>, vector<16xf32>,
        %mul3A_1543 = vector.broadcast %mul3A_1523 : f32 to vector<16xf32>
        %mul3A_1544 = arith.mulf %get3A_1469, %mul3A_1543 : vector<16xf32>
        %sub3A_1545 = vector.broadcast %mul3A_1524 : f32 to vector<16xf32>
        %sub3A_1546 = arith.subf %mul3A_1544, %sub3A_1545 : vector<16xf32>
        %mul3A_1547 = arith.mulf %sub3A_1546, %get3A_7 : vector<16xf32>
        %add3A_1548 = arith.addf %mul3A_1547, %get3A_15 : vector<16xf32>
        %swap3A_1549 = arith.index_cast %add3A_1460 : i32 to index
        %swap3A_1550 = arith.constant 32 : index
        %swap3A_1551 = tpu.vector_load %arg11[%swap3A_1549, %swap3A_1550] {strides = array<i32>} : memref<128x64xf32, #tpu.memory_space<vmem>>, vector<16xf32>,
        tpu.vector_store %arg11[%swap3A_1549, %swap3A_1550], %add3A_1548 {strides = array<i32>} : memref<128x64xf32, #tpu.memory_space<vmem>>, vector<16xf32>,
        %mul3A_1552 = vector.broadcast %mul3A_1523 : f32 to vector<16xf32>
        %mul3A_1553 = arith.mulf %get3A_1472, %mul3A_1552 : vector<16xf32>
        %sub3A_1554 = vector.broadcast %mul3A_1524 : f32 to vector<16xf32>
        %sub3A_1555 = arith.subf %mul3A_1553, %sub3A_1554 : vector<16xf32>
        %mul3A_1556 = arith.mulf %sub3A_1555, %get3A_9 : vector<16xf32>
        %add3A_1557 = arith.addf %mul3A_1556, %get3A_17 : vector<16xf32>
        %swap3A_1558 = arith.index_cast %add3A_1460 : i32 to index
        %swap3A_1559 = arith.constant 48 : index
        %swap3A_1560 = tpu.vector_load %arg11[%swap3A_1558, %swap3A_1559] {strides = array<i32>} : memref<128x64xf32, #tpu.memory_space<vmem>>, vector<16xf32>,
        tpu.vector_store %arg11[%swap3A_1558, %swap3A_1559], %add3A_1557 {strides = array<i32>} : memref<128x64xf32, #tpu.memory_space<vmem>>, vector<16xf32>,
        %mul3A_1561 = arith.constant 16 : i32
        %mul3A_1562 = arith.muli %scan3A_110, %mul3A_1561 : i32
        %add3A_1563 = arith.constant 14 : i32
        %add3A_1564 = arith.addi %mul3A_1562, %add3A_1563 : i32
        %get3A_1565 = arith.index_cast %add3A_1564 : i32 to index
        %get3A_1566 = arith.constant 0 : index
        %get3A_1567 = tpu.vector_load %arg9[%get3A_1565, %get3A_1566] {strides = array<i32>} : memref<128x64xf32, #tpu.memory_space<vmem>>, vector<16xf32>,
        %get3A_1568 = arith.index_cast %add3A_1564 : i32 to index
        %get3A_1569 = arith.constant 16 : index
        %get3A_1570 = tpu.vector_load %arg9[%get3A_1568, %get3A_1569] {strides = array<i32>} : memref<128x64xf32, #tpu.memory_space<vmem>>, vector<16xf32>,
        %get3A_1571 = arith.index_cast %add3A_1564 : i32 to index
        %get3A_1572 = arith.constant 32 : index
        %get3A_1573 = tpu.vector_load %arg9[%get3A_1571, %get3A_1572] {strides = array<i32>} : memref<128x64xf32, #tpu.memory_space<vmem>>, vector<16xf32>,
        %get3A_1574 = arith.index_cast %add3A_1564 : i32 to index
        %get3A_1575 = arith.constant 48 : index
        %get3A_1576 = tpu.vector_load %arg9[%get3A_1574, %get3A_1575] {strides = array<i32>} : memref<128x64xf32, #tpu.memory_space<vmem>>, vector<16xf32>,
        %mul3A_1577 = arith.mulf %get3A_1567, %get3A_1567 : vector<16xf32>
        %add3A_1578 = arith.addf %get3A_1567, %get3A_1570 : vector<16xf32>
        %mul3A_1579 = arith.mulf %get3A_1570, %get3A_1570 : vector<16xf32>
        %add3A_1580 = arith.addf %mul3A_1577, %mul3A_1579 : vector<16xf32>
        %add3A_1581 = arith.addf %add3A_1578, %get3A_1573 : vector<16xf32>
        %mul3A_1582 = arith.mulf %get3A_1573, %get3A_1573 : vector<16xf32>
        %add3A_1583 = arith.addf %add3A_1580, %mul3A_1582 : vector<16xf32>
        %add3A_1584 = arith.addf %add3A_1581, %get3A_1576 : vector<16xf32>
        %mul3A_1585 = arith.mulf %get3A_1576, %get3A_1576 : vector<16xf32>
        %add3A_1586 = arith.addf %add3A_1583, %mul3A_1585 : vector<16xf32>
        %reduce_sum3A_1587 = arith.constant true
        %reduce_sum3A_1588 = vector.broadcast %reduce_sum3A_1587 : i1 to vector<16xi1>
        %reduce_sum3A_1589 = tpu.scan <sum>, %add3A_1584 masked %reduce_sum3A_1588 : vector<16xf32>, vector<16xi1> -> vector<16xf32>
        %reduce_sum3A_1590 = vector.extract %reduce_sum3A_1589[15] : f32 from vector<16xf32>
        %reduce_sum3A_1591 = arith.constant true
        %reduce_sum3A_1592 = vector.broadcast %reduce_sum3A_1591 : i1 to vector<16xi1>
        %reduce_sum3A_1593 = tpu.scan <sum>, %add3A_1586 masked %reduce_sum3A_1592 : vector<16xf32>, vector<16xi1> -> vector<16xf32>
        %reduce_sum3A_1594 = vector.extract %reduce_sum3A_1593[15] : f32 from vector<16xf32>
        %mul3A_1595 = arith.constant 1.562500e-02 : f32
        %mul3A_1596 = arith.mulf %reduce_sum3A_1590, %mul3A_1595 : f32
        %mul3A_1597 = arith.constant 1.562500e-02 : f32
        %mul3A_1598 = arith.mulf %reduce_sum3A_1594, %mul3A_1597 : f32
        %mul3A_1599 = arith.mulf %mul3A_1596, %mul3A_1596 : f32
        %sub3A_1600 = arith.subf %mul3A_1598, %mul3A_1599 : f32
        %max3A_1601 = arith.constant 0.000000e+00 : f32
        %max3A_1602 = arith.maximumf %sub3A_1600, %max3A_1601 : f32
        %add3A_1603 = arith.constant 9.99999996E-13 : f32
        %add3A_1604 = arith.addf %max3A_1602, %add3A_1603 : f32
        %bitcast_convert_type3A_1605 = arith.bitcast %add3A_1604 : f32 to i32
        %shift_right_logical3A_1606 = arith.constant 1 : i32
        %shift_right_logical3A_1607 = arith.shrui %bitcast_convert_type3A_1605, %shift_right_logical3A_1606 : i32
        %sub3A_1608 = arith.constant 1597463007 : i32
        %sub3A_1609 = arith.subi %sub3A_1608, %shift_right_logical3A_1607 : i32
        %bitcast_convert_type3A_1610 = arith.bitcast %sub3A_1609 : i32 to f32
        %mul3A_1611 = arith.constant 5.000000e-01 : f32
        %mul3A_1612 = arith.mulf %add3A_1604, %mul3A_1611 : f32
        %mul3A_1613 = arith.mulf %mul3A_1612, %bitcast_convert_type3A_1610 : f32
        %mul3A_1614 = arith.mulf %mul3A_1613, %bitcast_convert_type3A_1610 : f32
        %sub3A_1615 = arith.constant 1.500000e+00 : f32
        %sub3A_1616 = arith.subf %sub3A_1615, %mul3A_1614 : f32
        %mul3A_1617 = arith.mulf %bitcast_convert_type3A_1610, %sub3A_1616 : f32
        %mul3A_1618 = arith.mulf %mul3A_1612, %mul3A_1617 : f32
        %mul3A_1619 = arith.mulf %mul3A_1618, %mul3A_1617 : f32
        %sub3A_1620 = arith.constant 1.500000e+00 : f32
        %sub3A_1621 = arith.subf %sub3A_1620, %mul3A_1619 : f32
        %mul3A_1622 = arith.mulf %mul3A_1617, %sub3A_1621 : f32
        %mul3A_1623 = arith.mulf %mul3A_1612, %mul3A_1622 : f32
        %mul3A_1624 = arith.mulf %mul3A_1623, %mul3A_1622 : f32
        %sub3A_1625 = arith.constant 1.500000e+00 : f32
        %sub3A_1626 = arith.subf %sub3A_1625, %mul3A_1624 : f32
        %mul3A_1627 = arith.mulf %mul3A_1622, %sub3A_1626 : f32
        %mul3A_1628 = arith.mulf %mul3A_1596, %mul3A_1627 : f32
        %mul3A_1629 = vector.broadcast %mul3A_1627 : f32 to vector<16xf32>
        %mul3A_1630 = arith.mulf %get3A_1567, %mul3A_1629 : vector<16xf32>
        %sub3A_1631 = vector.broadcast %mul3A_1628 : f32 to vector<16xf32>
        %sub3A_1632 = arith.subf %mul3A_1630, %sub3A_1631 : vector<16xf32>
        %mul3A_1633 = arith.mulf %sub3A_1632, %get3A_3 : vector<16xf32>
        %add3A_1634 = arith.addf %mul3A_1633, %get3A_11 : vector<16xf32>
        %swap3A_1635 = arith.index_cast %add3A_1564 : i32 to index
        %swap3A_1636 = arith.constant 0 : index
        %swap3A_1637 = tpu.vector_load %arg11[%swap3A_1635, %swap3A_1636] {strides = array<i32>} : memref<128x64xf32, #tpu.memory_space<vmem>>, vector<16xf32>,
        tpu.vector_store %arg11[%swap3A_1635, %swap3A_1636], %add3A_1634 {strides = array<i32>} : memref<128x64xf32, #tpu.memory_space<vmem>>, vector<16xf32>,
        %mul3A_1638 = vector.broadcast %mul3A_1627 : f32 to vector<16xf32>
        %mul3A_1639 = arith.mulf %get3A_1570, %mul3A_1638 : vector<16xf32>
        %sub3A_1640 = vector.broadcast %mul3A_1628 : f32 to vector<16xf32>
        %sub3A_1641 = arith.subf %mul3A_1639, %sub3A_1640 : vector<16xf32>
        %mul3A_1642 = arith.mulf %sub3A_1641, %get3A_5 : vector<16xf32>
        %add3A_1643 = arith.addf %mul3A_1642, %get3A_13 : vector<16xf32>
        %swap3A_1644 = arith.index_cast %add3A_1564 : i32 to index
        %swap3A_1645 = arith.constant 16 : index
        %swap3A_1646 = tpu.vector_load %arg11[%swap3A_1644, %swap3A_1645] {strides = array<i32>} : memref<128x64xf32, #tpu.memory_space<vmem>>, vector<16xf32>,
        tpu.vector_store %arg11[%swap3A_1644, %swap3A_1645], %add3A_1643 {strides = array<i32>} : memref<128x64xf32, #tpu.memory_space<vmem>>, vector<16xf32>,
        %mul3A_1647 = vector.broadcast %mul3A_1627 : f32 to vector<16xf32>
        %mul3A_1648 = arith.mulf %get3A_1573, %mul3A_1647 : vector<16xf32>
        %sub3A_1649 = vector.broadcast %mul3A_1628 : f32 to vector<16xf32>
        %sub3A_1650 = arith.subf %mul3A_1648, %sub3A_1649 : vector<16xf32>
        %mul3A_1651 = arith.mulf %sub3A_1650, %get3A_7 : vector<16xf32>
        %add3A_1652 = arith.addf %mul3A_1651, %get3A_15 : vector<16xf32>
        %swap3A_1653 = arith.index_cast %add3A_1564 : i32 to index
        %swap3A_1654 = arith.constant 32 : index
        %swap3A_1655 = tpu.vector_load %arg11[%swap3A_1653, %swap3A_1654] {strides = array<i32>} : memref<128x64xf32, #tpu.memory_space<vmem>>, vector<16xf32>,
        tpu.vector_store %arg11[%swap3A_1653, %swap3A_1654], %add3A_1652 {strides = array<i32>} : memref<128x64xf32, #tpu.memory_space<vmem>>, vector<16xf32>,
        %mul3A_1656 = vector.broadcast %mul3A_1627 : f32 to vector<16xf32>
        %mul3A_1657 = arith.mulf %get3A_1576, %mul3A_1656 : vector<16xf32>
        %sub3A_1658 = vector.broadcast %mul3A_1628 : f32 to vector<16xf32>
        %sub3A_1659 = arith.subf %mul3A_1657, %sub3A_1658 : vector<16xf32>
        %mul3A_1660 = arith.mulf %sub3A_1659, %get3A_9 : vector<16xf32>
        %add3A_1661 = arith.addf %mul3A_1660, %get3A_17 : vector<16xf32>
        %swap3A_1662 = arith.index_cast %add3A_1564 : i32 to index
        %swap3A_1663 = arith.constant 48 : index
        %swap3A_1664 = tpu.vector_load %arg11[%swap3A_1662, %swap3A_1663] {strides = array<i32>} : memref<128x64xf32, #tpu.memory_space<vmem>>, vector<16xf32>,
        tpu.vector_store %arg11[%swap3A_1662, %swap3A_1663], %add3A_1661 {strides = array<i32>} : memref<128x64xf32, #tpu.memory_space<vmem>>, vector<16xf32>,
        %mul3A_1665 = arith.constant 16 : i32
        %mul3A_1666 = arith.muli %scan3A_110, %mul3A_1665 : i32
        %add3A_1667 = arith.constant 15 : i32
        %add3A_1668 = arith.addi %mul3A_1666, %add3A_1667 : i32
        %get3A_1669 = arith.index_cast %add3A_1668 : i32 to index
        %get3A_1670 = arith.constant 0 : index
        %get3A_1671 = tpu.vector_load %arg9[%get3A_1669, %get3A_1670] {strides = array<i32>} : memref<128x64xf32, #tpu.memory_space<vmem>>, vector<16xf32>,
        %get3A_1672 = arith.index_cast %add3A_1668 : i32 to index
        %get3A_1673 = arith.constant 16 : index
        %get3A_1674 = tpu.vector_load %arg9[%get3A_1672, %get3A_1673] {strides = array<i32>} : memref<128x64xf32, #tpu.memory_space<vmem>>, vector<16xf32>,
        %get3A_1675 = arith.index_cast %add3A_1668 : i32 to index
        %get3A_1676 = arith.constant 32 : index
        %get3A_1677 = tpu.vector_load %arg9[%get3A_1675, %get3A_1676] {strides = array<i32>} : memref<128x64xf32, #tpu.memory_space<vmem>>, vector<16xf32>,
        %get3A_1678 = arith.index_cast %add3A_1668 : i32 to index
        %get3A_1679 = arith.constant 48 : index
        %get3A_1680 = tpu.vector_load %arg9[%get3A_1678, %get3A_1679] {strides = array<i32>} : memref<128x64xf32, #tpu.memory_space<vmem>>, vector<16xf32>,
        %mul3A_1681 = arith.mulf %get3A_1671, %get3A_1671 : vector<16xf32>
        %add3A_1682 = arith.addf %get3A_1671, %get3A_1674 : vector<16xf32>
        %mul3A_1683 = arith.mulf %get3A_1674, %get3A_1674 : vector<16xf32>
        %add3A_1684 = arith.addf %mul3A_1681, %mul3A_1683 : vector<16xf32>
        %add3A_1685 = arith.addf %add3A_1682, %get3A_1677 : vector<16xf32>
        %mul3A_1686 = arith.mulf %get3A_1677, %get3A_1677 : vector<16xf32>
        %add3A_1687 = arith.addf %add3A_1684, %mul3A_1686 : vector<16xf32>
        %add3A_1688 = arith.addf %add3A_1685, %get3A_1680 : vector<16xf32>
        %mul3A_1689 = arith.mulf %get3A_1680, %get3A_1680 : vector<16xf32>
        %add3A_1690 = arith.addf %add3A_1687, %mul3A_1689 : vector<16xf32>
        %reduce_sum3A_1691 = arith.constant true
        %reduce_sum3A_1692 = vector.broadcast %reduce_sum3A_1691 : i1 to vector<16xi1>
        %reduce_sum3A_1693 = tpu.scan <sum>, %add3A_1688 masked %reduce_sum3A_1692 : vector<16xf32>, vector<16xi1> -> vector<16xf32>
        %reduce_sum3A_1694 = vector.extract %reduce_sum3A_1693[15] : f32 from vector<16xf32>
        %reduce_sum3A_1695 = arith.constant true
        %reduce_sum3A_1696 = vector.broadcast %reduce_sum3A_1695 : i1 to vector<16xi1>
        %reduce_sum3A_1697 = tpu.scan <sum>, %add3A_1690 masked %reduce_sum3A_1696 : vector<16xf32>, vector<16xi1> -> vector<16xf32>
        %reduce_sum3A_1698 = vector.extract %reduce_sum3A_1697[15] : f32 from vector<16xf32>
        %mul3A_1699 = arith.constant 1.562500e-02 : f32
        %mul3A_1700 = arith.mulf %reduce_sum3A_1694, %mul3A_1699 : f32
        %mul3A_1701 = arith.constant 1.562500e-02 : f32
        %mul3A_1702 = arith.mulf %reduce_sum3A_1698, %mul3A_1701 : f32
        %mul3A_1703 = arith.mulf %mul3A_1700, %mul3A_1700 : f32
        %sub3A_1704 = arith.subf %mul3A_1702, %mul3A_1703 : f32
        %max3A_1705 = arith.constant 0.000000e+00 : f32
        %max3A_1706 = arith.maximumf %sub3A_1704, %max3A_1705 : f32
        %add3A_1707 = arith.constant 9.99999996E-13 : f32
        %add3A_1708 = arith.addf %max3A_1706, %add3A_1707 : f32
        %bitcast_convert_type3A_1709 = arith.bitcast %add3A_1708 : f32 to i32
        %shift_right_logical3A_1710 = arith.constant 1 : i32
        %shift_right_logical3A_1711 = arith.shrui %bitcast_convert_type3A_1709, %shift_right_logical3A_1710 : i32
        %sub3A_1712 = arith.constant 1597463007 : i32
        %sub3A_1713 = arith.subi %sub3A_1712, %shift_right_logical3A_1711 : i32
        %bitcast_convert_type3A_1714 = arith.bitcast %sub3A_1713 : i32 to f32
        %mul3A_1715 = arith.constant 5.000000e-01 : f32
        %mul3A_1716 = arith.mulf %add3A_1708, %mul3A_1715 : f32
        %mul3A_1717 = arith.mulf %mul3A_1716, %bitcast_convert_type3A_1714 : f32
        %mul3A_1718 = arith.mulf %mul3A_1717, %bitcast_convert_type3A_1714 : f32
        %sub3A_1719 = arith.constant 1.500000e+00 : f32
        %sub3A_1720 = arith.subf %sub3A_1719, %mul3A_1718 : f32
        %mul3A_1721 = arith.mulf %bitcast_convert_type3A_1714, %sub3A_1720 : f32
        %mul3A_1722 = arith.mulf %mul3A_1716, %mul3A_1721 : f32
        %mul3A_1723 = arith.mulf %mul3A_1722, %mul3A_1721 : f32
        %sub3A_1724 = arith.constant 1.500000e+00 : f32
        %sub3A_1725 = arith.subf %sub3A_1724, %mul3A_1723 : f32
        %mul3A_1726 = arith.mulf %mul3A_1721, %sub3A_1725 : f32
        %mul3A_1727 = arith.mulf %mul3A_1716, %mul3A_1726 : f32
        %mul3A_1728 = arith.mulf %mul3A_1727, %mul3A_1726 : f32
        %sub3A_1729 = arith.constant 1.500000e+00 : f32
        %sub3A_1730 = arith.subf %sub3A_1729, %mul3A_1728 : f32
        %mul3A_1731 = arith.mulf %mul3A_1726, %sub3A_1730 : f32
        %mul3A_1732 = arith.mulf %mul3A_1700, %mul3A_1731 : f32
        %mul3A_1733 = vector.broadcast %mul3A_1731 : f32 to vector<16xf32>
        %mul3A_1734 = arith.mulf %get3A_1671, %mul3A_1733 : vector<16xf32>
        %sub3A_1735 = vector.broadcast %mul3A_1732 : f32 to vector<16xf32>
        %sub3A_1736 = arith.subf %mul3A_1734, %sub3A_1735 : vector<16xf32>
        %mul3A_1737 = arith.mulf %sub3A_1736, %get3A_3 : vector<16xf32>
        %add3A_1738 = arith.addf %mul3A_1737, %get3A_11 : vector<16xf32>
        %swap3A_1739 = arith.index_cast %add3A_1668 : i32 to index
        %swap3A_1740 = arith.constant 0 : index
        %swap3A_1741 = tpu.vector_load %arg11[%swap3A_1739, %swap3A_1740] {strides = array<i32>} : memref<128x64xf32, #tpu.memory_space<vmem>>, vector<16xf32>,
        tpu.vector_store %arg11[%swap3A_1739, %swap3A_1740], %add3A_1738 {strides = array<i32>} : memref<128x64xf32, #tpu.memory_space<vmem>>, vector<16xf32>,
        %mul3A_1742 = vector.broadcast %mul3A_1731 : f32 to vector<16xf32>
        %mul3A_1743 = arith.mulf %get3A_1674, %mul3A_1742 : vector<16xf32>
        %sub3A_1744 = vector.broadcast %mul3A_1732 : f32 to vector<16xf32>
        %sub3A_1745 = arith.subf %mul3A_1743, %sub3A_1744 : vector<16xf32>
        %mul3A_1746 = arith.mulf %sub3A_1745, %get3A_5 : vector<16xf32>
        %add3A_1747 = arith.addf %mul3A_1746, %get3A_13 : vector<16xf32>
        %swap3A_1748 = arith.index_cast %add3A_1668 : i32 to index
        %swap3A_1749 = arith.constant 16 : index
        %swap3A_1750 = tpu.vector_load %arg11[%swap3A_1748, %swap3A_1749] {strides = array<i32>} : memref<128x64xf32, #tpu.memory_space<vmem>>, vector<16xf32>,
        tpu.vector_store %arg11[%swap3A_1748, %swap3A_1749], %add3A_1747 {strides = array<i32>} : memref<128x64xf32, #tpu.memory_space<vmem>>, vector<16xf32>,
        %mul3A_1751 = vector.broadcast %mul3A_1731 : f32 to vector<16xf32>
        %mul3A_1752 = arith.mulf %get3A_1677, %mul3A_1751 : vector<16xf32>
        %sub3A_1753 = vector.broadcast %mul3A_1732 : f32 to vector<16xf32>
        %sub3A_1754 = arith.subf %mul3A_1752, %sub3A_1753 : vector<16xf32>
        %mul3A_1755 = arith.mulf %sub3A_1754, %get3A_7 : vector<16xf32>
        %add3A_1756 = arith.addf %mul3A_1755, %get3A_15 : vector<16xf32>
        %swap3A_1757 = arith.index_cast %add3A_1668 : i32 to index
        %swap3A_1758 = arith.constant 32 : index
        %swap3A_1759 = tpu.vector_load %arg11[%swap3A_1757, %swap3A_1758] {strides = array<i32>} : memref<128x64xf32, #tpu.memory_space<vmem>>, vector<16xf32>,
        tpu.vector_store %arg11[%swap3A_1757, %swap3A_1758], %add3A_1756 {strides = array<i32>} : memref<128x64xf32, #tpu.memory_space<vmem>>, vector<16xf32>,
        %mul3A_1760 = vector.broadcast %mul3A_1731 : f32 to vector<16xf32>
        %mul3A_1761 = arith.mulf %get3A_1680, %mul3A_1760 : vector<16xf32>
        %sub3A_1762 = vector.broadcast %mul3A_1732 : f32 to vector<16xf32>
        %sub3A_1763 = arith.subf %mul3A_1761, %sub3A_1762 : vector<16xf32>
        %mul3A_1764 = arith.mulf %sub3A_1763, %get3A_9 : vector<16xf32>
        %add3A_1765 = arith.addf %mul3A_1764, %get3A_17 : vector<16xf32>
        %swap3A_1766 = arith.index_cast %add3A_1668 : i32 to index
        %swap3A_1767 = arith.constant 48 : index
        %swap3A_1768 = tpu.vector_load %arg11[%swap3A_1766, %swap3A_1767] {strides = array<i32>} : memref<128x64xf32, #tpu.memory_space<vmem>>, vector<16xf32>,
        tpu.vector_store %arg11[%swap3A_1766, %swap3A_1767], %add3A_1765 {strides = array<i32>} : memref<128x64xf32, #tpu.memory_space<vmem>>, vector<16xf32>,
      }
      %scan3A_95 = arith.constant 8 : i32
      %mul3A_96 = arith.constant 128 : i32
      %mul3A_97 = arith.muli %add3A_78, %mul3A_96 : i32
      %add3A_98 = arith.addi %mul3A_2, %mul3A_97 : i32
      %dma_start3A_99 = arith.constant 0 : i32
      %dma_start3A_100 = tpu.memref_slice %arg6[%add3A_98, %dma_start3A_99] : memref<819200x64xf32, #tpu.memory_space<hbm>> -> memref<128x64xf32, #tpu.memory_space<hbm>>
      %dma_start3A_101 = arith.constant 0 : i32
      %dma_start3A_102 = tpu.memref_slice %arg6[%add3A_98, %dma_start3A_101] : memref<819200x64xf32, #tpu.memory_space<hbm>> -> memref<128x64xf32, #tpu.memory_space<hbm>>
      tpu.enqueue_dma source(%arg11 : memref<128x64xf32, #tpu.memory_space<vmem>>) target(%dma_start3A_102 : memref<128x64xf32, #tpu.memory_space<hbm>>) target_semaphore(%arg16 : memref<!tpu.dma_semaphore, #tpu.memory_space<semaphore_mem>>)
      %add3A_103 = arith.constant 2 : i32
      %add3A_104 = arith.addi %add3A_78, %add3A_103 : i32
      %lt3A_105 = arith.constant 200 : i32
      %lt3A_106 = arith.cmpi slt, %add3A_104, %lt3A_105 : i32
      %convert_element_type3A_107 = arith.extui %lt3A_106 : i1 to i32
      %cond3A_108 = arith.constant 0 : i32
      %cond3A_109 = arith.cmpi ne, %convert_element_type3A_107, %cond3A_108 : i32
      scf.if %cond3A_109 {
        %add3A_110 = arith.constant 2 : i32
        %add3A_111 = arith.addi %add3A_78, %add3A_110 : i32
        %dma_start3A_112 = arith.constant 0 : i32
        %dma_start3A_113 = tpu.memref_slice %arg7[%add3A_111, %dma_start3A_112] : memref<200x128xi32, #tpu.memory_space<vmem>> -> memref<1x128xi32, #tpu.memory_space<vmem>>
        %dma_start3A_114 = tpu.memref_squeeze %dma_start3A_113 : memref<1x128xi32, #tpu.memory_space<vmem>> -> memref<128xi32, #tpu.memory_space<vmem>>
        %dma_start3A_115 = arith.constant 0 : i32
        %dma_start3A_116 = arith.constant 0 : i32
        %dma_start3A_117 = tpu.memref_slice %arg3[%dma_start3A_115, %dma_start3A_116] : memref<1000000x64xf32, #tpu.memory_space<hbm>> -> memref<1000000x64xf32, #tpu.memory_space<hbm>>
        tpu.enqueue_indirect_dma source(%dma_start3A_117 : memref<1000000x64xf32, #tpu.memory_space<hbm>>) target(%arg9 : memref<128x64xf32, #tpu.memory_space<vmem>>) offsets(%dma_start3A_114 : memref<128xi32, #tpu.memory_space<vmem>>) semaphore(%arg14 : memref<!tpu.dma_semaphore, #tpu.memory_space<semaphore_mem>>)
      } else {
      }
    }
    %scan3A_35 = arith.constant 100 : i32
    %dma_wait3A = arith.constant 0 : i32
    %dma_wait3A_36 = tpu.memref_slice %arg6[%mul3A_2, %dma_wait3A] : memref<819200x64xf32, #tpu.memory_space<hbm>> -> memref<128x64xf32, #tpu.memory_space<hbm>>
    %dma_wait3A_37 = arith.constant 0 : i32
    %dma_wait3A_38 = tpu.memref_slice %arg6[%mul3A_2, %dma_wait3A_37] : memref<819200x64xf32, #tpu.memory_space<hbm>> -> memref<128x64xf32, #tpu.memory_space<hbm>>
    tpu.wait_dma2 semaphore(%arg15 : memref<!tpu.dma_semaphore, #tpu.memory_space<semaphore_mem>>) src(%arg10 : memref<128x64xf32, #tpu.memory_space<vmem>>) dst(%dma_wait3A_38 : memref<128x64xf32, #tpu.memory_space<hbm>>)
    %dma_wait3A_39 = arith.constant 0 : i32
    %dma_wait3A_40 = tpu.memref_slice %arg6[%mul3A_2, %dma_wait3A_39] : memref<819200x64xf32, #tpu.memory_space<hbm>> -> memref<128x64xf32, #tpu.memory_space<hbm>>
    %dma_wait3A_41 = arith.constant 0 : i32
    %dma_wait3A_42 = tpu.memref_slice %arg6[%mul3A_2, %dma_wait3A_41] : memref<819200x64xf32, #tpu.memory_space<hbm>> -> memref<128x64xf32, #tpu.memory_space<hbm>>
    tpu.wait_dma2 semaphore(%arg16 : memref<!tpu.dma_semaphore, #tpu.memory_space<semaphore_mem>>) src(%arg11 : memref<128x64xf32, #tpu.memory_space<vmem>>) dst(%dma_wait3A_42 : memref<128x64xf32, #tpu.memory_space<hbm>>)
    return
  }
}

</mosaic_0001>

<sc_bundles>
// kernel: kernel.3.cloned.1.call-start
scs
__scs_entry_jumppad:
0x0: {  	(pc) =	sbr.rel $0x88, $3  }
0x1: {  	(tag) =	ssettag $0x0;
	lr =	simm.s32 $0x1  }
0x2: {  	[smem:$0x3F9D] =	sst lr;
	_ =	strace $0xD0000000  }
0x3: {  	_ = 	snop  }
0x4: {  	_ = 	snop  }
0x5: {  	_ = 	snop  }
0x6: {  	_ = 	snop  }
0x7: {  	_ = 	snop  }
__scs_overlays_trampoline_lowered:
0x8: {  	[smem:$0x3FAC] =	sst s0  }
0x9: {  	[smem:$0x3FAD] =	sst s1  }
0xa: {  	[smem:$0x3FAE] =	sst s2  }
0xb: {  	[smem:$0x3FAF] =	sst s3  }
0xc: {  	[smem:$0x3FB0] =	sst s4  }
0xd: {  	[smem:$0x3FB1] =	sst s5  }
0xe: {  	[smem:$0x3FB2] =	sst s6  }
0xf: {  	[smem:$0x3FB3] =	sst s7  }
0x10: {  	[smem:$0x3FB4] =	sst s8  }
0x11: {  	[smem:$0x3FB5] =	sst s9;
	s0 =	simm.s32 @!p0 $0x0  }
0x12: {  	s1 =	sld [smem:$0x3F9B];
	s0 =	simm.s32 @p0 $0x1  }
0x13: {  	[smem:$0x3FB6] =	sst s0;
	s0 =	simm.s32 @!p1 $0x0  }
0x14: {  	s2 =	sld [smem:$0x3F9A];
	s0 =	simm.s32 @p1 $0x1  }
0x15: {  	[smem:$0x3FB7] =	sst s0;
	s0 =	simm.s32 @!p2 $0x0  }
0x16: {  	s3 =	sld [smem:$0x3FDB];
	s0 =	simm.s32 @p2 $0x1  }
0x17: {  	s4 =	simm.s32 $0x1BF5;
	[smem:$0x3FB9] =	sst s0  }
0x18: {  	s0 =	sld [smem:$0x3F9C];
	_ =	swait.ge [sflag:s4], $0x0  }
0x19: {  	s7 =	sld [smem:$0x3F9D]  }
0x1a: {  	s8 =	sadd.s32 $0xFFFFE003, lr  }
0x1b: {  	s9 =	sadd.s32 $0xFFFFFEF7, lr;
	s5 =	simm.s32 $0xFFFFFFFF;
	p2 =	slt.u32 s8, $0xFFFFF086  }
0x1c: {  	p1 =	slt.u32 s9, $0xF7A;
	s5 =	simm.s32 @!p2 $0x0  }
0x1d: {  	s5 =	simm.s32 @p1 $0x1;
	p0 =	seq.s32 s7, s2  }
0x1e: {  	s7 =	smul.u32 @!p0 $0xF7A, s2;
	p2 =	seq.s32 @!p0 s5, $0x0  }
0x1f: {  	s9 =	smul.u32 $0xF7A, s1;
	s8 =	simm.s32 @!p0 $0x1BF5;
	p2 =	por !p2, p0  }
0x20: {  	[sflag:s8] =	ssyncset.s32 @!p0 $0xFFFFF086;
	s6 =	sadd.s32 @!p0 s3, s7;
	s7 =	simm.s32 @!p0 $0x108  }
0x21: {  	s3 =	sadd.s32 s3, s9;
	s6 =	sadd.s32 @!p0 $0x88, s6;
	s7 =	simm.s32 @p2 $0x1082  }
0x22: {  	[simem:s7], [sflag:s8] =	dma.local @!p0 [hbm:s6], $0xF7A  }
0x23: {  	s9 =	sor.u32 $0xD0000000, s2;
	s6 =	simm.s32 $0x108;
	_ =	swait.ge @!p0 [sflag:s8], $0x0  }
0x24: {  	s3 =	sadd.s32 $0x88, s3;
	s6 =	simm.s32 @!p1 $0x1082;
	[sflag:s4] =	ssyncset.s32 $0xFFFFF086  }
0x25: {  	[simem:s6], [sflag:s4] =	dma.local [hbm:s3], $0xF7A  }
0x26: {  	[smem:$0x3F9D] =	sst s1;
	(tag) =	ssettag s2;
	_ =	strace s9  }
0x27: {  	s1 =	sld [smem:$0x3FAD]  }
0x28: {  	s2 =	sld [smem:$0x3FAE]  }
0x29: {  	s4 =	sld [smem:$0x3FB0]  }
0x2a: {  	p0 =	seq.s32 s5, $0x0;
	s5 =	sld [smem:$0x3FB1]  }
0x2b: {  	s6 =	sld [smem:$0x3FB2]  }
0x2c: {  	s7 =	sld [smem:$0x3FB3]  }
0x2d: {  	s3 =	simm.s32 $0x108;
	s8 =	sld [smem:$0x3FB4]  }
0x2e: {  	s3 =	simm.s32 @!p0 $0x1082;
	s9 =	sld [smem:$0x3FB5]  }
0x2f: {  	lr =	sadd.s32 s0, s3;
	s0 =	sld [smem:$0x3FAC]  }
0x30: {  	s3 =	sld [smem:$0x3FAF]  }
0x31: {  	[smem:$0x3FB8] =	sst s10  }
0x32: {  	s10 =	sld [smem:$0x3FB6];
	_ =	sdelay $0x3  }
0x33: {  	p0 =	seq.s32 s10, $0x1;
	s10 =	sld [smem:$0x3FB8];
	_ =	sdelay $0x3  }
0x34: {  	[smem:$0x3FB8] =	sst s10  }
0x35: {  	s10 =	sld [smem:$0x3FB7];
	_ =	sdelay $0x3  }
0x36: {  	p1 =	seq.s32 s10, $0x1;
	s10 =	sld [smem:$0x3FB8];
	_ =	sdelay $0x3  }
0x37: {  	[smem:$0x3FB8] =	sst s10  }
0x38: {  	s10 =	sld [smem:$0x3FB9]  }
0x39: {  	_ = 	snop;
	(pc) =	sbr.ind lr, $3  }
0x3a: {  	_ = 	snop  }
0x3b: {  	_ = 	snop  }
0x3c: {  	p2 =	seq.s32 s10, $0x1;
	s10 =	sld [smem:$0x3FB8]  }
0x3d: {  	_ =	shalt  }
0x3e: {  	_ =	shalt  }
0x3f: {  	_ =	shalt  }
0x40: {  	_ =	shalt  }
0x41: {  	_ =	shalt  }
0x42: {  	_ =	shalt  }
0x43: {  	_ =	shalt  }
0x44: {  	_ =	shalt  }
0x45: {  	_ =	shalt  }
0x46: {  	_ =	shalt  }
0x47: {  	_ =	shalt  }
0x48: {  	_ =	shalt  }
0x49: {  	_ =	shalt  }
0x4a: {  	_ =	shalt  }
0x4b: {  	_ =	shalt  }
0x4c: {  	_ =	shalt  }
0x4d: {  	_ =	shalt  }
0x4e: {  	_ =	shalt  }
0x4f: {  	_ =	shalt  }
0x50: {  	_ =	shalt  }
0x51: {  	_ =	shalt  }
0x52: {  	_ =	shalt  }
0x53: {  	_ =	shalt  }
0x54: {  	_ =	shalt  }
0x55: {  	_ =	shalt  }
0x56: {  	_ =	shalt  }
0x57: {  	_ =	shalt  }
0x58: {  	_ =	shalt  }
0x59: {  	_ =	shalt  }
0x5a: {  	_ =	shalt  }
0x5b: {  	_ =	shalt  }
0x5c: {  	_ =	shalt  }
0x5d: {  	_ =	shalt  }
0x5e: {  	_ =	shalt  }
0x5f: {  	_ =	shalt  }
0x60: {  	_ =	shalt  }
0x61: {  	_ =	shalt  }
0x62: {  	_ =	shalt  }
0x63: {  	_ =	shalt  }
0x64: {  	_ =	shalt  }
0x65: {  	_ =	shalt  }
0x66: {  	_ =	shalt  }
0x67: {  	_ =	shalt  }
0x68: {  	_ =	shalt  }
0x69: {  	_ =	shalt  }
0x6a: {  	_ =	shalt  }
0x6b: {  	_ =	shalt  }
0x6c: {  	_ =	shalt  }
0x6d: {  	_ =	shalt  }
0x6e: {  	_ =	shalt  }
0x6f: {  	_ =	shalt  }
0x70: {  	_ =	shalt  }
0x71: {  	_ =	shalt  }
0x72: {  	_ =	shalt  }
0x73: {  	_ =	shalt  }
0x74: {  	_ =	shalt  }
0x75: {  	_ =	shalt  }
0x76: {  	_ =	shalt  }
0x77: {  	_ =	shalt  }
0x78: {  	_ =	shalt  }
0x79: {  	_ =	shalt  }
0x7a: {  	_ =	shalt  }
0x7b: {  	_ =	shalt  }
0x7c: {  	_ =	shalt  }
0x7d: {  	_ =	shalt  }
0x7e: {  	_ =	shalt  }
0x7f: {  	_ =	shalt  }
0x80: {  	_ =	shalt  }
0x81: {  	_ =	shalt  }
0x82: {  	_ =	shalt  }
0x83: {  	_ =	shalt  }
0x84: {  	_ =	shalt  }
0x85: {  	_ =	shalt  }
0x86: {  	_ =	shalt  }
0x87: {  	_ =	shalt  }
.Lfunc_end0:
.L_simem_size_0:
called_computation.1_lowered:
.L_overlay_start_0:
0x88: {  	s2 =	sld [smem:$0x3FD9]  }
0x89: {  	s3 =	sld [smem:$0x3FFE];
	_ =	sdelay $0x1  }
0x8a: {  	s1 =	srdreg.scid  }
0x8b: {  	s0 =	sand.u32 $0x1, s1  }
0x8c: {  	s17 =	sshll.u32 s0, $0xA;
	s2 =	sadd.s32 s3, s2  }
0x8d: {  	s2 =	sadd.s32 s2, s17  }
0x8e: {  	[smem:$0x3FC4] =	sst s2  }
0x8f: {  	_ = 	snop  }
0x90: {  	s2 =	sld [smem:$0x3FC7]  }
0x91: {  	s18 =	sld [smem:$0x3FC6]  }
0x92: {  	s4 =	sld [smem:$0x3FD0];
	(tm) =	ssettm $0x1  }
0x93: {  	s5 =	sld [smem:$0x3FFB];
	_ =	sdelay $0x3  }
0x94: {  	_ =	strace s5  }
0x95: {  	s5 =	sld [smem:$0x3FFC];
	_ =	sdelay $0x3  }
0x96: {  	_ =	strace s5  }
0x97: {  	s5 =	sld [smem:$0x3FFD];
	_ =	sdelay $0x3  }
0x98: {  	_ =	strace s5  }
0x99: {  	_ =	strace $0x8FFFFFFF  }
0x9a: {  	s19 =	sld [smem:$0x3FDB];
	_ =	sdelay $0x1  }
0x9b: {  	s6 =	simm.s32 $_scs_section_size  }
0x9c: {  	s7 =	simm.s32 $_size__tile_overlayer_lowered;
	s8 =	simm.s32 $_tile_overlayer_lowered  }
0x9d: {  	s22 =	simm.s32 $0x1BFF;
	s21 =	sshll.u32 s8, $0x1;
	s5 =	sadd.s32 s6, s19  }
0x9e: {  	s9 =	simm.s32 $0x0;
	s20 =	sshll.u32 s7, $0x1;
	s7 =	sadd.s32 s21, s5  }
0x9f: {  	[timem:s9], [sflag:s22] =	dma.local [hbm:s7], s20  }
0xa0: {  	_ =	swait.ge [sflag:s22], s20  }
0xa1: {  	s6 =	ssub.s32 $0x0, s20;
	[sflag:s22] =	ssyncset.done $0x0  }
0xa2: {  	[sflag:s22] =	ssyncadd.s32 s6;
	_ =	sdelay $0x1  }
0xa3: {  	s23 =	simm.s32 $0x1B8B  }
0xa4: {  	_ =	swait.ge [sflag:s23], $0x1  }
0xa5: {  	[sflag:s23] =	ssyncset.done $0x0  }
0xa6: {  	s25 =	simm.s32 $0x1B8E;
	s24 =	sld [smem:$0x3FFE];
	[sflag:s23] =	ssyncadd.s32 $0xFFFFFFFF  }
0xa7: {  	s26 =	simm.s32 $execute0_lowered;
	[smem:$0x3FD2] =	sst s25  }
0xa8: {  	s7 =	sshll.u32 s26, $0x1;
	_ =	strace $0x80000046;
	[dreg:$0x1] =	wrdreg $0xFFFFFFFF  }
0xa9: {  	s28 =	simm.s32 $_size_execute0_lowered;
	s5 =	sadd.s32 s5, s7;
	[dreg:$0x0] =	wrdreg $0x0  }
0xaa: {  	s7 =	sshll.u32 s28, $0x1;
	[dreg:$0x2] =	wrdreg s5  }
0xab: {  	[dreg:$0x3] =	wrdreg s7  }
0xac: {  	[dreg:$0x4] =	wrdreg $0xC0  }
0xad: {  	_ =	task [dreg:s9], $0x5FFFF  }
0xae: {  	[dreg:$0x1] =	wrdreg $0xFFFFFFFF  }
0xaf: {  	[dreg:$0x0] =	wrdreg $0x60  }
0xb0: {  	[dreg:$0x2] =	wrdreg s24  }
0xb1: {  	[dreg:$0x3] =	wrdreg s2  }
0xb2: {  	[dreg:$0x4] =	wrdreg s18  }
0xb3: {  	[dreg:$0x5] =	wrdreg s4  }
0xb4: {  	[dreg:$0x6] =	wrdreg $0x9  }
0xb5: {  	_ =	task.clear_ibuf [dreg:s9], $0x7FFFF;
	_ =	strace $0x90000046  }
0xb6: {  	s29 =	simm.s32 $0x9;
	_ =	strace $0x80000048  }
0xb7: {  	_ =	swait.ge [sflag:s29], $0x1  }
0xb8: {  	[sflag:s29] =	ssyncadd.s32 $0xFFFFFFFF  }
0xb9: {  	_ =	strace $0x90000048  }
0xba: {  	_ =	sfence  }
0xbb: {  	s30 =	sld [smem:$0x0];
	_ =	sdelay $0x2  }
0xbc: {  	s31 =	sshll.u32 s1, $0xD;
	s1 =	sshrl.u32 s1, $0x2  }
0xbd: {  	s3 =	sand.u32 $0x4000, s31;
	s1 =	sadd.s32 s1, s30  }
0xbe: {  	s0 =	sor.u32 s3, s0;
	s1 =	sshll.u32 s1, $0x11  }
0xbf: {  	s0 =	sor.u32 s1, s0  }
0xc0: {  	s0 =	sadd.s32 $0x8F2B, s0  }
0xc1: {  	[sflag:s0] =	ssyncadd.remote.s32 $0x1  }
0xc2: {  	_ =	sfence.sel $0xFFFF  }
0xc3: {  	[dreg:$0x0] =	wrdreg $0xFFFFFFFF;
	(pc) =	sbr.abs _section_cstart, $3  }
0xc4: {  	[dreg:$0x1] =	wrdreg $0xFFFFFFFF  }
0xc5: {  	_ =	task.clear_ibuf [dreg:s9], $0x2FFFF;
	_ =	strace $0x9FFFFFFF  }
0xc6: {  	(tm) =	ssettm $0x7FFFFFFF  }
0xc7: {  	_ =	shalt  }
tec
execute0_lowered:
.L_overlay_start_1:
0x0: {  	(tag) =	ssettag $0x1  }
0x1: {  	s1 =	srdreg.scid;
	s2 =	stileid.u32  }
0x2: {  	s0 =	rddreg [dreg:$0x0];
	s1 =	sand.u32 $0x1, s1;
	s2 =	sshll.u32 s2, $0x1  }
0x3: {  	s6 =	rddreg [dreg:$0x3];
	s3 =	simm.s32 $0x0;
	s2 =	sor.u32 s1, s2  }
0x4: {  	[smem:$0x7FF] =	sst s3;
	s25 =	smul.u32 $0xC80, s2  }
0x5: {  	s1 =	ssub.s32 $0x2, s1;
	_ =	strace $0x80000047;
	s29 =	smul.u32 $0x190000, s2  }
0x6: {  	s4 =	sshrl.u32 s1, $0x1;
	s5 =	smul.u32 $0x32000, s2;
	s3 =	sadd.s32 s25, s0  }
.Ltmp0:
0x7: {  	s0 =	sadd.s32 $0xF42E00, s0;
	[dreg:$0x7] =	wrdreg s29;
	(pc) =	sbr.rel .LBB2_1-.Ltmp0, $4  }
0x8: {  	s26 =	ssub.s32 s1, s4;
	[dreg:$0x5] =	wrdreg s0;
	s28 =	sadd.s32 $0xA00, s3  }
0x9: {  	s30 =	sadd.s32 s5, s6;
	s0 =	smax.u32 s26, $0x1;
	[dreg:$0x6] =	wrdreg s28  }
0xa: {  	s31 =	sadd.s32 $0x400, s30;
	[dreg:$0x8] =	wrdreg s0  }
0xb: {  	s2 =	simm.s32 $0x0;
	[dreg:$0x9] =	wrdreg s31  }
.LBB2_12:
0xc: {  	s0 =	simm.s32 $0x3  }
0xd: {  	_ =	swait.ge [sflag:s0], $0x2000  }
0xe: {  	[sflag:s0] =	ssyncset.done $0x0  }
0xf: {  	s1 =	simm.s32 $0x4;
	[sflag:s0] =	ssyncadd.s32 $0xFFFFE000  }
0x10: {  	_ =	swait.ge [sflag:s1], $0x2000  }
0x11: {  	s2 =	rddreg [dreg:$0xa]  }
0x12: {  	s31 =	rddreg [dreg:$0x8];
	s2 =	sadd.s32 $0x1, s2  }
0x13: {  	p0 =	sne.s32 s2, s31  }
.Ltmp1:
0x14: {  	_ = 	snop;
	(pc) =	sbr.rel @!p0 .LBB2_13-.Ltmp1, $3  }
0x15: {  	_ =	sdelay $0x1  }
0x16: {  	[sflag:s1] =	ssyncset.done $0x0  }
0x17: {  	[sflag:s1] =	ssyncadd.s32 $0xFFFFE000  }
.LBB2_1:
0x18: {  	[dreg:$0xa] =	wrdreg s2  }
0x19: {  	s1 =	simm.s32 $0x0;
	s0 =	rddreg [dreg:$0x6];
	s23 =	simm.s32 $0x5  }
0x1a: {  	[tilespmem:s1], [sflag:$0x5] =	stream.linear.gather [hbm4b:s0+s1], $0x6400, $0x38;
	[tilespmem:$0xE480] =	vst v63  }
0x1b: {  	_ =	swait.ge [sflag:s23], $0x6400  }
0x1c: {  	[sflag:s23] =	ssyncset.done $0x0  }
0x1d: {  	[sflag:s23] =	ssyncadd.s32 $0xFFFF9C00  }
0x1e: {  	s3 =	simm.s32 $0xE400;
	s24 =	rddreg [dreg:$0x1]  }
0x1f: {  	[tilespmem:s3], [sflag:$0x5] =	stream.linear.gather [hbm4b:s24+s1], $0x40, $0x38;
	[tilespmem:$0xE480] =	vst v63  }
0x20: {  	_ =	swait.ge [sflag:s23], $0x40  }
0x21: {  	[sflag:s23] =	ssyncset.done $0x0  }
0x22: {  	[sflag:s23] =	ssyncadd.s32 $0xFFFFFFC0  }
0x23: {  	s26 =	simm.s32 $0xE440;
	s25 =	rddreg [dreg:$0x2]  }
0x24: {  	[tilespmem:s26], [sflag:$0x5] =	stream.linear.gather [hbm4b:s25+s1], $0x40, $0x38;
	[tilespmem:$0xE480] =	vst v63  }
0x25: {  	_ =	swait.ge [sflag:s23], $0x40  }
0x26: {  	[sflag:s23] =	ssyncset.done $0x0  }
0x27: {  	[sflag:s23] =	ssyncadd.s32 $0xFFFFFFC0  }
0x28: {  	v51 =	vld [tilespmem:$0xE400]  }
0x29: {  	v1 =	vld [tilespmem:$0xE410]  }
0x2a: {  	v2 =	vld [tilespmem:$0xE420]  }
0x2b: {  	v3 =	vld [tilespmem:$0xE430]  }
0x2c: {  	v4 =	vld [tilespmem:$0xE440]  }
0x2d: {  	v5 =	vld [tilespmem:$0xE450]  }
0x2e: {  	s29 =	simm.s32 $0x80;
	s30 =	simm.s32 $0x6400;
	s28 =	rddreg [dreg:$0x5];
	v6 =	vld [tilespmem:$0xE460]  }
0x2f: {  	v7 =	vld [tilespmem:$0xE470];
	[tilespmem:s30], [sflag:$0x1] =	stream.indirect.gather [hbm4b:s28+s29], $0x40, s1, s29, $0xb8  }
0x30: {  	s31 =	simm.s32 $0x8400;
	s24 =	simm.s32 $0x0  }
0x31: {  	[tilespmem:s31], [sflag:$0x2] =	stream.indirect.gather [hbm4b:s28+s29], $0x40, s29, s29, $0xb8;
	[tilespmem:$0xE480] =	vst v63  }
.LBB2_2:
0x32: {  	s0 =	simm.s32 $0x1  }
0x33: {  	_ =	swait.ge [sflag:s0], $0x2000  }
0x34: {  	p0 =	seq.s32 s24, $0x0;
	[sflag:s0] =	ssyncset.done $0x0  }
0x35: {  	[sflag:s0] =	ssyncadd.s32 $0xFFFFE000;
	s0 =	simm.s32 @!p0 $0x3  }
0x36: {  	_ =	swait.ge @!p0 [sflag:s0], $0x2000  }
0x37: {  	s1 =	sshll.u32 s24, $0xA;
	[sflag:s0] =	ssyncset.done @!p0 $0x0  }
0x38: {  	s26 =	simm.s32 $0x0;
	[dreg:$0xb] =	wrdreg s1;
	[sflag:s0] =	ssyncadd.s32 @!p0 $0xFFFFE000  }
.LBB2_3:
0x39: {  	s28 =	sshra.s32 s26, $0x2  }
0x3a: {  	v18 =	vld [tilespmem:s28+$0x6400]  }
0x3b: {  	v11 =	vld [tilespmem:s28+$0x6410];
	_ =	sdelay $0x1  }
0x3c: {  	v29 =	vld [tilespmem:s28+$0x6420];
	_ =	sdelay $0x1  }
0x3d: {  	v0 =	vld [tilespmem:s28+$0x6430]  }
0x3e: {  	v8 =	vmul.f32 v18, v18;
	v9 =	vmul.f32 v11, v11  }
0x3f: {  	v10 =	vadd.f32 v11, v18  }
0x40: {  	v22 =	vmul.f32 v29, v29;
	v8 =	vadd.f32 v9, v8  }
0x41: {  	v10 =	vadd.f32 v29, v10  }
0x42: {  	v23 =	vmul.f32 v0, v0;
	v8 =	vadd.f32 v22, v8  }
0x43: {  	v10 =	vadd.f32 v0, v10  }
0x44: {  	v8 =	vadd.f32 v23, v8  }
0x45: {  	(xrf2) =	vadd.scan.msk.f32 $0xffff, v10  }
0x46: {  	(xrf2) =	vadd.scan.msk.f32 $0xffff, v8;
	_ =	sdelay $0x4  }
0x47: {  	v12 =	vld [tilespmem:s28+$0x6450]  }
0x48: {  	v10 =	vld [tilespmem:s28+$0x6440];
	_ =	sdelay $0x1  }
0x49: {  	v13 =	vld [tilespmem:s28+$0x6460]  }
0x4a: {  	v8, _, _ =	vpop (xrf2)  }
0x4b: {  	v14 =	vmul.f32 v12, v12;
	(v2sf) =	vpush v8, $0xF;
	v8 =	vld [tilespmem:s28+$0x6470];
	v24, _, _ =	vpop (xrf2)  }
0x4c: {  	v25 =	vmul.f32 v10, v10;
	v15 =	vadd.f32 v12, v10;
	(v2sf) =	vpush v24, $0xF;
	_ =	sdelay $0x1  }
0x4d: {  	v26 =	vmul.f32 v13, v13;
	v9 =	vadd.f32 v14, v25;
	v15 =	vadd.f32 v13, v15;
	_ =	sdelay $0x1  }
0x4e: {  	v9 =	vadd.f32 v26, v9;
	v27 =	vmul.f32 v8, v8;
	v15 =	vadd.f32 v8, v15;
	_ =	sdelay $0x1  }
0x4f: {  	v9 =	vadd.f32 v27, v9;
	(xrf2) =	vadd.scan.msk.f32 $0xffff, v15;
	_ =	sdelay $0x1  }
0x50: {  	v24 =	vld [tilespmem:s28+$0x6490];
	(xrf2) =	vadd.scan.msk.f32 $0xffff, v9  }
0x51: {  	v15 =	vld [tilespmem:s28+$0x6480];
	_ =	sdelay $0x1  }
0x52: {  	v19 =	vld [tilespmem:s28+$0x64A0]  }
0x53: {  	v42 =	vld [tilespmem:s28+$0x64B0]  }
0x54: {  	v35 =	vld [tilespmem:s28+$0x64C0]  }
0x55: {  	v39 =	vld [tilespmem:s28+$0x64D0];
	v30 =	vmul.f32 v24, v24;
	v28 =	vmul.f32 v15, v15;
	v16 =	vadd.f32 v24, v15;
	s0 =	spop (v2sf)  }
0x56: {  	s29 =	smul.f32 $1.562500000e-02, s0;
	s1 =	spop (v2sf)  }
0x57: {  	v44 =	vld [tilespmem:s28+$0x64E0];
	v31 =	vmul.f32 v19, v19;
	v9 =	vadd.f32 v30, v28;
	v16 =	vadd.f32 v19, v16;
	v17, _, _ =	vpop (xrf2);
	s9 =	smul.f32 $1.562500000e-02, s1  }
0x58: {  	v33 =	vmul.f32 v42, v42;
	s10 =	smul.f32 s29, s29;
	(v2sf) =	vpush v17, $0xF  }
0x59: {  	v20 =	vmul.f32 v35, v35;
	v14 =	vld [tilespmem:s28+$0x64F0];
	v9 =	vadd.f32 v31, v9;
	v16 =	vadd.f32 v42, v16;
	v32, _, _ =	vpop (xrf2)  }
0x5a: {  	v21 =	vmul.f32 v39, v39;
	v34 =	vadd.f32 v39, v35;
	s0 =	ssub.f32 s9, s10;
	(v2sf) =	vpush v32, $0xF  }
0x5b: {  	v9 =	vadd.f32 v33, v9;
	(xrf2) =	vadd.scan.msk.f32 $0xffff, v16  }
0x5c: {  	v37 =	vmul.f32 v44, v44;
	v36 =	vadd.f32 v21, v20;
	v38 =	vadd.f32 v44, v34;
	s0 =	smax.f32 s0, $0.0e+00  }
0x5d: {  	(xrf2) =	vadd.scan.msk.f32 $0xffff, v9;
	s0 =	sadd.f32 $9.999999960e-13, s0  }
0x5e: {  	v40 =	vmul.f32 v14, v14;
	v16 =	vadd.f32 v37, v36;
	v9 =	vadd.f32 v14, v38  }
0x5f: {  	s11 =	sshrl.u32 s0, $0x1;
	s0 =	smul.f32 $5.000000000e-01, s0  }
0x60: {  	v16 =	vadd.f32 v40, v16;
	(xrf2) =	vadd.scan.msk.f32 $0xffff, v9;
	s1 =	ssub.s32 $0x5F3759DF, s11  }
0x61: {  	s2 =	smul.f32 s1, s0  }
0x62: {  	(xrf2) =	vadd.scan.msk.f32 $0xffff, v16  }
0x63: {  	s2 =	smul.f32 s1, s2  }
0x64: {  	v43 =	vld [tilespmem:s28+$0x6500]  }
0x65: {  	v22 =	vld [tilespmem:s28+$0x6510];
	v41, _, _ =	vpop (xrf2);
	s2 =	ssub.f32 $1.500000000e+00, s2  }
0x66: {  	(v2sf) =	vpush v41, $0xF  }
0x67: {  	v9 =	vld [tilespmem:s28+$0x6520];
	v45, _, _ =	vpop (xrf2);
	s1 =	smul.f32 s1, s2;
	s3 =	spop (v2sf)  }
0x68: {  	(v2sf) =	vpush v45, $0xF;
	s30 =	smul.f32 $1.562500000e-02, s3  }
0x69: {  	v23 =	vld [tilespmem:s28+$0x6530];
	s2 =	smul.f32 s1, s0;
	s4 =	spop (v2sf)  }
0x6a: {  	v50 =	vadd.f32 v22, v43;
	v46, _, _ =	vpop (xrf2);
	s12 =	smul.f32 $1.562500000e-02, s4  }
0x6b: {  	v48 =	vmul.f32 v43, v43;
	v49 =	vmul.f32 v22, v22;
	(v2sf) =	vpush v46, $0xF;
	s13 =	smul.f32 s30, s30  }
0x6c: {  	v16 =	vadd.f32 v9, v50;
	v47, _, _ =	vpop (xrf2)  }
0x6d: {  	v17 =	vadd.f32 v49, v48;
	v52 =	vmul.f32 v9, v9;
	(v2sf) =	vpush v47, $0xF;
	s2 =	smul.f32 s2, s1;
	s3 =	ssub.f32 s12, s13  }
0x6e: {  	v27 =	vld [tilespmem:s28+$0x6540];
	v16 =	vadd.f32 v23, v16  }
0x6f: {  	v53 =	vmul.f32 v23, v23;
	v30 =	vld [tilespmem:s28+$0x6550];
	v17 =	vadd.f32 v52, v17;
	s2 =	ssub.f32 $1.500000000e+00, s2;
	s3 =	smax.f32 s3, $0.0e+00  }
0x70: {  	(xrf2) =	vadd.scan.msk.f32 $0xffff, v16;
	s3 =	sadd.f32 $9.999999960e-13, s3  }
0x71: {  	v31 =	vld [tilespmem:s28+$0x6560];
	v17 =	vadd.f32 v53, v17;
	s1 =	smul.f32 s2, s1  }
0x72: {  	s14 =	sshrl.u32 s3, $0x1;
	s3 =	smul.f32 $5.000000000e-01, s3  }
0x73: {  	v54 =	vld [tilespmem:s28+$0x6570];
	(xrf2) =	vadd.scan.msk.f32 $0xffff, v17;
	s0 =	smul.f32 s1, s0;
	s2 =	ssub.s32 $0x5F3759DF, s14  }
0x74: {  	v57 =	vadd.f32 v30, v27;
	s15 =	smul.f32 s2, s3  }
0x75: {  	v55 =	vmul.f32 v27, v27;
	v56 =	vmul.f32 v30, v30;
	s5 =	spop (v2sf);
	s0 =	smul.f32 s0, s1  }
0x76: {  	v20 =	vadd.f32 v31, v57;
	s31 =	smul.f32 $1.562500000e-02, s5  }
0x77: {  	v58 =	vmul.f32 v31, v31;
	v16 =	vadd.f32 v56, v55;
	s7 =	spop (v2sf);
	s4 =	smul.f32 s2, s15  }
0x78: {  	v34 =	vld [tilespmem:s28+$0x6580];
	v20 =	vadd.f32 v54, v20;
	s16 =	smul.f32 $1.562500000e-02, s7;
	s0 =	ssub.f32 $1.500000000e+00, s0  }
0x79: {  	v61 =	vmul.f32 v54, v54;
	v36 =	vld [tilespmem:s28+$0x6590];
	v16 =	vadd.f32 v58, v16;
	s17 =	smul.f32 s31, s31;
	s4 =	ssub.f32 $1.500000000e+00, s4  }
0x7a: {  	v59, _, _ =	vpop (xrf2);
	(xrf2) =	vadd.scan.msk.f32 $0xffff, v20;
	s19 =	spop (v2sf);
	s0 =	smul.f32 s0, s1  }
0x7b: {  	v38 =	vld [tilespmem:s28+$0x65A0];
	v16 =	vadd.f32 v61, v16;
	s18 =	ssub.f32 s16, s17;
	s8 =	smul.f32 s2, s4  }
0x7c: {  	s20 =	spop (v2sf);
	s2 =	smul.f32 $1.562500000e-02, s19  }
0x7d: {  	v37 =	vld [tilespmem:s28+$0x65B0];
	v60, _, _ =	vpop (xrf2);
	(xrf2) =	vadd.scan.msk.f32 $0xffff, v16;
	(v2sf) =	vpush v59, $0xF;
	s4 =	smax.f32 s18, $0.0e+00;
	s5 =	smul.f32 $1.562500000e-02, s20  }
0x7e: {  	v25 =	vadd.f32 v36, v34;
	s4 =	sadd.f32 $9.999999960e-13, s4;
	s21 =	smul.f32 s2, s2  }
0x7f: {  	v62 =	vmul.f32 v34, v34;
	v63 =	vmul.f32 v36, v36;
	(v2sf) =	vpush v60, $0xF;
	s9 =	smul.f32 s8, s3  }
0x80: {  	v20 =	vadd.f32 v38, v25;
	s10 =	sshrl.u32 s4, $0x1;
	s11 =	smul.f32 $5.000000000e-01, s4  }
0x81: {  	v26 =	vmul.f32 v38, v38;
	v16 =	vadd.f32 v63, v62;
	s22 =	ssub.f32 s5, s21;
	s23 =	smul.f32 s9, s8;
	s25 =	ssub.s32 $0x5F3759DF, s10  }
0x82: {  	v20 =	vadd.f32 v37, v20;
	s6 =	smul.f32 s25, s11  }
0x83: {  	v28 =	vmul.f32 v37, v37;
	v16 =	vadd.f32 v26, v16;
	s4 =	smax.f32 s22, $0.0e+00;
	s5 =	ssub.f32 $1.500000000e+00, s23  }
0x84: {  	v32, _, _ =	vpop (xrf2);
	(xrf2) =	vadd.scan.msk.f32 $0xffff, v20;
	s10 =	sadd.f32 $9.999999960e-13, s4;
	s9 =	smul.f32 s25, s6  }
0x85: {  	v16 =	vadd.f32 v28, v16;
	s1 =	smul.f32 s5, s8  }
0x86: {  	v40 =	vld [tilespmem:s28+$0x65C0];
	s12 =	sshrl.u32 s10, $0x1;
	s4 =	smul.f32 $5.000000000e-01, s10  }
0x87: {  	v41 =	vld [tilespmem:s28+$0x65D0];
	(v2sf) =	vpush v32, $0xF;
	v33, _, _ =	vpop (xrf2);
	(xrf2) =	vadd.scan.msk.f32 $0xffff, v16;
	s13 =	ssub.f32 $1.500000000e+00, s9;
	s14 =	ssub.s32 $0x5F3759DF, s12;
	s3 =	smul.f32 s1, s3  }
0x88: {  	s15 =	smul.f32 s14, s4  }
0x89: {  	v28 =	vld [tilespmem:s28+$0x65E0];
	s5 =	smul.f32 s25, s13  }
0x8a: {  	s3 =	smul.f32 s3, s1  }
0x8b: {  	v25 =	vld [tilespmem:s28+$0x65F0];
	s16 =	smul.f32 s14, s15  }
0x8c: {  	[tilespmem:$0x1FF00] =	vst v43;
	v43 =	vmul.f32 v40, v40;
	v45 =	vmul.f32 v41, v41;
	s18 =	spop (v2sf);
	s17 =	smul.f32 s5, s11  }
0x8d: {  	v46 =	vadd.f32 v41, v40;
	(v2sf) =	vpush v33, $0xF;
	s12 =	smul.f32 $1.562500000e-02, s18  }
0x8e: {  	v47 =	vmul.f32 v28, v28;
	v16 =	vadd.f32 v45, v43;
	v49, _, _ =	vpop (xrf2);
	s19 =	spop (v2sf);
	s9 =	smul.f32 s17, s5  }
0x8f: {  	v20 =	vadd.f32 v28, v46;
	(v2sf) =	vpush v49, $0xF;
	s7 =	ssub.f32 $1.500000000e+00, s16;
	s21 =	smul.f32 $1.562500000e-02, s19  }
0x90: {  	v48 =	vmul.f32 v25, v25;
	v16 =	vadd.f32 v47, v16;
	s22 =	smul.f32 s12, s12;
	s20 =	ssub.f32 $1.500000000e+00, s9  }
0x91: {  	v20 =	vadd.f32 v25, v20;
	v50, _, _ =	vpop (xrf2);
	s7 =	smul.f32 s14, s7  }
0x92: {  	v16 =	vadd.f32 v48, v16;
	(v2sf) =	vpush v50, $0xF;
	s9 =	ssub.f32 s21, s22;
	s8 =	smul.f32 s20, s5  }
0x93: {  	(xrf2) =	vadd.scan.msk.f32 $0xffff, v20;
	s23 =	smul.f32 s7, s4  }
0x94: {  	(xrf2) =	vadd.scan.msk.f32 $0xffff, v16;
	s9 =	smax.f32 s9, $0.0e+00;
	s25 =	smul.f32 s8, s11  }
0x95: {  	s9 =	sadd.f32 $9.999999960e-13, s9;
	s5 =	smul.f32 s23, s7  }
0x96: {  	s15 =	spop (v2sf);
	s10 =	smul.f32 s25, s8  }
0x97: {  	v55 =	vld [tilespmem:s28+$0x6600];
	s6 =	ssub.f32 $1.500000000e+00, s5;
	s5 =	smul.f32 $5.000000000e-01, s9  }
0x98: {  	v56 =	vld [tilespmem:s28+$0x6610];
	s13 =	sshrl.u32 s9, $0x1;
	s9 =	smul.f32 $1.562500000e-02, s15  }
0x99: {  	s14 =	ssub.s32 $0x5F3759DF, s13;
	s11 =	smul.f32 s6, s7  }
0x9a: {  	v59 =	vld [tilespmem:s28+$0x6620];
	s13 =	smul.f32 s14, s5  }
0x9b: {  	s3 =	ssub.f32 $1.500000000e+00, s3;
	s15 =	smul.f32 s9, s9  }
0x9c: {  	v57 =	vld [tilespmem:s28+$0x6630];
	s16 =	spop (v2sf);
	s4 =	smul.f32 s11, s4  }
0x9d: {  	[tilespmem:$0x1FF30] =	vst v54;
	v54 =	vadd.f32 v56, v55;
	v61, _, _ =	vpop (xrf2);
	s10 =	ssub.f32 $1.500000000e+00, s10;
	s7 =	smul.f32 s14, s13  }
0x9e: {  	v52 =	vmul.f32 v55, v55;
	v53 =	vmul.f32 v56, v56;
	(v2sf) =	vpush v61, $0xF;
	v62, _, _ =	vpop (xrf2);
	s13 =	smul.f32 $1.562500000e-02, s16;
	s23 =	spop (v2sf)  }
0x9f: {  	v20 =	vadd.f32 v59, v54;
	(v2sf) =	vpush v62, $0xF;
	s4 =	smul.f32 s4, s11;
	s16 =	ssub.f32 $1.500000000e+00, s7  }
0xa0: {  	v58 =	vmul.f32 v59, v59;
	v16 =	vadd.f32 v53, v52;
	s7 =	smul.f32 s3, s1;
	s17 =	ssub.f32 s13, s15  }
0xa1: {  	v20 =	vadd.f32 v57, v20;
	s13 =	smul.f32 s10, s8;
	s25 =	spop (v2sf)  }
0xa2: {  	v60 =	vmul.f32 v57, v57;
	v16 =	vadd.f32 v58, v16;
	s15 =	smul.f32 $1.562500000e-02, s25;
	s18 =	ssub.f32 $1.500000000e+00, s4  }
0xa3: {  	(xrf2) =	vadd.scan.msk.f32 $0xffff, v20;
	s19 =	smul.f32 s14, s16  }
0xa4: {  	v16 =	vadd.f32 v60, v16;
	s1 =	smax.f32 s17, $0.0e+00;
	s3 =	smul.f32 s18, s11  }
0xa5: {  	s1 =	sadd.f32 $9.999999960e-13, s1;
	s20 =	smul.f32 s19, s5  }
0xa6: {  	(xrf2) =	vadd.scan.msk.f32 $0xffff, v16;
	s11 =	smul.f32 $1.562500000e-02, s23  }
0xa7: {  	s21 =	sshrl.u32 s1, $0x1;
	s1 =	smul.f32 $5.000000000e-01, s1  }
0xa8: {  	s8 =	smul.f32 s20, s19  }
0xa9: {  	s10 =	ssub.s32 $0x5F3759DF, s21;
	s6 =	smul.f32 s11, s11  }
0xaa: {  	s22 =	smul.f32 s10, s1  }
0xab: {  	s2 =	smul.f32 s3, s2;
	s8 =	ssub.f32 $1.500000000e+00, s8  }
0xac: {  	s15 =	ssub.f32 s15, s6;
	s14 =	smul.f32 s10, s22  }
0xad: {  	v48 =	vld [tilespmem:s28+$0x6640];
	v63, _, _ =	vpop (xrf2);
	s22 =	spop (v2sf);
	s8 =	smul.f32 s8, s19  }
0xae: {  	v50 =	vld [tilespmem:s28+$0x6650];
	(v2sf) =	vpush v63, $0xF;
	s20 =	spop (v2sf);
	s4 =	ssub.f32 $1.500000000e+00, s14  }
0xaf: {  	v26 =	vld [tilespmem:s28+$0x6680];
	s14 =	smax.f32 s15, $0.0e+00;
	s15 =	smul.f32 $1.562500000e-02, s22  }
0xb0: {  	v49 =	vld [tilespmem:s28+$0x6660];
	v46, _, _ =	vpop (xrf2);
	s20 =	smul.f32 $1.562500000e-02, s20  }
0xb1: {  	v32 =	vld [tilespmem:s28+$0x6690];
	(v2sf) =	vpush v46, $0xF;
	s5 =	smul.f32 s8, s5  }
0xb2: {  	[tilespmem:$0x1FF10] =	vst v22;
	v22 =	vld [tilespmem:s28+$0x6670];
	s10 =	smul.f32 s10, s4  }
0xb3: {  	v33 =	vld [tilespmem:s28+$0x66A0];
	v43 =	vmul.f32 v48, v48;
	v45 =	vmul.f32 v50, v50;
	s14 =	sadd.f32 $9.999999960e-13, s14;
	s21 =	smul.f32 s15, s15  }
0xb4: {  	v47 =	vadd.f32 v50, v48;
	s5 =	smul.f32 s5, s8  }
0xb5: {  	v53 =	vmul.f32 v49, v49;
	v52 =	vadd.f32 v45, v43;
	v43 =	vld [tilespmem:s28+$0x66B0];
	s16 =	sshrl.u32 s14, $0x1;
	s4 =	smul.f32 $5.000000000e-01, s14  }
0xb6: {  	v58 =	vmul.f32 v26, v26;
	v54 =	vadd.f32 v49, v47;
	v61 =	vadd.f32 v32, v26;
	s17 =	smul.f32 s10, s1;
	s19 =	ssub.s32 $0x5F3759DF, s16  }
0xb7: {  	v60 =	vmul.f32 v32, v32;
	v16 =	vadd.f32 v53, v52;
	v62 =	vmul.f32 v22, v22;
	s18 =	smul.f32 s19, s4  }
0xb8: {  	v20 =	vadd.f32 v22, v54;
	v17 =	vadd.f32 v33, v61;
	s20 =	ssub.f32 s20, s21;
	s14 =	smul.f32 s17, s10  }
0xb9: {  	v21 =	vadd.f32 v60, v58;
	v16 =	vadd.f32 v62, v16;
	v63 =	vmul.f32 v33, v33;
	s5 =	ssub.f32 $1.500000000e+00, s5;
	s18 =	smul.f32 s19, s18  }
0xba: {  	(xrf2) =	vadd.scan.msk.f32 $0xffff, v20;
	v17 =	vadd.f32 v43, v17;
	s6 =	smax.f32 s20, $0.0e+00;
	s23 =	ssub.f32 $1.500000000e+00, s14  }
0xbb: {  	[tilespmem:$0x1FF50] =	vst v32;
	v32 =	vmul.f32 v43, v43;
	(xrf2) =	vadd.scan.msk.f32 $0xffff, v16;
	v21 =	vadd.f32 v63, v21;
	s22 =	smul.f32 s5, s8;
	s25 =	ssub.f32 $1.500000000e+00, s18  }
0xbc: {  	(xrf2) =	vadd.scan.msk.f32 $0xffff, v17;
	s8 =	smul.f32 s23, s10;
	s10 =	sadd.f32 $9.999999960e-13, s6  }
0xbd: {  	[tilespmem:$0x1FF60] =	vst v33;
	v33 =	vadd.f32 v32, v21;
	s6 =	spop (v2sf);
	s14 =	smul.f32 s19, s25  }
0xbe: {  	s21 =	smul.f32 $1.562500000e-02, s6  }
0xbf: {  	(xrf2) =	vadd.scan.msk.f32 $0xffff, v33;
	s17 =	sshrl.u32 s10, $0x1;
	s10 =	smul.f32 $5.000000000e-01, s10  }
0xc0: {  	s23 =	spop (v2sf);
	s18 =	smul.f32 s14, s4  }
0xc1: {  	s16 =	ssub.s32 $0x5F3759DF, s17;
	s17 =	smul.f32 $1.562500000e-02, s23  }
0xc2: {  	s19 =	smul.f32 s21, s21  }
0xc3: {  	s25 =	smul.f32 s16, s10  }
0xc4: {  	[tilespmem:$0x1FF70] =	vst v43;
	v43, _, _ =	vpop (xrf2);
	s5 =	smul.f32 s18, s14  }
0xc5: {  	v45, _, _ =	vpop (xrf2);
	(v2sf) =	vpush v43, $0xF;
	s20 =	ssub.f32 s17, s19;
	s18 =	smul.f32 s16, s25  }
0xc6: {  	v46, _, _ =	vpop (xrf2);
	(v2sf) =	vpush v45, $0xF;
	s1 =	smul.f32 s8, s1;
	s5 =	ssub.f32 $1.500000000e+00, s5  }
0xc7: {  	(v2sf) =	vpush v46, $0xF;
	s20 =	smax.f32 s20, $0.0e+00;
	s18 =	ssub.f32 $1.500000000e+00, s18  }
0xc8: {  	s25 =	sadd.f32 $9.999999960e-13, s20;
	s14 =	smul.f32 s5, s14  }
0xc9: {  	v47, _, _ =	vpop (xrf2);
	s16 =	smul.f32 s16, s18  }
0xca: {  	(v2sf) =	vpush v47, $0xF;
	s5 =	smul.f32 $5.000000000e-01, s25  }
0xcb: {  	s6 =	sshrl.u32 s25, $0x1;
	s4 =	smul.f32 s14, s4  }
0xcc: {  	s18 =	ssub.s32 $0x5F3759DF, s6;
	s17 =	smul.f32 s16, s10  }
0xcd: {  	s19 =	smul.f32 s18, s5  }
0xce: {  	s4 =	smul.f32 s4, s14  }
0xcf: {  	v52 =	vld [tilespmem:s28+$0x66C0];
	s20 =	smul.f32 s17, s16  }
0xd0: {  	v53 =	vld [tilespmem:s28+$0x66D0];
	s23 =	smul.f32 s18, s19;
	s4 =	ssub.f32 $1.500000000e+00, s4  }
0xd1: {  	s17 =	smul.f32 s1, s8;
	s25 =	ssub.f32 $1.500000000e+00, s20  }
0xd2: {  	v54 =	vld [tilespmem:s28+$0x66E0];
	s6 =	ssub.f32 $1.500000000e+00, s23;
	s4 =	smul.f32 s4, s14  }
0xd3: {  	s23 =	smul.f32 s25, s16  }
0xd4: {  	v58 =	vld [tilespmem:s28+$0x66F0];
	s19 =	spop (v2sf);
	s20 =	smul.f32 s18, s6  }
0xd5: {  	v60 =	vmul.f32 v52, v52;
	v61 =	vmul.f32 v53, v53;
	s25 =	spop (v2sf);
	s16 =	smul.f32 $1.562500000e-02, s19  }
0xd6: {  	v20 =	vadd.f32 v53, v52;
	s18 =	smul.f32 $1.562500000e-02, s25;
	s6 =	spop (v2sf)  }
0xd7: {  	v62 =	vmul.f32 v54, v54;
	v16 =	vadd.f32 v61, v60;
	s1 =	smul.f32 $1.562500000e-02, s6  }
0xd8: {  	v20 =	vadd.f32 v54, v20;
	s6 =	smul.f32 s16, s16  }
0xd9: {  	v16 =	vadd.f32 v62, v16;
	v63 =	vmul.f32 v58, v58;
	s19 =	spop (v2sf);
	s10 =	smul.f32 s23, s10  }
0xda: {  	v61 =	vld [tilespmem:s28+$0x6700];
	v20 =	vadd.f32 v58, v20;
	s19 =	smul.f32 $1.562500000e-02, s19  }
0xdb: {  	v60 =	vld [tilespmem:s28+$0x6710];
	v16 =	vadd.f32 v63, v16;
	s17 =	ssub.f32 $1.500000000e+00, s17;
	s25 =	smul.f32 s1, s1  }
0xdc: {  	(xrf2) =	vadd.scan.msk.f32 $0xffff, v20;
	s6 =	ssub.f32 s18, s6;
	s10 =	smul.f32 s10, s23  }
0xdd: {  	v62 =	vld [tilespmem:s28+$0x6720];
	(xrf2) =	vadd.scan.msk.f32 $0xffff, v16;
	s19 =	ssub.f32 s19, s25;
	s25 =	smul.f32 s20, s5  }
0xde: {  	s18 =	smul.f32 s17, s8;
	s17 =	ssub.f32 $1.500000000e+00, s10  }
0xdf: {  	v63 =	vld [tilespmem:s28+$0x6730];
	s6 =	smax.f32 s6, $0.0e+00;
	s25 =	smul.f32 s25, s20  }
0xe0: {  	v45 =	vadd.f32 v60, v61;
	s9 =	smul.f32 s18, s9;
	s6 =	sadd.f32 $9.999999960e-13, s6  }
0xe1: {  	[tilespmem:$0x1FF40] =	vst v26;
	v26 =	vld [tilespmem:s28+$0x6740];
	s23 =	smul.f32 s17, s23;
	s17 =	ssub.f32 $1.500000000e+00, s25  }
0xe2: {  	[tilespmem:$0x1FF80] =	vst v52;
	v52 =	vld [tilespmem:s28+$0x6750];
	v33 =	vmul.f32 v61, v61;
	v43 =	vmul.f32 v60, v60;
	v16 =	vadd.f32 v62, v45;
	s19 =	smax.f32 s19, $0.0e+00;
	s10 =	smul.f32 $5.000000000e-01, s6;
	s25 =	sshrl.u32 s6, $0x1  }
0xe3: {  	[tilespmem:$0x1FF20] =	vst v23;
	s6 =	sadd.f32 $9.999999960e-13, s19;
	s14 =	ssub.s32 $0x5F3759DF, s25;
	s17 =	smul.f32 s17, s20  }
0xe4: {  	[tilespmem:$0x1FFB0] =	vst v58;
	v17 =	vadd.f32 v43, v33;
	v46 =	vmul.f32 v62, v62;
	v16 =	vadd.f32 v63, v16;
	s25 =	smul.f32 s14, s10  }
0xe5: {  	[tilespmem:$0x1FFA0] =	vst v54;
	v54 =	vld [tilespmem:s28+$0x6760];
	s20 =	sshrl.u32 s6, $0x1;
	s8 =	smul.f32 $5.000000000e-01, s6  }
0xe6: {  	[tilespmem:$0x1FFC0] =	vst v26;
	v23, _, _ =	vpop (xrf2);
	v47 =	vmul.f32 v63, v63;
	v17 =	vadd.f32 v46, v17;
	(xrf2) =	vadd.scan.msk.f32 $0xffff, v16;
	s19 =	ssub.s32 $0x5F3759DF, s20;
	s25 =	smul.f32 s14, s25  }
0xe7: {  	[tilespmem:$0x1FF90] =	vst v53;
	v53 =	vmul.f32 v26, v26;
	v26 =	vadd.f32 v52, v26;
	v58 =	vld [tilespmem:s28+$0x6770];
	v32, _, _ =	vpop (xrf2);
	(v2sf) =	vpush v23, $0xF;
	s20 =	smul.f32 s19, s8  }
0xe8: {  	v17 =	vadd.f32 v47, v17;
	(v2sf) =	vpush v32, $0xF;
	v32 =	vmul.f32 v52, v52;
	s5 =	smul.f32 s17, s5;
	s6 =	ssub.f32 $1.500000000e+00, s25  }
0xe9: {  	s20 =	smul.f32 s19, s20  }
0xea: {  	v33 =	vmul.f32 v54, v54;
	v43 =	vadd.f32 v54, v26;
	(xrf2) =	vadd.scan.msk.f32 $0xffff, v17;
	v20 =	vadd.f32 v32, v53;
	s6 =	smul.f32 s14, s6  }
0xeb: {  	s5 =	smul.f32 s5, s17;
	s20 =	ssub.f32 $1.500000000e+00, s20  }
0xec: {  	v46 =	vmul.f32 v58, v58;
	v16 =	vadd.f32 v58, v43;
	v45 =	vadd.f32 v33, v20;
	s25 =	smul.f32 s6, s10  }
0xed: {  	s19 =	smul.f32 s19, s20  }
0xee: {  	(xrf2) =	vadd.scan.msk.f32 $0xffff, v16;
	v17 =	vadd.f32 v46, v45;
	s5 =	ssub.f32 $1.500000000e+00, s5;
	s20 =	smul.f32 s25, s6  }
0xef: {  	s25 =	smul.f32 s19, s8  }
0xf0: {  	v47 =	vld [tilespmem:s28+$0x6790];
	v23, _, _ =	vpop (xrf2);
	(xrf2) =	vadd.scan.msk.f32 $0xffff, v17;
	s14 =	smul.f32 s5, s17;
	s20 =	ssub.f32 $1.500000000e+00, s20  }
0xf1: {  	(v2sf) =	vpush v23, $0xF;
	v53 =	vld [tilespmem:s28+$0x6780];
	s25 =	smul.f32 s25, s19  }
0xf2: {  	s20 =	smul.f32 s20, s6  }
0xf3: {  	v26 =	vld [tilespmem:s28+$0x67A0];
	s6 =	smul.f32 s0, s29;
	s29 =	ssub.f32 $1.500000000e+00, s25  }
0xf4: {  	v32, _, _ =	vpop (xrf2);
	s17 =	smul.f32 s7, s30  }
0xf5: {  	(v2sf) =	vpush v32, $0xF;
	v32 =	vld [tilespmem:s28+$0x67B0];
	s30 =	smul.f32 s29, s19  }
0xf6: {  	v43 =	vmul.f32 v47, v47;
	v33 =	vmul.f32 v53, v53;
	s19 =	spop (v2sf);
	s10 =	smul.f32 s20, s10  }
0xf7: {  	v18 =	vmul.f32 s0, v18;
	v11 =	vmul.f32 s0, v11;
	v21 =	vadd.f32 v47, v53;
	s29 =	smul.f32 $1.562500000e-02, s19;
	s25 =	spop (v2sf)  }
0xf8: {  	v10 =	vmul.f32 s7, v10;
	[tilespmem:$0x1FFD0] =	vst v47;
	v47 =	vmul.f32 v26, v26;
	v45, _, _ =	vpop (xrf2);
	v16 =	vadd.f32 v43, v33;
	s5 =	smul.f32 $1.562500000e-02, s25  }
0xf9: {  	v8 =	vmul.f32 s7, v8;
	v33 =	vadd.f32 v26, v21;
	(v2sf) =	vpush v45, $0xF;
	s19 =	smul.f32 s29, s29  }
0xfa: {  	v19 =	vmul.f32 s13, v19;
	v43 =	vmul.f32 v32, v32;
	v17 =	vadd.f32 v47, v16;
	v46, _, _ =	vpop (xrf2);
	s25 =	smul.f32 s13, s31  }
0xfb: {  	[tilespmem:$0x1FFE0] =	vst v26;
	v26 =	vmul.f32 s13, v15;
	v47 =	vadd.f32 v32, v33;
	(v2sf) =	vpush v46, $0xF;
	s31 =	smul.f32 s4, s11;
	s19 =	ssub.f32 s5, s19  }
0xfc: {  	v33 =	vadd.f32 v43, v17;
	v23 =	vmov s6;
	v46 =	vmul.f32 s0, v29;
	s6 =	smul.f32 s10, s20  }
0xfd: {  	(xrf2) =	vadd.scan.msk.f32 $0xffff, v47;
	v43 =	vmov s17;
	v45 =	vmul.f32 s0, v0;
	v16 =	vsub.f32 v18, v23;
	s10 =	smul.f32 s23, s15;
	s19 =	smax.f32 s19, $0.0e+00  }
0xfe: {  	(xrf2) =	vadd.scan.msk.f32 $0xffff, v33;
	v20 =	vsub.f32 v11, v23;
	v17 =	vsub.f32 v46, v23;
	v46 =	vmul.f32 s7, v12;
	s5 =	smul.f32 s22, s12;
	s12 =	sadd.f32 $9.999999960e-13, s19  }
0xff: {  	v0 =	vld [tilespmem:$0x1FF00];
	s15 =	smul.f32 s14, s21;
	v12 =	vsub.f32 v45, v23;
	v23 =	vsub.f32 v8, v43;
	v8 =	vmul.f32 s13, v42  }
0x100: {  	v35 =	vmul.f32 s3, v35;
	v47 =	vmul.f32 s7, v13;
	v15 =	vmov s25;
	s25 =	spop (v2sf);
	s19 =	sshrl.u32 s12, $0x1;
	s12 =	smul.f32 $5.000000000e-01, s12  }
0x101: {  	s0 =	ssub.f32 $1.500000000e+00, s6;
	v33 =	vsub.f32 v26, v15;
	v26 =	vsub.f32 v8, v15;
	v8 =	vmov s2;
	s2 =	smul.f32 $1.562500000e-02, s25;
	s19 =	ssub.s32 $0x5F3759DF, s19  }
0x102: {  	v14 =	vmul.f32 s3, v14;
	v9 =	vmul.f32 s22, v9;
	[tilespmem:$0x1FFF0] =	vst v32;
	v32 =	vsub.f32 v47, v43;
	v47 =	vld [tilespmem:s28+$0x67C0];
	s11 =	smul.f32 s19, s12  }
0x103: {  	v37 =	vmul.f32 s4, v37;
	v29 =	vmul.f32 s13, v24;
	v21 =	vsub.f32 v46, v43;
	v46 =	vld [tilespmem:s28+$0x67D0];
	s7 =	smul.f32 s0, s20  }
0x104: {  	v13 =	vsub.f32 v10, v43;
	v42 =	vmul.f32 s3, v39;
	s6 =	spop (v2sf);
	v11 =	vmul.f32 s22, v0;
	v0 =	vld [tilespmem:$0x1FF10];
	s11 =	smul.f32 s19, s11  }
0x105: {  	v18 =	vmul.f32 s3, v44;
	v24 =	vsub.f32 v29, v15;
	v43 =	vsub.f32 v19, v15;
	s0 =	smul.f32 $1.562500000e-02, s6  }
0x106: {  	v28 =	vmul.f32 s23, v28;
	v29 =	vsub.f32 v35, v8;
	v42 =	vsub.f32 v42, v8;
	s17 =	smul.f32 s2, s2;
	s21 =	ssub.f32 $1.500000000e+00, s11  }
0x107: {  	v25 =	vmul.f32 s23, v25;
	v45 =	vld [tilespmem:s28+$0x67E0];
	v35 =	vsub.f32 v18, v8;
	v39 =	vsub.f32 v14, v8;
	v8, _, _ =	vpop (xrf2);
	s11 =	smul.f32 s30, s8  }
0x108: {  	v19 =	vmul.f32 v47, v47;
	(v2sf) =	vpush v8, $0xF;
	v15, _, _ =	vpop (xrf2);
	v44 =	vmul.f32 v46, v46;
	s8 =	smul.f32 s19, s21;
	s19 =	spop (v2sf)  }
0x109: {  	v32 =	vmul.f32 v32, v2;
	s3 =	ssub.f32 s0, s17;
	(v2sf) =	vpush v15, $0xF;
	v15 =	vmul.f32 s22, v0;
	v0 =	vld [tilespmem:$0x1FF20];
	s0 =	smul.f32 $1.562500000e-02, s19  }
0x10a: {  	v57 =	vmul.f32 s14, v57;
	v16 =	vmul.f32 v16, v51;
	v8 =	vadd.f32 v44, v19;
	v44 =	vld [tilespmem:s28+$0x67F0];
	s20 =	spop (v2sf);
	s6 =	smul.f32 s8, s12  }
0x10b: {  	v13 =	vmul.f32 v13, v51;
	v32 =	vadd.f32 v32, v6;
	v19 =	vadd.f32 v46, v47;
	s13 =	smul.f32 $1.562500000e-02, s20  }
0x10c: {  	v20 =	vmul.f32 v20, v1;
	v16 =	vadd.f32 v16, v4;
	v18 =	vmul.f32 v45, v45;
	s3 =	smax.f32 s3, $0.0e+00;
	s21 =	smul.f32 s0, s0  }
0x10d: {  	v17 =	vmul.f32 v17, v2;
	s3 =	sadd.f32 $9.999999960e-13, s3;
	v10 =	vadd.f32 v45, v19;
	v19 =	vmov s5;
	s6 =	smul.f32 s6, s8  }
0x10e: {  	v8 =	vadd.f32 v18, v8;
	v14 =	vsub.f32 v11, v19;
	v0 =	vmul.f32 s22, v0;
	s22 =	ssub.f32 s13, s21;
	s13 =	smul.f32 s11, s30  }
0x10f: {  	s25 =	sshrl.u32 s3, $0x1;
	v18 =	vsub.f32 v9, v19;
	v9 =	vadd.f32 v44, v10;
	v10 =	vmul.f32 v44, v44;
	s11 =	smul.f32 $5.000000000e-01, s3  }
0x110: {  	s5 =	smul.f32 s7, s16;
	v15 =	vsub.f32 v15, v19;
	s20 =	ssub.s32 $0x5F3759DF, s25;
	s6 =	ssub.f32 $1.500000000e+00, s6;
	v19 =	vsub.f32 v0, v19;
	v0 =	vmul.f32 s18, v27  }
0x111: {  	v20 =	vadd.f32 v20, v5;
	v27 =	vmul.f32 s18, v30;
	s19 =	smax.f32 s22, $0.0e+00;
	v30 =	vmov s9;
	s21 =	smul.f32 s20, s11  }
0x112: {  	[tilespmem:s28+$0xA460] =	vst v32;
	v12 =	vmul.f32 v12, v3;
	v8 =	vadd.f32 v10, v8;
	s13 =	ssub.f32 $1.500000000e+00, s13;
	s8 =	smul.f32 s6, s8;
	v11 =	vsub.f32 v0, v30;
	v0 =	vld [tilespmem:$0x1FF30]  }
0x113: {  	v17 =	vadd.f32 v17, v6;
	[tilespmem:s28+$0xA410] =	vst v20;
	v32 =	vmul.f32 v42, v1;
	(xrf2) =	vadd.scan.msk.f32 $0xffff, v9;
	s3 =	sadd.f32 $9.999999960e-13, s19;
	s25 =	smul.f32 s20, s21  }
0x114: {  	v20 =	vadd.f32 v13, v4;
	v21 =	vmul.f32 v21, v1;
	v33 =	vmul.f32 v33, v51;
	(xrf2) =	vadd.scan.msk.f32 $0xffff, v8;
	s17 =	smul.f32 s13, s30  }
0x115: {  	v42 =	vadd.f32 v32, v5;
	v14 =	vmul.f32 v14, v51;
	v10 =	vmul.f32 s18, v31;
	s9 =	smul.f32 $5.000000000e-01, s3  }
0x116: {  	v31 =	vmul.f32 s4, v36;
	v9 =	vsub.f32 v27, v30;
	v27 =	vmul.f32 s4, v34;
	s22 =	sshrl.u32 s3, $0x1;
	s19 =	smul.f32 s8, s12;
	s3 =	ssub.f32 $1.500000000e+00, s25  }
0x117: {  	v36 =	vmov s31;
	v14 =	vadd.f32 v14, v4;
	s1 =	smul.f32 s17, s1;
	v0 =	vmul.f32 s18, v0  }
0x118: {  	v10 =	vsub.f32 v10, v30;
	v34 =	vmul.f32 s4, v38;
	v38 =	vsub.f32 v27, v36;
	s31 =	ssub.s32 $0x5F3759DF, s22;
	s12 =	smul.f32 s20, s3  }
0x119: {  	v24 =	vmul.f32 v24, v1;
	s18 =	smul.f32 s31, s9;
	v8 =	vsub.f32 v0, v30;
	v0 =	vsub.f32 v31, v36  }
0x11a: {  	s20 =	smul.f32 s19, s8;
	v31 =	vmul.f32 s23, v40;
	v40 =	vmul.f32 s23, v41;
	v41 =	vmov s10  }
0x11b: {  	v26 =	vmul.f32 v26, v3;
	v27 =	vsub.f32 v37, v36;
	v30 =	vsub.f32 v34, v36;
	s16 =	smul.f32 s31, s18;
	s23 =	spop (v2sf)  }
0x11c: {  	v18 =	vmul.f32 v18, v2;
	v34 =	vsub.f32 v28, v41;
	v28 =	vsub.f32 v25, v41;
	s25 =	spop (v2sf);
	s3 =	smul.f32 $1.562500000e-02, s23  }
0x11d: {  	v36 =	vmul.f32 s14, v56;
	v37 =	vsub.f32 v31, v41;
	v31 =	vsub.f32 v40, v41;
	s4 =	smul.f32 $1.562500000e-02, s25;
	v41, _, _ =	vpop (xrf2)  }
0x11e: {  	v56 =	vmov s15;
	s21 =	ssub.f32 $1.500000000e+00, s16;
	v40 =	vmul.f32 s14, v59;
	s15 =	smul.f32 s3, s3;
	(v2sf) =	vpush v41, $0xF;
	v59, _, _ =	vpop (xrf2)  }
0x11f: {  	v15 =	vmul.f32 v15, v1;
	v19 =	vmul.f32 v19, v3;
	s22 =	smul.f32 s12, s11;
	(v2sf) =	vpush v59, $0xF  }
0x120: {  	[tilespmem:s28+$0xA400] =	vst v16;
	v18 =	vadd.f32 v18, v6;
	v10 =	vmul.f32 v10, v2;
	v25 =	vmul.f32 s14, v55;
	s14 =	smul.f32 s31, s21;
	s4 =	ssub.f32 s4, s15  }
0x121: {  	v49 =	vmul.f32 s7, v49;
	[tilespmem:s28+$0xA420] =	vst v17;
	v15 =	vadd.f32 v15, v5;
	v19 =	vadd.f32 v19, v7;
	s6 =	ssub.f32 $1.500000000e+00, s20;
	s31 =	smul.f32 s22, s12  }
0x122: {  	v16 =	vmul.f32 s7, v22;
	[tilespmem:s28+$0xA440] =	vst v20;
	v10 =	vadd.f32 v10, v6;
	v55 =	vsub.f32 v36, v56;
	s10 =	smul.f32 s14, s9;
	s20 =	smax.f32 s4, $0.0e+00  }
0x123: {  	[tilespmem:s28+$0xA4D0] =	vst v42;
	v36 =	vmul.f32 s7, v48;
	v48 =	vmul.f32 s7, v50;
	v41 =	vsub.f32 v25, v56;
	s4 =	smul.f32 s6, s8;
	s21 =	sadd.f32 $9.999999960e-13, s20  }
0x124: {  	[tilespmem:s28+$0xA500] =	vst v14;
	v50 =	vmov s5;
	v40 =	vsub.f32 v40, v56;
	v25 =	vsub.f32 v57, v56;
	s18 =	ssub.f32 $1.500000000e+00, s31;
	s19 =	smul.f32 s10, s14  }
0x125: {  	v39 =	vmul.f32 v39, v3;
	[tilespmem:s28+$0xA520] =	vst v18;
	v56 =	vadd.f32 v12, v7;
	v13 =	vsub.f32 v48, v50;
	s23 =	sshrl.u32 s21, $0x1;
	s7 =	smul.f32 $5.000000000e-01, s21  }
0x126: {  	[tilespmem:s28+$0xA510] =	vst v15;
	v11 =	vmul.f32 v11, v51;
	v12 =	vsub.f32 v49, v50;
	v57 =	vadd.f32 v21, v5;
	s5 =	smul.f32 s18, s12;
	s25 =	ssub.s32 $0x5F3759DF, s23  }
0x127: {  	v48 =	vmul.f32 v43, v2;
	v49 =	vadd.f32 v33, v4;
	v59 =	vmul.f32 v23, v3;
	[tilespmem:s28+$0xA430] =	vst v56;
	s12 =	smul.f32 s25, s7  }
0x128: {  	v11 =	vadd.f32 v11, v4;
	v22 =	vsub.f32 v36, v50;
	[tilespmem:s28+$0xA450] =	vst v57;
	v56 =	vmul.f32 v29, v51;
	s22 =	ssub.f32 $1.500000000e+00, s19;
	s11 =	smul.f32 s5, s11  }
0x129: {  	v9 =	vmul.f32 v9, v1;
	v57 =	vadd.f32 v48, v6;
	[tilespmem:s28+$0xA480] =	vst v49;
	v49 =	vld [tilespmem:$0x1FF40];
	v36 =	vadd.f32 v59, v7;
	s12 =	smul.f32 s25, s12  }
0x12a: {  	[tilespmem:s28+$0xA530] =	vst v19;
	v8 =	vmul.f32 v8, v3;
	v59 =	vadd.f32 v26, v7;
	v33 =	vadd.f32 v56, v4;
	v56 =	vld [tilespmem:$0x1FF50];
	s8 =	smul.f32 s22, s14  }
0x12b: {  	v9 =	vadd.f32 v9, v5;
	v0 =	vmul.f32 v0, v1;
	v17 =	vsub.f32 v16, v50;
	[tilespmem:s28+$0xA4A0] =	vst v57;
	v57 =	vld [tilespmem:$0x1FF60];
	s11 =	smul.f32 s11, s5;
	s12 =	ssub.f32 $1.500000000e+00, s12  }
0x12c: {  	v50 =	vadd.f32 v24, v5;
	v8 =	vadd.f32 v8, v7;
	v32 =	vmul.f32 v37, v51;
	[tilespmem:s28+$0xA4B0] =	vst v59;
	v59 =	vld [tilespmem:$0x1FF70];
	s9 =	smul.f32 s8, s9  }
0x12d: {  	[tilespmem:s28+$0xA560] =	vst v10;
	v48 =	vadd.f32 v39, v7;
	v29 =	vmul.f32 v30, v2;
	v30 =	vmul.f32 v27, v3;
	s6 =	smul.f32 s25, s12;
	s31 =	spop (v2sf)  }
0x12e: {  	[tilespmem:s28+$0xA490] =	vst v50;
	v50 =	vmov s1;
	v39 =	vmul.f32 v41, v51;
	v41 =	vmul.f32 v55, v1;
	s1 =	spop (v2sf);
	s15 =	smul.f32 $1.562500000e-02, s31  }
0x12f: {  	[tilespmem:s28+$0xA540] =	vst v11;
	v0 =	vadd.f32 v0, v5;
	v42 =	vmul.f32 v40, v2;
	v22 =	vmul.f32 v22, v51;
	s16 =	smul.f32 $1.562500000e-02, s1  }
0x130: {  	[tilespmem:s28+$0xA570] =	vst v8;
	v8 =	vadd.f32 v32, v4;
	v55 =	vld [tilespmem:$0x1FFB0];
	v16 =	vmul.f32 s17, v49;
	v21 =	vmul.f32 s17, v56;
	s12 =	smul.f32 s15, s15  }
0x131: {  	[tilespmem:s28+$0xA4F0] =	vst v48;
	v37 =	vadd.f32 v30, v7;
	v48 =	vld [tilespmem:$0x1FF80];
	v23 =	vmul.f32 s17, v57;
	v24 =	vmul.f32 s17, v59;
	s11 =	ssub.f32 $1.500000000e+00, s11;
	s9 =	smul.f32 s9, s8  }
0x132: {  	[tilespmem:s28+$0xA550] =	vst v9;
	v26 =	vmul.f32 v38, v51;
	v49 =	vld [tilespmem:$0x1FF90];
	v16 =	vsub.f32 v16, v50;
	v21 =	vsub.f32 v21, v50;
	s17 =	smul.f32 s6, s7;
	s10 =	ssub.f32 s16, s12  }
0x133: {  	v38 =	vmul.f32 v28, v3;
	[tilespmem:s28+$0xA5C0] =	vst v8;
	s30 =	smul.f32 s4, s29;
	v15 =	vsub.f32 v23, v50;
	v20 =	vsub.f32 v24, v50;
	v50 =	vld [tilespmem:$0x1FFA0];
	s9 =	ssub.f32 $1.500000000e+00, s9  }
0x134: {  	v8 =	vadd.f32 v39, v4;
	v19 =	vadd.f32 v41, v5;
	[tilespmem:s28+$0xA470] =	vst v36;
	v36 =	vmul.f32 v35, v2;
	s18 =	smul.f32 s17, s6;
	s20 =	smax.f32 s10, $0.0e+00  }
0x135: {  	[tilespmem:s28+$0xA590] =	vst v0;
	v39 =	vadd.f32 v42, v6;
	v42 =	vmul.f32 v12, v2;
	v14 =	vadd.f32 v26, v4;
	s19 =	smul.f32 s9, s8;
	s8 =	sadd.f32 $9.999999960e-13, s20  }
0x136: {  	v35 =	vmul.f32 v31, v1;
	[tilespmem:s28+$0xA4C0] =	vst v33;
	v43 =	vadd.f32 v36, v6;
	v36 =	vmul.f32 v34, v2;
	s11 =	smul.f32 s11, s5;
	s12 =	ssub.f32 $1.500000000e+00, s18  }
0x137: {  	v33 =	vadd.f32 v29, v6;
	[tilespmem:s28+$0xA5B0] =	vst v37;
	v29 =	vmul.f32 s4, v55;
	v18 =	vmul.f32 s4, v48;
	s22 =	sshrl.u32 s8, $0x1;
	s23 =	smul.f32 $5.000000000e-01, s8  }
0x138: {  	[tilespmem:s28+$0xA600] =	vst v8;
	v8 =	vadd.f32 v22, v4;
	v28 =	vmul.f32 s4, v49;
	v24 =	vmul.f32 s4, v50;
	s6 =	smul.f32 s12, s6;
	s4 =	ssub.s32 $0x5F3759DF, s22  }
0x139: {  	[tilespmem:s28+$0xA610] =	vst v19;
	v9 =	vadd.f32 v42, v6;
	v0 =	vadd.f32 v36, v6;
	v57 =	vmul.f32 v25, v3;
	s8 =	smul.f32 s4, s23  }
0x13a: {  	v17 =	vmul.f32 v17, v3;
	[tilespmem:s28+$0xA4E0] =	vst v43;
	v43 =	vadd.f32 v35, v5;
	v56 =	vadd.f32 v38, v7;
	s7 =	smul.f32 s6, s7  }
0x13b: {  	v23 =	vmov s30;
	v11 =	vadd.f32 v57, v7;
	[tilespmem:s28+$0xA5E0] =	vst v0;
	v0 =	vmul.f32 v13, v1;
	s8 =	smul.f32 s4, s8  }
0x13c: {  	[tilespmem:s28+$0xA640] =	vst v8;
	v16 =	vmul.f32 v16, v51;
	v40 =	vsub.f32 v18, v23;
	v8 =	vmul.f32 v21, v1;
	s7 =	smul.f32 s7, s6  }
0x13d: {  	[tilespmem:s28+$0xA620] =	vst v39;
	v0 =	vadd.f32 v0, v5;
	v59 =	vmul.f32 s11, v61;
	v36 =	vmul.f32 s11, v60;
	s8 =	ssub.f32 $1.500000000e+00, s8  }
0x13e: {  	[tilespmem:s28+$0xA580] =	vst v14;
	v16 =	vadd.f32 v16, v4;
	s21 =	smul.f32 s11, s2;
	v37 =	vmul.f32 s11, v62;
	v62 =	vmul.f32 v15, v2;
	s7 =	ssub.f32 $1.500000000e+00, s7  }
0x13f: {  	v41 =	vsub.f32 v28, v23;
	v13 =	vmul.f32 v40, v51;
	[tilespmem:s28+$0xA650] =	vst v0;
	v0 =	vadd.f32 v17, v7;
	s4 =	smul.f32 s4, s8  }
0x140: {  	[tilespmem:s28+$0xA660] =	vst v9;
	v8 =	vadd.f32 v8, v5;
	v61 =	vmov s21;
	v9 =	vadd.f32 v62, v6;
	s25 =	smul.f32 s7, s6  }
0x141: {  	[tilespmem:s28+$0xA5F0] =	vst v56;
	v38 =	vmul.f32 s11, v63;
	v28 =	vadd.f32 v13, v4;
	v49 =	vsub.f32 v59, v61;
	s29 =	smul.f32 s4, s23  }
0x142: {  	v56 =	vsub.f32 v36, v61;
	v60 =	vsub.f32 v37, v61;
	[tilespmem:s28+$0xA670] =	vst v0;
	v0 =	vmul.f32 v20, v3;
	s3 =	smul.f32 s25, s3  }
0x143: {  	v10 =	vsub.f32 v38, v61;
	[tilespmem:s28+$0xA690] =	vst v8;
	v8 =	vmul.f32 v41, v1;
	v55 =	vmul.f32 s19, v52;
	s30 =	smul.f32 s29, s4  }
0x144: {  	[tilespmem:s28+$0xA5D0] =	vst v43;
	s0 =	smul.f32 s19, s0;
	v57 =	vmul.f32 s19, v54;
	v59 =	vmul.f32 s19, v58;
	v43 =	vsub.f32 v24, v23  }
0x145: {  	[tilespmem:s28+$0xA5A0] =	vst v33;
	v50 =	vld [tilespmem:$0x1FFC0];
	v23 =	vsub.f32 v29, v23;
	v0 =	vadd.f32 v0, v7;
	v61 =	vmov s3;
	s3 =	ssub.f32 $1.500000000e+00, s30  }
0x146: {  	[tilespmem:s28+$0xA630] =	vst v11;
	v14 =	vmul.f32 v49, v51;
	v11 =	vmul.f32 v56, v1;
	v48 =	vmov s0  }
0x147: {  	v35 =	vld [tilespmem:$0x1FFD0];
	[tilespmem:s28+$0xA680] =	vst v16;
	v32 =	vmul.f32 v60, v2;
	v10 =	vmul.f32 v10, v3;
	v22 =	vsub.f32 v55, v48;
	s3 =	smul.f32 s3, s4  }
0x148: {  	[tilespmem:s28+$0xA6A0] =	vst v9;
	v25 =	vsub.f32 v57, v48;
	v26 =	vsub.f32 v59, v48;
	v12 =	vmul.f32 v43, v2  }
0x149: {  	v29 =	vmul.f32 v23, v3;
	[tilespmem:s28+$0xA6B0] =	vst v0;
	v0 =	vadd.f32 v8, v5;
	v31 =	vadd.f32 v14, v4;
	s2 =	smul.f32 s3, s23  }
0x14a: {  	[tilespmem:s28+$0xA6C0] =	vst v28;
	v36 =	vadd.f32 v10, v7;
	v19 =	vmul.f32 s19, v50;
	v8 =	vadd.f32 v12, v6  }
0x14b: {  	v42 =	vld [tilespmem:$0x1FFE0];
	v30 =	vadd.f32 v29, v7;
	[tilespmem:s28+$0xA6D0] =	vst v0;
	v0 =	vadd.f32 v11, v5;
	v33 =	vmul.f32 s25, v53;
	s2 =	smul.f32 s2, s3  }
0x14c: {  	v49 =	vld [tilespmem:$0x1FFF0];
	v37 =	vmul.f32 v22, v1;
	[tilespmem:s28+$0xA700] =	vst v31;
	v63 =	vsub.f32 v19, v48;
	v14 =	vmul.f32 s25, v35  }
0x14d: {  	v40 =	vmul.f32 v26, v3;
	[tilespmem:s28+$0xA6E0] =	vst v8;
	v8 =	vadd.f32 v32, v6;
	v11 =	vsub.f32 v33, v61;
	s2 =	ssub.f32 $1.500000000e+00, s2  }
0x14e: {  	v39 =	vmul.f32 v25, v2;
	[tilespmem:s28+$0xA710] =	vst v0;
	v0 =	vadd.f32 v37, v5;
	v14 =	vsub.f32 v14, v61  }
0x14f: {  	[tilespmem:s28+$0xA730] =	vst v36;
	v43 =	vadd.f32 v40, v7;
	v34 =	vmul.f32 v63, v51;
	v11 =	vmul.f32 v11, v51;
	s2 =	smul.f32 s2, s3  }
0x150: {  	[tilespmem:s28+$0xA720] =	vst v8;
	v8 =	vadd.f32 v39, v6;
	v41 =	vmul.f32 v14, v1;
	v14 =	vmul.f32 s25, v42  }
0x151: {  	[tilespmem:s28+$0xA6F0] =	vst v30;
	v38 =	vadd.f32 v34, v4;
	v48 =	vadd.f32 v11, v4;
	v11 =	vmul.f32 s25, v49;
	s31 =	smul.f32 s2, s15  }
0x152: {  	[tilespmem:s28+$0xA750] =	vst v0;
	v50 =	vadd.f32 v41, v5;
	v52 =	vsub.f32 v14, v61;
	v53 =	vmul.f32 s2, v47  }
0x153: {  	[tilespmem:s28+$0xA770] =	vst v43;
	v0 =	vsub.f32 v11, v61;
	v55 =	vmul.f32 s2, v46;
	v54 =	vmov s31  }
0x154: {  	[tilespmem:s28+$0xA760] =	vst v8;
	v8 =	vmul.f32 v52, v2;
	v57 =	vmul.f32 s2, v45;
	v56 =	vsub.f32 v53, v54  }
0x155: {  	[tilespmem:s28+$0xA740] =	vst v38;
	v0 =	vmul.f32 v0, v3;
	v59 =	vmul.f32 s2, v44;
	v58 =	vsub.f32 v55, v54  }
0x156: {  	[tilespmem:s28+$0xA780] =	vst v48;
	v8 =	vadd.f32 v8, v6;
	v61 =	vsub.f32 v57, v54;
	v60 =	vmul.f32 v56, v51  }
0x157: {  	[tilespmem:s28+$0xA790] =	vst v50;
	v0 =	vadd.f32 v0, v7;
	v11 =	vsub.f32 v59, v54;
	v9 =	vmul.f32 v58, v1  }
0x158: {  	p1 =	sne.s32 s26, $0x7000;
	[tilespmem:s28+$0xA7A0] =	vst v8;
	v62 =	vmul.f32 v61, v2;
	v8 =	vadd.f32 v60, v4  }
.Ltmp2:
0x159: {  	[tilespmem:s28+$0xA7B0] =	vst v0;
	v63 =	vmul.f32 v11, v3;
	v0 =	vadd.f32 v9, v5;
	(pc) =	sbr.rel @p1 .LBB2_3-.Ltmp2, $4  }
0x15a: {  	[tilespmem:s28+$0xA7C0] =	vst v8;
	v8 =	vadd.f32 v62, v6  }
0x15b: {  	[tilespmem:s28+$0xA7D0] =	vst v0;
	v0 =	vadd.f32 v63, v7  }
0x15c: {  	[tilespmem:s28+$0xA7E0] =	vst v8  }
0x15d: {  	s26 =	sadd.s32 $0x1000, s26;
	[tilespmem:s28+$0xA7F0] =	vst v0  }
0x15e: {  	p1 =	sne.s32 s24, $0x63  }
.Ltmp3:
0x15f: {  	s0 =	sshll.u32 s24, $0xE;
	s1 =	rddreg [dreg:$0x7];
	(pc) =	sbr.rel @p1 .LBB2_6-.Ltmp3, $4  }
0x160: {  	s0 =	sadd.s32 s1, s0  }
0x161: {  	s30 =	rddreg [dreg:$0x3];
	s0 =	sshrl.u32 s0, $0x3  }
0x162: {  	s31 =	simm.s32 $0x0;
	s2 =	simm.s32 $0xA400;
	s0 =	sadd.s32 s30, s0  }
0x163: {  	[hbm4b:s0+s31] =	stream.linear.scatter [tilespmem:s2], [sflag:$0x3], $0x2000, $0x38;
	[tilespmem:$0xE480] =	vst v63  }
.Ltmp4:
0x164: {  	(pc) =	sbr.rel .LBB2_7-.Ltmp4, $4  }
0x165: {  	s0 =	simm.s32 $0x2  }
0x166: {  	_ =	swait.ge [sflag:s0], $0x2000  }
0x167: {  	[sflag:s0] =	ssyncset.done $0x0  }
0x168: {  	[sflag:s0] =	ssyncadd.s32 $0xFFFFE000  }
.LBB2_6:
0x169: {  	s0 =	rddreg [dreg:$0xb]  }
0x16a: {  	s1 =	rddreg [dreg:$0x5]  }
0x16b: {  	s2 =	simm.s32 $0x80;
	s3 =	simm.s32 $0x6400;
	s0 =	sshrl.u32 s0, $0x2  }
.Ltmp5:
0x16c: {  	s31 =	simm.s32 $0x2;
	s0 =	sadd.s32 $0x100, s0;
	(pc) =	sbr.rel @p0 .LBB2_8-.Ltmp5, $4  }
0x16d: {  	[tilespmem:s3], [sflag:$0x1] =	stream.indirect.gather [hbm4b:s1+s2], $0x40, s0, s2, $0xb8;
	[tilespmem:$0xE480] =	vst v63  }
0x16e: {  	_ =	swait.ge [sflag:s31], $0x2000  }
0x16f: {  	[sflag:s31] =	ssyncset.done $0x0  }
0x170: {  	[sflag:s31] =	ssyncadd.s32 $0xFFFFE000  }
.LBB2_7:
0x171: {  	s0 =	simm.s32 $0x4  }
0x172: {  	_ =	swait.ge [sflag:s0], $0x2000  }
0x173: {  	[sflag:s0] =	ssyncset.done $0x0  }
0x174: {  	[sflag:s0] =	ssyncadd.s32 $0xFFFFE000  }
.LBB2_8:
0x175: {  	s26 =	simm.s32 $0x0  }
.LBB2_9:
0x176: {  	s28 =	sshra.s32 s26, $0x2  }
0x177: {  	v18 =	vld [tilespmem:s28+$0x8400]  }
0x178: {  	v11 =	vld [tilespmem:s28+$0x8410];
	_ =	sdelay $0x1  }
0x179: {  	v26 =	vld [tilespmem:s28+$0x8420];
	_ =	sdelay $0x1  }
0x17a: {  	v32 =	vld [tilespmem:s28+$0x8430]  }
0x17b: {  	v0 =	vmul.f32 v18, v18;
	v8 =	vmul.f32 v11, v11  }
0x17c: {  	v9 =	vadd.f32 v11, v18  }
0x17d: {  	v0 =	vadd.f32 v8, v0;
	v8 =	vmul.f32 v26, v26  }
0x17e: {  	v9 =	vadd.f32 v26, v9  }
0x17f: {  	v0 =	vadd.f32 v8, v0;
	v8 =	vmul.f32 v32, v32  }
0x180: {  	v9 =	vadd.f32 v32, v9  }
0x181: {  	v0 =	vadd.f32 v8, v0  }
0x182: {  	(xrf2) =	vadd.scan.msk.f32 $0xffff, v9  }
0x183: {  	(xrf2) =	vadd.scan.msk.f32 $0xffff, v0;
	_ =	sdelay $0x4  }
0x184: {  	v10 =	vld [tilespmem:s28+$0x8440]  }
0x185: {  	v12 =	vld [tilespmem:s28+$0x8450];
	_ =	sdelay $0x1  }
0x186: {  	v13 =	vld [tilespmem:s28+$0x8460]  }
0x187: {  	v0, _, _ =	vpop (xrf2)  }
0x188: {  	v8 =	vld [tilespmem:s28+$0x8470];
	(v2sf) =	vpush v0, $0xF;
	v0, _, _ =	vpop (xrf2)  }
0x189: {  	v14 =	vadd.f32 v12, v10;
	(v2sf) =	vpush v0, $0xF  }
0x18a: {  	v27 =	vmul.f32 v12, v12;
	v0 =	vmul.f32 v10, v10  }
0x18b: {  	v15 =	vld [tilespmem:s28+$0x8480];
	v14 =	vadd.f32 v13, v14  }
0x18c: {  	v24 =	vld [tilespmem:s28+$0x8490];
	v28 =	vmul.f32 v13, v13;
	v0 =	vadd.f32 v27, v0  }
0x18d: {  	v14 =	vadd.f32 v8, v14  }
0x18e: {  	v19 =	vld [tilespmem:s28+$0x84A0];
	v29 =	vmul.f32 v8, v8;
	v0 =	vadd.f32 v28, v0  }
0x18f: {  	(xrf2) =	vadd.scan.msk.f32 $0xffff, v14  }
0x190: {  	v42 =	vld [tilespmem:s28+$0x84B0];
	v0 =	vadd.f32 v29, v0  }
0x191: {  	v31 =	vadd.f32 v24, v15  }
0x192: {  	(xrf2) =	vadd.scan.msk.f32 $0xffff, v0  }
0x193: {  	v35 =	vld [tilespmem:s28+$0x84C0];
	v30 =	vmul.f32 v24, v24;
	v17 =	vadd.f32 v19, v31;
	v0 =	vmul.f32 v15, v15  }
0x194: {  	v39 =	vld [tilespmem:s28+$0x84D0]  }
0x195: {  	v33 =	vmul.f32 v19, v19;
	v37 =	vadd.f32 v42, v17;
	v0 =	vadd.f32 v30, v0  }
0x196: {  	v44 =	vld [tilespmem:s28+$0x84E0]  }
0x197: {  	v36 =	vmul.f32 v42, v42;
	(xrf2) =	vadd.scan.msk.f32 $0xffff, v37;
	v0 =	vadd.f32 v33, v0;
	s0 =	spop (v2sf)  }
0x198: {  	v14 =	vld [tilespmem:s28+$0x84F0];
	s29 =	smul.f32 $1.562500000e-02, s0;
	s1 =	spop (v2sf)  }
0x199: {  	v40 =	vadd.f32 v39, v35;
	v16, _, _ =	vpop (xrf2);
	v0 =	vadd.f32 v36, v0;
	s12 =	smul.f32 $1.562500000e-02, s1  }
0x19a: {  	(v2sf) =	vpush v16, $0xF;
	s13 =	smul.f32 s29, s29  }
0x19b: {  	(xrf2) =	vadd.scan.msk.f32 $0xffff, v0;
	v0 =	vadd.f32 v44, v40  }
0x19c: {  	v38 =	vmul.f32 v35, v35;
	v20 =	vmul.f32 v39, v39;
	v34, _, _ =	vpop (xrf2);
	s0 =	ssub.f32 s12, s13  }
0x19d: {  	v0 =	vadd.f32 v14, v0;
	(v2sf) =	vpush v34, $0xF  }
0x19e: {  	v43 =	vmul.f32 v44, v44;
	v41 =	vadd.f32 v20, v38;
	s0 =	smax.f32 s0, $0.0e+00  }
0x19f: {  	s0 =	sadd.f32 $9.999999960e-13, s0  }
0x1a0: {  	v45 =	vadd.f32 v43, v41;
	v46 =	vmul.f32 v14, v14  }
0x1a1: {  	(xrf2) =	vadd.scan.msk.f32 $0xffff, v0;
	v0, _, _ =	vpop (xrf2);
	s14 =	sshrl.u32 s0, $0x1;
	s0 =	smul.f32 $5.000000000e-01, s0  }
0x1a2: {  	v9 =	vadd.f32 v46, v45;
	(v2sf) =	vpush v0, $0xF;
	s1 =	ssub.s32 $0x5F3759DF, s14  }
0x1a3: {  	s2 =	smul.f32 s1, s0  }
0x1a4: {  	(xrf2) =	vadd.scan.msk.f32 $0xffff, v9  }
0x1a5: {  	s2 =	smul.f32 s1, s2;
	_ =	sdelay $0x1  }
0x1a6: {  	s2 =	ssub.f32 $1.500000000e+00, s2;
	_ =	sdelay $0x1  }
0x1a7: {  	v47 =	vld [tilespmem:s28+$0x8500];
	v0, _, _ =	vpop (xrf2);
	s3 =	spop (v2sf);
	s1 =	smul.f32 s1, s2  }
0x1a8: {  	v21 =	vld [tilespmem:s28+$0x8510];
	(v2sf) =	vpush v0, $0xF;
	s30 =	smul.f32 $1.562500000e-02, s3  }
0x1a9: {  	s2 =	smul.f32 s1, s0  }
0x1aa: {  	v9 =	vld [tilespmem:s28+$0x8520];
	s16 =	smul.f32 s30, s30;
	s4 =	spop (v2sf)  }
0x1ab: {  	v0, _, _ =	vpop (xrf2);
	s15 =	smul.f32 $1.562500000e-02, s4  }
0x1ac: {  	v22 =	vld [tilespmem:s28+$0x8530];
	(v2sf) =	vpush v0, $0xF;
	v0, _, _ =	vpop (xrf2);
	s2 =	smul.f32 s2, s1  }
0x1ad: {  	v48 =	vmul.f32 v47, v47;
	v49 =	vmul.f32 v21, v21;
	(v2sf) =	vpush v0, $0xF;
	s3 =	ssub.f32 s15, s16  }
0x1ae: {  	v0 =	vadd.f32 v21, v47;
	s2 =	ssub.f32 $1.500000000e+00, s2  }
0x1af: {  	v16 =	vadd.f32 v49, v48;
	v50 =	vmul.f32 v9, v9;
	s5 =	spop (v2sf)  }
0x1b0: {  	v0 =	vadd.f32 v9, v0;
	s3 =	smax.f32 s3, $0.0e+00;
	s1 =	smul.f32 s2, s1  }
0x1b1: {  	v52 =	vmul.f32 v22, v22;
	v16 =	vadd.f32 v50, v16;
	s31 =	smul.f32 $1.562500000e-02, s5;
	s3 =	sadd.f32 $9.999999960e-13, s3  }
0x1b2: {  	v0 =	vadd.f32 v22, v0;
	s0 =	smul.f32 s1, s0  }
0x1b3: {  	v16 =	vadd.f32 v52, v16;
	s17 =	sshrl.u32 s3, $0x1;
	s3 =	smul.f32 $5.000000000e-01, s3  }
0x1b4: {  	v27 =	vld [tilespmem:s28+$0x8540];
	(xrf2) =	vadd.scan.msk.f32 $0xffff, v0;
	s20 =	smul.f32 s31, s31;
	s2 =	ssub.s32 $0x5F3759DF, s17  }
0x1b5: {  	v30 =	vld [tilespmem:s28+$0x8550];
	(xrf2) =	vadd.scan.msk.f32 $0xffff, v16;
	s18 =	smul.f32 s2, s3  }
0x1b6: {  	s0 =	smul.f32 s0, s1  }
0x1b7: {  	v31 =	vld [tilespmem:s28+$0x8560];
	s6 =	spop (v2sf);
	s4 =	smul.f32 s2, s18  }
0x1b8: {  	s19 =	smul.f32 $1.562500000e-02, s6;
	s0 =	ssub.f32 $1.500000000e+00, s0  }
0x1b9: {  	v53 =	vld [tilespmem:s28+$0x8570];
	s4 =	ssub.f32 $1.500000000e+00, s4  }
0x1ba: {  	v54 =	vmul.f32 v30, v30;
	v55 =	vadd.f32 v30, v27;
	v0 =	vmul.f32 v27, v27;
	s21 =	ssub.f32 s19, s20;
	s0 =	smul.f32 s0, s1  }
0x1bb: {  	s22 =	spop (v2sf);
	s7 =	smul.f32 s2, s4  }
0x1bc: {  	v56 =	vmul.f32 v31, v31;
	v17 =	vadd.f32 v31, v55;
	v0 =	vadd.f32 v54, v0;
	s23 =	spop (v2sf);
	s2 =	smul.f32 $1.562500000e-02, s22  }
0x1bd: {  	s4 =	smax.f32 s21, $0.0e+00;
	s5 =	smul.f32 $1.562500000e-02, s23  }
0x1be: {  	v59 =	vmul.f32 v53, v53;
	v17 =	vadd.f32 v53, v17;
	v0 =	vadd.f32 v56, v0;
	v57, _, _ =	vpop (xrf2);
	s4 =	sadd.f32 $9.999999960e-13, s4;
	s25 =	smul.f32 s2, s2  }
0x1bf: {  	(v2sf) =	vpush v57, $0xF;
	v58, _, _ =	vpop (xrf2);
	s8 =	smul.f32 s7, s3  }
0x1c0: {  	v36 =	vld [tilespmem:s28+$0x8590];
	v0 =	vadd.f32 v59, v0;
	(xrf2) =	vadd.scan.msk.f32 $0xffff, v17;
	(v2sf) =	vpush v58, $0xF;
	s9 =	sshrl.u32 s4, $0x1;
	s10 =	smul.f32 $5.000000000e-01, s4  }
0x1c1: {  	v34 =	vld [tilespmem:s28+$0x8580];
	s6 =	ssub.f32 s5, s25;
	s8 =	smul.f32 s8, s7;
	s11 =	ssub.s32 $0x5F3759DF, s9  }
0x1c2: {  	(xrf2) =	vadd.scan.msk.f32 $0xffff, v0;
	s12 =	smul.f32 s11, s10  }
0x1c3: {  	v38 =	vld [tilespmem:s28+$0x85A0];
	s4 =	smax.f32 s6, $0.0e+00;
	s5 =	ssub.f32 $1.500000000e+00, s8  }
0x1c4: {  	s13 =	sadd.f32 $9.999999960e-13, s4;
	s8 =	smul.f32 s11, s12  }
0x1c5: {  	v37 =	vld [tilespmem:s28+$0x85B0];
	s1 =	smul.f32 s5, s7  }
0x1c6: {  	v61 =	vadd.f32 v36, v34;
	s14 =	sshrl.u32 s13, $0x1;
	s4 =	smul.f32 $5.000000000e-01, s13  }
0x1c7: {  	v60 =	vmul.f32 v36, v36;
	v0 =	vmul.f32 v34, v34;
	s15 =	ssub.f32 $1.500000000e+00, s8;
	s16 =	ssub.s32 $0x5F3759DF, s14;
	s3 =	smul.f32 s1, s3  }
0x1c8: {  	v17 =	vadd.f32 v38, v61;
	s17 =	smul.f32 s16, s4  }
0x1c9: {  	v62 =	vmul.f32 v38, v38;
	v0 =	vadd.f32 v60, v0;
	s5 =	smul.f32 s11, s15  }
0x1ca: {  	v17 =	vadd.f32 v37, v17;
	v25, _, _ =	vpop (xrf2);
	s18 =	smul.f32 s16, s17  }
0x1cb: {  	v63 =	vmul.f32 v37, v37;
	v0 =	vadd.f32 v62, v0;
	(v2sf) =	vpush v25, $0xF;
	s19 =	smul.f32 s5, s10  }
0x1cc: {  	(xrf2) =	vadd.scan.msk.f32 $0xffff, v17;
	v28, _, _ =	vpop (xrf2);
	s3 =	smul.f32 s3, s1;
	s6 =	ssub.f32 $1.500000000e+00, s18  }
0x1cd: {  	v41 =	vld [tilespmem:s28+$0x85D0];
	v0 =	vadd.f32 v63, v0;
	(v2sf) =	vpush v28, $0xF;
	s8 =	smul.f32 s19, s5  }
0x1ce: {  	v40 =	vld [tilespmem:s28+$0x85C0];
	s20 =	spop (v2sf);
	s6 =	smul.f32 s16, s6  }
0x1cf: {  	(xrf2) =	vadd.scan.msk.f32 $0xffff, v0;
	s21 =	spop (v2sf);
	s12 =	smul.f32 $1.562500000e-02, s20  }
0x1d0: {  	v28 =	vld [tilespmem:s28+$0x85E0];
	s23 =	smul.f32 $1.562500000e-02, s21  }
0x1d1: {  	s22 =	ssub.f32 $1.500000000e+00, s8;
	s25 =	smul.f32 s12, s12  }
0x1d2: {  	v25 =	vld [tilespmem:s28+$0x85F0];
	s13 =	smul.f32 s6, s4  }
0x1d3: {  	v29 =	vmul.f32 v41, v41;
	v0 =	vmul.f32 v40, v40;
	s11 =	smul.f32 s22, s5  }
0x1d4: {  	v33 =	vadd.f32 v41, v40;
	s14 =	ssub.f32 s23, s25;
	s5 =	smul.f32 s13, s6  }
0x1d5: {  	v0 =	vadd.f32 v29, v0;
	v43 =	vmul.f32 v28, v28;
	s15 =	smul.f32 s11, s10  }
0x1d6: {  	v17 =	vadd.f32 v28, v33;
	v46, _, _ =	vpop (xrf2);
	s7 =	smax.f32 s14, $0.0e+00;
	s16 =	ssub.f32 $1.500000000e+00, s5  }
0x1d7: {  	v45 =	vmul.f32 v25, v25;
	v0 =	vadd.f32 v43, v0;
	(v2sf) =	vpush v46, $0xF;
	s8 =	smul.f32 s15, s11;
	s7 =	sadd.f32 $9.999999960e-13, s7  }
0x1d8: {  	v17 =	vadd.f32 v25, v17;
	s6 =	smul.f32 s16, s6  }
0x1d9: {  	[tilespmem:$0x1FE00] =	vst v47;
	v55 =	vld [tilespmem:s28+$0x8600];
	v47, _, _ =	vpop (xrf2);
	v0 =	vadd.f32 v45, v0;
	s5 =	smul.f32 $5.000000000e-01, s7  }
0x1da: {  	v56 =	vld [tilespmem:s28+$0x8610];
	(xrf2) =	vadd.scan.msk.f32 $0xffff, v17;
	(v2sf) =	vpush v47, $0xF;
	s17 =	sshrl.u32 s7, $0x1;
	s18 =	spop (v2sf);
	s4 =	smul.f32 s6, s4  }
0x1db: {  	(xrf2) =	vadd.scan.msk.f32 $0xffff, v0;
	s10 =	ssub.s32 $0x5F3759DF, s17;
	s9 =	smul.f32 $1.562500000e-02, s18  }
0x1dc: {  	v59 =	vld [tilespmem:s28+$0x8620];
	s13 =	spop (v2sf);
	s7 =	smul.f32 s10, s5  }
0x1dd: {  	s13 =	smul.f32 $1.562500000e-02, s13  }
0x1de: {  	v57 =	vld [tilespmem:s28+$0x8630];
	s3 =	ssub.f32 $1.500000000e+00, s3;
	s14 =	smul.f32 s9, s9  }
0x1df: {  	v49 =	vadd.f32 v56, v55;
	s8 =	ssub.f32 $1.500000000e+00, s8;
	s7 =	smul.f32 s10, s7  }
0x1e0: {  	v48 =	vmul.f32 v56, v56;
	v0 =	vmul.f32 v55, v55;
	s4 =	smul.f32 s4, s6;
	s19 =	ssub.f32 s13, s14  }
0x1e1: {  	v17 =	vadd.f32 v59, v49;
	s13 =	smul.f32 s8, s11;
	s15 =	ssub.f32 $1.500000000e+00, s7  }
0x1e2: {  	v50 =	vmul.f32 v59, v59;
	v0 =	vadd.f32 v48, v0;
	s20 =	ssub.f32 $1.500000000e+00, s4;
	s7 =	smul.f32 s3, s1  }
0x1e3: {  	v17 =	vadd.f32 v57, v17;
	s1 =	smax.f32 s19, $0.0e+00;
	s21 =	smul.f32 s10, s15  }
0x1e4: {  	[tilespmem:$0x1FE30] =	vst v53;
	v52 =	vmul.f32 v57, v57;
	v0 =	vadd.f32 v50, v0;
	v53, _, _ =	vpop (xrf2);
	s3 =	smul.f32 s20, s6;
	s1 =	sadd.f32 $9.999999960e-13, s1  }
0x1e5: {  	(xrf2) =	vadd.scan.msk.f32 $0xffff, v17;
	(v2sf) =	vpush v53, $0xF;
	v54, _, _ =	vpop (xrf2);
	s22 =	smul.f32 s21, s5  }
0x1e6: {  	v0 =	vadd.f32 v52, v0;
	(v2sf) =	vpush v54, $0xF;
	s23 =	sshrl.u32 s1, $0x1;
	s1 =	smul.f32 $5.000000000e-01, s1;
	s15 =	spop (v2sf)  }
0x1e7: {  	s11 =	smul.f32 $1.562500000e-02, s15  }
0x1e8: {  	(xrf2) =	vadd.scan.msk.f32 $0xffff, v0;
	s8 =	ssub.s32 $0x5F3759DF, s23;
	s6 =	smul.f32 s22, s21  }
0x1e9: {  	s16 =	spop (v2sf);
	s25 =	smul.f32 s8, s1  }
0x1ea: {  	s14 =	smul.f32 $1.562500000e-02, s16  }
0x1eb: {  	s17 =	smul.f32 s11, s11;
	s6 =	ssub.f32 $1.500000000e+00, s6  }
0x1ec: {  	s18 =	smul.f32 s8, s25  }
0x1ed: {  	v48 =	vld [tilespmem:s28+$0x8640];
	s19 =	ssub.f32 s14, s17;
	s6 =	smul.f32 s6, s21  }
0x1ee: {  	v50 =	vld [tilespmem:s28+$0x8650];
	s4 =	ssub.f32 $1.500000000e+00, s18  }
0x1ef: {  	v23 =	vld [tilespmem:s28+$0x8680];
	v0, _, _ =	vpop (xrf2);
	s10 =	smax.f32 s19, $0.0e+00;
	s5 =	smul.f32 s6, s5  }
0x1f0: {  	v49 =	vld [tilespmem:s28+$0x8660];
	(v2sf) =	vpush v0, $0xF;
	s10 =	sadd.f32 $9.999999960e-13, s10;
	s8 =	smul.f32 s8, s4  }
0x1f1: {  	v29 =	vld [tilespmem:s28+$0x8690];
	s5 =	smul.f32 s5, s6  }
0x1f2: {  	[tilespmem:$0x1FE20] =	vst v22;
	v22 =	vld [tilespmem:s28+$0x8670];
	v58 =	vmul.f32 v48, v48;
	v0, _, _ =	vpop (xrf2);
	s20 =	sshrl.u32 s10, $0x1;
	s4 =	smul.f32 $5.000000000e-01, s10  }
0x1f3: {  	v33 =	vld [tilespmem:s28+$0x86A0];
	v60 =	vmul.f32 v50, v50;
	v61 =	vadd.f32 v50, v48;
	(v2sf) =	vpush v0, $0xF;
	s21 =	smul.f32 s8, s1;
	s14 =	ssub.s32 $0x5F3759DF, s20  }
0x1f4: {  	s22 =	spop (v2sf);
	s16 =	smul.f32 s14, s4  }
0x1f5: {  	v43 =	vld [tilespmem:s28+$0x86B0];
	v62 =	vmul.f32 v49, v49;
	v63 =	vadd.f32 v49, v61;
	v0 =	vadd.f32 v60, v58;
	s15 =	smul.f32 $1.562500000e-02, s22;
	s17 =	spop (v2sf)  }
0x1f6: {  	v45 =	vmul.f32 v23, v23;
	v46 =	vmul.f32 v29, v29;
	v47 =	vadd.f32 v29, v23;
	s17 =	smul.f32 $1.562500000e-02, s17  }
0x1f7: {  	v52 =	vmul.f32 v22, v22;
	v17 =	vadd.f32 v22, v63;
	v0 =	vadd.f32 v62, v0;
	s18 =	smul.f32 s15, s15  }
0x1f8: {  	v20 =	vadd.f32 v46, v45;
	v53 =	vmul.f32 v33, v33;
	s5 =	ssub.f32 $1.500000000e+00, s5;
	s16 =	smul.f32 s14, s16  }
0x1f9: {  	v16 =	vadd.f32 v33, v47;
	(xrf2) =	vadd.scan.msk.f32 $0xffff, v17;
	v0 =	vadd.f32 v52, v0;
	s10 =	smul.f32 s21, s8;
	s17 =	ssub.f32 s17, s18  }
0x1fa: {  	v20 =	vadd.f32 v53, v20;
	v54 =	vmul.f32 v43, v43;
	s2 =	smul.f32 s3, s2;
	s25 =	ssub.f32 $1.500000000e+00, s16  }
0x1fb: {  	v16 =	vadd.f32 v43, v16;
	(xrf2) =	vadd.scan.msk.f32 $0xffff, v0;
	s22 =	smul.f32 s5, s6;
	s23 =	ssub.f32 $1.500000000e+00, s10  }
0x1fc: {  	v0 =	vadd.f32 v54, v20;
	s16 =	smax.f32 s17, $0.0e+00;
	s6 =	smul.f32 s14, s25  }
0x1fd: {  	(xrf2) =	vadd.scan.msk.f32 $0xffff, v16;
	s8 =	smul.f32 s23, s8;
	s17 =	sadd.f32 $9.999999960e-13, s16  }
0x1fe: {  	(xrf2) =	vadd.scan.msk.f32 $0xffff, v0;
	s5 =	smul.f32 s6, s4  }
0x1ff: {  	s10 =	smul.f32 $5.000000000e-01, s17;
	s19 =	spop (v2sf)  }
0x200: {  	s18 =	sshrl.u32 s17, $0x1;
	s21 =	smul.f32 $1.562500000e-02, s19  }
0x201: {  	s14 =	ssub.s32 $0x5F3759DF, s18;
	s5 =	smul.f32 s5, s6  }
0x202: {  	s16 =	smul.f32 s14, s10;
	s20 =	spop (v2sf)  }
0x203: {  	v0, _, _ =	vpop (xrf2);
	s23 =	smul.f32 $1.562500000e-02, s20  }
0x204: {  	(v2sf) =	vpush v0, $0xF;
	s25 =	smul.f32 s21, s21;
	s5 =	ssub.f32 $1.500000000e+00, s5  }
0x205: {  	v0, _, _ =	vpop (xrf2);
	s16 =	smul.f32 s14, s16  }
0x206: {  	(v2sf) =	vpush v0, $0xF;
	s17 =	ssub.f32 s23, s25;
	s6 =	smul.f32 s5, s6  }
0x207: {  	s1 =	smul.f32 s8, s1;
	v0, _, _ =	vpop (xrf2);
	s16 =	ssub.f32 $1.500000000e+00, s16  }
0x208: {  	v58 =	vld [tilespmem:s28+$0x86C0];
	(v2sf) =	vpush v0, $0xF;
	v0, _, _ =	vpop (xrf2);
	s17 =	smax.f32 s17, $0.0e+00;
	s4 =	smul.f32 s6, s4  }
0x209: {  	v60 =	vld [tilespmem:s28+$0x86D0];
	(v2sf) =	vpush v0, $0xF;
	s19 =	sadd.f32 $9.999999960e-13, s17;
	s14 =	smul.f32 s14, s16  }
0x20a: {  	s4 =	smul.f32 s4, s6  }
0x20b: {  	v61 =	vld [tilespmem:s28+$0x86E0];
	s20 =	sshrl.u32 s19, $0x1;
	s5 =	smul.f32 $5.000000000e-01, s19  }
0x20c: {  	s23 =	smul.f32 s14, s10;
	s16 =	ssub.s32 $0x5F3759DF, s20  }
0x20d: {  	v62 =	vld [tilespmem:s28+$0x86F0];
	s25 =	smul.f32 s16, s5  }
0x20e: {  	v63 =	vmul.f32 v60, v60;
	v0 =	vmul.f32 v58, v58;
	s17 =	smul.f32 s23, s14  }
0x20f: {  	v17 =	vadd.f32 v60, v58;
	s4 =	ssub.f32 $1.500000000e+00, s4;
	s18 =	smul.f32 s16, s25  }
0x210: {  	[tilespmem:$0x1FE10] =	vst v21;
	v21 =	vmul.f32 v61, v61;
	v0 =	vadd.f32 v63, v0;
	s19 =	smul.f32 s1, s8;
	s17 =	ssub.f32 $1.500000000e+00, s17  }
0x211: {  	v17 =	vadd.f32 v61, v17;
	s4 =	smul.f32 s4, s6;
	s18 =	ssub.f32 $1.500000000e+00, s18  }
0x212: {  	[tilespmem:$0x1FE40] =	vst v23;
	v23 =	vmul.f32 v62, v62;
	v0 =	vadd.f32 v21, v0;
	s14 =	smul.f32 s17, s14  }
0x213: {  	v17 =	vadd.f32 v62, v17;
	s20 =	spop (v2sf);
	s17 =	smul.f32 s16, s18  }
0x214: {  	v0 =	vadd.f32 v23, v0;
	s16 =	smul.f32 $1.562500000e-02, s20  }
0x215: {  	(xrf2) =	vadd.scan.msk.f32 $0xffff, v17;
	s10 =	smul.f32 s14, s10;
	s23 =	spop (v2sf)  }
0x216: {  	(xrf2) =	vadd.scan.msk.f32 $0xffff, v0;
	s18 =	smul.f32 $1.562500000e-02, s23  }
0x217: {  	s25 =	spop (v2sf);
	s23 =	smul.f32 s16, s16  }
0x218: {  	s1 =	smul.f32 $1.562500000e-02, s25;
	s20 =	spop (v2sf)  }
0x219: {  	s20 =	smul.f32 $1.562500000e-02, s20  }
0x21a: {  	[tilespmem:$0x1FE90] =	vst v60;
	v60 =	vld [tilespmem:s28+$0x8710];
	s19 =	ssub.f32 $1.500000000e+00, s19;
	s25 =	smul.f32 s1, s1  }
0x21b: {  	[tilespmem:$0x1FEA0] =	vst v61;
	v61 =	vld [tilespmem:s28+$0x8700];
	s10 =	smul.f32 s10, s14;
	s23 =	ssub.f32 s18, s23  }
0x21c: {  	s20 =	ssub.f32 s20, s25;
	s25 =	smul.f32 s17, s5  }
0x21d: {  	[tilespmem:$0x1FEB0] =	vst v62;
	v62 =	vld [tilespmem:s28+$0x8720];
	s18 =	smul.f32 s19, s8;
	s8 =	ssub.f32 $1.500000000e+00, s10  }
0x21e: {  	s23 =	smax.f32 s23, $0.0e+00;
	s10 =	smul.f32 s25, s17  }
0x21f: {  	[tilespmem:$0x1FE50] =	vst v29;
	v63 =	vld [tilespmem:s28+$0x8730];
	v0, _, _ =	vpop (xrf2);
	s9 =	smul.f32 s18, s9;
	s25 =	sadd.f32 $9.999999960e-13, s23  }
0x220: {  	[tilespmem:$0x1FE60] =	vst v33;
	v33 =	vmul.f32 v60, v60;
	v29 =	vmul.f32 v61, v61;
	(v2sf) =	vpush v0, $0xF;
	v0, _, _ =	vpop (xrf2);
	s23 =	smul.f32 s8, s14;
	s14 =	ssub.f32 $1.500000000e+00, s10  }
0x221: {  	v52 =	vld [tilespmem:s28+$0x8750];
	(v2sf) =	vpush v0, $0xF;
	v0 =	vadd.f32 v60, v61;
	s20 =	smax.f32 s20, $0.0e+00;
	s19 =	sshrl.u32 s25, $0x1;
	s10 =	smul.f32 $5.000000000e-01, s25  }
0x222: {  	[tilespmem:$0x1FE70] =	vst v43;
	v16 =	vadd.f32 v33, v29;
	v43 =	vmul.f32 v62, v62;
	v23 =	vld [tilespmem:s28+$0x8740];
	s6 =	sadd.f32 $9.999999960e-13, s20;
	s17 =	smul.f32 s14, s17;
	s14 =	ssub.s32 $0x5F3759DF, s19  }
0x223: {  	v0 =	vadd.f32 v62, v0;
	s25 =	smul.f32 s14, s10  }
0x224: {  	v54 =	vld [tilespmem:s28+$0x8760];
	v16 =	vadd.f32 v43, v16;
	v45 =	vmul.f32 v63, v63;
	s20 =	sshrl.u32 s6, $0x1;
	s8 =	smul.f32 $5.000000000e-01, s6  }
0x225: {  	v0 =	vadd.f32 v63, v0;
	s19 =	ssub.s32 $0x5F3759DF, s20;
	s25 =	smul.f32 s14, s25  }
0x226: {  	[tilespmem:$0x1FE80] =	vst v58;
	v47 =	vmul.f32 v52, v52;
	v58 =	vld [tilespmem:s28+$0x8770];
	v16 =	vadd.f32 v45, v16;
	s20 =	smul.f32 s19, s8  }
0x227: {  	[tilespmem:$0x1FEC0] =	vst v23;
	v46 =	vmul.f32 v23, v23;
	v23 =	vadd.f32 v52, v23;
	(xrf2) =	vadd.scan.msk.f32 $0xffff, v0;
	s5 =	smul.f32 s17, s5;
	s6 =	ssub.f32 $1.500000000e+00, s25  }
0x228: {  	s20 =	smul.f32 s19, s20  }
0x229: {  	v53 =	vmul.f32 v54, v54;
	v17 =	vadd.f32 v47, v46;
	v0 =	vadd.f32 v54, v23;
	(xrf2) =	vadd.scan.msk.f32 $0xffff, v16;
	s6 =	smul.f32 s14, s6  }
0x22a: {  	s5 =	smul.f32 s5, s17;
	s20 =	ssub.f32 $1.500000000e+00, s20  }
0x22b: {  	v29 =	vmul.f32 v58, v58;
	v23 =	vadd.f32 v53, v17;
	v0 =	vadd.f32 v58, v0;
	s25 =	smul.f32 s6, s10  }
0x22c: {  	s19 =	smul.f32 s19, s20  }
0x22d: {  	v16 =	vadd.f32 v29, v23;
	(xrf2) =	vadd.scan.msk.f32 $0xffff, v0;
	s5 =	ssub.f32 $1.500000000e+00, s5;
	s20 =	smul.f32 s25, s6  }
0x22e: {  	s25 =	smul.f32 s19, s8  }
0x22f: {  	v21 =	vld [tilespmem:s28+$0x8790];
	(xrf2) =	vadd.scan.msk.f32 $0xffff, v16;
	s14 =	smul.f32 s5, s17;
	s20 =	ssub.f32 $1.500000000e+00, s20  }
0x230: {  	v53 =	vld [tilespmem:s28+$0x8780];
	s25 =	smul.f32 s25, s19  }
0x231: {  	v33, _, _ =	vpop (xrf2);
	s20 =	smul.f32 s20, s6  }
0x232: {  	v0 =	vld [tilespmem:s28+$0x87A0];
	(v2sf) =	vpush v33, $0xF;
	s6 =	smul.f32 s0, s29;
	s29 =	ssub.f32 $1.500000000e+00, s25  }
0x233: {  	s17 =	smul.f32 s7, s30;
	v43, _, _ =	vpop (xrf2)  }
0x234: {  	v18 =	vmul.f32 s0, v18;
	v11 =	vmul.f32 s0, v11;
	v29 =	vld [tilespmem:s28+$0x87B0];
	(v2sf) =	vpush v43, $0xF;
	s30 =	smul.f32 s29, s19  }
0x235: {  	v46 =	vmul.f32 v21, v21;
	v45 =	vmul.f32 v53, v53;
	s19 =	spop (v2sf);
	s10 =	smul.f32 s20, s10  }
0x236: {  	v26 =	vmul.f32 s0, v26;
	v32 =	vmul.f32 s0, v32;
	[tilespmem:$0x1FED0] =	vst v21;
	v21 =	vadd.f32 v21, v53;
	s29 =	smul.f32 $1.562500000e-02, s19;
	s25 =	spop (v2sf)  }
0x237: {  	v19 =	vmul.f32 s13, v19;
	v16 =	vadd.f32 v46, v45;
	v43 =	vmul.f32 v0, v0;
	v47, _, _ =	vpop (xrf2);
	s5 =	smul.f32 $1.562500000e-02, s25  }
0x238: {  	v10 =	vmul.f32 s7, v10;
	v46 =	vadd.f32 v0, v21;
	(v2sf) =	vpush v47, $0xF;
	s19 =	smul.f32 s29, s29  }
0x239: {  	v8 =	vmul.f32 s7, v8;
	v17 =	vadd.f32 v43, v16;
	v33, _, _ =	vpop (xrf2);
	v47 =	vmul.f32 v29, v29;
	s25 =	smul.f32 s13, s31  }
0x23a: {  	v35 =	vmul.f32 s3, v35;
	[tilespmem:$0x1FEF0] =	vst v29;
	v29 =	vadd.f32 v29, v46;
	(v2sf) =	vpush v33, $0xF;
	s31 =	smul.f32 s4, s11;
	s19 =	ssub.f32 s5, s19  }
0x23b: {  	v14 =	vmul.f32 s3, v14;
	v45 =	vmov s6;
	s6 =	smul.f32 s10, s20;
	v33 =	vadd.f32 v47, v17  }
0x23c: {  	v9 =	vmul.f32 s22, v9;
	v37 =	vmul.f32 s4, v37;
	v43 =	vmov s17;
	(xrf2) =	vadd.scan.msk.f32 $0xffff, v29;
	s10 =	smul.f32 s23, s15;
	s19 =	smax.f32 s19, $0.0e+00  }
0x23d: {  	v28 =	vmul.f32 s23, v28;
	v23 =	vsub.f32 v8, v43;
	v8 =	vmul.f32 s13, v42;
	(xrf2) =	vadd.scan.msk.f32 $0xffff, v33;
	s5 =	smul.f32 s22, s12;
	s12 =	sadd.f32 $9.999999960e-13, s19  }
0x23e: {  	[tilespmem:$0x1FEE0] =	vst v0;
	v0 =	vld [tilespmem:$0x1FE00];
	v42 =	vmul.f32 s3, v39;
	v46 =	vmul.f32 s7, v12;
	s15 =	smul.f32 s14, s21;
	s0 =	ssub.f32 $1.500000000e+00, s6  }
0x23f: {  	v16 =	vsub.f32 v18, v45;
	v12 =	vsub.f32 v32, v45;
	v47 =	vmul.f32 s7, v13;
	s19 =	sshrl.u32 s12, $0x1;
	s12 =	smul.f32 $5.000000000e-01, s12  }
0x240: {  	v17 =	vsub.f32 v26, v45;
	v21 =	vsub.f32 v46, v43;
	v26 =	vmul.f32 s13, v15;
	s7 =	smul.f32 s0, s20;
	s19 =	ssub.s32 $0x5F3759DF, s19  }
0x241: {  	v29 =	vmul.f32 s13, v24;
	v46 =	vld [tilespmem:s28+$0x87D0];
	v32 =	vsub.f32 v47, v43;
	v15 =	vmov s25;
	s25 =	spop (v2sf);
	s11 =	smul.f32 s19, s12  }
0x242: {  	v47 =	vld [tilespmem:s28+$0x87C0];
	v33 =	vsub.f32 v26, v15;
	v26 =	vsub.f32 v8, v15;
	v8 =	vmov s2;
	s2 =	smul.f32 $1.562500000e-02, s25  }
0x243: {  	v20 =	vsub.f32 v11, v45;
	v11 =	vmul.f32 s22, v0;
	v0 =	vld [tilespmem:$0x1FE10];
	v13 =	vsub.f32 v10, v43;
	s6 =	spop (v2sf);
	s11 =	smul.f32 s19, s11  }
0x244: {  	v18 =	vmul.f32 s3, v44;
	v24 =	vsub.f32 v29, v15;
	v43 =	vsub.f32 v19, v15;
	s0 =	smul.f32 $1.562500000e-02, s6  }
0x245: {  	v25 =	vmul.f32 s23, v25;
	v29 =	vsub.f32 v35, v8;
	v42 =	vsub.f32 v42, v8;
	s17 =	smul.f32 s2, s2;
	s21 =	ssub.f32 $1.500000000e+00, s11  }
0x246: {  	v57 =	vmul.f32 s14, v57;
	v45 =	vld [tilespmem:s28+$0x87E0];
	v35 =	vsub.f32 v18, v8;
	v39 =	vsub.f32 v14, v8;
	v8, _, _ =	vpop (xrf2);
	s11 =	smul.f32 s30, s8  }
0x247: {  	v44 =	vmul.f32 v46, v46;
	v19 =	vmul.f32 v47, v47;
	(v2sf) =	vpush v8, $0xF;
	v15, _, _ =	vpop (xrf2);
	s8 =	smul.f32 s19, s21;
	s19 =	spop (v2sf)  }
0x248: {  	v16 =	vmul.f32 v16, v51;
	s3 =	ssub.f32 s0, s17;
	(v2sf) =	vpush v15, $0xF;
	v15 =	vmul.f32 s22, v0;
	v0 =	vld [tilespmem:$0x1FE20];
	s0 =	smul.f32 $1.562500000e-02, s19  }
0x249: {  	v20 =	vmul.f32 v20, v1;
	v12 =	vmul.f32 v12, v3;
	v8 =	vadd.f32 v44, v19;
	v44 =	vld [tilespmem:s28+$0x87F0];
	s20 =	spop (v2sf);
	s6 =	smul.f32 s8, s12  }
0x24a: {  	v17 =	vmul.f32 v17, v2;
	v13 =	vmul.f32 v13, v51;
	v19 =	vadd.f32 v46, v47;
	s13 =	smul.f32 $1.562500000e-02, s20  }
0x24b: {  	v16 =	vadd.f32 v16, v4;
	v20 =	vadd.f32 v20, v5;
	v18 =	vmul.f32 v45, v45;
	s3 =	smax.f32 s3, $0.0e+00;
	s21 =	smul.f32 s0, s0  }
0x24c: {  	v32 =	vmul.f32 v32, v2;
	v10 =	vadd.f32 v45, v19;
	v19 =	vmov s5;
	s3 =	sadd.f32 $9.999999960e-13, s3;
	s6 =	smul.f32 s6, s8  }
0x24d: {  	v8 =	vadd.f32 v18, v8;
	v14 =	vsub.f32 v11, v19;
	v0 =	vmul.f32 s22, v0;
	s22 =	ssub.f32 s13, s21;
	s13 =	smul.f32 s11, s30  }
0x24e: {  	v18 =	vsub.f32 v9, v19;
	v9 =	vadd.f32 v44, v10;
	v10 =	vmul.f32 v44, v44;
	s25 =	sshrl.u32 s3, $0x1;
	s11 =	smul.f32 $5.000000000e-01, s3  }
0x24f: {  	s5 =	smul.f32 s7, s16;
	v15 =	vsub.f32 v15, v19;
	s20 =	ssub.s32 $0x5F3759DF, s25;
	s6 =	ssub.f32 $1.500000000e+00, s6;
	v19 =	vsub.f32 v0, v19;
	v0 =	vmul.f32 s18, v27  }
0x250: {  	v32 =	vadd.f32 v32, v6;
	v27 =	vmul.f32 s18, v30;
	s19 =	smax.f32 s22, $0.0e+00;
	v30 =	vmov s9;
	s21 =	smul.f32 s20, s11  }
0x251: {  	v21 =	vmul.f32 v21, v1;
	v8 =	vadd.f32 v10, v8;
	s13 =	ssub.f32 $1.500000000e+00, s13;
	s8 =	smul.f32 s6, s8;
	v11 =	vsub.f32 v0, v30;
	v0 =	vld [tilespmem:$0x1FE30]  }
0x252: {  	v17 =	vadd.f32 v17, v6;
	[tilespmem:s28+$0xC460] =	vst v32;
	v32 =	vmul.f32 v42, v1;
	(xrf2) =	vadd.scan.msk.f32 $0xffff, v9;
	s3 =	sadd.f32 $9.999999960e-13, s19;
	s25 =	smul.f32 s20, s21  }
0x253: {  	[tilespmem:s28+$0xC410] =	vst v20;
	v20 =	vadd.f32 v13, v4;
	v33 =	vmul.f32 v33, v51;
	(xrf2) =	vadd.scan.msk.f32 $0xffff, v8;
	s17 =	smul.f32 s13, s30  }
0x254: {  	v42 =	vadd.f32 v32, v5;
	v14 =	vmul.f32 v14, v51;
	v10 =	vmul.f32 s18, v31;
	s9 =	smul.f32 $5.000000000e-01, s3  }
0x255: {  	v31 =	vmul.f32 s4, v36;
	v9 =	vsub.f32 v27, v30;
	v27 =	vmul.f32 s4, v34;
	s22 =	sshrl.u32 s3, $0x1;
	s19 =	smul.f32 s8, s12;
	s3 =	ssub.f32 $1.500000000e+00, s25  }
0x256: {  	v36 =	vmov s31;
	v14 =	vadd.f32 v14, v4;
	s1 =	smul.f32 s17, s1;
	v0 =	vmul.f32 s18, v0  }
0x257: {  	v10 =	vsub.f32 v10, v30;
	v34 =	vmul.f32 s4, v38;
	v38 =	vsub.f32 v27, v36;
	s31 =	ssub.s32 $0x5F3759DF, s22;
	s12 =	smul.f32 s20, s3  }
0x258: {  	v24 =	vmul.f32 v24, v1;
	s18 =	smul.f32 s31, s9;
	v8 =	vsub.f32 v0, v30;
	v0 =	vsub.f32 v31, v36  }
0x259: {  	s20 =	smul.f32 s19, s8;
	v31 =	vmul.f32 s23, v40;
	v40 =	vmul.f32 s23, v41;
	v41 =	vmov s10  }
0x25a: {  	v26 =	vmul.f32 v26, v3;
	v27 =	vsub.f32 v37, v36;
	v30 =	vsub.f32 v34, v36;
	s16 =	smul.f32 s31, s18;
	s23 =	spop (v2sf)  }
0x25b: {  	v18 =	vmul.f32 v18, v2;
	v34 =	vsub.f32 v28, v41;
	v28 =	vsub.f32 v25, v41;
	s25 =	spop (v2sf);
	s3 =	smul.f32 $1.562500000e-02, s23  }
0x25c: {  	v36 =	vmul.f32 s14, v56;
	v37 =	vsub.f32 v31, v41;
	v31 =	vsub.f32 v40, v41;
	s4 =	smul.f32 $1.562500000e-02, s25;
	v41, _, _ =	vpop (xrf2)  }
0x25d: {  	v56 =	vmov s15;
	s21 =	ssub.f32 $1.500000000e+00, s16;
	v40 =	vmul.f32 s14, v59;
	s15 =	smul.f32 s3, s3;
	(v2sf) =	vpush v41, $0xF;
	v59, _, _ =	vpop (xrf2)  }
0x25e: {  	v15 =	vmul.f32 v15, v1;
	v19 =	vmul.f32 v19, v3;
	s22 =	smul.f32 s12, s11;
	(v2sf) =	vpush v59, $0xF  }
0x25f: {  	[tilespmem:s28+$0xC400] =	vst v16;
	v18 =	vadd.f32 v18, v6;
	v10 =	vmul.f32 v10, v2;
	v25 =	vmul.f32 s14, v55;
	s14 =	smul.f32 s31, s21;
	s4 =	ssub.f32 s4, s15  }
0x260: {  	v49 =	vmul.f32 s7, v49;
	[tilespmem:s28+$0xC420] =	vst v17;
	v15 =	vadd.f32 v15, v5;
	v19 =	vadd.f32 v19, v7;
	s6 =	ssub.f32 $1.500000000e+00, s20;
	s31 =	smul.f32 s22, s12  }
0x261: {  	v16 =	vmul.f32 s7, v22;
	[tilespmem:s28+$0xC440] =	vst v20;
	v10 =	vadd.f32 v10, v6;
	v55 =	vsub.f32 v36, v56;
	s10 =	smul.f32 s14, s9;
	s20 =	smax.f32 s4, $0.0e+00  }
0x262: {  	[tilespmem:s28+$0xC4D0] =	vst v42;
	v36 =	vmul.f32 s7, v48;
	v48 =	vmul.f32 s7, v50;
	v41 =	vsub.f32 v25, v56;
	s4 =	smul.f32 s6, s8;
	s21 =	sadd.f32 $9.999999960e-13, s20  }
0x263: {  	[tilespmem:s28+$0xC500] =	vst v14;
	v50 =	vmov s5;
	v40 =	vsub.f32 v40, v56;
	v25 =	vsub.f32 v57, v56;
	s18 =	ssub.f32 $1.500000000e+00, s31;
	s19 =	smul.f32 s10, s14  }
0x264: {  	v39 =	vmul.f32 v39, v3;
	[tilespmem:s28+$0xC520] =	vst v18;
	v56 =	vadd.f32 v12, v7;
	v13 =	vsub.f32 v48, v50;
	s23 =	sshrl.u32 s21, $0x1;
	s7 =	smul.f32 $5.000000000e-01, s21  }
0x265: {  	[tilespmem:s28+$0xC510] =	vst v15;
	v11 =	vmul.f32 v11, v51;
	v12 =	vsub.f32 v49, v50;
	v57 =	vadd.f32 v21, v5;
	s5 =	smul.f32 s18, s12;
	s25 =	ssub.s32 $0x5F3759DF, s23  }
0x266: {  	v48 =	vmul.f32 v43, v2;
	v49 =	vadd.f32 v33, v4;
	v59 =	vmul.f32 v23, v3;
	[tilespmem:s28+$0xC430] =	vst v56;
	s12 =	smul.f32 s25, s7  }
0x267: {  	v11 =	vadd.f32 v11, v4;
	v22 =	vsub.f32 v36, v50;
	[tilespmem:s28+$0xC450] =	vst v57;
	v56 =	vmul.f32 v29, v51;
	s22 =	ssub.f32 $1.500000000e+00, s19;
	s11 =	smul.f32 s5, s11  }
0x268: {  	v9 =	vmul.f32 v9, v1;
	v57 =	vadd.f32 v48, v6;
	[tilespmem:s28+$0xC480] =	vst v49;
	v49 =	vld [tilespmem:$0x1FE40];
	v36 =	vadd.f32 v59, v7;
	s12 =	smul.f32 s25, s12  }
0x269: {  	[tilespmem:s28+$0xC530] =	vst v19;
	v8 =	vmul.f32 v8, v3;
	v59 =	vadd.f32 v26, v7;
	v33 =	vadd.f32 v56, v4;
	v56 =	vld [tilespmem:$0x1FE50];
	s8 =	smul.f32 s22, s14  }
0x26a: {  	v9 =	vadd.f32 v9, v5;
	v0 =	vmul.f32 v0, v1;
	v17 =	vsub.f32 v16, v50;
	[tilespmem:s28+$0xC4A0] =	vst v57;
	v57 =	vld [tilespmem:$0x1FE60];
	s11 =	smul.f32 s11, s5;
	s12 =	ssub.f32 $1.500000000e+00, s12  }
0x26b: {  	v50 =	vadd.f32 v24, v5;
	v8 =	vadd.f32 v8, v7;
	v32 =	vmul.f32 v37, v51;
	[tilespmem:s28+$0xC4B0] =	vst v59;
	v59 =	vld [tilespmem:$0x1FE70];
	s9 =	smul.f32 s8, s9  }
0x26c: {  	[tilespmem:s28+$0xC560] =	vst v10;
	v48 =	vadd.f32 v39, v7;
	v29 =	vmul.f32 v30, v2;
	v30 =	vmul.f32 v27, v3;
	s6 =	smul.f32 s25, s12;
	s31 =	spop (v2sf)  }
0x26d: {  	[tilespmem:s28+$0xC490] =	vst v50;
	v50 =	vmov s1;
	v39 =	vmul.f32 v41, v51;
	v41 =	vmul.f32 v55, v1;
	s1 =	spop (v2sf);
	s15 =	smul.f32 $1.562500000e-02, s31  }
0x26e: {  	[tilespmem:s28+$0xC540] =	vst v11;
	v0 =	vadd.f32 v0, v5;
	v42 =	vmul.f32 v40, v2;
	v22 =	vmul.f32 v22, v51;
	s16 =	smul.f32 $1.562500000e-02, s1  }
0x26f: {  	[tilespmem:s28+$0xC570] =	vst v8;
	v8 =	vadd.f32 v32, v4;
	v55 =	vld [tilespmem:$0x1FEB0];
	v16 =	vmul.f32 s17, v49;
	v21 =	vmul.f32 s17, v56;
	s12 =	smul.f32 s15, s15  }
0x270: {  	[tilespmem:s28+$0xC4F0] =	vst v48;
	v37 =	vadd.f32 v30, v7;
	v48 =	vld [tilespmem:$0x1FE80];
	v23 =	vmul.f32 s17, v57;
	v24 =	vmul.f32 s17, v59;
	s11 =	ssub.f32 $1.500000000e+00, s11;
	s9 =	smul.f32 s9, s8  }
0x271: {  	[tilespmem:s28+$0xC550] =	vst v9;
	v26 =	vmul.f32 v38, v51;
	v49 =	vld [tilespmem:$0x1FE90];
	v16 =	vsub.f32 v16, v50;
	v21 =	vsub.f32 v21, v50;
	s17 =	smul.f32 s6, s7;
	s10 =	ssub.f32 s16, s12  }
0x272: {  	v38 =	vmul.f32 v28, v3;
	[tilespmem:s28+$0xC5C0] =	vst v8;
	s30 =	smul.f32 s4, s29;
	v15 =	vsub.f32 v23, v50;
	v20 =	vsub.f32 v24, v50;
	v50 =	vld [tilespmem:$0x1FEA0];
	s9 =	ssub.f32 $1.500000000e+00, s9  }
0x273: {  	v8 =	vadd.f32 v39, v4;
	v19 =	vadd.f32 v41, v5;
	[tilespmem:s28+$0xC470] =	vst v36;
	v36 =	vmul.f32 v35, v2;
	s18 =	smul.f32 s17, s6;
	s20 =	smax.f32 s10, $0.0e+00  }
0x274: {  	[tilespmem:s28+$0xC590] =	vst v0;
	v39 =	vadd.f32 v42, v6;
	v42 =	vmul.f32 v12, v2;
	v14 =	vadd.f32 v26, v4;
	s19 =	smul.f32 s9, s8;
	s8 =	sadd.f32 $9.999999960e-13, s20  }
0x275: {  	v35 =	vmul.f32 v31, v1;
	[tilespmem:s28+$0xC4C0] =	vst v33;
	v43 =	vadd.f32 v36, v6;
	v36 =	vmul.f32 v34, v2;
	s11 =	smul.f32 s11, s5;
	s12 =	ssub.f32 $1.500000000e+00, s18  }
0x276: {  	v33 =	vadd.f32 v29, v6;
	[tilespmem:s28+$0xC5B0] =	vst v37;
	v29 =	vmul.f32 s4, v55;
	v18 =	vmul.f32 s4, v48;
	s22 =	sshrl.u32 s8, $0x1;
	s23 =	smul.f32 $5.000000000e-01, s8  }
0x277: {  	[tilespmem:s28+$0xC600] =	vst v8;
	v8 =	vadd.f32 v22, v4;
	v28 =	vmul.f32 s4, v49;
	v24 =	vmul.f32 s4, v50;
	s6 =	smul.f32 s12, s6;
	s4 =	ssub.s32 $0x5F3759DF, s22  }
0x278: {  	[tilespmem:s28+$0xC610] =	vst v19;
	v9 =	vadd.f32 v42, v6;
	v0 =	vadd.f32 v36, v6;
	v57 =	vmul.f32 v25, v3;
	s8 =	smul.f32 s4, s23  }
0x279: {  	v17 =	vmul.f32 v17, v3;
	[tilespmem:s28+$0xC4E0] =	vst v43;
	v43 =	vadd.f32 v35, v5;
	v56 =	vadd.f32 v38, v7;
	s7 =	smul.f32 s6, s7  }
0x27a: {  	v23 =	vmov s30;
	v11 =	vadd.f32 v57, v7;
	[tilespmem:s28+$0xC5E0] =	vst v0;
	v0 =	vmul.f32 v13, v1;
	s8 =	smul.f32 s4, s8  }
0x27b: {  	[tilespmem:s28+$0xC640] =	vst v8;
	v16 =	vmul.f32 v16, v51;
	v40 =	vsub.f32 v18, v23;
	v8 =	vmul.f32 v21, v1;
	s7 =	smul.f32 s7, s6  }
0x27c: {  	[tilespmem:s28+$0xC620] =	vst v39;
	v0 =	vadd.f32 v0, v5;
	v59 =	vmul.f32 s11, v61;
	v36 =	vmul.f32 s11, v60;
	s8 =	ssub.f32 $1.500000000e+00, s8  }
0x27d: {  	[tilespmem:s28+$0xC580] =	vst v14;
	v16 =	vadd.f32 v16, v4;
	s21 =	smul.f32 s11, s2;
	v37 =	vmul.f32 s11, v62;
	v62 =	vmul.f32 v15, v2;
	s7 =	ssub.f32 $1.500000000e+00, s7  }
0x27e: {  	v41 =	vsub.f32 v28, v23;
	v13 =	vmul.f32 v40, v51;
	[tilespmem:s28+$0xC650] =	vst v0;
	v0 =	vadd.f32 v17, v7;
	s4 =	smul.f32 s4, s8  }
0x27f: {  	[tilespmem:s28+$0xC660] =	vst v9;
	v8 =	vadd.f32 v8, v5;
	v61 =	vmov s21;
	v9 =	vadd.f32 v62, v6;
	s25 =	smul.f32 s7, s6  }
0x280: {  	[tilespmem:s28+$0xC5F0] =	vst v56;
	v38 =	vmul.f32 s11, v63;
	v28 =	vadd.f32 v13, v4;
	v49 =	vsub.f32 v59, v61;
	s29 =	smul.f32 s4, s23  }
0x281: {  	v56 =	vsub.f32 v36, v61;
	v60 =	vsub.f32 v37, v61;
	[tilespmem:s28+$0xC670] =	vst v0;
	v0 =	vmul.f32 v20, v3;
	s3 =	smul.f32 s25, s3  }
0x282: {  	v10 =	vsub.f32 v38, v61;
	[tilespmem:s28+$0xC690] =	vst v8;
	v8 =	vmul.f32 v41, v1;
	v55 =	vmul.f32 s19, v52;
	s30 =	smul.f32 s29, s4  }
0x283: {  	[tilespmem:s28+$0xC5D0] =	vst v43;
	s0 =	smul.f32 s19, s0;
	v57 =	vmul.f32 s19, v54;
	v59 =	vmul.f32 s19, v58;
	v43 =	vsub.f32 v24, v23  }
0x284: {  	[tilespmem:s28+$0xC5A0] =	vst v33;
	v50 =	vld [tilespmem:$0x1FEC0];
	v23 =	vsub.f32 v29, v23;
	v0 =	vadd.f32 v0, v7;
	v61 =	vmov s3;
	s3 =	ssub.f32 $1.500000000e+00, s30  }
0x285: {  	[tilespmem:s28+$0xC630] =	vst v11;
	v14 =	vmul.f32 v49, v51;
	v11 =	vmul.f32 v56, v1;
	v48 =	vmov s0  }
0x286: {  	v35 =	vld [tilespmem:$0x1FED0];
	[tilespmem:s28+$0xC680] =	vst v16;
	v32 =	vmul.f32 v60, v2;
	v10 =	vmul.f32 v10, v3;
	v22 =	vsub.f32 v55, v48;
	s3 =	smul.f32 s3, s4  }
0x287: {  	[tilespmem:s28+$0xC6A0] =	vst v9;
	v25 =	vsub.f32 v57, v48;
	v26 =	vsub.f32 v59, v48;
	v12 =	vmul.f32 v43, v2  }
0x288: {  	v29 =	vmul.f32 v23, v3;
	[tilespmem:s28+$0xC6B0] =	vst v0;
	v0 =	vadd.f32 v8, v5;
	v31 =	vadd.f32 v14, v4;
	s2 =	smul.f32 s3, s23  }
0x289: {  	[tilespmem:s28+$0xC6C0] =	vst v28;
	v36 =	vadd.f32 v10, v7;
	v19 =	vmul.f32 s19, v50;
	v8 =	vadd.f32 v12, v6  }
0x28a: {  	v42 =	vld [tilespmem:$0x1FEE0];
	v30 =	vadd.f32 v29, v7;
	[tilespmem:s28+$0xC6D0] =	vst v0;
	v0 =	vadd.f32 v11, v5;
	v33 =	vmul.f32 s25, v53;
	s2 =	smul.f32 s2, s3  }
0x28b: {  	v49 =	vld [tilespmem:$0x1FEF0];
	v37 =	vmul.f32 v22, v1;
	[tilespmem:s28+$0xC700] =	vst v31;
	v63 =	vsub.f32 v19, v48;
	v14 =	vmul.f32 s25, v35  }
0x28c: {  	v40 =	vmul.f32 v26, v3;
	[tilespmem:s28+$0xC6E0] =	vst v8;
	v8 =	vadd.f32 v32, v6;
	v11 =	vsub.f32 v33, v61;
	s2 =	ssub.f32 $1.500000000e+00, s2  }
0x28d: {  	v39 =	vmul.f32 v25, v2;
	[tilespmem:s28+$0xC710] =	vst v0;
	v0 =	vadd.f32 v37, v5;
	v14 =	vsub.f32 v14, v61  }
0x28e: {  	[tilespmem:s28+$0xC730] =	vst v36;
	v43 =	vadd.f32 v40, v7;
	v34 =	vmul.f32 v63, v51;
	v11 =	vmul.f32 v11, v51;
	s2 =	smul.f32 s2, s3  }
0x28f: {  	[tilespmem:s28+$0xC720] =	vst v8;
	v8 =	vadd.f32 v39, v6;
	v41 =	vmul.f32 v14, v1;
	v14 =	vmul.f32 s25, v42  }
0x290: {  	[tilespmem:s28+$0xC6F0] =	vst v30;
	v38 =	vadd.f32 v34, v4;
	v48 =	vadd.f32 v11, v4;
	v11 =	vmul.f32 s25, v49;
	s31 =	smul.f32 s2, s15  }
0x291: {  	[tilespmem:s28+$0xC750] =	vst v0;
	v50 =	vadd.f32 v41, v5;
	v52 =	vsub.f32 v14, v61;
	v53 =	vmul.f32 s2, v47  }
0x292: {  	[tilespmem:s28+$0xC770] =	vst v43;
	v0 =	vsub.f32 v11, v61;
	v55 =	vmul.f32 s2, v46;
	v54 =	vmov s31  }
0x293: {  	[tilespmem:s28+$0xC760] =	vst v8;
	v8 =	vmul.f32 v52, v2;
	v57 =	vmul.f32 s2, v45;
	v56 =	vsub.f32 v53, v54  }
0x294: {  	[tilespmem:s28+$0xC740] =	vst v38;
	v0 =	vmul.f32 v0, v3;
	v59 =	vmul.f32 s2, v44;
	v58 =	vsub.f32 v55, v54  }
0x295: {  	[tilespmem:s28+$0xC780] =	vst v48;
	v8 =	vadd.f32 v8, v6;
	v61 =	vsub.f32 v57, v54;
	v60 =	vmul.f32 v56, v51  }
0x296: {  	[tilespmem:s28+$0xC790] =	vst v50;
	v0 =	vadd.f32 v0, v7;
	v11 =	vsub.f32 v59, v54;
	v9 =	vmul.f32 v58, v1  }
0x297: {  	p0 =	sne.s32 s26, $0x7000;
	[tilespmem:s28+$0xC7A0] =	vst v8;
	v62 =	vmul.f32 v61, v2;
	v8 =	vadd.f32 v60, v4  }
.Ltmp6:
0x298: {  	[tilespmem:s28+$0xC7B0] =	vst v0;
	v63 =	vmul.f32 v11, v3;
	v0 =	vadd.f32 v9, v5;
	(pc) =	sbr.rel @p0 .LBB2_9-.Ltmp6, $4  }
0x299: {  	[tilespmem:s28+$0xC7C0] =	vst v8;
	v8 =	vadd.f32 v62, v6  }
0x29a: {  	[tilespmem:s28+$0xC7D0] =	vst v0;
	v0 =	vadd.f32 v63, v7  }
0x29b: {  	[tilespmem:s28+$0xC7E0] =	vst v8  }
0x29c: {  	s26 =	sadd.s32 $0x1000, s26;
	[tilespmem:s28+$0xC7F0] =	vst v0  }
0x29d: {  	p0 =	seq.s32 s24, $0x63  }
.Ltmp7:
0x29e: {  	_ = 	snop;
	(pc) =	sbr.rel @p0 .LBB2_12-.Ltmp7, $4  }
0x29f: {  	_ = 	snop  }
0x2a0: {  	s0 =	sshll.u32 s24, $0xB;
	s1 =	rddreg [dreg:$0x9]  }
0x2a1: {  	s31 =	simm.s32 $0x0;
	s2 =	simm.s32 $0xC400;
	s0 =	sadd.s32 s1, s0  }
0x2a2: {  	[hbm4b:s0+s31] =	stream.linear.scatter [tilespmem:s2], [sflag:$0x4], $0x2000, $0x38;
	[tilespmem:$0xE480] =	vst v63  }
.Ltmp8:
0x2a3: {  	(pc) =	sbr.rel .LBB2_2-.Ltmp8, $4  }
0x2a4: {  	s0 =	rddreg [dreg:$0xb]  }
0x2a5: {  	s1 =	rddreg [dreg:$0x5];
	s2 =	simm.s32 $0x80;
	s0 =	sshrl.u32 s0, $0x2  }
0x2a6: {  	s3 =	simm.s32 $0x8400;
	s24 =	sadd.s32 $0x1, s24;
	s0 =	sadd.s32 $0x180, s0  }
0x2a7: {  	[tilespmem:s3], [sflag:$0x2] =	stream.indirect.gather [hbm4b:s1+s2], $0x40, s0, s2, $0xb8;
	[tilespmem:$0xE480] =	vst v63  }
.LBB2_13:
0x2a8: {  	_ =	sfence.sel $0x180000  }
0x2a9: {  	[bflag:$0x0] =	sbarrier.arrive $0xFFFF  }
0x2aa: {  	_ =	strace $0x90000047  }
0x2ab: {  	s0 =	stileid.u32;
	[bflag:$0x2] =	sbarrier.arrive $0xFFFF  }
0x2ac: {  	p0 =	sne.s32 s0, $0x0;
	s0 =	rddreg [dreg:$0x4]  }
0x2ad: {  	s0 =	sadd.s32 @!p0 $0x100000, s0  }
0x2ae: {  	[sflag:s0] =	ssyncadd.tile.s32 @!p0 $0x1;
	_ =	shalt  }
.Lfunc_end2:
_tile_overlayer_lowered:
.L_overlay_start_2:
0x2af: {  	(tag) =	ssettag $0x2  }
0x2b0: {  	s0 =	rddreg [dreg:$0x0];
	s2 =	stileid.u32  }
0x2b1: {  	s1 =	rddreg [dreg:$0x1];
	p0 =	sne.s32 s2, $0x0  }
0x2b2: {  	s3 =	rddreg [dreg:$0x2];
	[bflag:$0x3] =	sbarrier.arrive $0xFFFF;
	s2 =	simm.s32 @!p0 $0x1C05  }
0x2b3: {  	[timem:s3], [sflag:s2] =	dma.local @!p0 [hbm:s0], s1  }
0x2b4: {  	s0 =	simm.s32 @!p0 $0x5  }
0x2b5: {  	_ =	swait.ge @!p0 [sflag:s0], s1  }
0x2b6: {  	s1 =	ssub.s32 @!p0 $0x0, s1;
	[sflag:s0] =	ssyncset.done @!p0 $0x0  }
0x2b7: {  	[sflag:s0] =	ssyncadd.s32 @!p0 s1  }
0x2b8: {  	[bflag:$0x3] =	sbarrier.arrive $0xFFFF  }
0x2b9: {  	_ =	shalt  }

// kernel: sparse-core-data-format-call.cloned.1.call-start
scs
called_computation_lowered:
.L_overlay_start_0:
0x0: {  	s2 =	sld [smem:$0x3FD9]  }
0x1: {  	s3 =	sld [smem:$0x3FFE];
	_ =	sdelay $0x1  }
0x2: {  	s1 =	srdreg.scid  }
0x3: {  	s0 =	sand.u32 $0x1, s1  }
0x4: {  	s18 =	sshll.u32 s0, $0xA;
	s2 =	sadd.s32 s3, s2  }
0x5: {  	s2 =	sadd.s32 s2, s18  }
0x6: {  	[smem:$0x3FC4] =	sst s2  }
0x7: {  	_ = 	snop  }
0x8: {  	s2 =	sld [smem:$0x3FD0];
	(tm) =	ssettm $0x1  }
0x9: {  	s19 =	sld [smem:$0x3FFB];
	_ =	sdelay $0x3  }
0xa: {  	_ =	strace s19  }
0xb: {  	s3 =	sld [smem:$0x3FFC];
	_ =	sdelay $0x3  }
0xc: {  	_ =	strace s3  }
0xd: {  	s3 =	sld [smem:$0x3FFD];
	_ =	sdelay $0x3  }
0xe: {  	_ =	strace s3  }
0xf: {  	_ =	strace $0x8FFFFFFF  }
0x10: {  	s20 =	sld [smem:$0x3FDB];
	_ =	sdelay $0x1  }
0x11: {  	s4 =	simm.s32 $_scs_section_size  }
0x12: {  	s5 =	simm.s32 $_size__tile_overlayer_lowered;
	s6 =	simm.s32 $_tile_overlayer_lowered  }
0x13: {  	s23 =	simm.s32 $0x1BFF;
	s22 =	sshll.u32 s6, $0x1;
	s3 =	sadd.s32 s4, s20  }
0x14: {  	s7 =	simm.s32 $0x0;
	s21 =	sshll.u32 s5, $0x1;
	s5 =	sadd.s32 s22, s3  }
0x15: {  	[timem:s7], [sflag:s23] =	dma.local [hbm:s5], s21  }
0x16: {  	_ =	swait.ge [sflag:s23], s21  }
0x17: {  	s4 =	ssub.s32 $0x0, s21;
	[sflag:s23] =	ssyncset.done $0x0  }
0x18: {  	[sflag:s23] =	ssyncadd.s32 s4;
	_ =	sdelay $0x1  }
0x19: {  	s24 =	simm.s32 $0x1B8B  }
0x1a: {  	_ =	swait.ge [sflag:s24], $0x1  }
0x1b: {  	[sflag:s24] =	ssyncset.done $0x0  }
0x1c: {  	s26 =	simm.s32 $0x1B8E;
	s25 =	sld [smem:$0x3FFE];
	[sflag:s24] =	ssyncadd.s32 $0xFFFFFFFF  }
0x1d: {  	s27 =	simm.s32 $execute0_lowered;
	[smem:$0x3FD2] =	sst s26  }
0x1e: {  	s5 =	sshll.u32 s27, $0x1;
	_ =	strace $0x80000049;
	[dreg:$0x1] =	wrdreg $0xFFFFFFFF  }
0x1f: {  	s28 =	simm.s32 $_size_execute0_lowered;
	s3 =	sadd.s32 s3, s5;
	[dreg:$0x0] =	wrdreg $0x0  }
0x20: {  	s5 =	sshll.u32 s28, $0x1;
	[dreg:$0x2] =	wrdreg s3  }
0x21: {  	[dreg:$0x3] =	wrdreg s5  }
0x22: {  	[dreg:$0x4] =	wrdreg $0xC0  }
0x23: {  	_ =	task [dreg:s7], $0x5FFFF  }
0x24: {  	[dreg:$0x1] =	wrdreg $0xFFFFFFFF  }
0x25: {  	[dreg:$0x0] =	wrdreg $0x60  }
0x26: {  	[dreg:$0x2] =	wrdreg s25  }
0x27: {  	[dreg:$0x3] =	wrdreg s2  }
0x28: {  	[dreg:$0x4] =	wrdreg $0x9  }
0x29: {  	_ =	task.clear_ibuf [dreg:s7], $0x5FFFF;
	_ =	strace $0x90000049  }
0x2a: {  	s29 =	simm.s32 $0x9;
	_ =	strace $0x8000004B  }
0x2b: {  	_ =	swait.ge [sflag:s29], $0x1  }
0x2c: {  	[sflag:s29] =	ssyncadd.s32 $0xFFFFFFFF  }
0x2d: {  	_ =	strace $0x9000004B  }
0x2e: {  	_ =	sfence  }
0x2f: {  	s30 =	sld [smem:$0x0];
	_ =	sdelay $0x2  }
0x30: {  	s31 =	sshll.u32 s1, $0xD;
	s1 =	sshrl.u32 s1, $0x2  }
0x31: {  	s3 =	sand.u32 $0x4000, s31;
	s1 =	sadd.s32 s1, s30  }
0x32: {  	s0 =	sor.u32 s3, s0;
	s1 =	sshll.u32 s1, $0x11  }
0x33: {  	s0 =	sor.u32 s1, s0  }
0x34: {  	s0 =	sadd.s32 $0x8F2B, s0  }
0x35: {  	[sflag:s0] =	ssyncadd.remote.s32 $0x1  }
0x36: {  	_ =	sfence.sel $0xFFFF  }
0x37: {  	[dreg:$0x0] =	wrdreg $0xFFFFFFFF;
	(pc) =	sbr.abs _section_cstart, $3  }
0x38: {  	[dreg:$0x1] =	wrdreg $0xFFFFFFFF  }
0x39: {  	_ =	task.clear_ibuf [dreg:s7], $0x2FFFF;
	_ =	strace $0x9FFFFFFF  }
0x3a: {  	(tm) =	ssettm $0x7FFFFFFF  }
0x3b: {  	_ =	shalt  }
tec
execute0_lowered:
.L_overlay_start_1:
0x0: {  	(tag) =	ssettag $0x1  }
0x1: {  	s0 =	srdreg.scid  }
0x2: {  	s1 =	sshll.u32 s0, $0x4  }
0x3: {  	s0 =	stileid.u32;
	s1 =	sand.u32 $0x10, s1  }
0x4: {  	s1 =	sor.u32 s0, s1  }
0x5: {  	s6 =	rddreg [dreg:$0x0];
	s4 =	simm.s32 $0x1;
	s2 =	sshll.u32 s1, $0x7  }
0x6: {  	s7 =	simm.s32 $0x2;
	s12 =	simm.s32 $0x0;
	s1 =	ssub.s32 $0x1000, s2  }
0x7: {  	s8 =	simm.s32 $0x8000;
	s13 =	simm.s32 $0x0;
	s3 =	sand.u32 $0xF80, s1  }
0x8: {  	s9 =	simm.s32 $0x0;
	s5 =	sshrl.u32 s1, $0xC;
	p0 =	sne.s32 s3, $0x0  }
.Ltmp0:
0x9: {  	s1 =	rddreg [dreg:$0x2];
	s4 =	simm.s32 @!p0 $0x0;
	(pc) =	sbr.rel .LBB1_1-.Ltmp0, $4  }
0xa: {  	s11 =	simm.s32 $0x0;
	s3 =	rddreg [dreg:$0x1];
	s5 =	sadd.s32 s4, s5  }
0xb: {  	_ =	strace $0x8000004A;
	s4 =	simm.s32 $0x1;
	s5 =	smul.u32 $0xC8, s5  }
0xc: {  	s6 =	sadd.s32 $0xA00, s6;
	s10 =	smov.u32 s2;
	[sflag:s4] =	ssyncpa.u1 $0x0  }
0xd: {  	p0 =	por $0x0, $0x0;
	[sflag:s7] =	ssyncpa.u1 $0x0;
	s7 =	sor.u32 $0x1, s5  }
.LBB1_4:
0xe: {  	s16 =	sshll.u32 s13, $0x3;
	s17 =	sand.u32 $0x78, s13  }
0xf: {  	s30 =	sand.u32 $0x7E00, s13;
	s12 =	sshll.u32 s12, $0xF;
	s16 =	sand.u32 $0xC00, s16  }
0x10: {  	[tilespmem:s15+$0x810 ss:$0x81] =	vst.msk $0xffff, v2;
	s31 =	sand.u32 $0x7, s13;
	s16 =	sor.u32 s17, s16;
	s17 =	sadd.s32 s3, s30  }
0x11: {  	[tilespmem:s15+$0x1020 ss:$0x81] =	vst.msk $0xffff, v0;
	s13 =	sshll.u32 s31, $0x12;
	s12 =	sadd.s32 s12, s17;
	s16 =	sshrl.u32 s16, $0x3  }
0x12: {  	[tilespmem:s15+$0x0 ss:$0x81] =	vst.msk $0xffff, v1;
	s13 =	sor.u32 $0x400, s13;
	s12 =	sadd.s32 s16, s12  }
0x13: {  	[hbm4b:s12+s13] =	stream.strided.scatter [tilespmem:s14], [sflag:$0x2], $0x2000, s8, s13, $0x20;
	[tilespmem:$0x8080] =	vst v63  }
.LBB1_5:
0x14: {  	s14 =	sadd.s32 $0x1, s9  }
0x15: {  	s12 =	sadd.s32 $0x1000, s10;
	s16 =	smov.u32 s10;
	p2 =	sgt.s32 s14, $0xC7  }
0x16: {  	s16 =	smov.u32 @p2 s12  }
0x17: {  	s14 =	simm.s32 @p2 $0x0;
	p2 =	sgt.s32 s16, $0xFFF  }
0x18: {  	s16 =	smov.u32 @p2 s2;
	p2 =	sne.s32 s11, s7  }
.Ltmp1:
0x19: {  	p1 =	slt.u32 s11, $0x2;
	(pc) =	sbr.rel @!p2 .LBB1_6-.Ltmp1, $4  }
0x1a: {  	s15 =	simm.s32 @!p1 $0x2  }
0x1b: {  	s13 =	smov.u32 s10;
	p0 =	por !p0, !p0;
	_ =	swait.ge @!p1 [sflag:s15], $0x2000  }
0x1c: {  	s12 =	smov.u32 s9;
	[sflag:s15] =	ssyncset.done @!p1 $0x0;
	s9 =	smov.u32 s14  }
0x1d: {  	s11 =	sadd.s32 $0x1, s11;
	[sflag:s15] =	ssyncadd.s32 @!p1 $0xFFFFE000;
	s10 =	smov.u32 s16  }
.LBB1_1:
0x1e: {  	p1 =	sge.u32 s11, s5  }
0x1f: {  	s14 =	sand.u32 @!p1 $0x1FFFFFF, s9  }
0x20: {  	s15 =	smulhi.u32 @!p1 $0x147AE15, s14;
	_ =	sdelay $0x1  }
0x21: {  	s15 =	smul.u32 @!p1 $0xC8, s15  }
0x22: {  	s16 =	sxor.u32 @!p1 $0xFFFFFFFF, s11;
	s17 =	smul.u32 @!p1 $0xC80, s10  }
0x23: {  	s31 =	sadd.s32 $0xFFFFFFFF, s11;
	s16 =	sshll.u32 @!p1 s16, $0xD;
	s14 =	ssub.s32 @!p1 s14, s15  }
0x24: {  	s15 =	sand.u32 @!p1 $0x2000, s16;
	s16 =	sadd.s32 @!p1 s6, s17;
	s14 =	sshll.u32 @!p1 s14, $0x4  }
0x25: {  	s17 =	simm.s32 @!p1 $0x6400;
	s14 =	sadd.s32 @!p1 s14, s16;
	s16 =	simm.s32 @!p1 $0x40  }
0x26: {  	[tilespmem:s15], [sflag:$0x1] =	stream.strided.gather @!p1 [hbm4b:s14+s16], $0x2000, s17, s16, $0x38;
	[tilespmem:$0x8080] =	vst v63  }
0x27: {  	p1 =	sge.u32 s31, s5  }
.Ltmp2:
0x28: {  	_ = 	snop;
	(pc) =	sbr.rel @p1 .LBB1_5-.Ltmp2, $1  }
0x29: {  	_ =	sdelay $0x3  }
0x2a: {  	s14 =	simm.s32 $0x1  }
0x2b: {  	_ =	swait.ge [sflag:s4], $0x2000;
	s14 =	simm.s32 @!p0 $0x0  }
0x2c: {  	[sflag:s4] =	ssyncset.done $0x0;
	s15 =	sshll.u32 s14, $0xD  }
0x2d: {  	[sflag:s4] =	ssyncadd.s32 $0xFFFFE000;
	s18 =	sor.u32 $0x20, s15  }
0x2e: {  	s14 =	smul.u32 $0x8100, s14;
	v3 =	vld [tilespmem:s18+$0x10]  }
0x2f: {  	s30 =	sand.u32 $0x1, s11;
	v2 =	vld [tilespmem:s18+$0xFFFFFFF0]  }
0x30: {  	s15 =	smul.u32 $0x8100, s30;
	s14 =	sshrl.u32 s14, $0x2;
	v0 =	vld [tilespmem:s18+$0x0]  }
0x31: {  	v1 =	vld [tilespmem:s18+$0xFFFFFFE0];
	s16 =	sor.u32 $0x4000, s14  }
0x32: {  	s31 =	sshrl.u32 s15, $0x2;
	s15 =	sadd.s32 $0x0, s16  }
0x33: {  	s17 =	simm.s32 $0x4;
	s18 =	sadd.s32 $0x40, s18;
	s14 =	sor.u32 $0x4000, s31;
	[tilespmem:s15+$0x1830 ss:$0x81] =	vst.msk $0xffff, v3  }
.LBB1_3:
0x34: {  	v3 =	vld [tilespmem:s18+$0x10];
	p1 =	sne.s32 s17, $0x1FC;
	[tilespmem:s15+$0x810 ss:$0x81] =	vst.msk $0xffff, v2;
	s19 =	smov.u32 s17;
	s17 =	sadd.s32 $0x4, s17  }
.Ltmp3:
0x35: {  	v2 =	vld [tilespmem:s18+$0xFFFFFFF0];
	[tilespmem:s15+$0x1020 ss:$0x81] =	vst.msk $0xffff, v0;
	(pc) =	sbr.rel @p1 .LBB1_3-.Ltmp3, $4  }
0x36: {  	v0 =	vld [tilespmem:s18+$0x0];
	[tilespmem:s15+$0x0 ss:$0x81] =	vst.msk $0xffff, v1  }
0x37: {  	s15 =	sshra.s32 s19, $0x2;
	v1 =	vld [tilespmem:s18+$0xFFFFFFE0]  }
0x38: {  	s15 =	sadd.s32 s15, s16  }
0x39: {  	s18 =	sadd.s32 $0x40, s18;
	[tilespmem:s15+$0x1830 ss:$0x81] =	vst.msk $0xffff, v3  }
.Ltmp4:
0x3a: {  	_ = 	snop;
	(pc) =	sbr.rel .LBB1_4-.Ltmp4, $1  }
0x3b: {  	_ =	sdelay $0x3  }
.LBB1_6:
0x3c: {  	_ =	sfence.sel $0x180000  }
0x3d: {  	s2 =	simm.s32 $0x1;
	[bflag:$0x0] =	sbarrier.arrive $0xFFFF  }
0x3e: {  	s31 =	simm.s32 $0x2;
	[sflag:s2] =	ssyncpa.u1 $0x1  }
0x3f: {  	[sflag:s31] =	ssyncpa.u1 $0x1  }
0x40: {  	p0 =	sne.s32 s0, $0x0;
	_ =	strace $0x9000004A  }
0x41: {  	s0 =	sadd.s32 @!p0 $0x100000, s1;
	[bflag:$0x2] =	sbarrier.arrive $0xFFFF  }
0x42: {  	[sflag:s0] =	ssyncadd.tile.s32 @!p0 $0x1;
	_ =	shalt  }
.Lfunc_end1:
_tile_overlayer_lowered:
.L_overlay_start_2:
0x43: {  	(tag) =	ssettag $0x2  }
0x44: {  	s0 =	rddreg [dreg:$0x0];
	s2 =	stileid.u32  }
0x45: {  	s1 =	rddreg [dreg:$0x1];
	p0 =	sne.s32 s2, $0x0  }
0x46: {  	s3 =	rddreg [dreg:$0x2];
	[bflag:$0x3] =	sbarrier.arrive $0xFFFF;
	s2 =	simm.s32 @!p0 $0x1C01  }
0x47: {  	[timem:s3], [sflag:s2] =	dma.local @!p0 [hbm:s0], s1  }
0x48: {  	s0 =	simm.s32 @!p0 $0x1  }
0x49: {  	_ =	swait.ge @!p0 [sflag:s0], s1  }
0x4a: {  	s1 =	ssub.s32 @!p0 $0x0, s1;
	[sflag:s0] =	ssyncset.done @!p0 $0x0  }
0x4b: {  	[sflag:s0] =	ssyncadd.s32 @!p0 s1  }
0x4c: {  	[bflag:$0x3] =	sbarrier.arrive $0xFFFF  }
0x4d: {  	_ =	shalt  }

</sc_bundles>
